<compile_context>
chip_gen: v7x
topology: tpu7x:2x2x1
jax: 0.10.2.dev20260603
libtpu: 0.0.44.dev20260713+nightly
codegen_flags: <defaults>
</compile_context>

<pallas_src>
import functools

import jax
import jax.numpy as jnp
from jax import lax
from jax.experimental import pallas as pl
from jax.experimental.pallas import tpu as pltpu
from jax.experimental.pallas import tpu_sc as plsc

N = 10000
D = 128
E = 320000
NC = 2
NS = 16
NW = NC * NS
R = 10240
CH = 128
EPT = E // NW
NCHUNK = 80
NCPAD = NCHUNK + 2
EPT_PAD = NCPAD * CH
RPS = R // NS
LANES = D // 16
BM = 1024
GRID = R // BM
SBN = 0.9999950000374997

_MESH = dict(core_axis_name="c", subcore_axis_name="s", num_cores=NC,
             num_subcores=NS)


def _worker(c, s):
    return c * NS + s


@functools.partial(
    pl.kernel,
    out_type=jax.ShapeDtypeStruct((NC, R), jnp.float32),
    mesh=plsc.VectorSubcoreMesh(**_MESH),
    scratch_types=[
        pltpu.VMEM((NCPAD, CH), jnp.int32),
        pltpu.VMEM((CH,), jnp.float32),
        pltpu.VMEM((RPS,), jnp.float32),
        pltpu.VMEM_SHARED((R,), jnp.float32),
        pltpu.SemaphoreType.DMA,
        pltpu.SemaphoreType.DMA,
    ],
)
def _sc_degree(dst_hbm, out_hbm, didx, ones, stripe, acc, sem0, sem1):
    c = lax.axis_index("c")
    s = lax.axis_index("s")
    wid = _worker(c, s)
    pltpu.sync_copy(dst_hbm.at[wid], didx)

    def fill(i, carry):
        ones[pl.ds(i * 16, 16)] = jnp.full((16,), 1.0, jnp.float32)
        return carry
    lax.fori_loop(0, CH // 16, fill, 0)

    def zero(i, carry):
        stripe[pl.ds(i * 16, 16)] = jnp.zeros((16,), jnp.float32)
        return carry
    lax.fori_loop(0, RPS // 16, zero, 0)
    pltpu.sync_copy(stripe, acc.at[pl.ds(s * RPS, RPS)])
    plsc.subcore_barrier()

    sems = (sem0, sem1)
    pltpu.async_copy(ones, acc.at[didx.at[0]], sems[0], add=True)
    pltpu.async_copy(ones, acc.at[didx.at[1]], sems[1], add=True)

    def body(g, carry):
        for p in range(2):
            j = g * 2 + p
            pltpu.make_async_copy(ones, acc.at[didx.at[j]], sems[p]).wait()
            pltpu.async_copy(ones, acc.at[didx.at[j + 2]], sems[p], add=True)
        return carry
    lax.fori_loop(0, NCHUNK // 2 - 1, body, 0)
    for p in range(2):
        pltpu.make_async_copy(ones, acc.at[didx.at[NCHUNK - 2 + p]],
                              sems[p]).wait()
    plsc.subcore_barrier()

    pltpu.sync_copy(acc.at[pl.ds(s * RPS, RPS)], stripe)
    pltpu.sync_copy(stripe, out_hbm.at[c, pl.ds(s * RPS, RPS)])


@functools.partial(
    pl.kernel,
    out_type=jax.ShapeDtypeStruct((NC, R, D), jnp.float32),
    mesh=plsc.VectorSubcoreMesh(**_MESH),
    scratch_types=[
        pltpu.VMEM((NCPAD, CH), jnp.int32),
        pltpu.VMEM((2, CH), jnp.int32),
        pltpu.VMEM((2, CH, D), jnp.float32),
        pltpu.VMEM_SHARED((R, D), jnp.float32),
        pltpu.SemaphoreType.DMA,
        pltpu.SemaphoreType.DMA,
        pltpu.SemaphoreType.DMA,
        pltpu.SemaphoreType.DMA,
    ],
)
def _sc_aggregate(y_hbm, src_hbm, dst_hbm, out_hbm, sidx, didx, rows,
                  acc, rsem0, rsem1, dsem0, dsem1):
    rsems = (rsem0, rsem1)
    dsems = (dsem0, dsem1)
    c = lax.axis_index("c")
    s = lax.axis_index("s")
    wid = _worker(c, s)
    pltpu.async_copy(src_hbm.at[wid], sidx, rsem0)

    def zrow(r, carry):
        for j in range(LANES):
            rows[0, r, pl.ds(j * 16, 16)] = jnp.zeros((16,), jnp.float32)
        return carry
    lax.fori_loop(0, CH, zrow, 0)

    def zacc(k, carry):
        pltpu.sync_copy(rows.at[0],
                        acc.at[pl.ds((s * (RPS // CH) + k) * CH, CH)])
        return carry
    lax.fori_loop(0, RPS // CH, zacc, 0)
    pltpu.make_async_copy(src_hbm.at[wid], sidx, rsem0).wait()
    plsc.subcore_barrier()

    def _issue(j, p):
        pltpu.async_copy(y_hbm.at[sidx.at[j]], rows.at[p], rsems[p])
        pltpu.async_copy(dst_hbm.at[wid, j], didx.at[p], dsems[p])

    def _wait(j, p):
        pltpu.make_async_copy(y_hbm.at[sidx.at[j]], rows.at[p],
                              rsems[p]).wait()
        pltpu.make_async_copy(dst_hbm.at[wid, j], didx.at[p],
                              dsems[p]).wait()

    _issue(0, 0)
    _issue(1, 1)

    def pair(g, carry):
        for p in range(2):
            j = g * 2 + p
            _wait(j, p)
            pltpu.sync_copy(rows.at[p], acc.at[didx.at[p]], add=True)
            _issue(j + 2, p)
        return carry
    lax.fori_loop(0, NCHUNK // 2, pair, 0)
    for p in range(2):
        _wait(NCHUNK + p, p)
    plsc.subcore_barrier()

    for k in range(RPS // CH):
        p = k % 2
        off = (s * (RPS // CH) + k) * CH
        if k >= 2:
            poff = (s * (RPS // CH) + k - 2) * CH
            pltpu.make_async_copy(rows.at[p], out_hbm.at[c, pl.ds(poff, CH)],
                                  rsems[p]).wait()
        pltpu.sync_copy(acc.at[pl.ds(off, CH)], rows.at[p])
        pltpu.async_copy(rows.at[p], out_hbm.at[c, pl.ds(off, CH)], rsems[p])
    for k in range(RPS // CH - 2, RPS // CH):
        p = k % 2
        off = (s * (RPS // CH) + k) * CH
        pltpu.make_async_copy(rows.at[p], out_hbm.at[c, pl.ds(off, CH)],
                              rsems[p]).wait()


def _row_spec():
    return pl.BlockSpec((BM, D), lambda i: (i, 0))


def _vec_spec():
    return pl.BlockSpec((BM,), lambda i: (i,))


def _full_spec(shape):
    return pl.BlockSpec(shape, lambda i: tuple(0 for _ in shape))


def _tc_first_body(x_ref, w_ref, d0_ref, d1_ref, dinv_ref, y_ref):
    dv = lax.rsqrt(d0_ref[...] + d1_ref[...] + 1.0)
    dinv_ref[...] = dv
    y_ref[...] = dv[:, None] * jnp.dot(x_ref[...], w_ref[...],
                                       preferred_element_type=jnp.float32)


def _tc_first(xp, w1, deg0, deg1):
    return pl.pallas_call(
        _tc_first_body,
        grid=(GRID,),
        in_specs=[_row_spec(), _full_spec((D, D)), _vec_spec(), _vec_spec()],
        out_specs=[_vec_spec(), _row_spec()],
        out_shape=[jax.ShapeDtypeStruct((R,), jnp.float32),
                   jax.ShapeDtypeStruct((R, D), jnp.float32)],
    )(xp, w1, deg0, deg1)


def _tc_mid_body(a0_ref, a1_ref, y_ref, dv_ref, b_ref, g_ref, bt_ref, w_ref,
                 out_ref):
    dv = dv_ref[...]
    z = dv[:, None] * (a0_ref[...] + a1_ref[...] + y_ref[...]) + b_ref[...]
    h = jnp.maximum(z * SBN * g_ref[...] + bt_ref[...], 0.0)
    out_ref[...] = dv[:, None] * jnp.dot(h, w_ref[...],
                                         preferred_element_type=jnp.float32)


def _tc_mid(a0, a1, y, dinv, b, g, bt, w_next):
    return pl.pallas_call(
        _tc_mid_body,
        grid=(GRID,),
        in_specs=[_row_spec(), _row_spec(), _row_spec(), _vec_spec(),
                  _full_spec((D,)), _full_spec((D,)), _full_spec((D,)),
                  _full_spec((D, D))],
        out_specs=_row_spec(),
        out_shape=jax.ShapeDtypeStruct((R, D), jnp.float32),
    )(a0, a1, y, dinv, b, g, bt, w_next)


def _tc_final_body(a0_ref, a1_ref, y_ref, dv_ref, b_ref, out_ref):
    dv = dv_ref[...]
    z = dv[:, None] * (a0_ref[...] + a1_ref[...] + y_ref[...]) + b_ref[...]
    z = jnp.clip(z, -4.0, 4.0)
    out_ref[...] = 1.0 / (1.0 + jnp.exp(-z))


def _tc_final(a0, a1, y, dinv, b):
    return pl.pallas_call(
        _tc_final_body,
        grid=(GRID,),
        in_specs=[_row_spec(), _row_spec(), _row_spec(), _vec_spec(),
                  _full_spec((D,))],
        out_specs=_row_spec(),
        out_shape=jax.ShapeDtypeStruct((R, D), jnp.float32),
    )(a0, a1, y, dinv, b)


def kernel(x, edge_index, W1, b1, W2, b2, W3, b3, g1, bt1, g2, bt2):
    src, dst = edge_index[0], edge_index[1]
    npad = EPT_PAD - EPT
    pad_src = jnp.broadcast_to((jnp.arange(npad, dtype=jnp.int32) * 37) % N,
                               (NW, npad))
    pad_dst = jnp.broadcast_to(N + jnp.arange(npad, dtype=jnp.int32) % (R - N),
                               (NW, npad))
    src_p = jnp.concatenate([src.reshape(NW, EPT), pad_src], axis=1)
    dst_p = jnp.concatenate([dst.reshape(NW, EPT), pad_dst], axis=1)
    src_t = src_p.reshape(NW, NCPAD, CH)
    dst_t = dst_p.reshape(NW, NCPAD, CH)
    xp = jnp.pad(x, ((0, R - N), (0, 0)))

    deg = _sc_degree(dst_t)
    dinv, y1 = _tc_first(xp, W1, deg[0], deg[1])
    a1 = _sc_aggregate(y1, src_t, dst_t)
    y2 = _tc_mid(a1[0], a1[1], y1, dinv, b1, g1, bt1, W2)
    a2 = _sc_aggregate(y2, src_t, dst_t)
    y3 = _tc_mid(a2[0], a2[1], y2, dinv, b2, g2, bt2, W3)
    a3 = _sc_aggregate(y3, src_t, dst_t)
    out = _tc_final(a3[0], a3[1], y3, dinv, b3)
    return out[:N]

# --- scband reference (transcript-rebuilt; emitter-appended) ---
"""Pipeline reference for scband-gcn-45105746543002 (READ-ONLY COPY).

The authoritative reference and input builder live on the scoring server;
editing this copy changes nothing except your own understanding.
"""

import jax, jax.numpy as jnp
import numpy as np

N = 10000
E = 320000
D = 128


def setup_inputs(seed: int = 0) -> dict:
    key = jax.random.key(seed)
    ks = jax.random.split(key, 12)
    x = jax.random.normal(ks[0], (N, D), dtype=jnp.float32)
    edge_index = jax.random.randint(ks[1], (2, E), 0, N, dtype=jnp.int32)
    s = 1.0 / np.sqrt(D)
    W1 = jax.random.normal(ks[2], (D, D), dtype=jnp.float32) * s
    b1 = jnp.zeros((D,), dtype=jnp.float32)
    W2 = jax.random.normal(ks[3], (D, D), dtype=jnp.float32) * s
    b2 = jnp.zeros((D,), dtype=jnp.float32)
    W3 = jax.random.normal(ks[4], (D, D), dtype=jnp.float32) * s
    b3 = jnp.zeros((D,), dtype=jnp.float32)
    g1 = jnp.ones((D,), dtype=jnp.float32)
    bt1 = jnp.zeros((D,), dtype=jnp.float32)
    g2 = jnp.ones((D,), dtype=jnp.float32)
    bt2 = jnp.zeros((D,), dtype=jnp.float32)
    return {"x": x, "edge_index": edge_index, "W1": W1, "b1": b1, "W2": W2, "b2": b2, "W3": W3, "b3": b3, "g1": g1, "bt1": bt1, "g2": g2, "bt2": bt2}


def gcn_conv(x, W, b, src, dst):
    # PyG GCNConv with add_self_loops=True, normalize=True:
    # out = D^{-1/2} (A + I) D^{-1/2} X W + b, aggregation at dst.
    xw = x @ W
    loop = jnp.arange(N, dtype=src.dtype)
    s = jnp.concatenate([src, loop])
    d = jnp.concatenate([dst, loop])
    deg = jnp.zeros((N,), jnp.float32).at[d].add(1.0)
    dinv = jax.lax.rsqrt(deg)  # deg >= 1 due to self loops
    norm = dinv[s] * dinv[d]
    msg = xw[s] * norm[:, None]
    out = jnp.zeros((N, xw.shape[1]), jnp.float32).at[d].add(msg)
    return out + b


def bn_eval(h, g, b):
    # BatchNorm1d in eval mode with fresh running stats (mean=0, var=1), eps=1e-5
    return h / jnp.sqrt(1.0 + 1e-5) * g + b


def reference(x, edge_index, W1, b1, W2, b2, W3, b3, g1, bt1, g2, bt2):
    src, dst = edge_index[0], edge_index[1]
    h = gcn_conv(x, W1, b1, src, dst)
    h = jax.nn.relu(bn_eval(h, g1, bt1))
    # dropout p=0.0 -> identity
    h = gcn_conv(h, W2, b2, src, dst)
    h = jax.nn.relu(bn_eval(h, g2, bt2))
    h = gcn_conv(h, W3, b3, src, dst)
    h = jnp.clip(h, -4.0, 4.0)
    return jax.nn.sigmoid(h)

if __name__ == "__main__":
    import jax
    _d = setup_inputs()
    print(jax.jit(kernel)(*tuple(_d.values())))

</pallas_src>

<mosaic_0001>
#map = affine_map<(d0, d1) -> (0, 0)>
#map1 = affine_map<(d0, d1) -> (0, 0, 0)>
module attributes {stable_mosaic.version = 14 : i64} {
  func.func @_sc_aggregate(%arg0: i32, %arg1: i32, %arg2: memref<10240x128xf32, #tpu.memory_space<hbm>>, %arg3: memref<32x82x128xi32, #tpu.memory_space<hbm>>, %arg4: memref<32x82x128xi32, #tpu.memory_space<hbm>>, %arg5: memref<2x10240x128xf32, #tpu.memory_space<hbm>>, %arg6: memref<82x128xi32, #tpu.memory_space<vmem>>, %arg7: memref<2x128xi32, #tpu.memory_space<vmem>>, %arg8: memref<2x128x128xf32, #tpu.memory_space<vmem>>, %arg9: memref<10240x128xf32, #tpu.memory_space<vmem_shared>>, %arg10: memref<!tpu.dma_semaphore, #tpu.memory_space<semaphore_mem>>, %arg11: memref<!tpu.dma_semaphore, #tpu.memory_space<semaphore_mem>>, %arg12: memref<!tpu.dma_semaphore, #tpu.memory_space<semaphore_mem>>, %arg13: memref<!tpu.dma_semaphore, #tpu.memory_space<semaphore_mem>>) attributes {dimension_semantics = [#tpu.dimension_semantics<core_parallel>, #tpu.dimension_semantics<subcore_parallel>], iteration_bounds = array<i64: 2, 16>, scalar_prefetch = 0 : i64, scratch_operands = 8 : i64, tpu.core_type = #tpu.core_type<sc_vector_subcore>, window_params = [{transform_indices = #map}, {transform_indices = #map1}, {transform_indices = #map1}, {transform_indices = #map1}]} {
    %mul3A = arith.constant 16 : i32
    %mul3A_0 = arith.muli %arg0, %mul3A : i32
    %add3A = arith.addi %mul3A_0, %arg1 : i32
    %dma_start3A = arith.constant 0 : i32
    %dma_start3A_1 = arith.constant 0 : i32
    %dma_start3A_2 = tpu.memref_slice %arg3[%add3A, %dma_start3A, %dma_start3A_1] : memref<32x82x128xi32, #tpu.memory_space<hbm>> -> memref<1x82x128xi32, #tpu.memory_space<hbm>>
    %dma_start3A_3 = tpu.memref_squeeze %dma_start3A_2 : memref<1x82x128xi32, #tpu.memory_space<hbm>> -> memref<82x128xi32, #tpu.memory_space<hbm>>
    %dma_start3A_4 = arith.constant 0 : i32
    %dma_start3A_5 = arith.constant 0 : i32
    %dma_start3A_6 = tpu.memref_slice %arg3[%add3A, %dma_start3A_4, %dma_start3A_5] : memref<32x82x128xi32, #tpu.memory_space<hbm>> -> memref<1x82x128xi32, #tpu.memory_space<hbm>>
    %dma_start3A_7 = tpu.memref_squeeze %dma_start3A_6 : memref<1x82x128xi32, #tpu.memory_space<hbm>> -> memref<82x128xi32, #tpu.memory_space<hbm>>
    tpu.enqueue_dma source(%dma_start3A_7 : memref<82x128xi32, #tpu.memory_space<hbm>>) target(%arg6 : memref<82x128xi32, #tpu.memory_space<vmem>>) target_semaphore(%arg10 : memref<!tpu.dma_semaphore, #tpu.memory_space<semaphore_mem>>)
    %scan3A = arith.constant 0 : i32
    %scan3A_8 = arith.constant 0 : i32
    %scan3A_9 = arith.constant 128 : i32
    %scan3A_10 = arith.addi %scan3A_8, %scan3A_9 : i32
    %scan3A_11 = arith.constant 1 : i32
    scf.for %scan3A_356 = %scan3A_8 to %scan3A_10 step %scan3A_11  : i32 {
      %broadcast_in_dim3A = arith.constant 0.000000e+00 : f32
      %broadcast_in_dim3A_357 = vector.broadcast %broadcast_in_dim3A : f32 to vector<16xf32>
      %swap3A = arith.constant 0 : i32
      %swap3A_358 = arith.index_cast %swap3A : i32 to index
      %swap3A_359 = arith.index_cast %scan3A_356 : i32 to index
      %swap3A_360 = arith.constant 0 : index
      %swap3A_361 = tpu.vector_load %arg8[%swap3A_358, %swap3A_359, %swap3A_360] {strides = array<i32>} : memref<2x128x128xf32, #tpu.memory_space<vmem>>, vector<1x1x16xf32>,
      %swap3A_362 = vector.shape_cast %swap3A_361 : vector<1x1x16xf32> to vector<16xf32>
      %swap3A_363 = vector.shape_cast %broadcast_in_dim3A_357 : vector<16xf32> to vector<1x1x16xf32>
      tpu.vector_store %arg8[%swap3A_358, %swap3A_359, %swap3A_360], %swap3A_363 {strides = array<i32>} : memref<2x128x128xf32, #tpu.memory_space<vmem>>, vector<1x1x16xf32>,
      %broadcast_in_dim3A_364 = arith.constant 0.000000e+00 : f32
      %broadcast_in_dim3A_365 = vector.broadcast %broadcast_in_dim3A_364 : f32 to vector<16xf32>
      %swap3A_366 = arith.constant 0 : i32
      %swap3A_367 = arith.index_cast %swap3A_366 : i32 to index
      %swap3A_368 = arith.index_cast %scan3A_356 : i32 to index
      %swap3A_369 = arith.constant 16 : index
      %swap3A_370 = tpu.vector_load %arg8[%swap3A_367, %swap3A_368, %swap3A_369] {strides = array<i32>} : memref<2x128x128xf32, #tpu.memory_space<vmem>>, vector<1x1x16xf32>,
      %swap3A_371 = vector.shape_cast %swap3A_370 : vector<1x1x16xf32> to vector<16xf32>
      %swap3A_372 = vector.shape_cast %broadcast_in_dim3A_365 : vector<16xf32> to vector<1x1x16xf32>
      tpu.vector_store %arg8[%swap3A_367, %swap3A_368, %swap3A_369], %swap3A_372 {strides = array<i32>} : memref<2x128x128xf32, #tpu.memory_space<vmem>>, vector<1x1x16xf32>,
      %broadcast_in_dim3A_373 = arith.constant 0.000000e+00 : f32
      %broadcast_in_dim3A_374 = vector.broadcast %broadcast_in_dim3A_373 : f32 to vector<16xf32>
      %swap3A_375 = arith.constant 0 : i32
      %swap3A_376 = arith.index_cast %swap3A_375 : i32 to index
      %swap3A_377 = arith.index_cast %scan3A_356 : i32 to index
      %swap3A_378 = arith.constant 32 : index
      %swap3A_379 = tpu.vector_load %arg8[%swap3A_376, %swap3A_377, %swap3A_378] {strides = array<i32>} : memref<2x128x128xf32, #tpu.memory_space<vmem>>, vector<1x1x16xf32>,
      %swap3A_380 = vector.shape_cast %swap3A_379 : vector<1x1x16xf32> to vector<16xf32>
      %swap3A_381 = vector.shape_cast %broadcast_in_dim3A_374 : vector<16xf32> to vector<1x1x16xf32>
      tpu.vector_store %arg8[%swap3A_376, %swap3A_377, %swap3A_378], %swap3A_381 {strides = array<i32>} : memref<2x128x128xf32, #tpu.memory_space<vmem>>, vector<1x1x16xf32>,
      %broadcast_in_dim3A_382 = arith.constant 0.000000e+00 : f32
      %broadcast_in_dim3A_383 = vector.broadcast %broadcast_in_dim3A_382 : f32 to vector<16xf32>
      %swap3A_384 = arith.constant 0 : i32
      %swap3A_385 = arith.index_cast %swap3A_384 : i32 to index
      %swap3A_386 = arith.index_cast %scan3A_356 : i32 to index
      %swap3A_387 = arith.constant 48 : index
      %swap3A_388 = tpu.vector_load %arg8[%swap3A_385, %swap3A_386, %swap3A_387] {strides = array<i32>} : memref<2x128x128xf32, #tpu.memory_space<vmem>>, vector<1x1x16xf32>,
      %swap3A_389 = vector.shape_cast %swap3A_388 : vector<1x1x16xf32> to vector<16xf32>
      %swap3A_390 = vector.shape_cast %broadcast_in_dim3A_383 : vector<16xf32> to vector<1x1x16xf32>
      tpu.vector_store %arg8[%swap3A_385, %swap3A_386, %swap3A_387], %swap3A_390 {strides = array<i32>} : memref<2x128x128xf32, #tpu.memory_space<vmem>>, vector<1x1x16xf32>,
      %broadcast_in_dim3A_391 = arith.constant 0.000000e+00 : f32
      %broadcast_in_dim3A_392 = vector.broadcast %broadcast_in_dim3A_391 : f32 to vector<16xf32>
      %swap3A_393 = arith.constant 0 : i32
      %swap3A_394 = arith.index_cast %swap3A_393 : i32 to index
      %swap3A_395 = arith.index_cast %scan3A_356 : i32 to index
      %swap3A_396 = arith.constant 64 : index
      %swap3A_397 = tpu.vector_load %arg8[%swap3A_394, %swap3A_395, %swap3A_396] {strides = array<i32>} : memref<2x128x128xf32, #tpu.memory_space<vmem>>, vector<1x1x16xf32>,
      %swap3A_398 = vector.shape_cast %swap3A_397 : vector<1x1x16xf32> to vector<16xf32>
      %swap3A_399 = vector.shape_cast %broadcast_in_dim3A_392 : vector<16xf32> to vector<1x1x16xf32>
      tpu.vector_store %arg8[%swap3A_394, %swap3A_395, %swap3A_396], %swap3A_399 {strides = array<i32>} : memref<2x128x128xf32, #tpu.memory_space<vmem>>, vector<1x1x16xf32>,
      %broadcast_in_dim3A_400 = arith.constant 0.000000e+00 : f32
      %broadcast_in_dim3A_401 = vector.broadcast %broadcast_in_dim3A_400 : f32 to vector<16xf32>
      %swap3A_402 = arith.constant 0 : i32
      %swap3A_403 = arith.index_cast %swap3A_402 : i32 to index
      %swap3A_404 = arith.index_cast %scan3A_356 : i32 to index
      %swap3A_405 = arith.constant 80 : index
      %swap3A_406 = tpu.vector_load %arg8[%swap3A_403, %swap3A_404, %swap3A_405] {strides = array<i32>} : memref<2x128x128xf32, #tpu.memory_space<vmem>>, vector<1x1x16xf32>,
      %swap3A_407 = vector.shape_cast %swap3A_406 : vector<1x1x16xf32> to vector<16xf32>
      %swap3A_408 = vector.shape_cast %broadcast_in_dim3A_401 : vector<16xf32> to vector<1x1x16xf32>
      tpu.vector_store %arg8[%swap3A_403, %swap3A_404, %swap3A_405], %swap3A_408 {strides = array<i32>} : memref<2x128x128xf32, #tpu.memory_space<vmem>>, vector<1x1x16xf32>,
      %broadcast_in_dim3A_409 = arith.constant 0.000000e+00 : f32
      %broadcast_in_dim3A_410 = vector.broadcast %broadcast_in_dim3A_409 : f32 to vector<16xf32>
      %swap3A_411 = arith.constant 0 : i32
      %swap3A_412 = arith.index_cast %swap3A_411 : i32 to index
      %swap3A_413 = arith.index_cast %scan3A_356 : i32 to index
      %swap3A_414 = arith.constant 96 : index
      %swap3A_415 = tpu.vector_load %arg8[%swap3A_412, %swap3A_413, %swap3A_414] {strides = array<i32>} : memref<2x128x128xf32, #tpu.memory_space<vmem>>, vector<1x1x16xf32>,
      %swap3A_416 = vector.shape_cast %swap3A_415 : vector<1x1x16xf32> to vector<16xf32>
      %swap3A_417 = vector.shape_cast %broadcast_in_dim3A_410 : vector<16xf32> to vector<1x1x16xf32>
      tpu.vector_store %arg8[%swap3A_412, %swap3A_413, %swap3A_414], %swap3A_417 {strides = array<i32>} : memref<2x128x128xf32, #tpu.memory_space<vmem>>, vector<1x1x16xf32>,
      %broadcast_in_dim3A_418 = arith.constant 0.000000e+00 : f32
      %broadcast_in_dim3A_419 = vector.broadcast %broadcast_in_dim3A_418 : f32 to vector<16xf32>
      %swap3A_420 = arith.constant 0 : i32
      %swap3A_421 = arith.index_cast %swap3A_420 : i32 to index
      %swap3A_422 = arith.index_cast %scan3A_356 : i32 to index
      %swap3A_423 = arith.constant 112 : index
      %swap3A_424 = tpu.vector_load %arg8[%swap3A_421, %swap3A_422, %swap3A_423] {strides = array<i32>} : memref<2x128x128xf32, #tpu.memory_space<vmem>>, vector<1x1x16xf32>,
      %swap3A_425 = vector.shape_cast %swap3A_424 : vector<1x1x16xf32> to vector<16xf32>
      %swap3A_426 = vector.shape_cast %broadcast_in_dim3A_419 : vector<16xf32> to vector<1x1x16xf32>
      tpu.vector_store %arg8[%swap3A_421, %swap3A_422, %swap3A_423], %swap3A_426 {strides = array<i32>} : memref<2x128x128xf32, #tpu.memory_space<vmem>>, vector<1x1x16xf32>,
    }
    %scan3A_12 = arith.constant 128 : i32
    %scan3A_13 = arith.constant 0 : i32
    %scan3A_14 = arith.constant 0 : i32
    %scan3A_15 = arith.constant 5 : i32
    %scan3A_16 = arith.addi %scan3A_14, %scan3A_15 : i32
    %scan3A_17 = arith.constant 1 : i32
    scf.for %scan3A_356 = %scan3A_14 to %scan3A_16 step %scan3A_17  : i32 {
      %mul3A_357 = arith.constant 5 : i32
      %mul3A_358 = arith.muli %arg1, %mul3A_357 : i32
      %add3A_359 = arith.addi %mul3A_358, %scan3A_356 : i32
      %mul3A_360 = arith.constant 128 : i32
      %mul3A_361 = arith.muli %add3A_359, %mul3A_360 : i32
      %run_scoped3A_362 = arith.constant 0 : i32
      "tpu.region"() ({
        %run_scoped3A_363 = tpu.sem_alloc : memref<!tpu.dma_semaphore, #tpu.memory_space<semaphore_mem>>
        %dma_start3A_364 = arith.constant 0 : i32
        %dma_start3A_365 = arith.constant 0 : i32
        %dma_start3A_366 = tpu.memref_slice %arg8[%run_scoped3A_362, %dma_start3A_364, %dma_start3A_365] : memref<2x128x128xf32, #tpu.memory_space<vmem>> -> memref<1x128x128xf32, #tpu.memory_space<vmem>>
        %dma_start3A_367 = tpu.memref_squeeze %dma_start3A_366 : memref<1x128x128xf32, #tpu.memory_space<vmem>> -> memref<128x128xf32, #tpu.memory_space<vmem>>
        %dma_start3A_368 = arith.constant 0 : i32
        %dma_start3A_369 = tpu.memref_slice %arg9[%mul3A_361, %dma_start3A_368] : memref<10240x128xf32, #tpu.memory_space<vmem_shared>> -> memref<128x128xf32, #tpu.memory_space<vmem_shared>>
        %dma_start3A_370 = arith.constant 0 : i32
        %dma_start3A_371 = tpu.memref_slice %arg9[%mul3A_361, %dma_start3A_370] : memref<10240x128xf32, #tpu.memory_space<vmem_shared>> -> memref<128x128xf32, #tpu.memory_space<vmem_shared>>
        %dma_start3A_372 = arith.constant 0 : i32
        %dma_start3A_373 = arith.constant 0 : i32
        %dma_start3A_374 = tpu.memref_slice %arg8[%run_scoped3A_362, %dma_start3A_372, %dma_start3A_373] : memref<2x128x128xf32, #tpu.memory_space<vmem>> -> memref<1x128x128xf32, #tpu.memory_space<vmem>>
        %dma_start3A_375 = tpu.memref_squeeze %dma_start3A_374 : memref<1x128x128xf32, #tpu.memory_space<vmem>> -> memref<128x128xf32, #tpu.memory_space<vmem>>
        tpu.enqueue_dma source(%dma_start3A_375 : memref<128x128xf32, #tpu.memory_space<vmem>>) target(%dma_start3A_371 : memref<128x128xf32, #tpu.memory_space<vmem_shared>>) target_semaphore(%run_scoped3A_363 : memref<!tpu.dma_semaphore, #tpu.memory_space<semaphore_mem>>)
        %dma_wait3A_376 = arith.constant 0 : i32
        %dma_wait3A_377 = arith.constant 0 : i32
        %dma_wait3A_378 = tpu.memref_slice %arg8[%run_scoped3A_362, %dma_wait3A_376, %dma_wait3A_377] : memref<2x128x128xf32, #tpu.memory_space<vmem>> -> memref<1x128x128xf32, #tpu.memory_space<vmem>>
        %dma_wait3A_379 = tpu.memref_squeeze %dma_wait3A_378 : memref<1x128x128xf32, #tpu.memory_space<vmem>> -> memref<128x128xf32, #tpu.memory_space<vmem>>
        %dma_wait3A_380 = arith.constant 0 : i32
        %dma_wait3A_381 = tpu.memref_slice %arg9[%mul3A_361, %dma_wait3A_380] : memref<10240x128xf32, #tpu.memory_space<vmem_shared>> -> memref<128x128xf32, #tpu.memory_space<vmem_shared>>
        %dma_wait3A_382 = arith.constant 0 : i32
        %dma_wait3A_383 = tpu.memref_slice %arg9[%mul3A_361, %dma_wait3A_382] : memref<10240x128xf32, #tpu.memory_space<vmem_shared>> -> memref<128x128xf32, #tpu.memory_space<vmem_shared>>
        %dma_wait3A_384 = arith.constant 0 : i32
        %dma_wait3A_385 = arith.constant 0 : i32
        %dma_wait3A_386 = tpu.memref_slice %arg8[%run_scoped3A_362, %dma_wait3A_384, %dma_wait3A_385] : memref<2x128x128xf32, #tpu.memory_space<vmem>> -> memref<1x128x128xf32, #tpu.memory_space<vmem>>
        %dma_wait3A_387 = tpu.memref_squeeze %dma_wait3A_386 : memref<1x128x128xf32, #tpu.memory_space<vmem>> -> memref<128x128xf32, #tpu.memory_space<vmem>>
        tpu.wait_dma2 semaphore(%run_scoped3A_363 : memref<!tpu.dma_semaphore, #tpu.memory_space<semaphore_mem>>) src(%dma_wait3A_387 : memref<128x128xf32, #tpu.memory_space<vmem>>) dst(%dma_wait3A_383 : memref<128x128xf32, #tpu.memory_space<vmem_shared>>)
        tpu.yield
      }) : () -> ()
    }
    %scan3A_18 = arith.constant 5 : i32
    %dma_wait3A = arith.constant 0 : i32
    %dma_wait3A_19 = arith.constant 0 : i32
    %dma_wait3A_20 = tpu.memref_slice %arg3[%add3A, %dma_wait3A, %dma_wait3A_19] : memref<32x82x128xi32, #tpu.memory_space<hbm>> -> memref<1x82x128xi32, #tpu.memory_space<hbm>>
    %dma_wait3A_21 = tpu.memref_squeeze %dma_wait3A_20 : memref<1x82x128xi32, #tpu.memory_space<hbm>> -> memref<82x128xi32, #tpu.memory_space<hbm>>
    %dma_wait3A_22 = arith.constant 0 : i32
    %dma_wait3A_23 = arith.constant 0 : i32
    %dma_wait3A_24 = tpu.memref_slice %arg3[%add3A, %dma_wait3A_22, %dma_wait3A_23] : memref<32x82x128xi32, #tpu.memory_space<hbm>> -> memref<1x82x128xi32, #tpu.memory_space<hbm>>
    %dma_wait3A_25 = tpu.memref_squeeze %dma_wait3A_24 : memref<1x82x128xi32, #tpu.memory_space<hbm>> -> memref<82x128xi32, #tpu.memory_space<hbm>>
    tpu.wait_dma2 semaphore(%arg10 : memref<!tpu.dma_semaphore, #tpu.memory_space<semaphore_mem>>) src(%dma_wait3A_25 : memref<82x128xi32, #tpu.memory_space<hbm>>) dst(%arg6 : memref<82x128xi32, #tpu.memory_space<vmem>>)
    %barrier3A = arith.constant 0 : index
    tpu.barrier barrier_id(%barrier3A)
    %dma_start3A_26 = arith.constant 0 : i32
    %dma_start3A_27 = arith.constant 0 : i32
    %dma_start3A_28 = arith.constant 0 : i32
    %dma_start3A_29 = arith.constant 0 : i32
    %dma_start3A_30 = tpu.memref_slice %arg8[%dma_start3A_27, %dma_start3A_28, %dma_start3A_29] : memref<2x128x128xf32, #tpu.memory_space<vmem>> -> memref<1x128x128xf32, #tpu.memory_space<vmem>>
    %dma_start3A_31 = tpu.memref_squeeze %dma_start3A_30 : memref<1x128x128xf32, #tpu.memory_space<vmem>> -> memref<128x128xf32, #tpu.memory_space<vmem>>
    %dma_start3A_32 = arith.constant 0 : i32
    %dma_start3A_33 = tpu.memref_slice %arg6[%dma_start3A_26, %dma_start3A_32] : memref<82x128xi32, #tpu.memory_space<vmem>> -> memref<1x128xi32, #tpu.memory_space<vmem>>
    %dma_start3A_34 = tpu.memref_squeeze %dma_start3A_33 : memref<1x128xi32, #tpu.memory_space<vmem>> -> memref<128xi32, #tpu.memory_space<vmem>>
    %dma_start3A_35 = arith.constant 0 : i32
    %dma_start3A_36 = arith.constant 0 : i32
    %dma_start3A_37 = tpu.memref_slice %arg2[%dma_start3A_35, %dma_start3A_36] : memref<10240x128xf32, #tpu.memory_space<hbm>> -> memref<10240x128xf32, #tpu.memory_space<hbm>>
    tpu.enqueue_indirect_dma source(%dma_start3A_37 : memref<10240x128xf32, #tpu.memory_space<hbm>>) target(%dma_start3A_31 : memref<128x128xf32, #tpu.memory_space<vmem>>) offsets(%dma_start3A_34 : memref<128xi32, #tpu.memory_space<vmem>>) semaphore(%arg10 : memref<!tpu.dma_semaphore, #tpu.memory_space<semaphore_mem>>)
    %dma_start3A_38 = arith.constant 0 : i32
    %dma_start3A_39 = arith.constant 0 : i32
    %dma_start3A_40 = arith.constant 0 : i32
    %dma_start3A_41 = tpu.memref_slice %arg7[%dma_start3A_39, %dma_start3A_40] : memref<2x128xi32, #tpu.memory_space<vmem>> -> memref<1x128xi32, #tpu.memory_space<vmem>>
    %dma_start3A_42 = tpu.memref_squeeze %dma_start3A_41 : memref<1x128xi32, #tpu.memory_space<vmem>> -> memref<128xi32, #tpu.memory_space<vmem>>
    %dma_start3A_43 = arith.constant 0 : i32
    %dma_start3A_44 = tpu.memref_slice %arg4[%add3A, %dma_start3A_38, %dma_start3A_43] : memref<32x82x128xi32, #tpu.memory_space<hbm>> -> memref<1x1x128xi32, #tpu.memory_space<hbm>>
    %dma_start3A_45 = tpu.memref_squeeze %dma_start3A_44 : memref<1x1x128xi32, #tpu.memory_space<hbm>> -> memref<128xi32, #tpu.memory_space<hbm>>
    %dma_start3A_46 = arith.constant 0 : i32
    %dma_start3A_47 = tpu.memref_slice %arg7[%dma_start3A_39, %dma_start3A_46] : memref<2x128xi32, #tpu.memory_space<vmem>> -> memref<1x128xi32, #tpu.memory_space<vmem>>
    %dma_start3A_48 = tpu.memref_squeeze %dma_start3A_47 : memref<1x128xi32, #tpu.memory_space<vmem>> -> memref<128xi32, #tpu.memory_space<vmem>>
    %dma_start3A_49 = arith.constant 0 : i32
    %dma_start3A_50 = tpu.memref_slice %arg4[%add3A, %dma_start3A_38, %dma_start3A_49] : memref<32x82x128xi32, #tpu.memory_space<hbm>> -> memref<1x1x128xi32, #tpu.memory_space<hbm>>
    %dma_start3A_51 = tpu.memref_squeeze %dma_start3A_50 : memref<1x1x128xi32, #tpu.memory_space<hbm>> -> memref<128xi32, #tpu.memory_space<hbm>>
    tpu.enqueue_dma source(%dma_start3A_51 : memref<128xi32, #tpu.memory_space<hbm>>) target(%dma_start3A_48 : memref<128xi32, #tpu.memory_space<vmem>>) target_semaphore(%arg12 : memref<!tpu.dma_semaphore, #tpu.memory_space<semaphore_mem>>)
    %dma_start3A_52 = arith.constant 1 : i32
    %dma_start3A_53 = arith.constant 1 : i32
    %dma_start3A_54 = arith.constant 0 : i32
    %dma_start3A_55 = arith.constant 0 : i32
    %dma_start3A_56 = tpu.memref_slice %arg8[%dma_start3A_53, %dma_start3A_54, %dma_start3A_55] : memref<2x128x128xf32, #tpu.memory_space<vmem>> -> memref<1x128x128xf32, #tpu.memory_space<vmem>>
    %dma_start3A_57 = tpu.memref_squeeze %dma_start3A_56 : memref<1x128x128xf32, #tpu.memory_space<vmem>> -> memref<128x128xf32, #tpu.memory_space<vmem>>
    %dma_start3A_58 = arith.constant 0 : i32
    %dma_start3A_59 = tpu.memref_slice %arg6[%dma_start3A_52, %dma_start3A_58] : memref<82x128xi32, #tpu.memory_space<vmem>> -> memref<1x128xi32, #tpu.memory_space<vmem>>
    %dma_start3A_60 = tpu.memref_squeeze %dma_start3A_59 : memref<1x128xi32, #tpu.memory_space<vmem>> -> memref<128xi32, #tpu.memory_space<vmem>>
    %dma_start3A_61 = arith.constant 0 : i32
    %dma_start3A_62 = arith.constant 0 : i32
    %dma_start3A_63 = tpu.memref_slice %arg2[%dma_start3A_61, %dma_start3A_62] : memref<10240x128xf32, #tpu.memory_space<hbm>> -> memref<10240x128xf32, #tpu.memory_space<hbm>>
    tpu.enqueue_indirect_dma source(%dma_start3A_63 : memref<10240x128xf32, #tpu.memory_space<hbm>>) target(%dma_start3A_57 : memref<128x128xf32, #tpu.memory_space<vmem>>) offsets(%dma_start3A_60 : memref<128xi32, #tpu.memory_space<vmem>>) semaphore(%arg11 : memref<!tpu.dma_semaphore, #tpu.memory_space<semaphore_mem>>)
    %dma_start3A_64 = arith.constant 1 : i32
    %dma_start3A_65 = arith.constant 1 : i32
    %dma_start3A_66 = arith.constant 0 : i32
    %dma_start3A_67 = tpu.memref_slice %arg7[%dma_start3A_65, %dma_start3A_66] : memref<2x128xi32, #tpu.memory_space<vmem>> -> memref<1x128xi32, #tpu.memory_space<vmem>>
    %dma_start3A_68 = tpu.memref_squeeze %dma_start3A_67 : memref<1x128xi32, #tpu.memory_space<vmem>> -> memref<128xi32, #tpu.memory_space<vmem>>
    %dma_start3A_69 = arith.constant 0 : i32
    %dma_start3A_70 = tpu.memref_slice %arg4[%add3A, %dma_start3A_64, %dma_start3A_69] : memref<32x82x128xi32, #tpu.memory_space<hbm>> -> memref<1x1x128xi32, #tpu.memory_space<hbm>>
    %dma_start3A_71 = tpu.memref_squeeze %dma_start3A_70 : memref<1x1x128xi32, #tpu.memory_space<hbm>> -> memref<128xi32, #tpu.memory_space<hbm>>
    %dma_start3A_72 = arith.constant 0 : i32
    %dma_start3A_73 = tpu.memref_slice %arg7[%dma_start3A_65, %dma_start3A_72] : memref<2x128xi32, #tpu.memory_space<vmem>> -> memref<1x128xi32, #tpu.memory_space<vmem>>
    %dma_start3A_74 = tpu.memref_squeeze %dma_start3A_73 : memref<1x128xi32, #tpu.memory_space<vmem>> -> memref<128xi32, #tpu.memory_space<vmem>>
    %dma_start3A_75 = arith.constant 0 : i32
    %dma_start3A_76 = tpu.memref_slice %arg4[%add3A, %dma_start3A_64, %dma_start3A_75] : memref<32x82x128xi32, #tpu.memory_space<hbm>> -> memref<1x1x128xi32, #tpu.memory_space<hbm>>
    %dma_start3A_77 = tpu.memref_squeeze %dma_start3A_76 : memref<1x1x128xi32, #tpu.memory_space<hbm>> -> memref<128xi32, #tpu.memory_space<hbm>>
    tpu.enqueue_dma source(%dma_start3A_77 : memref<128xi32, #tpu.memory_space<hbm>>) target(%dma_start3A_74 : memref<128xi32, #tpu.memory_space<vmem>>) target_semaphore(%arg13 : memref<!tpu.dma_semaphore, #tpu.memory_space<semaphore_mem>>)
    %scan3A_78 = arith.constant 0 : i32
    %scan3A_79 = arith.constant 0 : i32
    %scan3A_80 = arith.constant 40 : i32
    %scan3A_81 = arith.addi %scan3A_79, %scan3A_80 : i32
    %scan3A_82 = arith.constant 1 : i32
    scf.for %scan3A_356 = %scan3A_79 to %scan3A_81 step %scan3A_82  : i32 {
      %mul3A_357 = arith.constant 2 : i32
      %mul3A_358 = arith.muli %scan3A_356, %mul3A_357 : i32
      %add3A_359 = arith.constant 0 : i32
      %add3A_360 = arith.addi %mul3A_358, %add3A_359 : i32
      %dma_wait3A_361 = arith.constant 0 : i32
      %dma_wait3A_362 = arith.constant 0 : i32
      %dma_wait3A_363 = arith.constant 0 : i32
      %dma_wait3A_364 = tpu.memref_slice %arg8[%dma_wait3A_361, %dma_wait3A_362, %dma_wait3A_363] : memref<2x128x128xf32, #tpu.memory_space<vmem>> -> memref<1x128x128xf32, #tpu.memory_space<vmem>>
      %dma_wait3A_365 = tpu.memref_squeeze %dma_wait3A_364 : memref<1x128x128xf32, #tpu.memory_space<vmem>> -> memref<128x128xf32, #tpu.memory_space<vmem>>
      %dma_wait3A_366 = arith.constant 0 : i32
      %dma_wait3A_367 = tpu.memref_slice %arg6[%add3A_360, %dma_wait3A_366] : memref<82x128xi32, #tpu.memory_space<vmem>> -> memref<1x128xi32, #tpu.memory_space<vmem>>
      %dma_wait3A_368 = tpu.memref_squeeze %dma_wait3A_367 : memref<1x128xi32, #tpu.memory_space<vmem>> -> memref<128xi32, #tpu.memory_space<vmem>>
      %dma_wait3A_369 = arith.constant 0 : i32
      %dma_wait3A_370 = arith.constant 0 : i32
      %dma_wait3A_371 = tpu.memref_slice %arg2[%dma_wait3A_369, %dma_wait3A_370] : memref<10240x128xf32, #tpu.memory_space<hbm>> -> memref<10240x128xf32, #tpu.memory_space<hbm>>
      tpu.wait_indirect_dma semaphore(%arg10 : memref<!tpu.dma_semaphore, #tpu.memory_space<semaphore_mem>>) src(%dma_wait3A_371 : memref<10240x128xf32, #tpu.memory_space<hbm>>) dst(%dma_wait3A_365 : memref<128x128xf32, #tpu.memory_space<vmem>>)
      %dma_wait3A_372 = arith.constant 0 : i32
      %dma_wait3A_373 = arith.constant 0 : i32
      %dma_wait3A_374 = tpu.memref_slice %arg7[%dma_wait3A_372, %dma_wait3A_373] : memref<2x128xi32, #tpu.memory_space<vmem>> -> memref<1x128xi32, #tpu.memory_space<vmem>>
      %dma_wait3A_375 = tpu.memref_squeeze %dma_wait3A_374 : memref<1x128xi32, #tpu.memory_space<vmem>> -> memref<128xi32, #tpu.memory_space<vmem>>
      %dma_wait3A_376 = arith.constant 0 : i32
      %dma_wait3A_377 = tpu.memref_slice %arg4[%add3A, %add3A_360, %dma_wait3A_376] : memref<32x82x128xi32, #tpu.memory_space<hbm>> -> memref<1x1x128xi32, #tpu.memory_space<hbm>>
      %dma_wait3A_378 = tpu.memref_squeeze %dma_wait3A_377 : memref<1x1x128xi32, #tpu.memory_space<hbm>> -> memref<128xi32, #tpu.memory_space<hbm>>
      %dma_wait3A_379 = arith.constant 0 : i32
      %dma_wait3A_380 = tpu.memref_slice %arg7[%dma_wait3A_372, %dma_wait3A_379] : memref<2x128xi32, #tpu.memory_space<vmem>> -> memref<1x128xi32, #tpu.memory_space<vmem>>
      %dma_wait3A_381 = tpu.memref_squeeze %dma_wait3A_380 : memref<1x128xi32, #tpu.memory_space<vmem>> -> memref<128xi32, #tpu.memory_space<vmem>>
      %dma_wait3A_382 = arith.constant 0 : i32
      %dma_wait3A_383 = tpu.memref_slice %arg4[%add3A, %add3A_360, %dma_wait3A_382] : memref<32x82x128xi32, #tpu.memory_space<hbm>> -> memref<1x1x128xi32, #tpu.memory_space<hbm>>
      %dma_wait3A_384 = tpu.memref_squeeze %dma_wait3A_383 : memref<1x1x128xi32, #tpu.memory_space<hbm>> -> memref<128xi32, #tpu.memory_space<hbm>>
      tpu.wait_dma2 semaphore(%arg12 : memref<!tpu.dma_semaphore, #tpu.memory_space<semaphore_mem>>) src(%dma_wait3A_384 : memref<128xi32, #tpu.memory_space<hbm>>) dst(%dma_wait3A_381 : memref<128xi32, #tpu.memory_space<vmem>>)
      %run_scoped3A_385 = arith.constant 0 : i32
      %run_scoped3A_386 = arith.constant 0 : i32
      "tpu.region"() ({
        %run_scoped3A_469 = tpu.sem_alloc : memref<!tpu.dma_semaphore, #tpu.memory_space<semaphore_mem>>
        %dma_start3A_470 = arith.constant 0 : i32
        %dma_start3A_471 = arith.constant 0 : i32
        %dma_start3A_472 = tpu.memref_slice %arg8[%run_scoped3A_385, %dma_start3A_470, %dma_start3A_471] : memref<2x128x128xf32, #tpu.memory_space<vmem>> -> memref<1x128x128xf32, #tpu.memory_space<vmem>>
        %dma_start3A_473 = tpu.memref_squeeze %dma_start3A_472 : memref<1x128x128xf32, #tpu.memory_space<vmem>> -> memref<128x128xf32, #tpu.memory_space<vmem>>
        %dma_start3A_474 = arith.constant 0 : i32
        %dma_start3A_475 = tpu.memref_slice %arg7[%run_scoped3A_386, %dma_start3A_474] : memref<2x128xi32, #tpu.memory_space<vmem>> -> memref<1x128xi32, #tpu.memory_space<vmem>>
        %dma_start3A_476 = tpu.memref_squeeze %dma_start3A_475 : memref<1x128xi32, #tpu.memory_space<vmem>> -> memref<128xi32, #tpu.memory_space<vmem>>
        %dma_start3A_477 = arith.constant 0 : i32
        %dma_start3A_478 = arith.constant 0 : i32
        %dma_start3A_479 = tpu.memref_slice %arg9[%dma_start3A_477, %dma_start3A_478] : memref<10240x128xf32, #tpu.memory_space<vmem_shared>> -> memref<10240x128xf32, #tpu.memory_space<vmem_shared>>
        tpu.enqueue_indirect_dma source(%dma_start3A_473 : memref<128x128xf32, #tpu.memory_space<vmem>>) target(%dma_start3A_479 : memref<10240x128xf32, #tpu.memory_space<vmem_shared>>) offsets(%dma_start3A_476 : memref<128xi32, #tpu.memory_space<vmem>>) semaphore(%run_scoped3A_469 : memref<!tpu.dma_semaphore, #tpu.memory_space<semaphore_mem>>) {add = true}
        %dma_wait3A_480 = arith.constant 0 : i32
        %dma_wait3A_481 = arith.constant 0 : i32
        %dma_wait3A_482 = tpu.memref_slice %arg8[%run_scoped3A_385, %dma_wait3A_480, %dma_wait3A_481] : memref<2x128x128xf32, #tpu.memory_space<vmem>> -> memref<1x128x128xf32, #tpu.memory_space<vmem>>
        %dma_wait3A_483 = tpu.memref_squeeze %dma_wait3A_482 : memref<1x128x128xf32, #tpu.memory_space<vmem>> -> memref<128x128xf32, #tpu.memory_space<vmem>>
        %dma_wait3A_484 = arith.constant 0 : i32
        %dma_wait3A_485 = tpu.memref_slice %arg7[%run_scoped3A_386, %dma_wait3A_484] : memref<2x128xi32, #tpu.memory_space<vmem>> -> memref<1x128xi32, #tpu.memory_space<vmem>>
        %dma_wait3A_486 = tpu.memref_squeeze %dma_wait3A_485 : memref<1x128xi32, #tpu.memory_space<vmem>> -> memref<128xi32, #tpu.memory_space<vmem>>
        %dma_wait3A_487 = arith.constant 0 : i32
        %dma_wait3A_488 = arith.constant 0 : i32
        %dma_wait3A_489 = tpu.memref_slice %arg9[%dma_wait3A_487, %dma_wait3A_488] : memref<10240x128xf32, #tpu.memory_space<vmem_shared>> -> memref<10240x128xf32, #tpu.memory_space<vmem_shared>>
        tpu.wait_indirect_dma semaphore(%run_scoped3A_469 : memref<!tpu.dma_semaphore, #tpu.memory_space<semaphore_mem>>) src(%dma_wait3A_483 : memref<128x128xf32, #tpu.memory_space<vmem>>) dst(%dma_wait3A_489 : memref<10240x128xf32, #tpu.memory_space<vmem_shared>>)
        tpu.yield
      }) : () -> ()
      %add3A_387 = arith.constant 2 : i32
      %add3A_388 = arith.addi %add3A_360, %add3A_387 : i32
      %dma_start3A_389 = arith.constant 0 : i32
      %dma_start3A_390 = arith.constant 0 : i32
      %dma_start3A_391 = arith.constant 0 : i32
      %dma_start3A_392 = tpu.memref_slice %arg8[%dma_start3A_389, %dma_start3A_390, %dma_start3A_391] : memref<2x128x128xf32, #tpu.memory_space<vmem>> -> memref<1x128x128xf32, #tpu.memory_space<vmem>>
      %dma_start3A_393 = tpu.memref_squeeze %dma_start3A_392 : memref<1x128x128xf32, #tpu.memory_space<vmem>> -> memref<128x128xf32, #tpu.memory_space<vmem>>
      %dma_start3A_394 = arith.constant 0 : i32
      %dma_start3A_395 = tpu.memref_slice %arg6[%add3A_388, %dma_start3A_394] : memref<82x128xi32, #tpu.memory_space<vmem>> -> memref<1x128xi32, #tpu.memory_space<vmem>>
      %dma_start3A_396 = tpu.memref_squeeze %dma_start3A_395 : memref<1x128xi32, #tpu.memory_space<vmem>> -> memref<128xi32, #tpu.memory_space<vmem>>
      %dma_start3A_397 = arith.constant 0 : i32
      %dma_start3A_398 = arith.constant 0 : i32
      %dma_start3A_399 = tpu.memref_slice %arg2[%dma_start3A_397, %dma_start3A_398] : memref<10240x128xf32, #tpu.memory_space<hbm>> -> memref<10240x128xf32, #tpu.memory_space<hbm>>
      tpu.enqueue_indirect_dma source(%dma_start3A_399 : memref<10240x128xf32, #tpu.memory_space<hbm>>) target(%dma_start3A_393 : memref<128x128xf32, #tpu.memory_space<vmem>>) offsets(%dma_start3A_396 : memref<128xi32, #tpu.memory_space<vmem>>) semaphore(%arg10 : memref<!tpu.dma_semaphore, #tpu.memory_space<semaphore_mem>>)
      %dma_start3A_400 = arith.constant 0 : i32
      %dma_start3A_401 = arith.constant 0 : i32
      %dma_start3A_402 = tpu.memref_slice %arg7[%dma_start3A_400, %dma_start3A_401] : memref<2x128xi32, #tpu.memory_space<vmem>> -> memref<1x128xi32, #tpu.memory_space<vmem>>
      %dma_start3A_403 = tpu.memref_squeeze %dma_start3A_402 : memref<1x128xi32, #tpu.memory_space<vmem>> -> memref<128xi32, #tpu.memory_space<vmem>>
      %dma_start3A_404 = arith.constant 0 : i32
      %dma_start3A_405 = tpu.memref_slice %arg4[%add3A, %add3A_388, %dma_start3A_404] : memref<32x82x128xi32, #tpu.memory_space<hbm>> -> memref<1x1x128xi32, #tpu.memory_space<hbm>>
      %dma_start3A_406 = tpu.memref_squeeze %dma_start3A_405 : memref<1x1x128xi32, #tpu.memory_space<hbm>> -> memref<128xi32, #tpu.memory_space<hbm>>
      %dma_start3A_407 = arith.constant 0 : i32
      %dma_start3A_408 = tpu.memref_slice %arg7[%dma_start3A_400, %dma_start3A_407] : memref<2x128xi32, #tpu.memory_space<vmem>> -> memref<1x128xi32, #tpu.memory_space<vmem>>
      %dma_start3A_409 = tpu.memref_squeeze %dma_start3A_408 : memref<1x128xi32, #tpu.memory_space<vmem>> -> memref<128xi32, #tpu.memory_space<vmem>>
      %dma_start3A_410 = arith.constant 0 : i32
      %dma_start3A_411 = tpu.memref_slice %arg4[%add3A, %add3A_388, %dma_start3A_410] : memref<32x82x128xi32, #tpu.memory_space<hbm>> -> memref<1x1x128xi32, #tpu.memory_space<hbm>>
      %dma_start3A_412 = tpu.memref_squeeze %dma_start3A_411 : memref<1x1x128xi32, #tpu.memory_space<hbm>> -> memref<128xi32, #tpu.memory_space<hbm>>
      tpu.enqueue_dma source(%dma_start3A_412 : memref<128xi32, #tpu.memory_space<hbm>>) target(%dma_start3A_409 : memref<128xi32, #tpu.memory_space<vmem>>) target_semaphore(%arg12 : memref<!tpu.dma_semaphore, #tpu.memory_space<semaphore_mem>>)
      %mul3A_413 = arith.constant 2 : i32
      %mul3A_414 = arith.muli %scan3A_356, %mul3A_413 : i32
      %add3A_415 = arith.constant 1 : i32
      %add3A_416 = arith.addi %mul3A_414, %add3A_415 : i32
      %dma_wait3A_417 = arith.constant 1 : i32
      %dma_wait3A_418 = arith.constant 0 : i32
      %dma_wait3A_419 = arith.constant 0 : i32
      %dma_wait3A_420 = tpu.memref_slice %arg8[%dma_wait3A_417, %dma_wait3A_418, %dma_wait3A_419] : memref<2x128x128xf32, #tpu.memory_space<vmem>> -> memref<1x128x128xf32, #tpu.memory_space<vmem>>
      %dma_wait3A_421 = tpu.memref_squeeze %dma_wait3A_420 : memref<1x128x128xf32, #tpu.memory_space<vmem>> -> memref<128x128xf32, #tpu.memory_space<vmem>>
      %dma_wait3A_422 = arith.constant 0 : i32
      %dma_wait3A_423 = tpu.memref_slice %arg6[%add3A_416, %dma_wait3A_422] : memref<82x128xi32, #tpu.memory_space<vmem>> -> memref<1x128xi32, #tpu.memory_space<vmem>>
      %dma_wait3A_424 = tpu.memref_squeeze %dma_wait3A_423 : memref<1x128xi32, #tpu.memory_space<vmem>> -> memref<128xi32, #tpu.memory_space<vmem>>
      %dma_wait3A_425 = arith.constant 0 : i32
      %dma_wait3A_426 = arith.constant 0 : i32
      %dma_wait3A_427 = tpu.memref_slice %arg2[%dma_wait3A_425, %dma_wait3A_426] : memref<10240x128xf32, #tpu.memory_space<hbm>> -> memref<10240x128xf32, #tpu.memory_space<hbm>>
      tpu.wait_indirect_dma semaphore(%arg11 : memref<!tpu.dma_semaphore, #tpu.memory_space<semaphore_mem>>) src(%dma_wait3A_427 : memref<10240x128xf32, #tpu.memory_space<hbm>>) dst(%dma_wait3A_421 : memref<128x128xf32, #tpu.memory_space<vmem>>)
      %dma_wait3A_428 = arith.constant 1 : i32
      %dma_wait3A_429 = arith.constant 0 : i32
      %dma_wait3A_430 = tpu.memref_slice %arg7[%dma_wait3A_428, %dma_wait3A_429] : memref<2x128xi32, #tpu.memory_space<vmem>> -> memref<1x128xi32, #tpu.memory_space<vmem>>
      %dma_wait3A_431 = tpu.memref_squeeze %dma_wait3A_430 : memref<1x128xi32, #tpu.memory_space<vmem>> -> memref<128xi32, #tpu.memory_space<vmem>>
      %dma_wait3A_432 = arith.constant 0 : i32
      %dma_wait3A_433 = tpu.memref_slice %arg4[%add3A, %add3A_416, %dma_wait3A_432] : memref<32x82x128xi32, #tpu.memory_space<hbm>> -> memref<1x1x128xi32, #tpu.memory_space<hbm>>
      %dma_wait3A_434 = tpu.memref_squeeze %dma_wait3A_433 : memref<1x1x128xi32, #tpu.memory_space<hbm>> -> memref<128xi32, #tpu.memory_space<hbm>>
      %dma_wait3A_435 = arith.constant 0 : i32
      %dma_wait3A_436 = tpu.memref_slice %arg7[%dma_wait3A_428, %dma_wait3A_435] : memref<2x128xi32, #tpu.memory_space<vmem>> -> memref<1x128xi32, #tpu.memory_space<vmem>>
      %dma_wait3A_437 = tpu.memref_squeeze %dma_wait3A_436 : memref<1x128xi32, #tpu.memory_space<vmem>> -> memref<128xi32, #tpu.memory_space<vmem>>
      %dma_wait3A_438 = arith.constant 0 : i32
      %dma_wait3A_439 = tpu.memref_slice %arg4[%add3A, %add3A_416, %dma_wait3A_438] : memref<32x82x128xi32, #tpu.memory_space<hbm>> -> memref<1x1x128xi32, #tpu.memory_space<hbm>>
      %dma_wait3A_440 = tpu.memref_squeeze %dma_wait3A_439 : memref<1x1x128xi32, #tpu.memory_space<hbm>> -> memref<128xi32, #tpu.memory_space<hbm>>
      tpu.wait_dma2 semaphore(%arg13 : memref<!tpu.dma_semaphore, #tpu.memory_space<semaphore_mem>>) src(%dma_wait3A_440 : memref<128xi32, #tpu.memory_space<hbm>>) dst(%dma_wait3A_437 : memref<128xi32, #tpu.memory_space<vmem>>)
      %run_scoped3A_441 = arith.constant 1 : i32
      %run_scoped3A_442 = arith.constant 1 : i32
      "tpu.region"() ({
        %run_scoped3A_469 = tpu.sem_alloc : memref<!tpu.dma_semaphore, #tpu.memory_space<semaphore_mem>>
        %dma_start3A_470 = arith.constant 0 : i32
        %dma_start3A_471 = arith.constant 0 : i32
        %dma_start3A_472 = tpu.memref_slice %arg8[%run_scoped3A_441, %dma_start3A_470, %dma_start3A_471] : memref<2x128x128xf32, #tpu.memory_space<vmem>> -> memref<1x128x128xf32, #tpu.memory_space<vmem>>
        %dma_start3A_473 = tpu.memref_squeeze %dma_start3A_472 : memref<1x128x128xf32, #tpu.memory_space<vmem>> -> memref<128x128xf32, #tpu.memory_space<vmem>>
        %dma_start3A_474 = arith.constant 0 : i32
        %dma_start3A_475 = tpu.memref_slice %arg7[%run_scoped3A_442, %dma_start3A_474] : memref<2x128xi32, #tpu.memory_space<vmem>> -> memref<1x128xi32, #tpu.memory_space<vmem>>
        %dma_start3A_476 = tpu.memref_squeeze %dma_start3A_475 : memref<1x128xi32, #tpu.memory_space<vmem>> -> memref<128xi32, #tpu.memory_space<vmem>>
        %dma_start3A_477 = arith.constant 0 : i32
        %dma_start3A_478 = arith.constant 0 : i32
        %dma_start3A_479 = tpu.memref_slice %arg9[%dma_start3A_477, %dma_start3A_478] : memref<10240x128xf32, #tpu.memory_space<vmem_shared>> -> memref<10240x128xf32, #tpu.memory_space<vmem_shared>>
        tpu.enqueue_indirect_dma source(%dma_start3A_473 : memref<128x128xf32, #tpu.memory_space<vmem>>) target(%dma_start3A_479 : memref<10240x128xf32, #tpu.memory_space<vmem_shared>>) offsets(%dma_start3A_476 : memref<128xi32, #tpu.memory_space<vmem>>) semaphore(%run_scoped3A_469 : memref<!tpu.dma_semaphore, #tpu.memory_space<semaphore_mem>>) {add = true}
        %dma_wait3A_480 = arith.constant 0 : i32
        %dma_wait3A_481 = arith.constant 0 : i32
        %dma_wait3A_482 = tpu.memref_slice %arg8[%run_scoped3A_441, %dma_wait3A_480, %dma_wait3A_481] : memref<2x128x128xf32, #tpu.memory_space<vmem>> -> memref<1x128x128xf32, #tpu.memory_space<vmem>>
        %dma_wait3A_483 = tpu.memref_squeeze %dma_wait3A_482 : memref<1x128x128xf32, #tpu.memory_space<vmem>> -> memref<128x128xf32, #tpu.memory_space<vmem>>
        %dma_wait3A_484 = arith.constant 0 : i32
        %dma_wait3A_485 = tpu.memref_slice %arg7[%run_scoped3A_442, %dma_wait3A_484] : memref<2x128xi32, #tpu.memory_space<vmem>> -> memref<1x128xi32, #tpu.memory_space<vmem>>
        %dma_wait3A_486 = tpu.memref_squeeze %dma_wait3A_485 : memref<1x128xi32, #tpu.memory_space<vmem>> -> memref<128xi32, #tpu.memory_space<vmem>>
        %dma_wait3A_487 = arith.constant 0 : i32
        %dma_wait3A_488 = arith.constant 0 : i32
        %dma_wait3A_489 = tpu.memref_slice %arg9[%dma_wait3A_487, %dma_wait3A_488] : memref<10240x128xf32, #tpu.memory_space<vmem_shared>> -> memref<10240x128xf32, #tpu.memory_space<vmem_shared>>
        tpu.wait_indirect_dma semaphore(%run_scoped3A_469 : memref<!tpu.dma_semaphore, #tpu.memory_space<semaphore_mem>>) src(%dma_wait3A_483 : memref<128x128xf32, #tpu.memory_space<vmem>>) dst(%dma_wait3A_489 : memref<10240x128xf32, #tpu.memory_space<vmem_shared>>)
        tpu.yield
      }) : () -> ()
      %add3A_443 = arith.constant 2 : i32
      %add3A_444 = arith.addi %add3A_416, %add3A_443 : i32
      %dma_start3A_445 = arith.constant 1 : i32
      %dma_start3A_446 = arith.constant 0 : i32
      %dma_start3A_447 = arith.constant 0 : i32
      %dma_start3A_448 = tpu.memref_slice %arg8[%dma_start3A_445, %dma_start3A_446, %dma_start3A_447] : memref<2x128x128xf32, #tpu.memory_space<vmem>> -> memref<1x128x128xf32, #tpu.memory_space<vmem>>
      %dma_start3A_449 = tpu.memref_squeeze %dma_start3A_448 : memref<1x128x128xf32, #tpu.memory_space<vmem>> -> memref<128x128xf32, #tpu.memory_space<vmem>>
      %dma_start3A_450 = arith.constant 0 : i32
      %dma_start3A_451 = tpu.memref_slice %arg6[%add3A_444, %dma_start3A_450] : memref<82x128xi32, #tpu.memory_space<vmem>> -> memref<1x128xi32, #tpu.memory_space<vmem>>
      %dma_start3A_452 = tpu.memref_squeeze %dma_start3A_451 : memref<1x128xi32, #tpu.memory_space<vmem>> -> memref<128xi32, #tpu.memory_space<vmem>>
      %dma_start3A_453 = arith.constant 0 : i32
      %dma_start3A_454 = arith.constant 0 : i32
      %dma_start3A_455 = tpu.memref_slice %arg2[%dma_start3A_453, %dma_start3A_454] : memref<10240x128xf32, #tpu.memory_space<hbm>> -> memref<10240x128xf32, #tpu.memory_space<hbm>>
      tpu.enqueue_indirect_dma source(%dma_start3A_455 : memref<10240x128xf32, #tpu.memory_space<hbm>>) target(%dma_start3A_449 : memref<128x128xf32, #tpu.memory_space<vmem>>) offsets(%dma_start3A_452 : memref<128xi32, #tpu.memory_space<vmem>>) semaphore(%arg11 : memref<!tpu.dma_semaphore, #tpu.memory_space<semaphore_mem>>)
      %dma_start3A_456 = arith.constant 1 : i32
      %dma_start3A_457 = arith.constant 0 : i32
      %dma_start3A_458 = tpu.memref_slice %arg7[%dma_start3A_456, %dma_start3A_457] : memref<2x128xi32, #tpu.memory_space<vmem>> -> memref<1x128xi32, #tpu.memory_space<vmem>>
      %dma_start3A_459 = tpu.memref_squeeze %dma_start3A_458 : memref<1x128xi32, #tpu.memory_space<vmem>> -> memref<128xi32, #tpu.memory_space<vmem>>
      %dma_start3A_460 = arith.constant 0 : i32
      %dma_start3A_461 = tpu.memref_slice %arg4[%add3A, %add3A_444, %dma_start3A_460] : memref<32x82x128xi32, #tpu.memory_space<hbm>> -> memref<1x1x128xi32, #tpu.memory_space<hbm>>
      %dma_start3A_462 = tpu.memref_squeeze %dma_start3A_461 : memref<1x1x128xi32, #tpu.memory_space<hbm>> -> memref<128xi32, #tpu.memory_space<hbm>>
      %dma_start3A_463 = arith.constant 0 : i32
      %dma_start3A_464 = tpu.memref_slice %arg7[%dma_start3A_456, %dma_start3A_463] : memref<2x128xi32, #tpu.memory_space<vmem>> -> memref<1x128xi32, #tpu.memory_space<vmem>>
      %dma_start3A_465 = tpu.memref_squeeze %dma_start3A_464 : memref<1x128xi32, #tpu.memory_space<vmem>> -> memref<128xi32, #tpu.memory_space<vmem>>
      %dma_start3A_466 = arith.constant 0 : i32
      %dma_start3A_467 = tpu.memref_slice %arg4[%add3A, %add3A_444, %dma_start3A_466] : memref<32x82x128xi32, #tpu.memory_space<hbm>> -> memref<1x1x128xi32, #tpu.memory_space<hbm>>
      %dma_start3A_468 = tpu.memref_squeeze %dma_start3A_467 : memref<1x1x128xi32, #tpu.memory_space<hbm>> -> memref<128xi32, #tpu.memory_space<hbm>>
      tpu.enqueue_dma source(%dma_start3A_468 : memref<128xi32, #tpu.memory_space<hbm>>) target(%dma_start3A_465 : memref<128xi32, #tpu.memory_space<vmem>>) target_semaphore(%arg13 : memref<!tpu.dma_semaphore, #tpu.memory_space<semaphore_mem>>)
    }
    %scan3A_83 = arith.constant 40 : i32
    %dma_wait3A_84 = arith.constant 80 : i32
    %dma_wait3A_85 = arith.constant 0 : i32
    %dma_wait3A_86 = arith.constant 0 : i32
    %dma_wait3A_87 = arith.constant 0 : i32
    %dma_wait3A_88 = tpu.memref_slice %arg8[%dma_wait3A_85, %dma_wait3A_86, %dma_wait3A_87] : memref<2x128x128xf32, #tpu.memory_space<vmem>> -> memref<1x128x128xf32, #tpu.memory_space<vmem>>
    %dma_wait3A_89 = tpu.memref_squeeze %dma_wait3A_88 : memref<1x128x128xf32, #tpu.memory_space<vmem>> -> memref<128x128xf32, #tpu.memory_space<vmem>>
    %dma_wait3A_90 = arith.constant 0 : i32
    %dma_wait3A_91 = tpu.memref_slice %arg6[%dma_wait3A_84, %dma_wait3A_90] : memref<82x128xi32, #tpu.memory_space<vmem>> -> memref<1x128xi32, #tpu.memory_space<vmem>>
    %dma_wait3A_92 = tpu.memref_squeeze %dma_wait3A_91 : memref<1x128xi32, #tpu.memory_space<vmem>> -> memref<128xi32, #tpu.memory_space<vmem>>
    %dma_wait3A_93 = arith.constant 0 : i32
    %dma_wait3A_94 = arith.constant 0 : i32
    %dma_wait3A_95 = tpu.memref_slice %arg2[%dma_wait3A_93, %dma_wait3A_94] : memref<10240x128xf32, #tpu.memory_space<hbm>> -> memref<10240x128xf32, #tpu.memory_space<hbm>>
    tpu.wait_indirect_dma semaphore(%arg10 : memref<!tpu.dma_semaphore, #tpu.memory_space<semaphore_mem>>) src(%dma_wait3A_95 : memref<10240x128xf32, #tpu.memory_space<hbm>>) dst(%dma_wait3A_89 : memref<128x128xf32, #tpu.memory_space<vmem>>)
    %dma_wait3A_96 = arith.constant 80 : i32
    %dma_wait3A_97 = arith.constant 0 : i32
    %dma_wait3A_98 = arith.constant 0 : i32
    %dma_wait3A_99 = tpu.memref_slice %arg7[%dma_wait3A_97, %dma_wait3A_98] : memref<2x128xi32, #tpu.memory_space<vmem>> -> memref<1x128xi32, #tpu.memory_space<vmem>>
    %dma_wait3A_100 = tpu.memref_squeeze %dma_wait3A_99 : memref<1x128xi32, #tpu.memory_space<vmem>> -> memref<128xi32, #tpu.memory_space<vmem>>
    %dma_wait3A_101 = arith.constant 0 : i32
    %dma_wait3A_102 = tpu.memref_slice %arg4[%add3A, %dma_wait3A_96, %dma_wait3A_101] : memref<32x82x128xi32, #tpu.memory_space<hbm>> -> memref<1x1x128xi32, #tpu.memory_space<hbm>>
    %dma_wait3A_103 = tpu.memref_squeeze %dma_wait3A_102 : memref<1x1x128xi32, #tpu.memory_space<hbm>> -> memref<128xi32, #tpu.memory_space<hbm>>
    %dma_wait3A_104 = arith.constant 0 : i32
    %dma_wait3A_105 = tpu.memref_slice %arg7[%dma_wait3A_97, %dma_wait3A_104] : memref<2x128xi32, #tpu.memory_space<vmem>> -> memref<1x128xi32, #tpu.memory_space<vmem>>
    %dma_wait3A_106 = tpu.memref_squeeze %dma_wait3A_105 : memref<1x128xi32, #tpu.memory_space<vmem>> -> memref<128xi32, #tpu.memory_space<vmem>>
    %dma_wait3A_107 = arith.constant 0 : i32
    %dma_wait3A_108 = tpu.memref_slice %arg4[%add3A, %dma_wait3A_96, %dma_wait3A_107] : memref<32x82x128xi32, #tpu.memory_space<hbm>> -> memref<1x1x128xi32, #tpu.memory_space<hbm>>
    %dma_wait3A_109 = tpu.memref_squeeze %dma_wait3A_108 : memref<1x1x128xi32, #tpu.memory_space<hbm>> -> memref<128xi32, #tpu.memory_space<hbm>>
    tpu.wait_dma2 semaphore(%arg12 : memref<!tpu.dma_semaphore, #tpu.memory_space<semaphore_mem>>) src(%dma_wait3A_109 : memref<128xi32, #tpu.memory_space<hbm>>) dst(%dma_wait3A_106 : memref<128xi32, #tpu.memory_space<vmem>>)
    %dma_wait3A_110 = arith.constant 81 : i32
    %dma_wait3A_111 = arith.constant 1 : i32
    %dma_wait3A_112 = arith.constant 0 : i32
    %dma_wait3A_113 = arith.constant 0 : i32
    %dma_wait3A_114 = tpu.memref_slice %arg8[%dma_wait3A_111, %dma_wait3A_112, %dma_wait3A_113] : memref<2x128x128xf32, #tpu.memory_space<vmem>> -> memref<1x128x128xf32, #tpu.memory_space<vmem>>
    %dma_wait3A_115 = tpu.memref_squeeze %dma_wait3A_114 : memref<1x128x128xf32, #tpu.memory_space<vmem>> -> memref<128x128xf32, #tpu.memory_space<vmem>>
    %dma_wait3A_116 = arith.constant 0 : i32
    %dma_wait3A_117 = tpu.memref_slice %arg6[%dma_wait3A_110, %dma_wait3A_116] : memref<82x128xi32, #tpu.memory_space<vmem>> -> memref<1x128xi32, #tpu.memory_space<vmem>>
    %dma_wait3A_118 = tpu.memref_squeeze %dma_wait3A_117 : memref<1x128xi32, #tpu.memory_space<vmem>> -> memref<128xi32, #tpu.memory_space<vmem>>
    %dma_wait3A_119 = arith.constant 0 : i32
    %dma_wait3A_120 = arith.constant 0 : i32
    %dma_wait3A_121 = tpu.memref_slice %arg2[%dma_wait3A_119, %dma_wait3A_120] : memref<10240x128xf32, #tpu.memory_space<hbm>> -> memref<10240x128xf32, #tpu.memory_space<hbm>>
    tpu.wait_indirect_dma semaphore(%arg11 : memref<!tpu.dma_semaphore, #tpu.memory_space<semaphore_mem>>) src(%dma_wait3A_121 : memref<10240x128xf32, #tpu.memory_space<hbm>>) dst(%dma_wait3A_115 : memref<128x128xf32, #tpu.memory_space<vmem>>)
    %dma_wait3A_122 = arith.constant 81 : i32
    %dma_wait3A_123 = arith.constant 1 : i32
    %dma_wait3A_124 = arith.constant 0 : i32
    %dma_wait3A_125 = tpu.memref_slice %arg7[%dma_wait3A_123, %dma_wait3A_124] : memref<2x128xi32, #tpu.memory_space<vmem>> -> memref<1x128xi32, #tpu.memory_space<vmem>>
    %dma_wait3A_126 = tpu.memref_squeeze %dma_wait3A_125 : memref<1x128xi32, #tpu.memory_space<vmem>> -> memref<128xi32, #tpu.memory_space<vmem>>
    %dma_wait3A_127 = arith.constant 0 : i32
    %dma_wait3A_128 = tpu.memref_slice %arg4[%add3A, %dma_wait3A_122, %dma_wait3A_127] : memref<32x82x128xi32, #tpu.memory_space<hbm>> -> memref<1x1x128xi32, #tpu.memory_space<hbm>>
    %dma_wait3A_129 = tpu.memref_squeeze %dma_wait3A_128 : memref<1x1x128xi32, #tpu.memory_space<hbm>> -> memref<128xi32, #tpu.memory_space<hbm>>
    %dma_wait3A_130 = arith.constant 0 : i32
    %dma_wait3A_131 = tpu.memref_slice %arg7[%dma_wait3A_123, %dma_wait3A_130] : memref<2x128xi32, #tpu.memory_space<vmem>> -> memref<1x128xi32, #tpu.memory_space<vmem>>
    %dma_wait3A_132 = tpu.memref_squeeze %dma_wait3A_131 : memref<1x128xi32, #tpu.memory_space<vmem>> -> memref<128xi32, #tpu.memory_space<vmem>>
    %dma_wait3A_133 = arith.constant 0 : i32
    %dma_wait3A_134 = tpu.memref_slice %arg4[%add3A, %dma_wait3A_122, %dma_wait3A_133] : memref<32x82x128xi32, #tpu.memory_space<hbm>> -> memref<1x1x128xi32, #tpu.memory_space<hbm>>
    %dma_wait3A_135 = tpu.memref_squeeze %dma_wait3A_134 : memref<1x1x128xi32, #tpu.memory_space<hbm>> -> memref<128xi32, #tpu.memory_space<hbm>>
    tpu.wait_dma2 semaphore(%arg13 : memref<!tpu.dma_semaphore, #tpu.memory_space<semaphore_mem>>) src(%dma_wait3A_135 : memref<128xi32, #tpu.memory_space<hbm>>) dst(%dma_wait3A_132 : memref<128xi32, #tpu.memory_space<vmem>>)
    %barrier3A_136 = arith.constant 0 : index
    tpu.barrier barrier_id(%barrier3A_136)
    %mul3A_137 = arith.constant 5 : i32
    %mul3A_138 = arith.muli %arg1, %mul3A_137 : i32
    %add3A_139 = arith.constant 0 : i32
    %add3A_140 = arith.addi %mul3A_138, %add3A_139 : i32
    %mul3A_141 = arith.constant 128 : i32
    %mul3A_142 = arith.muli %add3A_140, %mul3A_141 : i32
    %run_scoped3A = arith.constant 0 : i32
    "tpu.region"() ({
      %run_scoped3A_356 = tpu.sem_alloc : memref<!tpu.dma_semaphore, #tpu.memory_space<semaphore_mem>>
      %dma_start3A_357 = arith.constant 0 : i32
      %dma_start3A_358 = arith.constant 0 : i32
      %dma_start3A_359 = tpu.memref_slice %arg8[%run_scoped3A, %dma_start3A_357, %dma_start3A_358] : memref<2x128x128xf32, #tpu.memory_space<vmem>> -> memref<1x128x128xf32, #tpu.memory_space<vmem>>
      %dma_start3A_360 = tpu.memref_squeeze %dma_start3A_359 : memref<1x128x128xf32, #tpu.memory_space<vmem>> -> memref<128x128xf32, #tpu.memory_space<vmem>>
      %dma_start3A_361 = arith.constant 0 : i32
      %dma_start3A_362 = tpu.memref_slice %arg9[%mul3A_142, %dma_start3A_361] : memref<10240x128xf32, #tpu.memory_space<vmem_shared>> -> memref<128x128xf32, #tpu.memory_space<vmem_shared>>
      %dma_start3A_363 = arith.constant 0 : i32
      %dma_start3A_364 = arith.constant 0 : i32
      %dma_start3A_365 = tpu.memref_slice %arg8[%run_scoped3A, %dma_start3A_363, %dma_start3A_364] : memref<2x128x128xf32, #tpu.memory_space<vmem>> -> memref<1x128x128xf32, #tpu.memory_space<vmem>>
      %dma_start3A_366 = tpu.memref_squeeze %dma_start3A_365 : memref<1x128x128xf32, #tpu.memory_space<vmem>> -> memref<128x128xf32, #tpu.memory_space<vmem>>
      %dma_start3A_367 = arith.constant 0 : i32
      %dma_start3A_368 = tpu.memref_slice %arg9[%mul3A_142, %dma_start3A_367] : memref<10240x128xf32, #tpu.memory_space<vmem_shared>> -> memref<128x128xf32, #tpu.memory_space<vmem_shared>>
      tpu.enqueue_dma source(%dma_start3A_368 : memref<128x128xf32, #tpu.memory_space<vmem_shared>>) target(%dma_start3A_366 : memref<128x128xf32, #tpu.memory_space<vmem>>) target_semaphore(%run_scoped3A_356 : memref<!tpu.dma_semaphore, #tpu.memory_space<semaphore_mem>>)
      %dma_wait3A_369 = arith.constant 0 : i32
      %dma_wait3A_370 = arith.constant 0 : i32
      %dma_wait3A_371 = tpu.memref_slice %arg8[%run_scoped3A, %dma_wait3A_369, %dma_wait3A_370] : memref<2x128x128xf32, #tpu.memory_space<vmem>> -> memref<1x128x128xf32, #tpu.memory_space<vmem>>
      %dma_wait3A_372 = tpu.memref_squeeze %dma_wait3A_371 : memref<1x128x128xf32, #tpu.memory_space<vmem>> -> memref<128x128xf32, #tpu.memory_space<vmem>>
      %dma_wait3A_373 = arith.constant 0 : i32
      %dma_wait3A_374 = tpu.memref_slice %arg9[%mul3A_142, %dma_wait3A_373] : memref<10240x128xf32, #tpu.memory_space<vmem_shared>> -> memref<128x128xf32, #tpu.memory_space<vmem_shared>>
      %dma_wait3A_375 = arith.constant 0 : i32
      %dma_wait3A_376 = arith.constant 0 : i32
      %dma_wait3A_377 = tpu.memref_slice %arg8[%run_scoped3A, %dma_wait3A_375, %dma_wait3A_376] : memref<2x128x128xf32, #tpu.memory_space<vmem>> -> memref<1x128x128xf32, #tpu.memory_space<vmem>>
      %dma_wait3A_378 = tpu.memref_squeeze %dma_wait3A_377 : memref<1x128x128xf32, #tpu.memory_space<vmem>> -> memref<128x128xf32, #tpu.memory_space<vmem>>
      %dma_wait3A_379 = arith.constant 0 : i32
      %dma_wait3A_380 = tpu.memref_slice %arg9[%mul3A_142, %dma_wait3A_379] : memref<10240x128xf32, #tpu.memory_space<vmem_shared>> -> memref<128x128xf32, #tpu.memory_space<vmem_shared>>
      tpu.wait_dma2 semaphore(%run_scoped3A_356 : memref<!tpu.dma_semaphore, #tpu.memory_space<semaphore_mem>>) src(%dma_wait3A_380 : memref<128x128xf32, #tpu.memory_space<vmem_shared>>) dst(%dma_wait3A_378 : memref<128x128xf32, #tpu.memory_space<vmem>>)
      tpu.yield
    }) : () -> ()
    %dma_start3A_143 = arith.constant 0 : i32
    %dma_start3A_144 = arith.constant 0 : i32
    %dma_start3A_145 = arith.constant 0 : i32
    %dma_start3A_146 = tpu.memref_slice %arg8[%dma_start3A_143, %dma_start3A_144, %dma_start3A_145] : memref<2x128x128xf32, #tpu.memory_space<vmem>> -> memref<1x128x128xf32, #tpu.memory_space<vmem>>
    %dma_start3A_147 = tpu.memref_squeeze %dma_start3A_146 : memref<1x128x128xf32, #tpu.memory_space<vmem>> -> memref<128x128xf32, #tpu.memory_space<vmem>>
    %dma_start3A_148 = arith.constant 0 : i32
    %dma_start3A_149 = tpu.memref_slice %arg5[%arg0, %mul3A_142, %dma_start3A_148] : memref<2x10240x128xf32, #tpu.memory_space<hbm>> -> memref<1x128x128xf32, #tpu.memory_space<hbm>>
    %dma_start3A_150 = tpu.memref_squeeze %dma_start3A_149 : memref<1x128x128xf32, #tpu.memory_space<hbm>> -> memref<128x128xf32, #tpu.memory_space<hbm>>
    %dma_start3A_151 = arith.constant 0 : i32
    %dma_start3A_152 = tpu.memref_slice %arg5[%arg0, %mul3A_142, %dma_start3A_151] : memref<2x10240x128xf32, #tpu.memory_space<hbm>> -> memref<1x128x128xf32, #tpu.memory_space<hbm>>
    %dma_start3A_153 = tpu.memref_squeeze %dma_start3A_152 : memref<1x128x128xf32, #tpu.memory_space<hbm>> -> memref<128x128xf32, #tpu.memory_space<hbm>>
    %dma_start3A_154 = arith.constant 0 : i32
    %dma_start3A_155 = arith.constant 0 : i32
    %dma_start3A_156 = tpu.memref_slice %arg8[%dma_start3A_143, %dma_start3A_154, %dma_start3A_155] : memref<2x128x128xf32, #tpu.memory_space<vmem>> -> memref<1x128x128xf32, #tpu.memory_space<vmem>>
    %dma_start3A_157 = tpu.memref_squeeze %dma_start3A_156 : memref<1x128x128xf32, #tpu.memory_space<vmem>> -> memref<128x128xf32, #tpu.memory_space<vmem>>
    tpu.enqueue_dma source(%dma_start3A_157 : memref<128x128xf32, #tpu.memory_space<vmem>>) target(%dma_start3A_153 : memref<128x128xf32, #tpu.memory_space<hbm>>) target_semaphore(%arg10 : memref<!tpu.dma_semaphore, #tpu.memory_space<semaphore_mem>>)
    %mul3A_158 = arith.constant 5 : i32
    %mul3A_159 = arith.muli %arg1, %mul3A_158 : i32
    %add3A_160 = arith.constant 1 : i32
    %add3A_161 = arith.addi %mul3A_159, %add3A_160 : i32
    %mul3A_162 = arith.constant 128 : i32
    %mul3A_163 = arith.muli %add3A_161, %mul3A_162 : i32
    %run_scoped3A_164 = arith.constant 1 : i32
    "tpu.region"() ({
      %run_scoped3A_356 = tpu.sem_alloc : memref<!tpu.dma_semaphore, #tpu.memory_space<semaphore_mem>>
      %dma_start3A_357 = arith.constant 0 : i32
      %dma_start3A_358 = arith.constant 0 : i32
      %dma_start3A_359 = tpu.memref_slice %arg8[%run_scoped3A_164, %dma_start3A_357, %dma_start3A_358] : memref<2x128x128xf32, #tpu.memory_space<vmem>> -> memref<1x128x128xf32, #tpu.memory_space<vmem>>
      %dma_start3A_360 = tpu.memref_squeeze %dma_start3A_359 : memref<1x128x128xf32, #tpu.memory_space<vmem>> -> memref<128x128xf32, #tpu.memory_space<vmem>>
      %dma_start3A_361 = arith.constant 0 : i32
      %dma_start3A_362 = tpu.memref_slice %arg9[%mul3A_163, %dma_start3A_361] : memref<10240x128xf32, #tpu.memory_space<vmem_shared>> -> memref<128x128xf32, #tpu.memory_space<vmem_shared>>
      %dma_start3A_363 = arith.constant 0 : i32
      %dma_start3A_364 = arith.constant 0 : i32
      %dma_start3A_365 = tpu.memref_slice %arg8[%run_scoped3A_164, %dma_start3A_363, %dma_start3A_364] : memref<2x128x128xf32, #tpu.memory_space<vmem>> -> memref<1x128x128xf32, #tpu.memory_space<vmem>>
      %dma_start3A_366 = tpu.memref_squeeze %dma_start3A_365 : memref<1x128x128xf32, #tpu.memory_space<vmem>> -> memref<128x128xf32, #tpu.memory_space<vmem>>
      %dma_start3A_367 = arith.constant 0 : i32
      %dma_start3A_368 = tpu.memref_slice %arg9[%mul3A_163, %dma_start3A_367] : memref<10240x128xf32, #tpu.memory_space<vmem_shared>> -> memref<128x128xf32, #tpu.memory_space<vmem_shared>>
      tpu.enqueue_dma source(%dma_start3A_368 : memref<128x128xf32, #tpu.memory_space<vmem_shared>>) target(%dma_start3A_366 : memref<128x128xf32, #tpu.memory_space<vmem>>) target_semaphore(%run_scoped3A_356 : memref<!tpu.dma_semaphore, #tpu.memory_space<semaphore_mem>>)
      %dma_wait3A_369 = arith.constant 0 : i32
      %dma_wait3A_370 = arith.constant 0 : i32
      %dma_wait3A_371 = tpu.memref_slice %arg8[%run_scoped3A_164, %dma_wait3A_369, %dma_wait3A_370] : memref<2x128x128xf32, #tpu.memory_space<vmem>> -> memref<1x128x128xf32, #tpu.memory_space<vmem>>
      %dma_wait3A_372 = tpu.memref_squeeze %dma_wait3A_371 : memref<1x128x128xf32, #tpu.memory_space<vmem>> -> memref<128x128xf32, #tpu.memory_space<vmem>>
      %dma_wait3A_373 = arith.constant 0 : i32
      %dma_wait3A_374 = tpu.memref_slice %arg9[%mul3A_163, %dma_wait3A_373] : memref<10240x128xf32, #tpu.memory_space<vmem_shared>> -> memref<128x128xf32, #tpu.memory_space<vmem_shared>>
      %dma_wait3A_375 = arith.constant 0 : i32
      %dma_wait3A_376 = arith.constant 0 : i32
      %dma_wait3A_377 = tpu.memref_slice %arg8[%run_scoped3A_164, %dma_wait3A_375, %dma_wait3A_376] : memref<2x128x128xf32, #tpu.memory_space<vmem>> -> memref<1x128x128xf32, #tpu.memory_space<vmem>>
      %dma_wait3A_378 = tpu.memref_squeeze %dma_wait3A_377 : memref<1x128x128xf32, #tpu.memory_space<vmem>> -> memref<128x128xf32, #tpu.memory_space<vmem>>
      %dma_wait3A_379 = arith.constant 0 : i32
      %dma_wait3A_380 = tpu.memref_slice %arg9[%mul3A_163, %dma_wait3A_379] : memref<10240x128xf32, #tpu.memory_space<vmem_shared>> -> memref<128x128xf32, #tpu.memory_space<vmem_shared>>
      tpu.wait_dma2 semaphore(%run_scoped3A_356 : memref<!tpu.dma_semaphore, #tpu.memory_space<semaphore_mem>>) src(%dma_wait3A_380 : memref<128x128xf32, #tpu.memory_space<vmem_shared>>) dst(%dma_wait3A_378 : memref<128x128xf32, #tpu.memory_space<vmem>>)
      tpu.yield
    }) : () -> ()
    %dma_start3A_165 = arith.constant 1 : i32
    %dma_start3A_166 = arith.constant 0 : i32
    %dma_start3A_167 = arith.constant 0 : i32
    %dma_start3A_168 = tpu.memref_slice %arg8[%dma_start3A_165, %dma_start3A_166, %dma_start3A_167] : memref<2x128x128xf32, #tpu.memory_space<vmem>> -> memref<1x128x128xf32, #tpu.memory_space<vmem>>
    %dma_start3A_169 = tpu.memref_squeeze %dma_start3A_168 : memref<1x128x128xf32, #tpu.memory_space<vmem>> -> memref<128x128xf32, #tpu.memory_space<vmem>>
    %dma_start3A_170 = arith.constant 0 : i32
    %dma_start3A_171 = tpu.memref_slice %arg5[%arg0, %mul3A_163, %dma_start3A_170] : memref<2x10240x128xf32, #tpu.memory_space<hbm>> -> memref<1x128x128xf32, #tpu.memory_space<hbm>>
    %dma_start3A_172 = tpu.memref_squeeze %dma_start3A_171 : memref<1x128x128xf32, #tpu.memory_space<hbm>> -> memref<128x128xf32, #tpu.memory_space<hbm>>
    %dma_start3A_173 = arith.constant 0 : i32
    %dma_start3A_174 = tpu.memref_slice %arg5[%arg0, %mul3A_163, %dma_start3A_173] : memref<2x10240x128xf32, #tpu.memory_space<hbm>> -> memref<1x128x128xf32, #tpu.memory_space<hbm>>
    %dma_start3A_175 = tpu.memref_squeeze %dma_start3A_174 : memref<1x128x128xf32, #tpu.memory_space<hbm>> -> memref<128x128xf32, #tpu.memory_space<hbm>>
    %dma_start3A_176 = arith.constant 0 : i32
    %dma_start3A_177 = arith.constant 0 : i32
    %dma_start3A_178 = tpu.memref_slice %arg8[%dma_start3A_165, %dma_start3A_176, %dma_start3A_177] : memref<2x128x128xf32, #tpu.memory_space<vmem>> -> memref<1x128x128xf32, #tpu.memory_space<vmem>>
    %dma_start3A_179 = tpu.memref_squeeze %dma_start3A_178 : memref<1x128x128xf32, #tpu.memory_space<vmem>> -> memref<128x128xf32, #tpu.memory_space<vmem>>
    tpu.enqueue_dma source(%dma_start3A_179 : memref<128x128xf32, #tpu.memory_space<vmem>>) target(%dma_start3A_175 : memref<128x128xf32, #tpu.memory_space<hbm>>) target_semaphore(%arg11 : memref<!tpu.dma_semaphore, #tpu.memory_space<semaphore_mem>>)
    %mul3A_180 = arith.constant 5 : i32
    %mul3A_181 = arith.muli %arg1, %mul3A_180 : i32
    %add3A_182 = arith.constant 2 : i32
    %add3A_183 = arith.addi %mul3A_181, %add3A_182 : i32
    %mul3A_184 = arith.constant 128 : i32
    %mul3A_185 = arith.muli %add3A_183, %mul3A_184 : i32
    %mul3A_186 = arith.constant 5 : i32
    %mul3A_187 = arith.muli %arg1, %mul3A_186 : i32
    %add3A_188 = arith.constant 2 : i32
    %add3A_189 = arith.addi %mul3A_187, %add3A_188 : i32
    %sub3A = arith.constant 2 : i32
    %sub3A_190 = arith.subi %add3A_189, %sub3A : i32
    %mul3A_191 = arith.constant 128 : i32
    %mul3A_192 = arith.muli %sub3A_190, %mul3A_191 : i32
    %dma_wait3A_193 = arith.constant 0 : i32
    %dma_wait3A_194 = arith.constant 0 : i32
    %dma_wait3A_195 = arith.constant 0 : i32
    %dma_wait3A_196 = tpu.memref_slice %arg8[%dma_wait3A_193, %dma_wait3A_194, %dma_wait3A_195] : memref<2x128x128xf32, #tpu.memory_space<vmem>> -> memref<1x128x128xf32, #tpu.memory_space<vmem>>
    %dma_wait3A_197 = tpu.memref_squeeze %dma_wait3A_196 : memref<1x128x128xf32, #tpu.memory_space<vmem>> -> memref<128x128xf32, #tpu.memory_space<vmem>>
    %dma_wait3A_198 = arith.constant 0 : i32
    %dma_wait3A_199 = tpu.memref_slice %arg5[%arg0, %mul3A_192, %dma_wait3A_198] : memref<2x10240x128xf32, #tpu.memory_space<hbm>> -> memref<1x128x128xf32, #tpu.memory_space<hbm>>
    %dma_wait3A_200 = tpu.memref_squeeze %dma_wait3A_199 : memref<1x128x128xf32, #tpu.memory_space<hbm>> -> memref<128x128xf32, #tpu.memory_space<hbm>>
    %dma_wait3A_201 = arith.constant 0 : i32
    %dma_wait3A_202 = tpu.memref_slice %arg5[%arg0, %mul3A_192, %dma_wait3A_201] : memref<2x10240x128xf32, #tpu.memory_space<hbm>> -> memref<1x128x128xf32, #tpu.memory_space<hbm>>
    %dma_wait3A_203 = tpu.memref_squeeze %dma_wait3A_202 : memref<1x128x128xf32, #tpu.memory_space<hbm>> -> memref<128x128xf32, #tpu.memory_space<hbm>>
    %dma_wait3A_204 = arith.constant 0 : i32
    %dma_wait3A_205 = arith.constant 0 : i32
    %dma_wait3A_206 = tpu.memref_slice %arg8[%dma_wait3A_193, %dma_wait3A_204, %dma_wait3A_205] : memref<2x128x128xf32, #tpu.memory_space<vmem>> -> memref<1x128x128xf32, #tpu.memory_space<vmem>>
    %dma_wait3A_207 = tpu.memref_squeeze %dma_wait3A_206 : memref<1x128x128xf32, #tpu.memory_space<vmem>> -> memref<128x128xf32, #tpu.memory_space<vmem>>
    tpu.wait_dma2 semaphore(%arg10 : memref<!tpu.dma_semaphore, #tpu.memory_space<semaphore_mem>>) src(%dma_wait3A_207 : memref<128x128xf32, #tpu.memory_space<vmem>>) dst(%dma_wait3A_203 : memref<128x128xf32, #tpu.memory_space<hbm>>)
    %run_scoped3A_208 = arith.constant 0 : i32
    "tpu.region"() ({
      %run_scoped3A_356 = tpu.sem_alloc : memref<!tpu.dma_semaphore, #tpu.memory_space<semaphore_mem>>
      %dma_start3A_357 = arith.constant 0 : i32
      %dma_start3A_358 = arith.constant 0 : i32
      %dma_start3A_359 = tpu.memref_slice %arg8[%run_scoped3A_208, %dma_start3A_357, %dma_start3A_358] : memref<2x128x128xf32, #tpu.memory_space<vmem>> -> memref<1x128x128xf32, #tpu.memory_space<vmem>>
      %dma_start3A_360 = tpu.memref_squeeze %dma_start3A_359 : memref<1x128x128xf32, #tpu.memory_space<vmem>> -> memref<128x128xf32, #tpu.memory_space<vmem>>
      %dma_start3A_361 = arith.constant 0 : i32
      %dma_start3A_362 = tpu.memref_slice %arg9[%mul3A_185, %dma_start3A_361] : memref<10240x128xf32, #tpu.memory_space<vmem_shared>> -> memref<128x128xf32, #tpu.memory_space<vmem_shared>>
      %dma_start3A_363 = arith.constant 0 : i32
      %dma_start3A_364 = arith.constant 0 : i32
      %dma_start3A_365 = tpu.memref_slice %arg8[%run_scoped3A_208, %dma_start3A_363, %dma_start3A_364] : memref<2x128x128xf32, #tpu.memory_space<vmem>> -> memref<1x128x128xf32, #tpu.memory_space<vmem>>
      %dma_start3A_366 = tpu.memref_squeeze %dma_start3A_365 : memref<1x128x128xf32, #tpu.memory_space<vmem>> -> memref<128x128xf32, #tpu.memory_space<vmem>>
      %dma_start3A_367 = arith.constant 0 : i32
      %dma_start3A_368 = tpu.memref_slice %arg9[%mul3A_185, %dma_start3A_367] : memref<10240x128xf32, #tpu.memory_space<vmem_shared>> -> memref<128x128xf32, #tpu.memory_space<vmem_shared>>
      tpu.enqueue_dma source(%dma_start3A_368 : memref<128x128xf32, #tpu.memory_space<vmem_shared>>) target(%dma_start3A_366 : memref<128x128xf32, #tpu.memory_space<vmem>>) target_semaphore(%run_scoped3A_356 : memref<!tpu.dma_semaphore, #tpu.memory_space<semaphore_mem>>)
      %dma_wait3A_369 = arith.constant 0 : i32
      %dma_wait3A_370 = arith.constant 0 : i32
      %dma_wait3A_371 = tpu.memref_slice %arg8[%run_scoped3A_208, %dma_wait3A_369, %dma_wait3A_370] : memref<2x128x128xf32, #tpu.memory_space<vmem>> -> memref<1x128x128xf32, #tpu.memory_space<vmem>>
      %dma_wait3A_372 = tpu.memref_squeeze %dma_wait3A_371 : memref<1x128x128xf32, #tpu.memory_space<vmem>> -> memref<128x128xf32, #tpu.memory_space<vmem>>
      %dma_wait3A_373 = arith.constant 0 : i32
      %dma_wait3A_374 = tpu.memref_slice %arg9[%mul3A_185, %dma_wait3A_373] : memref<10240x128xf32, #tpu.memory_space<vmem_shared>> -> memref<128x128xf32, #tpu.memory_space<vmem_shared>>
      %dma_wait3A_375 = arith.constant 0 : i32
      %dma_wait3A_376 = arith.constant 0 : i32
      %dma_wait3A_377 = tpu.memref_slice %arg8[%run_scoped3A_208, %dma_wait3A_375, %dma_wait3A_376] : memref<2x128x128xf32, #tpu.memory_space<vmem>> -> memref<1x128x128xf32, #tpu.memory_space<vmem>>
      %dma_wait3A_378 = tpu.memref_squeeze %dma_wait3A_377 : memref<1x128x128xf32, #tpu.memory_space<vmem>> -> memref<128x128xf32, #tpu.memory_space<vmem>>
      %dma_wait3A_379 = arith.constant 0 : i32
      %dma_wait3A_380 = tpu.memref_slice %arg9[%mul3A_185, %dma_wait3A_379] : memref<10240x128xf32, #tpu.memory_space<vmem_shared>> -> memref<128x128xf32, #tpu.memory_space<vmem_shared>>
      tpu.wait_dma2 semaphore(%run_scoped3A_356 : memref<!tpu.dma_semaphore, #tpu.memory_space<semaphore_mem>>) src(%dma_wait3A_380 : memref<128x128xf32, #tpu.memory_space<vmem_shared>>) dst(%dma_wait3A_378 : memref<128x128xf32, #tpu.memory_space<vmem>>)
      tpu.yield
    }) : () -> ()
    %dma_start3A_209 = arith.constant 0 : i32
    %dma_start3A_210 = arith.constant 0 : i32
    %dma_start3A_211 = arith.constant 0 : i32
    %dma_start3A_212 = tpu.memref_slice %arg8[%dma_start3A_209, %dma_start3A_210, %dma_start3A_211] : memref<2x128x128xf32, #tpu.memory_space<vmem>> -> memref<1x128x128xf32, #tpu.memory_space<vmem>>
    %dma_start3A_213 = tpu.memref_squeeze %dma_start3A_212 : memref<1x128x128xf32, #tpu.memory_space<vmem>> -> memref<128x128xf32, #tpu.memory_space<vmem>>
    %dma_start3A_214 = arith.constant 0 : i32
    %dma_start3A_215 = tpu.memref_slice %arg5[%arg0, %mul3A_185, %dma_start3A_214] : memref<2x10240x128xf32, #tpu.memory_space<hbm>> -> memref<1x128x128xf32, #tpu.memory_space<hbm>>
    %dma_start3A_216 = tpu.memref_squeeze %dma_start3A_215 : memref<1x128x128xf32, #tpu.memory_space<hbm>> -> memref<128x128xf32, #tpu.memory_space<hbm>>
    %dma_start3A_217 = arith.constant 0 : i32
    %dma_start3A_218 = tpu.memref_slice %arg5[%arg0, %mul3A_185, %dma_start3A_217] : memref<2x10240x128xf32, #tpu.memory_space<hbm>> -> memref<1x128x128xf32, #tpu.memory_space<hbm>>
    %dma_start3A_219 = tpu.memref_squeeze %dma_start3A_218 : memref<1x128x128xf32, #tpu.memory_space<hbm>> -> memref<128x128xf32, #tpu.memory_space<hbm>>
    %dma_start3A_220 = arith.constant 0 : i32
    %dma_start3A_221 = arith.constant 0 : i32
    %dma_start3A_222 = tpu.memref_slice %arg8[%dma_start3A_209, %dma_start3A_220, %dma_start3A_221] : memref<2x128x128xf32, #tpu.memory_space<vmem>> -> memref<1x128x128xf32, #tpu.memory_space<vmem>>
    %dma_start3A_223 = tpu.memref_squeeze %dma_start3A_222 : memref<1x128x128xf32, #tpu.memory_space<vmem>> -> memref<128x128xf32, #tpu.memory_space<vmem>>
    tpu.enqueue_dma source(%dma_start3A_223 : memref<128x128xf32, #tpu.memory_space<vmem>>) target(%dma_start3A_219 : memref<128x128xf32, #tpu.memory_space<hbm>>) target_semaphore(%arg10 : memref<!tpu.dma_semaphore, #tpu.memory_space<semaphore_mem>>)
    %mul3A_224 = arith.constant 5 : i32
    %mul3A_225 = arith.muli %arg1, %mul3A_224 : i32
    %add3A_226 = arith.constant 3 : i32
    %add3A_227 = arith.addi %mul3A_225, %add3A_226 : i32
    %mul3A_228 = arith.constant 128 : i32
    %mul3A_229 = arith.muli %add3A_227, %mul3A_228 : i32
    %mul3A_230 = arith.constant 5 : i32
    %mul3A_231 = arith.muli %arg1, %mul3A_230 : i32
    %add3A_232 = arith.constant 3 : i32
    %add3A_233 = arith.addi %mul3A_231, %add3A_232 : i32
    %sub3A_234 = arith.constant 2 : i32
    %sub3A_235 = arith.subi %add3A_233, %sub3A_234 : i32
    %mul3A_236 = arith.constant 128 : i32
    %mul3A_237 = arith.muli %sub3A_235, %mul3A_236 : i32
    %dma_wait3A_238 = arith.constant 1 : i32
    %dma_wait3A_239 = arith.constant 0 : i32
    %dma_wait3A_240 = arith.constant 0 : i32
    %dma_wait3A_241 = tpu.memref_slice %arg8[%dma_wait3A_238, %dma_wait3A_239, %dma_wait3A_240] : memref<2x128x128xf32, #tpu.memory_space<vmem>> -> memref<1x128x128xf32, #tpu.memory_space<vmem>>
    %dma_wait3A_242 = tpu.memref_squeeze %dma_wait3A_241 : memref<1x128x128xf32, #tpu.memory_space<vmem>> -> memref<128x128xf32, #tpu.memory_space<vmem>>
    %dma_wait3A_243 = arith.constant 0 : i32
    %dma_wait3A_244 = tpu.memref_slice %arg5[%arg0, %mul3A_237, %dma_wait3A_243] : memref<2x10240x128xf32, #tpu.memory_space<hbm>> -> memref<1x128x128xf32, #tpu.memory_space<hbm>>
    %dma_wait3A_245 = tpu.memref_squeeze %dma_wait3A_244 : memref<1x128x128xf32, #tpu.memory_space<hbm>> -> memref<128x128xf32, #tpu.memory_space<hbm>>
    %dma_wait3A_246 = arith.constant 0 : i32
    %dma_wait3A_247 = tpu.memref_slice %arg5[%arg0, %mul3A_237, %dma_wait3A_246] : memref<2x10240x128xf32, #tpu.memory_space<hbm>> -> memref<1x128x128xf32, #tpu.memory_space<hbm>>
    %dma_wait3A_248 = tpu.memref_squeeze %dma_wait3A_247 : memref<1x128x128xf32, #tpu.memory_space<hbm>> -> memref<128x128xf32, #tpu.memory_space<hbm>>
    %dma_wait3A_249 = arith.constant 0 : i32
    %dma_wait3A_250 = arith.constant 0 : i32
    %dma_wait3A_251 = tpu.memref_slice %arg8[%dma_wait3A_238, %dma_wait3A_249, %dma_wait3A_250] : memref<2x128x128xf32, #tpu.memory_space<vmem>> -> memref<1x128x128xf32, #tpu.memory_space<vmem>>
    %dma_wait3A_252 = tpu.memref_squeeze %dma_wait3A_251 : memref<1x128x128xf32, #tpu.memory_space<vmem>> -> memref<128x128xf32, #tpu.memory_space<vmem>>
    tpu.wait_dma2 semaphore(%arg11 : memref<!tpu.dma_semaphore, #tpu.memory_space<semaphore_mem>>) src(%dma_wait3A_252 : memref<128x128xf32, #tpu.memory_space<vmem>>) dst(%dma_wait3A_248 : memref<128x128xf32, #tpu.memory_space<hbm>>)
    %run_scoped3A_253 = arith.constant 1 : i32
    "tpu.region"() ({
      %run_scoped3A_356 = tpu.sem_alloc : memref<!tpu.dma_semaphore, #tpu.memory_space<semaphore_mem>>
      %dma_start3A_357 = arith.constant 0 : i32
      %dma_start3A_358 = arith.constant 0 : i32
      %dma_start3A_359 = tpu.memref_slice %arg8[%run_scoped3A_253, %dma_start3A_357, %dma_start3A_358] : memref<2x128x128xf32, #tpu.memory_space<vmem>> -> memref<1x128x128xf32, #tpu.memory_space<vmem>>
      %dma_start3A_360 = tpu.memref_squeeze %dma_start3A_359 : memref<1x128x128xf32, #tpu.memory_space<vmem>> -> memref<128x128xf32, #tpu.memory_space<vmem>>
      %dma_start3A_361 = arith.constant 0 : i32
      %dma_start3A_362 = tpu.memref_slice %arg9[%mul3A_229, %dma_start3A_361] : memref<10240x128xf32, #tpu.memory_space<vmem_shared>> -> memref<128x128xf32, #tpu.memory_space<vmem_shared>>
      %dma_start3A_363 = arith.constant 0 : i32
      %dma_start3A_364 = arith.constant 0 : i32
      %dma_start3A_365 = tpu.memref_slice %arg8[%run_scoped3A_253, %dma_start3A_363, %dma_start3A_364] : memref<2x128x128xf32, #tpu.memory_space<vmem>> -> memref<1x128x128xf32, #tpu.memory_space<vmem>>
      %dma_start3A_366 = tpu.memref_squeeze %dma_start3A_365 : memref<1x128x128xf32, #tpu.memory_space<vmem>> -> memref<128x128xf32, #tpu.memory_space<vmem>>
      %dma_start3A_367 = arith.constant 0 : i32
      %dma_start3A_368 = tpu.memref_slice %arg9[%mul3A_229, %dma_start3A_367] : memref<10240x128xf32, #tpu.memory_space<vmem_shared>> -> memref<128x128xf32, #tpu.memory_space<vmem_shared>>
      tpu.enqueue_dma source(%dma_start3A_368 : memref<128x128xf32, #tpu.memory_space<vmem_shared>>) target(%dma_start3A_366 : memref<128x128xf32, #tpu.memory_space<vmem>>) target_semaphore(%run_scoped3A_356 : memref<!tpu.dma_semaphore, #tpu.memory_space<semaphore_mem>>)
      %dma_wait3A_369 = arith.constant 0 : i32
      %dma_wait3A_370 = arith.constant 0 : i32
      %dma_wait3A_371 = tpu.memref_slice %arg8[%run_scoped3A_253, %dma_wait3A_369, %dma_wait3A_370] : memref<2x128x128xf32, #tpu.memory_space<vmem>> -> memref<1x128x128xf32, #tpu.memory_space<vmem>>
      %dma_wait3A_372 = tpu.memref_squeeze %dma_wait3A_371 : memref<1x128x128xf32, #tpu.memory_space<vmem>> -> memref<128x128xf32, #tpu.memory_space<vmem>>
      %dma_wait3A_373 = arith.constant 0 : i32
      %dma_wait3A_374 = tpu.memref_slice %arg9[%mul3A_229, %dma_wait3A_373] : memref<10240x128xf32, #tpu.memory_space<vmem_shared>> -> memref<128x128xf32, #tpu.memory_space<vmem_shared>>
      %dma_wait3A_375 = arith.constant 0 : i32
      %dma_wait3A_376 = arith.constant 0 : i32
      %dma_wait3A_377 = tpu.memref_slice %arg8[%run_scoped3A_253, %dma_wait3A_375, %dma_wait3A_376] : memref<2x128x128xf32, #tpu.memory_space<vmem>> -> memref<1x128x128xf32, #tpu.memory_space<vmem>>
      %dma_wait3A_378 = tpu.memref_squeeze %dma_wait3A_377 : memref<1x128x128xf32, #tpu.memory_space<vmem>> -> memref<128x128xf32, #tpu.memory_space<vmem>>
      %dma_wait3A_379 = arith.constant 0 : i32
      %dma_wait3A_380 = tpu.memref_slice %arg9[%mul3A_229, %dma_wait3A_379] : memref<10240x128xf32, #tpu.memory_space<vmem_shared>> -> memref<128x128xf32, #tpu.memory_space<vmem_shared>>
      tpu.wait_dma2 semaphore(%run_scoped3A_356 : memref<!tpu.dma_semaphore, #tpu.memory_space<semaphore_mem>>) src(%dma_wait3A_380 : memref<128x128xf32, #tpu.memory_space<vmem_shared>>) dst(%dma_wait3A_378 : memref<128x128xf32, #tpu.memory_space<vmem>>)
      tpu.yield
    }) : () -> ()
    %dma_start3A_254 = arith.constant 1 : i32
    %dma_start3A_255 = arith.constant 0 : i32
    %dma_start3A_256 = arith.constant 0 : i32
    %dma_start3A_257 = tpu.memref_slice %arg8[%dma_start3A_254, %dma_start3A_255, %dma_start3A_256] : memref<2x128x128xf32, #tpu.memory_space<vmem>> -> memref<1x128x128xf32, #tpu.memory_space<vmem>>
    %dma_start3A_258 = tpu.memref_squeeze %dma_start3A_257 : memref<1x128x128xf32, #tpu.memory_space<vmem>> -> memref<128x128xf32, #tpu.memory_space<vmem>>
    %dma_start3A_259 = arith.constant 0 : i32
    %dma_start3A_260 = tpu.memref_slice %arg5[%arg0, %mul3A_229, %dma_start3A_259] : memref<2x10240x128xf32, #tpu.memory_space<hbm>> -> memref<1x128x128xf32, #tpu.memory_space<hbm>>
    %dma_start3A_261 = tpu.memref_squeeze %dma_start3A_260 : memref<1x128x128xf32, #tpu.memory_space<hbm>> -> memref<128x128xf32, #tpu.memory_space<hbm>>
    %dma_start3A_262 = arith.constant 0 : i32
    %dma_start3A_263 = tpu.memref_slice %arg5[%arg0, %mul3A_229, %dma_start3A_262] : memref<2x10240x128xf32, #tpu.memory_space<hbm>> -> memref<1x128x128xf32, #tpu.memory_space<hbm>>
    %dma_start3A_264 = tpu.memref_squeeze %dma_start3A_263 : memref<1x128x128xf32, #tpu.memory_space<hbm>> -> memref<128x128xf32, #tpu.memory_space<hbm>>
    %dma_start3A_265 = arith.constant 0 : i32
    %dma_start3A_266 = arith.constant 0 : i32
    %dma_start3A_267 = tpu.memref_slice %arg8[%dma_start3A_254, %dma_start3A_265, %dma_start3A_266] : memref<2x128x128xf32, #tpu.memory_space<vmem>> -> memref<1x128x128xf32, #tpu.memory_space<vmem>>
    %dma_start3A_268 = tpu.memref_squeeze %dma_start3A_267 : memref<1x128x128xf32, #tpu.memory_space<vmem>> -> memref<128x128xf32, #tpu.memory_space<vmem>>
    tpu.enqueue_dma source(%dma_start3A_268 : memref<128x128xf32, #tpu.memory_space<vmem>>) target(%dma_start3A_264 : memref<128x128xf32, #tpu.memory_space<hbm>>) target_semaphore(%arg11 : memref<!tpu.dma_semaphore, #tpu.memory_space<semaphore_mem>>)
    %mul3A_269 = arith.constant 5 : i32
    %mul3A_270 = arith.muli %arg1, %mul3A_269 : i32
    %add3A_271 = arith.constant 4 : i32
    %add3A_272 = arith.addi %mul3A_270, %add3A_271 : i32
    %mul3A_273 = arith.constant 128 : i32
    %mul3A_274 = arith.muli %add3A_272, %mul3A_273 : i32
    %mul3A_275 = arith.constant 5 : i32
    %mul3A_276 = arith.muli %arg1, %mul3A_275 : i32
    %add3A_277 = arith.constant 4 : i32
    %add3A_278 = arith.addi %mul3A_276, %add3A_277 : i32
    %sub3A_279 = arith.constant 2 : i32
    %sub3A_280 = arith.subi %add3A_278, %sub3A_279 : i32
    %mul3A_281 = arith.constant 128 : i32
    %mul3A_282 = arith.muli %sub3A_280, %mul3A_281 : i32
    %dma_wait3A_283 = arith.constant 0 : i32
    %dma_wait3A_284 = arith.constant 0 : i32
    %dma_wait3A_285 = arith.constant 0 : i32
    %dma_wait3A_286 = tpu.memref_slice %arg8[%dma_wait3A_283, %dma_wait3A_284, %dma_wait3A_285] : memref<2x128x128xf32, #tpu.memory_space<vmem>> -> memref<1x128x128xf32, #tpu.memory_space<vmem>>
    %dma_wait3A_287 = tpu.memref_squeeze %dma_wait3A_286 : memref<1x128x128xf32, #tpu.memory_space<vmem>> -> memref<128x128xf32, #tpu.memory_space<vmem>>
    %dma_wait3A_288 = arith.constant 0 : i32
    %dma_wait3A_289 = tpu.memref_slice %arg5[%arg0, %mul3A_282, %dma_wait3A_288] : memref<2x10240x128xf32, #tpu.memory_space<hbm>> -> memref<1x128x128xf32, #tpu.memory_space<hbm>>
    %dma_wait3A_290 = tpu.memref_squeeze %dma_wait3A_289 : memref<1x128x128xf32, #tpu.memory_space<hbm>> -> memref<128x128xf32, #tpu.memory_space<hbm>>
    %dma_wait3A_291 = arith.constant 0 : i32
    %dma_wait3A_292 = tpu.memref_slice %arg5[%arg0, %mul3A_282, %dma_wait3A_291] : memref<2x10240x128xf32, #tpu.memory_space<hbm>> -> memref<1x128x128xf32, #tpu.memory_space<hbm>>
    %dma_wait3A_293 = tpu.memref_squeeze %dma_wait3A_292 : memref<1x128x128xf32, #tpu.memory_space<hbm>> -> memref<128x128xf32, #tpu.memory_space<hbm>>
    %dma_wait3A_294 = arith.constant 0 : i32
    %dma_wait3A_295 = arith.constant 0 : i32
    %dma_wait3A_296 = tpu.memref_slice %arg8[%dma_wait3A_283, %dma_wait3A_294, %dma_wait3A_295] : memref<2x128x128xf32, #tpu.memory_space<vmem>> -> memref<1x128x128xf32, #tpu.memory_space<vmem>>
    %dma_wait3A_297 = tpu.memref_squeeze %dma_wait3A_296 : memref<1x128x128xf32, #tpu.memory_space<vmem>> -> memref<128x128xf32, #tpu.memory_space<vmem>>
    tpu.wait_dma2 semaphore(%arg10 : memref<!tpu.dma_semaphore, #tpu.memory_space<semaphore_mem>>) src(%dma_wait3A_297 : memref<128x128xf32, #tpu.memory_space<vmem>>) dst(%dma_wait3A_293 : memref<128x128xf32, #tpu.memory_space<hbm>>)
    %run_scoped3A_298 = arith.constant 0 : i32
    "tpu.region"() ({
      %run_scoped3A_356 = tpu.sem_alloc : memref<!tpu.dma_semaphore, #tpu.memory_space<semaphore_mem>>
      %dma_start3A_357 = arith.constant 0 : i32
      %dma_start3A_358 = arith.constant 0 : i32
      %dma_start3A_359 = tpu.memref_slice %arg8[%run_scoped3A_298, %dma_start3A_357, %dma_start3A_358] : memref<2x128x128xf32, #tpu.memory_space<vmem>> -> memref<1x128x128xf32, #tpu.memory_space<vmem>>
      %dma_start3A_360 = tpu.memref_squeeze %dma_start3A_359 : memref<1x128x128xf32, #tpu.memory_space<vmem>> -> memref<128x128xf32, #tpu.memory_space<vmem>>
      %dma_start3A_361 = arith.constant 0 : i32
      %dma_start3A_362 = tpu.memref_slice %arg9[%mul3A_274, %dma_start3A_361] : memref<10240x128xf32, #tpu.memory_space<vmem_shared>> -> memref<128x128xf32, #tpu.memory_space<vmem_shared>>
      %dma_start3A_363 = arith.constant 0 : i32
      %dma_start3A_364 = arith.constant 0 : i32
      %dma_start3A_365 = tpu.memref_slice %arg8[%run_scoped3A_298, %dma_start3A_363, %dma_start3A_364] : memref<2x128x128xf32, #tpu.memory_space<vmem>> -> memref<1x128x128xf32, #tpu.memory_space<vmem>>
      %dma_start3A_366 = tpu.memref_squeeze %dma_start3A_365 : memref<1x128x128xf32, #tpu.memory_space<vmem>> -> memref<128x128xf32, #tpu.memory_space<vmem>>
      %dma_start3A_367 = arith.constant 0 : i32
      %dma_start3A_368 = tpu.memref_slice %arg9[%mul3A_274, %dma_start3A_367] : memref<10240x128xf32, #tpu.memory_space<vmem_shared>> -> memref<128x128xf32, #tpu.memory_space<vmem_shared>>
      tpu.enqueue_dma source(%dma_start3A_368 : memref<128x128xf32, #tpu.memory_space<vmem_shared>>) target(%dma_start3A_366 : memref<128x128xf32, #tpu.memory_space<vmem>>) target_semaphore(%run_scoped3A_356 : memref<!tpu.dma_semaphore, #tpu.memory_space<semaphore_mem>>)
      %dma_wait3A_369 = arith.constant 0 : i32
      %dma_wait3A_370 = arith.constant 0 : i32
      %dma_wait3A_371 = tpu.memref_slice %arg8[%run_scoped3A_298, %dma_wait3A_369, %dma_wait3A_370] : memref<2x128x128xf32, #tpu.memory_space<vmem>> -> memref<1x128x128xf32, #tpu.memory_space<vmem>>
      %dma_wait3A_372 = tpu.memref_squeeze %dma_wait3A_371 : memref<1x128x128xf32, #tpu.memory_space<vmem>> -> memref<128x128xf32, #tpu.memory_space<vmem>>
      %dma_wait3A_373 = arith.constant 0 : i32
      %dma_wait3A_374 = tpu.memref_slice %arg9[%mul3A_274, %dma_wait3A_373] : memref<10240x128xf32, #tpu.memory_space<vmem_shared>> -> memref<128x128xf32, #tpu.memory_space<vmem_shared>>
      %dma_wait3A_375 = arith.constant 0 : i32
      %dma_wait3A_376 = arith.constant 0 : i32
      %dma_wait3A_377 = tpu.memref_slice %arg8[%run_scoped3A_298, %dma_wait3A_375, %dma_wait3A_376] : memref<2x128x128xf32, #tpu.memory_space<vmem>> -> memref<1x128x128xf32, #tpu.memory_space<vmem>>
      %dma_wait3A_378 = tpu.memref_squeeze %dma_wait3A_377 : memref<1x128x128xf32, #tpu.memory_space<vmem>> -> memref<128x128xf32, #tpu.memory_space<vmem>>
      %dma_wait3A_379 = arith.constant 0 : i32
      %dma_wait3A_380 = tpu.memref_slice %arg9[%mul3A_274, %dma_wait3A_379] : memref<10240x128xf32, #tpu.memory_space<vmem_shared>> -> memref<128x128xf32, #tpu.memory_space<vmem_shared>>
      tpu.wait_dma2 semaphore(%run_scoped3A_356 : memref<!tpu.dma_semaphore, #tpu.memory_space<semaphore_mem>>) src(%dma_wait3A_380 : memref<128x128xf32, #tpu.memory_space<vmem_shared>>) dst(%dma_wait3A_378 : memref<128x128xf32, #tpu.memory_space<vmem>>)
      tpu.yield
    }) : () -> ()
    %dma_start3A_299 = arith.constant 0 : i32
    %dma_start3A_300 = arith.constant 0 : i32
    %dma_start3A_301 = arith.constant 0 : i32
    %dma_start3A_302 = tpu.memref_slice %arg8[%dma_start3A_299, %dma_start3A_300, %dma_start3A_301] : memref<2x128x128xf32, #tpu.memory_space<vmem>> -> memref<1x128x128xf32, #tpu.memory_space<vmem>>
    %dma_start3A_303 = tpu.memref_squeeze %dma_start3A_302 : memref<1x128x128xf32, #tpu.memory_space<vmem>> -> memref<128x128xf32, #tpu.memory_space<vmem>>
    %dma_start3A_304 = arith.constant 0 : i32
    %dma_start3A_305 = tpu.memref_slice %arg5[%arg0, %mul3A_274, %dma_start3A_304] : memref<2x10240x128xf32, #tpu.memory_space<hbm>> -> memref<1x128x128xf32, #tpu.memory_space<hbm>>
    %dma_start3A_306 = tpu.memref_squeeze %dma_start3A_305 : memref<1x128x128xf32, #tpu.memory_space<hbm>> -> memref<128x128xf32, #tpu.memory_space<hbm>>
    %dma_start3A_307 = arith.constant 0 : i32
    %dma_start3A_308 = tpu.memref_slice %arg5[%arg0, %mul3A_274, %dma_start3A_307] : memref<2x10240x128xf32, #tpu.memory_space<hbm>> -> memref<1x128x128xf32, #tpu.memory_space<hbm>>
    %dma_start3A_309 = tpu.memref_squeeze %dma_start3A_308 : memref<1x128x128xf32, #tpu.memory_space<hbm>> -> memref<128x128xf32, #tpu.memory_space<hbm>>
    %dma_start3A_310 = arith.constant 0 : i32
    %dma_start3A_311 = arith.constant 0 : i32
    %dma_start3A_312 = tpu.memref_slice %arg8[%dma_start3A_299, %dma_start3A_310, %dma_start3A_311] : memref<2x128x128xf32, #tpu.memory_space<vmem>> -> memref<1x128x128xf32, #tpu.memory_space<vmem>>
    %dma_start3A_313 = tpu.memref_squeeze %dma_start3A_312 : memref<1x128x128xf32, #tpu.memory_space<vmem>> -> memref<128x128xf32, #tpu.memory_space<vmem>>
    tpu.enqueue_dma source(%dma_start3A_313 : memref<128x128xf32, #tpu.memory_space<vmem>>) target(%dma_start3A_309 : memref<128x128xf32, #tpu.memory_space<hbm>>) target_semaphore(%arg10 : memref<!tpu.dma_semaphore, #tpu.memory_space<semaphore_mem>>)
    %mul3A_314 = arith.constant 5 : i32
    %mul3A_315 = arith.muli %arg1, %mul3A_314 : i32
    %add3A_316 = arith.constant 3 : i32
    %add3A_317 = arith.addi %mul3A_315, %add3A_316 : i32
    %mul3A_318 = arith.constant 128 : i32
    %mul3A_319 = arith.muli %add3A_317, %mul3A_318 : i32
    %dma_wait3A_320 = arith.constant 1 : i32
    %dma_wait3A_321 = arith.constant 0 : i32
    %dma_wait3A_322 = arith.constant 0 : i32
    %dma_wait3A_323 = tpu.memref_slice %arg8[%dma_wait3A_320, %dma_wait3A_321, %dma_wait3A_322] : memref<2x128x128xf32, #tpu.memory_space<vmem>> -> memref<1x128x128xf32, #tpu.memory_space<vmem>>
    %dma_wait3A_324 = tpu.memref_squeeze %dma_wait3A_323 : memref<1x128x128xf32, #tpu.memory_space<vmem>> -> memref<128x128xf32, #tpu.memory_space<vmem>>
    %dma_wait3A_325 = arith.constant 0 : i32
    %dma_wait3A_326 = tpu.memref_slice %arg5[%arg0, %mul3A_319, %dma_wait3A_325] : memref<2x10240x128xf32, #tpu.memory_space<hbm>> -> memref<1x128x128xf32, #tpu.memory_space<hbm>>
    %dma_wait3A_327 = tpu.memref_squeeze %dma_wait3A_326 : memref<1x128x128xf32, #tpu.memory_space<hbm>> -> memref<128x128xf32, #tpu.memory_space<hbm>>
    %dma_wait3A_328 = arith.constant 0 : i32
    %dma_wait3A_329 = tpu.memref_slice %arg5[%arg0, %mul3A_319, %dma_wait3A_328] : memref<2x10240x128xf32, #tpu.memory_space<hbm>> -> memref<1x128x128xf32, #tpu.memory_space<hbm>>
    %dma_wait3A_330 = tpu.memref_squeeze %dma_wait3A_329 : memref<1x128x128xf32, #tpu.memory_space<hbm>> -> memref<128x128xf32, #tpu.memory_space<hbm>>
    %dma_wait3A_331 = arith.constant 0 : i32
    %dma_wait3A_332 = arith.constant 0 : i32
    %dma_wait3A_333 = tpu.memref_slice %arg8[%dma_wait3A_320, %dma_wait3A_331, %dma_wait3A_332] : memref<2x128x128xf32, #tpu.memory_space<vmem>> -> memref<1x128x128xf32, #tpu.memory_space<vmem>>
    %dma_wait3A_334 = tpu.memref_squeeze %dma_wait3A_333 : memref<1x128x128xf32, #tpu.memory_space<vmem>> -> memref<128x128xf32, #tpu.memory_space<vmem>>
    tpu.wait_dma2 semaphore(%arg11 : memref<!tpu.dma_semaphore, #tpu.memory_space<semaphore_mem>>) src(%dma_wait3A_334 : memref<128x128xf32, #tpu.memory_space<vmem>>) dst(%dma_wait3A_330 : memref<128x128xf32, #tpu.memory_space<hbm>>)
    %mul3A_335 = arith.constant 5 : i32
    %mul3A_336 = arith.muli %arg1, %mul3A_335 : i32
    %add3A_337 = arith.constant 4 : i32
    %add3A_338 = arith.addi %mul3A_336, %add3A_337 : i32
    %mul3A_339 = arith.constant 128 : i32
    %mul3A_340 = arith.muli %add3A_338, %mul3A_339 : i32
    %dma_wait3A_341 = arith.constant 0 : i32
    %dma_wait3A_342 = arith.constant 0 : i32
    %dma_wait3A_343 = arith.constant 0 : i32
    %dma_wait3A_344 = tpu.memref_slice %arg8[%dma_wait3A_341, %dma_wait3A_342, %dma_wait3A_343] : memref<2x128x128xf32, #tpu.memory_space<vmem>> -> memref<1x128x128xf32, #tpu.memory_space<vmem>>
    %dma_wait3A_345 = tpu.memref_squeeze %dma_wait3A_344 : memref<1x128x128xf32, #tpu.memory_space<vmem>> -> memref<128x128xf32, #tpu.memory_space<vmem>>
    %dma_wait3A_346 = arith.constant 0 : i32
    %dma_wait3A_347 = tpu.memref_slice %arg5[%arg0, %mul3A_340, %dma_wait3A_346] : memref<2x10240x128xf32, #tpu.memory_space<hbm>> -> memref<1x128x128xf32, #tpu.memory_space<hbm>>
    %dma_wait3A_348 = tpu.memref_squeeze %dma_wait3A_347 : memref<1x128x128xf32, #tpu.memory_space<hbm>> -> memref<128x128xf32, #tpu.memory_space<hbm>>
    %dma_wait3A_349 = arith.constant 0 : i32
    %dma_wait3A_350 = tpu.memref_slice %arg5[%arg0, %mul3A_340, %dma_wait3A_349] : memref<2x10240x128xf32, #tpu.memory_space<hbm>> -> memref<1x128x128xf32, #tpu.memory_space<hbm>>
    %dma_wait3A_351 = tpu.memref_squeeze %dma_wait3A_350 : memref<1x128x128xf32, #tpu.memory_space<hbm>> -> memref<128x128xf32, #tpu.memory_space<hbm>>
    %dma_wait3A_352 = arith.constant 0 : i32
    %dma_wait3A_353 = arith.constant 0 : i32
    %dma_wait3A_354 = tpu.memref_slice %arg8[%dma_wait3A_341, %dma_wait3A_352, %dma_wait3A_353] : memref<2x128x128xf32, #tpu.memory_space<vmem>> -> memref<1x128x128xf32, #tpu.memory_space<vmem>>
    %dma_wait3A_355 = tpu.memref_squeeze %dma_wait3A_354 : memref<1x128x128xf32, #tpu.memory_space<vmem>> -> memref<128x128xf32, #tpu.memory_space<vmem>>
    tpu.wait_dma2 semaphore(%arg10 : memref<!tpu.dma_semaphore, #tpu.memory_space<semaphore_mem>>) src(%dma_wait3A_355 : memref<128x128xf32, #tpu.memory_space<vmem>>) dst(%dma_wait3A_351 : memref<128x128xf32, #tpu.memory_space<hbm>>)
    return
  }
}

#map = affine_map<(d0, d1) -> (0, 0, 0)>
#map1 = affine_map<(d0, d1) -> (0, 0)>
module attributes {stable_mosaic.version = 14 : i64} {
  func.func @_sc_degree(%arg0: i32, %arg1: i32, %arg2: memref<32x82x128xi32, #tpu.memory_space<hbm>>, %arg3: memref<2x10240xf32, #tpu.memory_space<hbm>>, %arg4: memref<82x128xi32, #tpu.memory_space<vmem>>, %arg5: memref<128xf32, #tpu.memory_space<vmem>>, %arg6: memref<640xf32, #tpu.memory_space<vmem>>, %arg7: memref<10240xf32, #tpu.memory_space<vmem_shared>>, %arg8: memref<!tpu.dma_semaphore, #tpu.memory_space<semaphore_mem>>, %arg9: memref<!tpu.dma_semaphore, #tpu.memory_space<semaphore_mem>>) attributes {dimension_semantics = [#tpu.dimension_semantics<core_parallel>, #tpu.dimension_semantics<subcore_parallel>], iteration_bounds = array<i64: 2, 16>, scalar_prefetch = 0 : i64, scratch_operands = 6 : i64, tpu.core_type = #tpu.core_type<sc_vector_subcore>, window_params = [{transform_indices = #map}, {transform_indices = #map1}]} {
    %mul3A = arith.constant 16 : i32
    %mul3A_0 = arith.muli %arg0, %mul3A : i32
    %add3A = arith.addi %mul3A_0, %arg1 : i32
    "tpu.region"() ({
      %run_scoped3A = tpu.sem_alloc : memref<!tpu.dma_semaphore, #tpu.memory_space<semaphore_mem>>
      %dma_start3A_47 = arith.constant 0 : i32
      %dma_start3A_48 = arith.constant 0 : i32
      %dma_start3A_49 = tpu.memref_slice %arg2[%add3A, %dma_start3A_47, %dma_start3A_48] : memref<32x82x128xi32, #tpu.memory_space<hbm>> -> memref<1x82x128xi32, #tpu.memory_space<hbm>>
      %dma_start3A_50 = tpu.memref_squeeze %dma_start3A_49 : memref<1x82x128xi32, #tpu.memory_space<hbm>> -> memref<82x128xi32, #tpu.memory_space<hbm>>
      %dma_start3A_51 = arith.constant 0 : i32
      %dma_start3A_52 = arith.constant 0 : i32
      %dma_start3A_53 = tpu.memref_slice %arg2[%add3A, %dma_start3A_51, %dma_start3A_52] : memref<32x82x128xi32, #tpu.memory_space<hbm>> -> memref<1x82x128xi32, #tpu.memory_space<hbm>>
      %dma_start3A_54 = tpu.memref_squeeze %dma_start3A_53 : memref<1x82x128xi32, #tpu.memory_space<hbm>> -> memref<82x128xi32, #tpu.memory_space<hbm>>
      tpu.enqueue_dma source(%dma_start3A_54 : memref<82x128xi32, #tpu.memory_space<hbm>>) target(%arg4 : memref<82x128xi32, #tpu.memory_space<vmem>>) target_semaphore(%run_scoped3A : memref<!tpu.dma_semaphore, #tpu.memory_space<semaphore_mem>>)
      %dma_wait3A_55 = arith.constant 0 : i32
      %dma_wait3A_56 = arith.constant 0 : i32
      %dma_wait3A_57 = tpu.memref_slice %arg2[%add3A, %dma_wait3A_55, %dma_wait3A_56] : memref<32x82x128xi32, #tpu.memory_space<hbm>> -> memref<1x82x128xi32, #tpu.memory_space<hbm>>
      %dma_wait3A_58 = tpu.memref_squeeze %dma_wait3A_57 : memref<1x82x128xi32, #tpu.memory_space<hbm>> -> memref<82x128xi32, #tpu.memory_space<hbm>>
      %dma_wait3A_59 = arith.constant 0 : i32
      %dma_wait3A_60 = arith.constant 0 : i32
      %dma_wait3A_61 = tpu.memref_slice %arg2[%add3A, %dma_wait3A_59, %dma_wait3A_60] : memref<32x82x128xi32, #tpu.memory_space<hbm>> -> memref<1x82x128xi32, #tpu.memory_space<hbm>>
      %dma_wait3A_62 = tpu.memref_squeeze %dma_wait3A_61 : memref<1x82x128xi32, #tpu.memory_space<hbm>> -> memref<82x128xi32, #tpu.memory_space<hbm>>
      tpu.wait_dma2 semaphore(%run_scoped3A : memref<!tpu.dma_semaphore, #tpu.memory_space<semaphore_mem>>) src(%dma_wait3A_62 : memref<82x128xi32, #tpu.memory_space<hbm>>) dst(%arg4 : memref<82x128xi32, #tpu.memory_space<vmem>>)
      tpu.yield
    }) : () -> ()
    %scan3A = arith.constant 0 : i32
    %scan3A_1 = arith.constant 0 : i32
    %scan3A_2 = arith.constant 8 : i32
    %scan3A_3 = arith.addi %scan3A_1, %scan3A_2 : i32
    %scan3A_4 = arith.constant 1 : i32
    scf.for %scan3A_47 = %scan3A_1 to %scan3A_3 step %scan3A_4  : i32 {
      %broadcast_in_dim3A = arith.constant 1.000000e+00 : f32
      %broadcast_in_dim3A_48 = vector.broadcast %broadcast_in_dim3A : f32 to vector<16xf32>
      %mul3A_49 = arith.constant 16 : i32
      %mul3A_50 = arith.muli %scan3A_47, %mul3A_49 : i32
      %swap3A = arith.index_cast %mul3A_50 : i32 to index
      %swap3A_51 = tpu.vector_load %arg5[%swap3A] {strides = array<i32>} : memref<128xf32, #tpu.memory_space<vmem>>, vector<16xf32>,
      %swap3A_52 = vector.shape_cast %swap3A_51 : vector<16xf32> to vector<16xf32>
      %swap3A_53 = vector.shape_cast %broadcast_in_dim3A_48 : vector<16xf32> to vector<16xf32>
      tpu.vector_store %arg5[%swap3A], %swap3A_53 {strides = array<i32>} : memref<128xf32, #tpu.memory_space<vmem>>, vector<16xf32>,
    }
    %scan3A_5 = arith.constant 8 : i32
    %scan3A_6 = arith.constant 0 : i32
    %scan3A_7 = arith.constant 0 : i32
    %scan3A_8 = arith.constant 40 : i32
    %scan3A_9 = arith.addi %scan3A_7, %scan3A_8 : i32
    %scan3A_10 = arith.constant 1 : i32
    scf.for %scan3A_47 = %scan3A_7 to %scan3A_9 step %scan3A_10  : i32 {
      %broadcast_in_dim3A = arith.constant 0.000000e+00 : f32
      %broadcast_in_dim3A_48 = vector.broadcast %broadcast_in_dim3A : f32 to vector<16xf32>
      %mul3A_49 = arith.constant 16 : i32
      %mul3A_50 = arith.muli %scan3A_47, %mul3A_49 : i32
      %swap3A = arith.index_cast %mul3A_50 : i32 to index
      %swap3A_51 = tpu.vector_load %arg6[%swap3A] {strides = array<i32>} : memref<640xf32, #tpu.memory_space<vmem>>, vector<16xf32>,
      %swap3A_52 = vector.shape_cast %swap3A_51 : vector<16xf32> to vector<16xf32>
      %swap3A_53 = vector.shape_cast %broadcast_in_dim3A_48 : vector<16xf32> to vector<16xf32>
      tpu.vector_store %arg6[%swap3A], %swap3A_53 {strides = array<i32>} : memref<640xf32, #tpu.memory_space<vmem>>, vector<16xf32>,
    }
    %scan3A_11 = arith.constant 40 : i32
    %mul3A_12 = arith.constant 640 : i32
    %mul3A_13 = arith.muli %arg1, %mul3A_12 : i32
    "tpu.region"() ({
      %run_scoped3A = tpu.sem_alloc : memref<!tpu.dma_semaphore, #tpu.memory_space<semaphore_mem>>
      %dma_start3A_47 = tpu.memref_slice %arg7[%mul3A_13] : memref<10240xf32, #tpu.memory_space<vmem_shared>> -> memref<640xf32, #tpu.memory_space<vmem_shared>>
      %dma_start3A_48 = tpu.memref_slice %arg7[%mul3A_13] : memref<10240xf32, #tpu.memory_space<vmem_shared>> -> memref<640xf32, #tpu.memory_space<vmem_shared>>
      tpu.enqueue_dma source(%arg6 : memref<640xf32, #tpu.memory_space<vmem>>) target(%dma_start3A_48 : memref<640xf32, #tpu.memory_space<vmem_shared>>) target_semaphore(%run_scoped3A : memref<!tpu.dma_semaphore, #tpu.memory_space<semaphore_mem>>)
      %dma_wait3A_49 = tpu.memref_slice %arg7[%mul3A_13] : memref<10240xf32, #tpu.memory_space<vmem_shared>> -> memref<640xf32, #tpu.memory_space<vmem_shared>>
      %dma_wait3A_50 = tpu.memref_slice %arg7[%mul3A_13] : memref<10240xf32, #tpu.memory_space<vmem_shared>> -> memref<640xf32, #tpu.memory_space<vmem_shared>>
      tpu.wait_dma2 semaphore(%run_scoped3A : memref<!tpu.dma_semaphore, #tpu.memory_space<semaphore_mem>>) src(%arg6 : memref<640xf32, #tpu.memory_space<vmem>>) dst(%dma_wait3A_50 : memref<640xf32, #tpu.memory_space<vmem_shared>>)
      tpu.yield
    }) : () -> ()
    %barrier3A = arith.constant 0 : index
    tpu.barrier barrier_id(%barrier3A)
    %dma_start3A = arith.constant 0 : i32
    %dma_start3A_14 = arith.constant 0 : i32
    %dma_start3A_15 = tpu.memref_slice %arg4[%dma_start3A, %dma_start3A_14] : memref<82x128xi32, #tpu.memory_space<vmem>> -> memref<1x128xi32, #tpu.memory_space<vmem>>
    %dma_start3A_16 = tpu.memref_squeeze %dma_start3A_15 : memref<1x128xi32, #tpu.memory_space<vmem>> -> memref<128xi32, #tpu.memory_space<vmem>>
    %dma_start3A_17 = arith.constant 0 : i32
    %dma_start3A_18 = tpu.memref_slice %arg7[%dma_start3A_17] : memref<10240xf32, #tpu.memory_space<vmem_shared>> -> memref<10240xf32, #tpu.memory_space<vmem_shared>>
    tpu.enqueue_indirect_dma source(%arg5 : memref<128xf32, #tpu.memory_space<vmem>>) target(%dma_start3A_18 : memref<10240xf32, #tpu.memory_space<vmem_shared>>) offsets(%dma_start3A_16 : memref<128xi32, #tpu.memory_space<vmem>>) semaphore(%arg8 : memref<!tpu.dma_semaphore, #tpu.memory_space<semaphore_mem>>) {add = true}
    %dma_start3A_19 = arith.constant 1 : i32
    %dma_start3A_20 = arith.constant 0 : i32
    %dma_start3A_21 = tpu.memref_slice %arg4[%dma_start3A_19, %dma_start3A_20] : memref<82x128xi32, #tpu.memory_space<vmem>> -> memref<1x128xi32, #tpu.memory_space<vmem>>
    %dma_start3A_22 = tpu.memref_squeeze %dma_start3A_21 : memref<1x128xi32, #tpu.memory_space<vmem>> -> memref<128xi32, #tpu.memory_space<vmem>>
    %dma_start3A_23 = arith.constant 0 : i32
    %dma_start3A_24 = tpu.memref_slice %arg7[%dma_start3A_23] : memref<10240xf32, #tpu.memory_space<vmem_shared>> -> memref<10240xf32, #tpu.memory_space<vmem_shared>>
    tpu.enqueue_indirect_dma source(%arg5 : memref<128xf32, #tpu.memory_space<vmem>>) target(%dma_start3A_24 : memref<10240xf32, #tpu.memory_space<vmem_shared>>) offsets(%dma_start3A_22 : memref<128xi32, #tpu.memory_space<vmem>>) semaphore(%arg9 : memref<!tpu.dma_semaphore, #tpu.memory_space<semaphore_mem>>) {add = true}
    %scan3A_25 = arith.constant 0 : i32
    %scan3A_26 = arith.constant 0 : i32
    %scan3A_27 = arith.constant 39 : i32
    %scan3A_28 = arith.addi %scan3A_26, %scan3A_27 : i32
    %scan3A_29 = arith.constant 1 : i32
    scf.for %scan3A_47 = %scan3A_26 to %scan3A_28 step %scan3A_29  : i32 {
      %mul3A_48 = arith.constant 2 : i32
      %mul3A_49 = arith.muli %scan3A_47, %mul3A_48 : i32
      %add3A_50 = arith.constant 0 : i32
      %add3A_51 = arith.addi %mul3A_49, %add3A_50 : i32
      %dma_wait3A_52 = arith.constant 0 : i32
      %dma_wait3A_53 = tpu.memref_slice %arg4[%add3A_51, %dma_wait3A_52] : memref<82x128xi32, #tpu.memory_space<vmem>> -> memref<1x128xi32, #tpu.memory_space<vmem>>
      %dma_wait3A_54 = tpu.memref_squeeze %dma_wait3A_53 : memref<1x128xi32, #tpu.memory_space<vmem>> -> memref<128xi32, #tpu.memory_space<vmem>>
      %dma_wait3A_55 = arith.constant 0 : i32
      %dma_wait3A_56 = tpu.memref_slice %arg7[%dma_wait3A_55] : memref<10240xf32, #tpu.memory_space<vmem_shared>> -> memref<10240xf32, #tpu.memory_space<vmem_shared>>
      tpu.wait_indirect_dma semaphore(%arg8 : memref<!tpu.dma_semaphore, #tpu.memory_space<semaphore_mem>>) src(%arg5 : memref<128xf32, #tpu.memory_space<vmem>>) dst(%dma_wait3A_56 : memref<10240xf32, #tpu.memory_space<vmem_shared>>)
      %add3A_57 = arith.constant 2 : i32
      %add3A_58 = arith.addi %add3A_51, %add3A_57 : i32
      %dma_start3A_59 = arith.constant 0 : i32
      %dma_start3A_60 = tpu.memref_slice %arg4[%add3A_58, %dma_start3A_59] : memref<82x128xi32, #tpu.memory_space<vmem>> -> memref<1x128xi32, #tpu.memory_space<vmem>>
      %dma_start3A_61 = tpu.memref_squeeze %dma_start3A_60 : memref<1x128xi32, #tpu.memory_space<vmem>> -> memref<128xi32, #tpu.memory_space<vmem>>
      %dma_start3A_62 = arith.constant 0 : i32
      %dma_start3A_63 = tpu.memref_slice %arg7[%dma_start3A_62] : memref<10240xf32, #tpu.memory_space<vmem_shared>> -> memref<10240xf32, #tpu.memory_space<vmem_shared>>
      tpu.enqueue_indirect_dma source(%arg5 : memref<128xf32, #tpu.memory_space<vmem>>) target(%dma_start3A_63 : memref<10240xf32, #tpu.memory_space<vmem_shared>>) offsets(%dma_start3A_61 : memref<128xi32, #tpu.memory_space<vmem>>) semaphore(%arg8 : memref<!tpu.dma_semaphore, #tpu.memory_space<semaphore_mem>>) {add = true}
      %mul3A_64 = arith.constant 2 : i32
      %mul3A_65 = arith.muli %scan3A_47, %mul3A_64 : i32
      %add3A_66 = arith.constant 1 : i32
      %add3A_67 = arith.addi %mul3A_65, %add3A_66 : i32
      %dma_wait3A_68 = arith.constant 0 : i32
      %dma_wait3A_69 = tpu.memref_slice %arg4[%add3A_67, %dma_wait3A_68] : memref<82x128xi32, #tpu.memory_space<vmem>> -> memref<1x128xi32, #tpu.memory_space<vmem>>
      %dma_wait3A_70 = tpu.memref_squeeze %dma_wait3A_69 : memref<1x128xi32, #tpu.memory_space<vmem>> -> memref<128xi32, #tpu.memory_space<vmem>>
      %dma_wait3A_71 = arith.constant 0 : i32
      %dma_wait3A_72 = tpu.memref_slice %arg7[%dma_wait3A_71] : memref<10240xf32, #tpu.memory_space<vmem_shared>> -> memref<10240xf32, #tpu.memory_space<vmem_shared>>
      tpu.wait_indirect_dma semaphore(%arg9 : memref<!tpu.dma_semaphore, #tpu.memory_space<semaphore_mem>>) src(%arg5 : memref<128xf32, #tpu.memory_space<vmem>>) dst(%dma_wait3A_72 : memref<10240xf32, #tpu.memory_space<vmem_shared>>)
      %add3A_73 = arith.constant 2 : i32
      %add3A_74 = arith.addi %add3A_67, %add3A_73 : i32
      %dma_start3A_75 = arith.constant 0 : i32
      %dma_start3A_76 = tpu.memref_slice %arg4[%add3A_74, %dma_start3A_75] : memref<82x128xi32, #tpu.memory_space<vmem>> -> memref<1x128xi32, #tpu.memory_space<vmem>>
      %dma_start3A_77 = tpu.memref_squeeze %dma_start3A_76 : memref<1x128xi32, #tpu.memory_space<vmem>> -> memref<128xi32, #tpu.memory_space<vmem>>
      %dma_start3A_78 = arith.constant 0 : i32
      %dma_start3A_79 = tpu.memref_slice %arg7[%dma_start3A_78] : memref<10240xf32, #tpu.memory_space<vmem_shared>> -> memref<10240xf32, #tpu.memory_space<vmem_shared>>
      tpu.enqueue_indirect_dma source(%arg5 : memref<128xf32, #tpu.memory_space<vmem>>) target(%dma_start3A_79 : memref<10240xf32, #tpu.memory_space<vmem_shared>>) offsets(%dma_start3A_77 : memref<128xi32, #tpu.memory_space<vmem>>) semaphore(%arg9 : memref<!tpu.dma_semaphore, #tpu.memory_space<semaphore_mem>>) {add = true}
    }
    %scan3A_30 = arith.constant 39 : i32
    %dma_wait3A = arith.constant 78 : i32
    %dma_wait3A_31 = arith.constant 0 : i32
    %dma_wait3A_32 = tpu.memref_slice %arg4[%dma_wait3A, %dma_wait3A_31] : memref<82x128xi32, #tpu.memory_space<vmem>> -> memref<1x128xi32, #tpu.memory_space<vmem>>
    %dma_wait3A_33 = tpu.memref_squeeze %dma_wait3A_32 : memref<1x128xi32, #tpu.memory_space<vmem>> -> memref<128xi32, #tpu.memory_space<vmem>>
    %dma_wait3A_34 = arith.constant 0 : i32
    %dma_wait3A_35 = tpu.memref_slice %arg7[%dma_wait3A_34] : memref<10240xf32, #tpu.memory_space<vmem_shared>> -> memref<10240xf32, #tpu.memory_space<vmem_shared>>
    tpu.wait_indirect_dma semaphore(%arg8 : memref<!tpu.dma_semaphore, #tpu.memory_space<semaphore_mem>>) src(%arg5 : memref<128xf32, #tpu.memory_space<vmem>>) dst(%dma_wait3A_35 : memref<10240xf32, #tpu.memory_space<vmem_shared>>)
    %dma_wait3A_36 = arith.constant 79 : i32
    %dma_wait3A_37 = arith.constant 0 : i32
    %dma_wait3A_38 = tpu.memref_slice %arg4[%dma_wait3A_36, %dma_wait3A_37] : memref<82x128xi32, #tpu.memory_space<vmem>> -> memref<1x128xi32, #tpu.memory_space<vmem>>
    %dma_wait3A_39 = tpu.memref_squeeze %dma_wait3A_38 : memref<1x128xi32, #tpu.memory_space<vmem>> -> memref<128xi32, #tpu.memory_space<vmem>>
    %dma_wait3A_40 = arith.constant 0 : i32
    %dma_wait3A_41 = tpu.memref_slice %arg7[%dma_wait3A_40] : memref<10240xf32, #tpu.memory_space<vmem_shared>> -> memref<10240xf32, #tpu.memory_space<vmem_shared>>
    tpu.wait_indirect_dma semaphore(%arg9 : memref<!tpu.dma_semaphore, #tpu.memory_space<semaphore_mem>>) src(%arg5 : memref<128xf32, #tpu.memory_space<vmem>>) dst(%dma_wait3A_41 : memref<10240xf32, #tpu.memory_space<vmem_shared>>)
    %barrier3A_42 = arith.constant 0 : index
    tpu.barrier barrier_id(%barrier3A_42)
    %mul3A_43 = arith.constant 640 : i32
    %mul3A_44 = arith.muli %arg1, %mul3A_43 : i32
    "tpu.region"() ({
      %run_scoped3A = tpu.sem_alloc : memref<!tpu.dma_semaphore, #tpu.memory_space<semaphore_mem>>
      %dma_start3A_47 = tpu.memref_slice %arg7[%mul3A_44] : memref<10240xf32, #tpu.memory_space<vmem_shared>> -> memref<640xf32, #tpu.memory_space<vmem_shared>>
      %dma_start3A_48 = tpu.memref_slice %arg7[%mul3A_44] : memref<10240xf32, #tpu.memory_space<vmem_shared>> -> memref<640xf32, #tpu.memory_space<vmem_shared>>
      tpu.enqueue_dma source(%dma_start3A_48 : memref<640xf32, #tpu.memory_space<vmem_shared>>) target(%arg6 : memref<640xf32, #tpu.memory_space<vmem>>) target_semaphore(%run_scoped3A : memref<!tpu.dma_semaphore, #tpu.memory_space<semaphore_mem>>)
      %dma_wait3A_49 = tpu.memref_slice %arg7[%mul3A_44] : memref<10240xf32, #tpu.memory_space<vmem_shared>> -> memref<640xf32, #tpu.memory_space<vmem_shared>>
      %dma_wait3A_50 = tpu.memref_slice %arg7[%mul3A_44] : memref<10240xf32, #tpu.memory_space<vmem_shared>> -> memref<640xf32, #tpu.memory_space<vmem_shared>>
      tpu.wait_dma2 semaphore(%run_scoped3A : memref<!tpu.dma_semaphore, #tpu.memory_space<semaphore_mem>>) src(%dma_wait3A_50 : memref<640xf32, #tpu.memory_space<vmem_shared>>) dst(%arg6 : memref<640xf32, #tpu.memory_space<vmem>>)
      tpu.yield
    }) : () -> ()
    %mul3A_45 = arith.constant 640 : i32
    %mul3A_46 = arith.muli %arg1, %mul3A_45 : i32
    "tpu.region"() ({
      %run_scoped3A = tpu.sem_alloc : memref<!tpu.dma_semaphore, #tpu.memory_space<semaphore_mem>>
      %dma_start3A_47 = tpu.memref_slice %arg3[%arg0, %mul3A_46] : memref<2x10240xf32, #tpu.memory_space<hbm>> -> memref<1x640xf32, #tpu.memory_space<hbm>>
      %dma_start3A_48 = tpu.memref_squeeze %dma_start3A_47 : memref<1x640xf32, #tpu.memory_space<hbm>> -> memref<640xf32, #tpu.memory_space<hbm>>
      %dma_start3A_49 = tpu.memref_slice %arg3[%arg0, %mul3A_46] : memref<2x10240xf32, #tpu.memory_space<hbm>> -> memref<1x640xf32, #tpu.memory_space<hbm>>
      %dma_start3A_50 = tpu.memref_squeeze %dma_start3A_49 : memref<1x640xf32, #tpu.memory_space<hbm>> -> memref<640xf32, #tpu.memory_space<hbm>>
      tpu.enqueue_dma source(%arg6 : memref<640xf32, #tpu.memory_space<vmem>>) target(%dma_start3A_50 : memref<640xf32, #tpu.memory_space<hbm>>) target_semaphore(%run_scoped3A : memref<!tpu.dma_semaphore, #tpu.memory_space<semaphore_mem>>)
      %dma_wait3A_51 = tpu.memref_slice %arg3[%arg0, %mul3A_46] : memref<2x10240xf32, #tpu.memory_space<hbm>> -> memref<1x640xf32, #tpu.memory_space<hbm>>
      %dma_wait3A_52 = tpu.memref_squeeze %dma_wait3A_51 : memref<1x640xf32, #tpu.memory_space<hbm>> -> memref<640xf32, #tpu.memory_space<hbm>>
      %dma_wait3A_53 = tpu.memref_slice %arg3[%arg0, %mul3A_46] : memref<2x10240xf32, #tpu.memory_space<hbm>> -> memref<1x640xf32, #tpu.memory_space<hbm>>
      %dma_wait3A_54 = tpu.memref_squeeze %dma_wait3A_53 : memref<1x640xf32, #tpu.memory_space<hbm>> -> memref<640xf32, #tpu.memory_space<hbm>>
      tpu.wait_dma2 semaphore(%run_scoped3A : memref<!tpu.dma_semaphore, #tpu.memory_space<semaphore_mem>>) src(%arg6 : memref<640xf32, #tpu.memory_space<vmem>>) dst(%dma_wait3A_54 : memref<640xf32, #tpu.memory_space<hbm>>)
      tpu.yield
    }) : () -> ()
    return
  }
}

#map = affine_map<(d0, d1) -> (0, 0)>
#map1 = affine_map<(d0, d1) -> (0, 0, 0)>
module attributes {stable_mosaic.version = 14 : i64} {
  func.func @_sc_aggregate(%arg0: i32, %arg1: i32, %arg2: memref<10240x128xf32, #tpu.memory_space<hbm>>, %arg3: memref<32x82x128xi32, #tpu.memory_space<hbm>>, %arg4: memref<32x82x128xi32, #tpu.memory_space<hbm>>, %arg5: memref<2x10240x128xf32, #tpu.memory_space<hbm>>, %arg6: memref<82x128xi32, #tpu.memory_space<vmem>>, %arg7: memref<2x128xi32, #tpu.memory_space<vmem>>, %arg8: memref<2x128x128xf32, #tpu.memory_space<vmem>>, %arg9: memref<10240x128xf32, #tpu.memory_space<vmem_shared>>, %arg10: memref<!tpu.dma_semaphore, #tpu.memory_space<semaphore_mem>>, %arg11: memref<!tpu.dma_semaphore, #tpu.memory_space<semaphore_mem>>, %arg12: memref<!tpu.dma_semaphore, #tpu.memory_space<semaphore_mem>>, %arg13: memref<!tpu.dma_semaphore, #tpu.memory_space<semaphore_mem>>) attributes {dimension_semantics = [#tpu.dimension_semantics<core_parallel>, #tpu.dimension_semantics<subcore_parallel>], iteration_bounds = array<i64: 2, 16>, scalar_prefetch = 0 : i64, scratch_operands = 8 : i64, tpu.core_type = #tpu.core_type<sc_vector_subcore>, window_params = [{transform_indices = #map}, {transform_indices = #map1}, {transform_indices = #map1}, {transform_indices = #map1}]} {
    %mul3A = arith.constant 16 : i32
    %mul3A_0 = arith.muli %arg0, %mul3A : i32
    %add3A = arith.addi %mul3A_0, %arg1 : i32
    %dma_start3A = arith.constant 0 : i32
    %dma_start3A_1 = arith.constant 0 : i32
    %dma_start3A_2 = tpu.memref_slice %arg3[%add3A, %dma_start3A, %dma_start3A_1] : memref<32x82x128xi32, #tpu.memory_space<hbm>> -> memref<1x82x128xi32, #tpu.memory_space<hbm>>
    %dma_start3A_3 = tpu.memref_squeeze %dma_start3A_2 : memref<1x82x128xi32, #tpu.memory_space<hbm>> -> memref<82x128xi32, #tpu.memory_space<hbm>>
    %dma_start3A_4 = arith.constant 0 : i32
    %dma_start3A_5 = arith.constant 0 : i32
    %dma_start3A_6 = tpu.memref_slice %arg3[%add3A, %dma_start3A_4, %dma_start3A_5] : memref<32x82x128xi32, #tpu.memory_space<hbm>> -> memref<1x82x128xi32, #tpu.memory_space<hbm>>
    %dma_start3A_7 = tpu.memref_squeeze %dma_start3A_6 : memref<1x82x128xi32, #tpu.memory_space<hbm>> -> memref<82x128xi32, #tpu.memory_space<hbm>>
    tpu.enqueue_dma source(%dma_start3A_7 : memref<82x128xi32, #tpu.memory_space<hbm>>) target(%arg6 : memref<82x128xi32, #tpu.memory_space<vmem>>) target_semaphore(%arg10 : memref<!tpu.dma_semaphore, #tpu.memory_space<semaphore_mem>>)
    %scan3A = arith.constant 0 : i32
    %scan3A_8 = arith.constant 0 : i32
    %scan3A_9 = arith.constant 128 : i32
    %scan3A_10 = arith.addi %scan3A_8, %scan3A_9 : i32
    %scan3A_11 = arith.constant 1 : i32
    scf.for %scan3A_356 = %scan3A_8 to %scan3A_10 step %scan3A_11  : i32 {
      %broadcast_in_dim3A = arith.constant 0.000000e+00 : f32
      %broadcast_in_dim3A_357 = vector.broadcast %broadcast_in_dim3A : f32 to vector<16xf32>
      %swap3A = arith.constant 0 : i32
      %swap3A_358 = arith.index_cast %swap3A : i32 to index
      %swap3A_359 = arith.index_cast %scan3A_356 : i32 to index
      %swap3A_360 = arith.constant 0 : index
      %swap3A_361 = tpu.vector_load %arg8[%swap3A_358, %swap3A_359, %swap3A_360] {strides = array<i32>} : memref<2x128x128xf32, #tpu.memory_space<vmem>>, vector<1x1x16xf32>,
      %swap3A_362 = vector.shape_cast %swap3A_361 : vector<1x1x16xf32> to vector<16xf32>
      %swap3A_363 = vector.shape_cast %broadcast_in_dim3A_357 : vector<16xf32> to vector<1x1x16xf32>
      tpu.vector_store %arg8[%swap3A_358, %swap3A_359, %swap3A_360], %swap3A_363 {strides = array<i32>} : memref<2x128x128xf32, #tpu.memory_space<vmem>>, vector<1x1x16xf32>,
      %broadcast_in_dim3A_364 = arith.constant 0.000000e+00 : f32
      %broadcast_in_dim3A_365 = vector.broadcast %broadcast_in_dim3A_364 : f32 to vector<16xf32>
      %swap3A_366 = arith.constant 0 : i32
      %swap3A_367 = arith.index_cast %swap3A_366 : i32 to index
      %swap3A_368 = arith.index_cast %scan3A_356 : i32 to index
      %swap3A_369 = arith.constant 16 : index
      %swap3A_370 = tpu.vector_load %arg8[%swap3A_367, %swap3A_368, %swap3A_369] {strides = array<i32>} : memref<2x128x128xf32, #tpu.memory_space<vmem>>, vector<1x1x16xf32>,
      %swap3A_371 = vector.shape_cast %swap3A_370 : vector<1x1x16xf32> to vector<16xf32>
      %swap3A_372 = vector.shape_cast %broadcast_in_dim3A_365 : vector<16xf32> to vector<1x1x16xf32>
      tpu.vector_store %arg8[%swap3A_367, %swap3A_368, %swap3A_369], %swap3A_372 {strides = array<i32>} : memref<2x128x128xf32, #tpu.memory_space<vmem>>, vector<1x1x16xf32>,
      %broadcast_in_dim3A_373 = arith.constant 0.000000e+00 : f32
      %broadcast_in_dim3A_374 = vector.broadcast %broadcast_in_dim3A_373 : f32 to vector<16xf32>
      %swap3A_375 = arith.constant 0 : i32
      %swap3A_376 = arith.index_cast %swap3A_375 : i32 to index
      %swap3A_377 = arith.index_cast %scan3A_356 : i32 to index
      %swap3A_378 = arith.constant 32 : index
      %swap3A_379 = tpu.vector_load %arg8[%swap3A_376, %swap3A_377, %swap3A_378] {strides = array<i32>} : memref<2x128x128xf32, #tpu.memory_space<vmem>>, vector<1x1x16xf32>,
      %swap3A_380 = vector.shape_cast %swap3A_379 : vector<1x1x16xf32> to vector<16xf32>
      %swap3A_381 = vector.shape_cast %broadcast_in_dim3A_374 : vector<16xf32> to vector<1x1x16xf32>
      tpu.vector_store %arg8[%swap3A_376, %swap3A_377, %swap3A_378], %swap3A_381 {strides = array<i32>} : memref<2x128x128xf32, #tpu.memory_space<vmem>>, vector<1x1x16xf32>,
      %broadcast_in_dim3A_382 = arith.constant 0.000000e+00 : f32
      %broadcast_in_dim3A_383 = vector.broadcast %broadcast_in_dim3A_382 : f32 to vector<16xf32>
      %swap3A_384 = arith.constant 0 : i32
      %swap3A_385 = arith.index_cast %swap3A_384 : i32 to index
      %swap3A_386 = arith.index_cast %scan3A_356 : i32 to index
      %swap3A_387 = arith.constant 48 : index
      %swap3A_388 = tpu.vector_load %arg8[%swap3A_385, %swap3A_386, %swap3A_387] {strides = array<i32>} : memref<2x128x128xf32, #tpu.memory_space<vmem>>, vector<1x1x16xf32>,
      %swap3A_389 = vector.shape_cast %swap3A_388 : vector<1x1x16xf32> to vector<16xf32>
      %swap3A_390 = vector.shape_cast %broadcast_in_dim3A_383 : vector<16xf32> to vector<1x1x16xf32>
      tpu.vector_store %arg8[%swap3A_385, %swap3A_386, %swap3A_387], %swap3A_390 {strides = array<i32>} : memref<2x128x128xf32, #tpu.memory_space<vmem>>, vector<1x1x16xf32>,
      %broadcast_in_dim3A_391 = arith.constant 0.000000e+00 : f32
      %broadcast_in_dim3A_392 = vector.broadcast %broadcast_in_dim3A_391 : f32 to vector<16xf32>
      %swap3A_393 = arith.constant 0 : i32
      %swap3A_394 = arith.index_cast %swap3A_393 : i32 to index
      %swap3A_395 = arith.index_cast %scan3A_356 : i32 to index
      %swap3A_396 = arith.constant 64 : index
      %swap3A_397 = tpu.vector_load %arg8[%swap3A_394, %swap3A_395, %swap3A_396] {strides = array<i32>} : memref<2x128x128xf32, #tpu.memory_space<vmem>>, vector<1x1x16xf32>,
      %swap3A_398 = vector.shape_cast %swap3A_397 : vector<1x1x16xf32> to vector<16xf32>
      %swap3A_399 = vector.shape_cast %broadcast_in_dim3A_392 : vector<16xf32> to vector<1x1x16xf32>
      tpu.vector_store %arg8[%swap3A_394, %swap3A_395, %swap3A_396], %swap3A_399 {strides = array<i32>} : memref<2x128x128xf32, #tpu.memory_space<vmem>>, vector<1x1x16xf32>,
      %broadcast_in_dim3A_400 = arith.constant 0.000000e+00 : f32
      %broadcast_in_dim3A_401 = vector.broadcast %broadcast_in_dim3A_400 : f32 to vector<16xf32>
      %swap3A_402 = arith.constant 0 : i32
      %swap3A_403 = arith.index_cast %swap3A_402 : i32 to index
      %swap3A_404 = arith.index_cast %scan3A_356 : i32 to index
      %swap3A_405 = arith.constant 80 : index
      %swap3A_406 = tpu.vector_load %arg8[%swap3A_403, %swap3A_404, %swap3A_405] {strides = array<i32>} : memref<2x128x128xf32, #tpu.memory_space<vmem>>, vector<1x1x16xf32>,
      %swap3A_407 = vector.shape_cast %swap3A_406 : vector<1x1x16xf32> to vector<16xf32>
      %swap3A_408 = vector.shape_cast %broadcast_in_dim3A_401 : vector<16xf32> to vector<1x1x16xf32>
      tpu.vector_store %arg8[%swap3A_403, %swap3A_404, %swap3A_405], %swap3A_408 {strides = array<i32>} : memref<2x128x128xf32, #tpu.memory_space<vmem>>, vector<1x1x16xf32>,
      %broadcast_in_dim3A_409 = arith.constant 0.000000e+00 : f32
      %broadcast_in_dim3A_410 = vector.broadcast %broadcast_in_dim3A_409 : f32 to vector<16xf32>
      %swap3A_411 = arith.constant 0 : i32
      %swap3A_412 = arith.index_cast %swap3A_411 : i32 to index
      %swap3A_413 = arith.index_cast %scan3A_356 : i32 to index
      %swap3A_414 = arith.constant 96 : index
      %swap3A_415 = tpu.vector_load %arg8[%swap3A_412, %swap3A_413, %swap3A_414] {strides = array<i32>} : memref<2x128x128xf32, #tpu.memory_space<vmem>>, vector<1x1x16xf32>,
      %swap3A_416 = vector.shape_cast %swap3A_415 : vector<1x1x16xf32> to vector<16xf32>
      %swap3A_417 = vector.shape_cast %broadcast_in_dim3A_410 : vector<16xf32> to vector<1x1x16xf32>
      tpu.vector_store %arg8[%swap3A_412, %swap3A_413, %swap3A_414], %swap3A_417 {strides = array<i32>} : memref<2x128x128xf32, #tpu.memory_space<vmem>>, vector<1x1x16xf32>,
      %broadcast_in_dim3A_418 = arith.constant 0.000000e+00 : f32
      %broadcast_in_dim3A_419 = vector.broadcast %broadcast_in_dim3A_418 : f32 to vector<16xf32>
      %swap3A_420 = arith.constant 0 : i32
      %swap3A_421 = arith.index_cast %swap3A_420 : i32 to index
      %swap3A_422 = arith.index_cast %scan3A_356 : i32 to index
      %swap3A_423 = arith.constant 112 : index
      %swap3A_424 = tpu.vector_load %arg8[%swap3A_421, %swap3A_422, %swap3A_423] {strides = array<i32>} : memref<2x128x128xf32, #tpu.memory_space<vmem>>, vector<1x1x16xf32>,
      %swap3A_425 = vector.shape_cast %swap3A_424 : vector<1x1x16xf32> to vector<16xf32>
      %swap3A_426 = vector.shape_cast %broadcast_in_dim3A_419 : vector<16xf32> to vector<1x1x16xf32>
      tpu.vector_store %arg8[%swap3A_421, %swap3A_422, %swap3A_423], %swap3A_426 {strides = array<i32>} : memref<2x128x128xf32, #tpu.memory_space<vmem>>, vector<1x1x16xf32>,
    }
    %scan3A_12 = arith.constant 128 : i32
    %scan3A_13 = arith.constant 0 : i32
    %scan3A_14 = arith.constant 0 : i32
    %scan3A_15 = arith.constant 5 : i32
    %scan3A_16 = arith.addi %scan3A_14, %scan3A_15 : i32
    %scan3A_17 = arith.constant 1 : i32
    scf.for %scan3A_356 = %scan3A_14 to %scan3A_16 step %scan3A_17  : i32 {
      %mul3A_357 = arith.constant 5 : i32
      %mul3A_358 = arith.muli %arg1, %mul3A_357 : i32
      %add3A_359 = arith.addi %mul3A_358, %scan3A_356 : i32
      %mul3A_360 = arith.constant 128 : i32
      %mul3A_361 = arith.muli %add3A_359, %mul3A_360 : i32
      %run_scoped3A_362 = arith.constant 0 : i32
      "tpu.region"() ({
        %run_scoped3A_363 = tpu.sem_alloc : memref<!tpu.dma_semaphore, #tpu.memory_space<semaphore_mem>>
        %dma_start3A_364 = arith.constant 0 : i32
        %dma_start3A_365 = arith.constant 0 : i32
        %dma_start3A_366 = tpu.memref_slice %arg8[%run_scoped3A_362, %dma_start3A_364, %dma_start3A_365] : memref<2x128x128xf32, #tpu.memory_space<vmem>> -> memref<1x128x128xf32, #tpu.memory_space<vmem>>
        %dma_start3A_367 = tpu.memref_squeeze %dma_start3A_366 : memref<1x128x128xf32, #tpu.memory_space<vmem>> -> memref<128x128xf32, #tpu.memory_space<vmem>>
        %dma_start3A_368 = arith.constant 0 : i32
        %dma_start3A_369 = tpu.memref_slice %arg9[%mul3A_361, %dma_start3A_368] : memref<10240x128xf32, #tpu.memory_space<vmem_shared>> -> memref<128x128xf32, #tpu.memory_space<vmem_shared>>
        %dma_start3A_370 = arith.constant 0 : i32
        %dma_start3A_371 = tpu.memref_slice %arg9[%mul3A_361, %dma_start3A_370] : memref<10240x128xf32, #tpu.memory_space<vmem_shared>> -> memref<128x128xf32, #tpu.memory_space<vmem_shared>>
        %dma_start3A_372 = arith.constant 0 : i32
        %dma_start3A_373 = arith.constant 0 : i32
        %dma_start3A_374 = tpu.memref_slice %arg8[%run_scoped3A_362, %dma_start3A_372, %dma_start3A_373] : memref<2x128x128xf32, #tpu.memory_space<vmem>> -> memref<1x128x128xf32, #tpu.memory_space<vmem>>
        %dma_start3A_375 = tpu.memref_squeeze %dma_start3A_374 : memref<1x128x128xf32, #tpu.memory_space<vmem>> -> memref<128x128xf32, #tpu.memory_space<vmem>>
        tpu.enqueue_dma source(%dma_start3A_375 : memref<128x128xf32, #tpu.memory_space<vmem>>) target(%dma_start3A_371 : memref<128x128xf32, #tpu.memory_space<vmem_shared>>) target_semaphore(%run_scoped3A_363 : memref<!tpu.dma_semaphore, #tpu.memory_space<semaphore_mem>>)
        %dma_wait3A_376 = arith.constant 0 : i32
        %dma_wait3A_377 = arith.constant 0 : i32
        %dma_wait3A_378 = tpu.memref_slice %arg8[%run_scoped3A_362, %dma_wait3A_376, %dma_wait3A_377] : memref<2x128x128xf32, #tpu.memory_space<vmem>> -> memref<1x128x128xf32, #tpu.memory_space<vmem>>
        %dma_wait3A_379 = tpu.memref_squeeze %dma_wait3A_378 : memref<1x128x128xf32, #tpu.memory_space<vmem>> -> memref<128x128xf32, #tpu.memory_space<vmem>>
        %dma_wait3A_380 = arith.constant 0 : i32
        %dma_wait3A_381 = tpu.memref_slice %arg9[%mul3A_361, %dma_wait3A_380] : memref<10240x128xf32, #tpu.memory_space<vmem_shared>> -> memref<128x128xf32, #tpu.memory_space<vmem_shared>>
        %dma_wait3A_382 = arith.constant 0 : i32
        %dma_wait3A_383 = tpu.memref_slice %arg9[%mul3A_361, %dma_wait3A_382] : memref<10240x128xf32, #tpu.memory_space<vmem_shared>> -> memref<128x128xf32, #tpu.memory_space<vmem_shared>>
        %dma_wait3A_384 = arith.constant 0 : i32
        %dma_wait3A_385 = arith.constant 0 : i32
        %dma_wait3A_386 = tpu.memref_slice %arg8[%run_scoped3A_362, %dma_wait3A_384, %dma_wait3A_385] : memref<2x128x128xf32, #tpu.memory_space<vmem>> -> memref<1x128x128xf32, #tpu.memory_space<vmem>>
        %dma_wait3A_387 = tpu.memref_squeeze %dma_wait3A_386 : memref<1x128x128xf32, #tpu.memory_space<vmem>> -> memref<128x128xf32, #tpu.memory_space<vmem>>
        tpu.wait_dma2 semaphore(%run_scoped3A_363 : memref<!tpu.dma_semaphore, #tpu.memory_space<semaphore_mem>>) src(%dma_wait3A_387 : memref<128x128xf32, #tpu.memory_space<vmem>>) dst(%dma_wait3A_383 : memref<128x128xf32, #tpu.memory_space<vmem_shared>>)
        tpu.yield
      }) : () -> ()
    }
    %scan3A_18 = arith.constant 5 : i32
    %dma_wait3A = arith.constant 0 : i32
    %dma_wait3A_19 = arith.constant 0 : i32
    %dma_wait3A_20 = tpu.memref_slice %arg3[%add3A, %dma_wait3A, %dma_wait3A_19] : memref<32x82x128xi32, #tpu.memory_space<hbm>> -> memref<1x82x128xi32, #tpu.memory_space<hbm>>
    %dma_wait3A_21 = tpu.memref_squeeze %dma_wait3A_20 : memref<1x82x128xi32, #tpu.memory_space<hbm>> -> memref<82x128xi32, #tpu.memory_space<hbm>>
    %dma_wait3A_22 = arith.constant 0 : i32
    %dma_wait3A_23 = arith.constant 0 : i32
    %dma_wait3A_24 = tpu.memref_slice %arg3[%add3A, %dma_wait3A_22, %dma_wait3A_23] : memref<32x82x128xi32, #tpu.memory_space<hbm>> -> memref<1x82x128xi32, #tpu.memory_space<hbm>>
    %dma_wait3A_25 = tpu.memref_squeeze %dma_wait3A_24 : memref<1x82x128xi32, #tpu.memory_space<hbm>> -> memref<82x128xi32, #tpu.memory_space<hbm>>
    tpu.wait_dma2 semaphore(%arg10 : memref<!tpu.dma_semaphore, #tpu.memory_space<semaphore_mem>>) src(%dma_wait3A_25 : memref<82x128xi32, #tpu.memory_space<hbm>>) dst(%arg6 : memref<82x128xi32, #tpu.memory_space<vmem>>)
    %barrier3A = arith.constant 0 : index
    tpu.barrier barrier_id(%barrier3A)
    %dma_start3A_26 = arith.constant 0 : i32
    %dma_start3A_27 = arith.constant 0 : i32
    %dma_start3A_28 = arith.constant 0 : i32
    %dma_start3A_29 = arith.constant 0 : i32
    %dma_start3A_30 = tpu.memref_slice %arg8[%dma_start3A_27, %dma_start3A_28, %dma_start3A_29] : memref<2x128x128xf32, #tpu.memory_space<vmem>> -> memref<1x128x128xf32, #tpu.memory_space<vmem>>
    %dma_start3A_31 = tpu.memref_squeeze %dma_start3A_30 : memref<1x128x128xf32, #tpu.memory_space<vmem>> -> memref<128x128xf32, #tpu.memory_space<vmem>>
    %dma_start3A_32 = arith.constant 0 : i32
    %dma_start3A_33 = tpu.memref_slice %arg6[%dma_start3A_26, %dma_start3A_32] : memref<82x128xi32, #tpu.memory_space<vmem>> -> memref<1x128xi32, #tpu.memory_space<vmem>>
    %dma_start3A_34 = tpu.memref_squeeze %dma_start3A_33 : memref<1x128xi32, #tpu.memory_space<vmem>> -> memref<128xi32, #tpu.memory_space<vmem>>
    %dma_start3A_35 = arith.constant 0 : i32
    %dma_start3A_36 = arith.constant 0 : i32
    %dma_start3A_37 = tpu.memref_slice %arg2[%dma_start3A_35, %dma_start3A_36] : memref<10240x128xf32, #tpu.memory_space<hbm>> -> memref<10240x128xf32, #tpu.memory_space<hbm>>
    tpu.enqueue_indirect_dma source(%dma_start3A_37 : memref<10240x128xf32, #tpu.memory_space<hbm>>) target(%dma_start3A_31 : memref<128x128xf32, #tpu.memory_space<vmem>>) offsets(%dma_start3A_34 : memref<128xi32, #tpu.memory_space<vmem>>) semaphore(%arg10 : memref<!tpu.dma_semaphore, #tpu.memory_space<semaphore_mem>>)
    %dma_start3A_38 = arith.constant 0 : i32
    %dma_start3A_39 = arith.constant 0 : i32
    %dma_start3A_40 = arith.constant 0 : i32
    %dma_start3A_41 = tpu.memref_slice %arg7[%dma_start3A_39, %dma_start3A_40] : memref<2x128xi32, #tpu.memory_space<vmem>> -> memref<1x128xi32, #tpu.memory_space<vmem>>
    %dma_start3A_42 = tpu.memref_squeeze %dma_start3A_41 : memref<1x128xi32, #tpu.memory_space<vmem>> -> memref<128xi32, #tpu.memory_space<vmem>>
    %dma_start3A_43 = arith.constant 0 : i32
    %dma_start3A_44 = tpu.memref_slice %arg4[%add3A, %dma_start3A_38, %dma_start3A_43] : memref<32x82x128xi32, #tpu.memory_space<hbm>> -> memref<1x1x128xi32, #tpu.memory_space<hbm>>
    %dma_start3A_45 = tpu.memref_squeeze %dma_start3A_44 : memref<1x1x128xi32, #tpu.memory_space<hbm>> -> memref<128xi32, #tpu.memory_space<hbm>>
    %dma_start3A_46 = arith.constant 0 : i32
    %dma_start3A_47 = tpu.memref_slice %arg7[%dma_start3A_39, %dma_start3A_46] : memref<2x128xi32, #tpu.memory_space<vmem>> -> memref<1x128xi32, #tpu.memory_space<vmem>>
    %dma_start3A_48 = tpu.memref_squeeze %dma_start3A_47 : memref<1x128xi32, #tpu.memory_space<vmem>> -> memref<128xi32, #tpu.memory_space<vmem>>
    %dma_start3A_49 = arith.constant 0 : i32
    %dma_start3A_50 = tpu.memref_slice %arg4[%add3A, %dma_start3A_38, %dma_start3A_49] : memref<32x82x128xi32, #tpu.memory_space<hbm>> -> memref<1x1x128xi32, #tpu.memory_space<hbm>>
    %dma_start3A_51 = tpu.memref_squeeze %dma_start3A_50 : memref<1x1x128xi32, #tpu.memory_space<hbm>> -> memref<128xi32, #tpu.memory_space<hbm>>
    tpu.enqueue_dma source(%dma_start3A_51 : memref<128xi32, #tpu.memory_space<hbm>>) target(%dma_start3A_48 : memref<128xi32, #tpu.memory_space<vmem>>) target_semaphore(%arg12 : memref<!tpu.dma_semaphore, #tpu.memory_space<semaphore_mem>>)
    %dma_start3A_52 = arith.constant 1 : i32
    %dma_start3A_53 = arith.constant 1 : i32
    %dma_start3A_54 = arith.constant 0 : i32
    %dma_start3A_55 = arith.constant 0 : i32
    %dma_start3A_56 = tpu.memref_slice %arg8[%dma_start3A_53, %dma_start3A_54, %dma_start3A_55] : memref<2x128x128xf32, #tpu.memory_space<vmem>> -> memref<1x128x128xf32, #tpu.memory_space<vmem>>
    %dma_start3A_57 = tpu.memref_squeeze %dma_start3A_56 : memref<1x128x128xf32, #tpu.memory_space<vmem>> -> memref<128x128xf32, #tpu.memory_space<vmem>>
    %dma_start3A_58 = arith.constant 0 : i32
    %dma_start3A_59 = tpu.memref_slice %arg6[%dma_start3A_52, %dma_start3A_58] : memref<82x128xi32, #tpu.memory_space<vmem>> -> memref<1x128xi32, #tpu.memory_space<vmem>>
    %dma_start3A_60 = tpu.memref_squeeze %dma_start3A_59 : memref<1x128xi32, #tpu.memory_space<vmem>> -> memref<128xi32, #tpu.memory_space<vmem>>
    %dma_start3A_61 = arith.constant 0 : i32
    %dma_start3A_62 = arith.constant 0 : i32
    %dma_start3A_63 = tpu.memref_slice %arg2[%dma_start3A_61, %dma_start3A_62] : memref<10240x128xf32, #tpu.memory_space<hbm>> -> memref<10240x128xf32, #tpu.memory_space<hbm>>
    tpu.enqueue_indirect_dma source(%dma_start3A_63 : memref<10240x128xf32, #tpu.memory_space<hbm>>) target(%dma_start3A_57 : memref<128x128xf32, #tpu.memory_space<vmem>>) offsets(%dma_start3A_60 : memref<128xi32, #tpu.memory_space<vmem>>) semaphore(%arg11 : memref<!tpu.dma_semaphore, #tpu.memory_space<semaphore_mem>>)
    %dma_start3A_64 = arith.constant 1 : i32
    %dma_start3A_65 = arith.constant 1 : i32
    %dma_start3A_66 = arith.constant 0 : i32
    %dma_start3A_67 = tpu.memref_slice %arg7[%dma_start3A_65, %dma_start3A_66] : memref<2x128xi32, #tpu.memory_space<vmem>> -> memref<1x128xi32, #tpu.memory_space<vmem>>
    %dma_start3A_68 = tpu.memref_squeeze %dma_start3A_67 : memref<1x128xi32, #tpu.memory_space<vmem>> -> memref<128xi32, #tpu.memory_space<vmem>>
    %dma_start3A_69 = arith.constant 0 : i32
    %dma_start3A_70 = tpu.memref_slice %arg4[%add3A, %dma_start3A_64, %dma_start3A_69] : memref<32x82x128xi32, #tpu.memory_space<hbm>> -> memref<1x1x128xi32, #tpu.memory_space<hbm>>
    %dma_start3A_71 = tpu.memref_squeeze %dma_start3A_70 : memref<1x1x128xi32, #tpu.memory_space<hbm>> -> memref<128xi32, #tpu.memory_space<hbm>>
    %dma_start3A_72 = arith.constant 0 : i32
    %dma_start3A_73 = tpu.memref_slice %arg7[%dma_start3A_65, %dma_start3A_72] : memref<2x128xi32, #tpu.memory_space<vmem>> -> memref<1x128xi32, #tpu.memory_space<vmem>>
    %dma_start3A_74 = tpu.memref_squeeze %dma_start3A_73 : memref<1x128xi32, #tpu.memory_space<vmem>> -> memref<128xi32, #tpu.memory_space<vmem>>
    %dma_start3A_75 = arith.constant 0 : i32
    %dma_start3A_76 = tpu.memref_slice %arg4[%add3A, %dma_start3A_64, %dma_start3A_75] : memref<32x82x128xi32, #tpu.memory_space<hbm>> -> memref<1x1x128xi32, #tpu.memory_space<hbm>>
    %dma_start3A_77 = tpu.memref_squeeze %dma_start3A_76 : memref<1x1x128xi32, #tpu.memory_space<hbm>> -> memref<128xi32, #tpu.memory_space<hbm>>
    tpu.enqueue_dma source(%dma_start3A_77 : memref<128xi32, #tpu.memory_space<hbm>>) target(%dma_start3A_74 : memref<128xi32, #tpu.memory_space<vmem>>) target_semaphore(%arg13 : memref<!tpu.dma_semaphore, #tpu.memory_space<semaphore_mem>>)
    %scan3A_78 = arith.constant 0 : i32
    %scan3A_79 = arith.constant 0 : i32
    %scan3A_80 = arith.constant 40 : i32
    %scan3A_81 = arith.addi %scan3A_79, %scan3A_80 : i32
    %scan3A_82 = arith.constant 1 : i32
    scf.for %scan3A_356 = %scan3A_79 to %scan3A_81 step %scan3A_82  : i32 {
      %mul3A_357 = arith.constant 2 : i32
      %mul3A_358 = arith.muli %scan3A_356, %mul3A_357 : i32
      %add3A_359 = arith.constant 0 : i32
      %add3A_360 = arith.addi %mul3A_358, %add3A_359 : i32
      %dma_wait3A_361 = arith.constant 0 : i32
      %dma_wait3A_362 = arith.constant 0 : i32
      %dma_wait3A_363 = arith.constant 0 : i32
      %dma_wait3A_364 = tpu.memref_slice %arg8[%dma_wait3A_361, %dma_wait3A_362, %dma_wait3A_363] : memref<2x128x128xf32, #tpu.memory_space<vmem>> -> memref<1x128x128xf32, #tpu.memory_space<vmem>>
      %dma_wait3A_365 = tpu.memref_squeeze %dma_wait3A_364 : memref<1x128x128xf32, #tpu.memory_space<vmem>> -> memref<128x128xf32, #tpu.memory_space<vmem>>
      %dma_wait3A_366 = arith.constant 0 : i32
      %dma_wait3A_367 = tpu.memref_slice %arg6[%add3A_360, %dma_wait3A_366] : memref<82x128xi32, #tpu.memory_space<vmem>> -> memref<1x128xi32, #tpu.memory_space<vmem>>
      %dma_wait3A_368 = tpu.memref_squeeze %dma_wait3A_367 : memref<1x128xi32, #tpu.memory_space<vmem>> -> memref<128xi32, #tpu.memory_space<vmem>>
      %dma_wait3A_369 = arith.constant 0 : i32
      %dma_wait3A_370 = arith.constant 0 : i32
      %dma_wait3A_371 = tpu.memref_slice %arg2[%dma_wait3A_369, %dma_wait3A_370] : memref<10240x128xf32, #tpu.memory_space<hbm>> -> memref<10240x128xf32, #tpu.memory_space<hbm>>
      tpu.wait_indirect_dma semaphore(%arg10 : memref<!tpu.dma_semaphore, #tpu.memory_space<semaphore_mem>>) src(%dma_wait3A_371 : memref<10240x128xf32, #tpu.memory_space<hbm>>) dst(%dma_wait3A_365 : memref<128x128xf32, #tpu.memory_space<vmem>>)
      %dma_wait3A_372 = arith.constant 0 : i32
      %dma_wait3A_373 = arith.constant 0 : i32
      %dma_wait3A_374 = tpu.memref_slice %arg7[%dma_wait3A_372, %dma_wait3A_373] : memref<2x128xi32, #tpu.memory_space<vmem>> -> memref<1x128xi32, #tpu.memory_space<vmem>>
      %dma_wait3A_375 = tpu.memref_squeeze %dma_wait3A_374 : memref<1x128xi32, #tpu.memory_space<vmem>> -> memref<128xi32, #tpu.memory_space<vmem>>
      %dma_wait3A_376 = arith.constant 0 : i32
      %dma_wait3A_377 = tpu.memref_slice %arg4[%add3A, %add3A_360, %dma_wait3A_376] : memref<32x82x128xi32, #tpu.memory_space<hbm>> -> memref<1x1x128xi32, #tpu.memory_space<hbm>>
      %dma_wait3A_378 = tpu.memref_squeeze %dma_wait3A_377 : memref<1x1x128xi32, #tpu.memory_space<hbm>> -> memref<128xi32, #tpu.memory_space<hbm>>
      %dma_wait3A_379 = arith.constant 0 : i32
      %dma_wait3A_380 = tpu.memref_slice %arg7[%dma_wait3A_372, %dma_wait3A_379] : memref<2x128xi32, #tpu.memory_space<vmem>> -> memref<1x128xi32, #tpu.memory_space<vmem>>
      %dma_wait3A_381 = tpu.memref_squeeze %dma_wait3A_380 : memref<1x128xi32, #tpu.memory_space<vmem>> -> memref<128xi32, #tpu.memory_space<vmem>>
      %dma_wait3A_382 = arith.constant 0 : i32
      %dma_wait3A_383 = tpu.memref_slice %arg4[%add3A, %add3A_360, %dma_wait3A_382] : memref<32x82x128xi32, #tpu.memory_space<hbm>> -> memref<1x1x128xi32, #tpu.memory_space<hbm>>
      %dma_wait3A_384 = tpu.memref_squeeze %dma_wait3A_383 : memref<1x1x128xi32, #tpu.memory_space<hbm>> -> memref<128xi32, #tpu.memory_space<hbm>>
      tpu.wait_dma2 semaphore(%arg12 : memref<!tpu.dma_semaphore, #tpu.memory_space<semaphore_mem>>) src(%dma_wait3A_384 : memref<128xi32, #tpu.memory_space<hbm>>) dst(%dma_wait3A_381 : memref<128xi32, #tpu.memory_space<vmem>>)
      %run_scoped3A_385 = arith.constant 0 : i32
      %run_scoped3A_386 = arith.constant 0 : i32
      "tpu.region"() ({
        %run_scoped3A_469 = tpu.sem_alloc : memref<!tpu.dma_semaphore, #tpu.memory_space<semaphore_mem>>
        %dma_start3A_470 = arith.constant 0 : i32
        %dma_start3A_471 = arith.constant 0 : i32
        %dma_start3A_472 = tpu.memref_slice %arg8[%run_scoped3A_385, %dma_start3A_470, %dma_start3A_471] : memref<2x128x128xf32, #tpu.memory_space<vmem>> -> memref<1x128x128xf32, #tpu.memory_space<vmem>>
        %dma_start3A_473 = tpu.memref_squeeze %dma_start3A_472 : memref<1x128x128xf32, #tpu.memory_space<vmem>> -> memref<128x128xf32, #tpu.memory_space<vmem>>
        %dma_start3A_474 = arith.constant 0 : i32
        %dma_start3A_475 = tpu.memref_slice %arg7[%run_scoped3A_386, %dma_start3A_474] : memref<2x128xi32, #tpu.memory_space<vmem>> -> memref<1x128xi32, #tpu.memory_space<vmem>>
        %dma_start3A_476 = tpu.memref_squeeze %dma_start3A_475 : memref<1x128xi32, #tpu.memory_space<vmem>> -> memref<128xi32, #tpu.memory_space<vmem>>
        %dma_start3A_477 = arith.constant 0 : i32
        %dma_start3A_478 = arith.constant 0 : i32
        %dma_start3A_479 = tpu.memref_slice %arg9[%dma_start3A_477, %dma_start3A_478] : memref<10240x128xf32, #tpu.memory_space<vmem_shared>> -> memref<10240x128xf32, #tpu.memory_space<vmem_shared>>
        tpu.enqueue_indirect_dma source(%dma_start3A_473 : memref<128x128xf32, #tpu.memory_space<vmem>>) target(%dma_start3A_479 : memref<10240x128xf32, #tpu.memory_space<vmem_shared>>) offsets(%dma_start3A_476 : memref<128xi32, #tpu.memory_space<vmem>>) semaphore(%run_scoped3A_469 : memref<!tpu.dma_semaphore, #tpu.memory_space<semaphore_mem>>) {add = true}
        %dma_wait3A_480 = arith.constant 0 : i32
        %dma_wait3A_481 = arith.constant 0 : i32
        %dma_wait3A_482 = tpu.memref_slice %arg8[%run_scoped3A_385, %dma_wait3A_480, %dma_wait3A_481] : memref<2x128x128xf32, #tpu.memory_space<vmem>> -> memref<1x128x128xf32, #tpu.memory_space<vmem>>
        %dma_wait3A_483 = tpu.memref_squeeze %dma_wait3A_482 : memref<1x128x128xf32, #tpu.memory_space<vmem>> -> memref<128x128xf32, #tpu.memory_space<vmem>>
        %dma_wait3A_484 = arith.constant 0 : i32
        %dma_wait3A_485 = tpu.memref_slice %arg7[%run_scoped3A_386, %dma_wait3A_484] : memref<2x128xi32, #tpu.memory_space<vmem>> -> memref<1x128xi32, #tpu.memory_space<vmem>>
        %dma_wait3A_486 = tpu.memref_squeeze %dma_wait3A_485 : memref<1x128xi32, #tpu.memory_space<vmem>> -> memref<128xi32, #tpu.memory_space<vmem>>
        %dma_wait3A_487 = arith.constant 0 : i32
        %dma_wait3A_488 = arith.constant 0 : i32
        %dma_wait3A_489 = tpu.memref_slice %arg9[%dma_wait3A_487, %dma_wait3A_488] : memref<10240x128xf32, #tpu.memory_space<vmem_shared>> -> memref<10240x128xf32, #tpu.memory_space<vmem_shared>>
        tpu.wait_indirect_dma semaphore(%run_scoped3A_469 : memref<!tpu.dma_semaphore, #tpu.memory_space<semaphore_mem>>) src(%dma_wait3A_483 : memref<128x128xf32, #tpu.memory_space<vmem>>) dst(%dma_wait3A_489 : memref<10240x128xf32, #tpu.memory_space<vmem_shared>>)
        tpu.yield
      }) : () -> ()
      %add3A_387 = arith.constant 2 : i32
      %add3A_388 = arith.addi %add3A_360, %add3A_387 : i32
      %dma_start3A_389 = arith.constant 0 : i32
      %dma_start3A_390 = arith.constant 0 : i32
      %dma_start3A_391 = arith.constant 0 : i32
      %dma_start3A_392 = tpu.memref_slice %arg8[%dma_start3A_389, %dma_start3A_390, %dma_start3A_391] : memref<2x128x128xf32, #tpu.memory_space<vmem>> -> memref<1x128x128xf32, #tpu.memory_space<vmem>>
      %dma_start3A_393 = tpu.memref_squeeze %dma_start3A_392 : memref<1x128x128xf32, #tpu.memory_space<vmem>> -> memref<128x128xf32, #tpu.memory_space<vmem>>
      %dma_start3A_394 = arith.constant 0 : i32
      %dma_start3A_395 = tpu.memref_slice %arg6[%add3A_388, %dma_start3A_394] : memref<82x128xi32, #tpu.memory_space<vmem>> -> memref<1x128xi32, #tpu.memory_space<vmem>>
      %dma_start3A_396 = tpu.memref_squeeze %dma_start3A_395 : memref<1x128xi32, #tpu.memory_space<vmem>> -> memref<128xi32, #tpu.memory_space<vmem>>
      %dma_start3A_397 = arith.constant 0 : i32
      %dma_start3A_398 = arith.constant 0 : i32
      %dma_start3A_399 = tpu.memref_slice %arg2[%dma_start3A_397, %dma_start3A_398] : memref<10240x128xf32, #tpu.memory_space<hbm>> -> memref<10240x128xf32, #tpu.memory_space<hbm>>
      tpu.enqueue_indirect_dma source(%dma_start3A_399 : memref<10240x128xf32, #tpu.memory_space<hbm>>) target(%dma_start3A_393 : memref<128x128xf32, #tpu.memory_space<vmem>>) offsets(%dma_start3A_396 : memref<128xi32, #tpu.memory_space<vmem>>) semaphore(%arg10 : memref<!tpu.dma_semaphore, #tpu.memory_space<semaphore_mem>>)
      %dma_start3A_400 = arith.constant 0 : i32
      %dma_start3A_401 = arith.constant 0 : i32
      %dma_start3A_402 = tpu.memref_slice %arg7[%dma_start3A_400, %dma_start3A_401] : memref<2x128xi32, #tpu.memory_space<vmem>> -> memref<1x128xi32, #tpu.memory_space<vmem>>
      %dma_start3A_403 = tpu.memref_squeeze %dma_start3A_402 : memref<1x128xi32, #tpu.memory_space<vmem>> -> memref<128xi32, #tpu.memory_space<vmem>>
      %dma_start3A_404 = arith.constant 0 : i32
      %dma_start3A_405 = tpu.memref_slice %arg4[%add3A, %add3A_388, %dma_start3A_404] : memref<32x82x128xi32, #tpu.memory_space<hbm>> -> memref<1x1x128xi32, #tpu.memory_space<hbm>>
      %dma_start3A_406 = tpu.memref_squeeze %dma_start3A_405 : memref<1x1x128xi32, #tpu.memory_space<hbm>> -> memref<128xi32, #tpu.memory_space<hbm>>
      %dma_start3A_407 = arith.constant 0 : i32
      %dma_start3A_408 = tpu.memref_slice %arg7[%dma_start3A_400, %dma_start3A_407] : memref<2x128xi32, #tpu.memory_space<vmem>> -> memref<1x128xi32, #tpu.memory_space<vmem>>
      %dma_start3A_409 = tpu.memref_squeeze %dma_start3A_408 : memref<1x128xi32, #tpu.memory_space<vmem>> -> memref<128xi32, #tpu.memory_space<vmem>>
      %dma_start3A_410 = arith.constant 0 : i32
      %dma_start3A_411 = tpu.memref_slice %arg4[%add3A, %add3A_388, %dma_start3A_410] : memref<32x82x128xi32, #tpu.memory_space<hbm>> -> memref<1x1x128xi32, #tpu.memory_space<hbm>>
      %dma_start3A_412 = tpu.memref_squeeze %dma_start3A_411 : memref<1x1x128xi32, #tpu.memory_space<hbm>> -> memref<128xi32, #tpu.memory_space<hbm>>
      tpu.enqueue_dma source(%dma_start3A_412 : memref<128xi32, #tpu.memory_space<hbm>>) target(%dma_start3A_409 : memref<128xi32, #tpu.memory_space<vmem>>) target_semaphore(%arg12 : memref<!tpu.dma_semaphore, #tpu.memory_space<semaphore_mem>>)
      %mul3A_413 = arith.constant 2 : i32
      %mul3A_414 = arith.muli %scan3A_356, %mul3A_413 : i32
      %add3A_415 = arith.constant 1 : i32
      %add3A_416 = arith.addi %mul3A_414, %add3A_415 : i32
      %dma_wait3A_417 = arith.constant 1 : i32
      %dma_wait3A_418 = arith.constant 0 : i32
      %dma_wait3A_419 = arith.constant 0 : i32
      %dma_wait3A_420 = tpu.memref_slice %arg8[%dma_wait3A_417, %dma_wait3A_418, %dma_wait3A_419] : memref<2x128x128xf32, #tpu.memory_space<vmem>> -> memref<1x128x128xf32, #tpu.memory_space<vmem>>
      %dma_wait3A_421 = tpu.memref_squeeze %dma_wait3A_420 : memref<1x128x128xf32, #tpu.memory_space<vmem>> -> memref<128x128xf32, #tpu.memory_space<vmem>>
      %dma_wait3A_422 = arith.constant 0 : i32
      %dma_wait3A_423 = tpu.memref_slice %arg6[%add3A_416, %dma_wait3A_422] : memref<82x128xi32, #tpu.memory_space<vmem>> -> memref<1x128xi32, #tpu.memory_space<vmem>>
      %dma_wait3A_424 = tpu.memref_squeeze %dma_wait3A_423 : memref<1x128xi32, #tpu.memory_space<vmem>> -> memref<128xi32, #tpu.memory_space<vmem>>
      %dma_wait3A_425 = arith.constant 0 : i32
      %dma_wait3A_426 = arith.constant 0 : i32
      %dma_wait3A_427 = tpu.memref_slice %arg2[%dma_wait3A_425, %dma_wait3A_426] : memref<10240x128xf32, #tpu.memory_space<hbm>> -> memref<10240x128xf32, #tpu.memory_space<hbm>>
      tpu.wait_indirect_dma semaphore(%arg11 : memref<!tpu.dma_semaphore, #tpu.memory_space<semaphore_mem>>) src(%dma_wait3A_427 : memref<10240x128xf32, #tpu.memory_space<hbm>>) dst(%dma_wait3A_421 : memref<128x128xf32, #tpu.memory_space<vmem>>)
      %dma_wait3A_428 = arith.constant 1 : i32
      %dma_wait3A_429 = arith.constant 0 : i32
      %dma_wait3A_430 = tpu.memref_slice %arg7[%dma_wait3A_428, %dma_wait3A_429] : memref<2x128xi32, #tpu.memory_space<vmem>> -> memref<1x128xi32, #tpu.memory_space<vmem>>
      %dma_wait3A_431 = tpu.memref_squeeze %dma_wait3A_430 : memref<1x128xi32, #tpu.memory_space<vmem>> -> memref<128xi32, #tpu.memory_space<vmem>>
      %dma_wait3A_432 = arith.constant 0 : i32
      %dma_wait3A_433 = tpu.memref_slice %arg4[%add3A, %add3A_416, %dma_wait3A_432] : memref<32x82x128xi32, #tpu.memory_space<hbm>> -> memref<1x1x128xi32, #tpu.memory_space<hbm>>
      %dma_wait3A_434 = tpu.memref_squeeze %dma_wait3A_433 : memref<1x1x128xi32, #tpu.memory_space<hbm>> -> memref<128xi32, #tpu.memory_space<hbm>>
      %dma_wait3A_435 = arith.constant 0 : i32
      %dma_wait3A_436 = tpu.memref_slice %arg7[%dma_wait3A_428, %dma_wait3A_435] : memref<2x128xi32, #tpu.memory_space<vmem>> -> memref<1x128xi32, #tpu.memory_space<vmem>>
      %dma_wait3A_437 = tpu.memref_squeeze %dma_wait3A_436 : memref<1x128xi32, #tpu.memory_space<vmem>> -> memref<128xi32, #tpu.memory_space<vmem>>
      %dma_wait3A_438 = arith.constant 0 : i32
      %dma_wait3A_439 = tpu.memref_slice %arg4[%add3A, %add3A_416, %dma_wait3A_438] : memref<32x82x128xi32, #tpu.memory_space<hbm>> -> memref<1x1x128xi32, #tpu.memory_space<hbm>>
      %dma_wait3A_440 = tpu.memref_squeeze %dma_wait3A_439 : memref<1x1x128xi32, #tpu.memory_space<hbm>> -> memref<128xi32, #tpu.memory_space<hbm>>
      tpu.wait_dma2 semaphore(%arg13 : memref<!tpu.dma_semaphore, #tpu.memory_space<semaphore_mem>>) src(%dma_wait3A_440 : memref<128xi32, #tpu.memory_space<hbm>>) dst(%dma_wait3A_437 : memref<128xi32, #tpu.memory_space<vmem>>)
      %run_scoped3A_441 = arith.constant 1 : i32
      %run_scoped3A_442 = arith.constant 1 : i32
      "tpu.region"() ({
        %run_scoped3A_469 = tpu.sem_alloc : memref<!tpu.dma_semaphore, #tpu.memory_space<semaphore_mem>>
        %dma_start3A_470 = arith.constant 0 : i32
        %dma_start3A_471 = arith.constant 0 : i32
        %dma_start3A_472 = tpu.memref_slice %arg8[%run_scoped3A_441, %dma_start3A_470, %dma_start3A_471] : memref<2x128x128xf32, #tpu.memory_space<vmem>> -> memref<1x128x128xf32, #tpu.memory_space<vmem>>
        %dma_start3A_473 = tpu.memref_squeeze %dma_start3A_472 : memref<1x128x128xf32, #tpu.memory_space<vmem>> -> memref<128x128xf32, #tpu.memory_space<vmem>>
        %dma_start3A_474 = arith.constant 0 : i32
        %dma_start3A_475 = tpu.memref_slice %arg7[%run_scoped3A_442, %dma_start3A_474] : memref<2x128xi32, #tpu.memory_space<vmem>> -> memref<1x128xi32, #tpu.memory_space<vmem>>
        %dma_start3A_476 = tpu.memref_squeeze %dma_start3A_475 : memref<1x128xi32, #tpu.memory_space<vmem>> -> memref<128xi32, #tpu.memory_space<vmem>>
        %dma_start3A_477 = arith.constant 0 : i32
        %dma_start3A_478 = arith.constant 0 : i32
        %dma_start3A_479 = tpu.memref_slice %arg9[%dma_start3A_477, %dma_start3A_478] : memref<10240x128xf32, #tpu.memory_space<vmem_shared>> -> memref<10240x128xf32, #tpu.memory_space<vmem_shared>>
        tpu.enqueue_indirect_dma source(%dma_start3A_473 : memref<128x128xf32, #tpu.memory_space<vmem>>) target(%dma_start3A_479 : memref<10240x128xf32, #tpu.memory_space<vmem_shared>>) offsets(%dma_start3A_476 : memref<128xi32, #tpu.memory_space<vmem>>) semaphore(%run_scoped3A_469 : memref<!tpu.dma_semaphore, #tpu.memory_space<semaphore_mem>>) {add = true}
        %dma_wait3A_480 = arith.constant 0 : i32
        %dma_wait3A_481 = arith.constant 0 : i32
        %dma_wait3A_482 = tpu.memref_slice %arg8[%run_scoped3A_441, %dma_wait3A_480, %dma_wait3A_481] : memref<2x128x128xf32, #tpu.memory_space<vmem>> -> memref<1x128x128xf32, #tpu.memory_space<vmem>>
        %dma_wait3A_483 = tpu.memref_squeeze %dma_wait3A_482 : memref<1x128x128xf32, #tpu.memory_space<vmem>> -> memref<128x128xf32, #tpu.memory_space<vmem>>
        %dma_wait3A_484 = arith.constant 0 : i32
        %dma_wait3A_485 = tpu.memref_slice %arg7[%run_scoped3A_442, %dma_wait3A_484] : memref<2x128xi32, #tpu.memory_space<vmem>> -> memref<1x128xi32, #tpu.memory_space<vmem>>
        %dma_wait3A_486 = tpu.memref_squeeze %dma_wait3A_485 : memref<1x128xi32, #tpu.memory_space<vmem>> -> memref<128xi32, #tpu.memory_space<vmem>>
        %dma_wait3A_487 = arith.constant 0 : i32
        %dma_wait3A_488 = arith.constant 0 : i32
        %dma_wait3A_489 = tpu.memref_slice %arg9[%dma_wait3A_487, %dma_wait3A_488] : memref<10240x128xf32, #tpu.memory_space<vmem_shared>> -> memref<10240x128xf32, #tpu.memory_space<vmem_shared>>
        tpu.wait_indirect_dma semaphore(%run_scoped3A_469 : memref<!tpu.dma_semaphore, #tpu.memory_space<semaphore_mem>>) src(%dma_wait3A_483 : memref<128x128xf32, #tpu.memory_space<vmem>>) dst(%dma_wait3A_489 : memref<10240x128xf32, #tpu.memory_space<vmem_shared>>)
        tpu.yield
      }) : () -> ()
      %add3A_443 = arith.constant 2 : i32
      %add3A_444 = arith.addi %add3A_416, %add3A_443 : i32
      %dma_start3A_445 = arith.constant 1 : i32
      %dma_start3A_446 = arith.constant 0 : i32
      %dma_start3A_447 = arith.constant 0 : i32
      %dma_start3A_448 = tpu.memref_slice %arg8[%dma_start3A_445, %dma_start3A_446, %dma_start3A_447] : memref<2x128x128xf32, #tpu.memory_space<vmem>> -> memref<1x128x128xf32, #tpu.memory_space<vmem>>
      %dma_start3A_449 = tpu.memref_squeeze %dma_start3A_448 : memref<1x128x128xf32, #tpu.memory_space<vmem>> -> memref<128x128xf32, #tpu.memory_space<vmem>>
      %dma_start3A_450 = arith.constant 0 : i32
      %dma_start3A_451 = tpu.memref_slice %arg6[%add3A_444, %dma_start3A_450] : memref<82x128xi32, #tpu.memory_space<vmem>> -> memref<1x128xi32, #tpu.memory_space<vmem>>
      %dma_start3A_452 = tpu.memref_squeeze %dma_start3A_451 : memref<1x128xi32, #tpu.memory_space<vmem>> -> memref<128xi32, #tpu.memory_space<vmem>>
      %dma_start3A_453 = arith.constant 0 : i32
      %dma_start3A_454 = arith.constant 0 : i32
      %dma_start3A_455 = tpu.memref_slice %arg2[%dma_start3A_453, %dma_start3A_454] : memref<10240x128xf32, #tpu.memory_space<hbm>> -> memref<10240x128xf32, #tpu.memory_space<hbm>>
      tpu.enqueue_indirect_dma source(%dma_start3A_455 : memref<10240x128xf32, #tpu.memory_space<hbm>>) target(%dma_start3A_449 : memref<128x128xf32, #tpu.memory_space<vmem>>) offsets(%dma_start3A_452 : memref<128xi32, #tpu.memory_space<vmem>>) semaphore(%arg11 : memref<!tpu.dma_semaphore, #tpu.memory_space<semaphore_mem>>)
      %dma_start3A_456 = arith.constant 1 : i32
      %dma_start3A_457 = arith.constant 0 : i32
      %dma_start3A_458 = tpu.memref_slice %arg7[%dma_start3A_456, %dma_start3A_457] : memref<2x128xi32, #tpu.memory_space<vmem>> -> memref<1x128xi32, #tpu.memory_space<vmem>>
      %dma_start3A_459 = tpu.memref_squeeze %dma_start3A_458 : memref<1x128xi32, #tpu.memory_space<vmem>> -> memref<128xi32, #tpu.memory_space<vmem>>
      %dma_start3A_460 = arith.constant 0 : i32
      %dma_start3A_461 = tpu.memref_slice %arg4[%add3A, %add3A_444, %dma_start3A_460] : memref<32x82x128xi32, #tpu.memory_space<hbm>> -> memref<1x1x128xi32, #tpu.memory_space<hbm>>
      %dma_start3A_462 = tpu.memref_squeeze %dma_start3A_461 : memref<1x1x128xi32, #tpu.memory_space<hbm>> -> memref<128xi32, #tpu.memory_space<hbm>>
      %dma_start3A_463 = arith.constant 0 : i32
      %dma_start3A_464 = tpu.memref_slice %arg7[%dma_start3A_456, %dma_start3A_463] : memref<2x128xi32, #tpu.memory_space<vmem>> -> memref<1x128xi32, #tpu.memory_space<vmem>>
      %dma_start3A_465 = tpu.memref_squeeze %dma_start3A_464 : memref<1x128xi32, #tpu.memory_space<vmem>> -> memref<128xi32, #tpu.memory_space<vmem>>
      %dma_start3A_466 = arith.constant 0 : i32
      %dma_start3A_467 = tpu.memref_slice %arg4[%add3A, %add3A_444, %dma_start3A_466] : memref<32x82x128xi32, #tpu.memory_space<hbm>> -> memref<1x1x128xi32, #tpu.memory_space<hbm>>
      %dma_start3A_468 = tpu.memref_squeeze %dma_start3A_467 : memref<1x1x128xi32, #tpu.memory_space<hbm>> -> memref<128xi32, #tpu.memory_space<hbm>>
      tpu.enqueue_dma source(%dma_start3A_468 : memref<128xi32, #tpu.memory_space<hbm>>) target(%dma_start3A_465 : memref<128xi32, #tpu.memory_space<vmem>>) target_semaphore(%arg13 : memref<!tpu.dma_semaphore, #tpu.memory_space<semaphore_mem>>)
    }
    %scan3A_83 = arith.constant 40 : i32
    %dma_wait3A_84 = arith.constant 80 : i32
    %dma_wait3A_85 = arith.constant 0 : i32
    %dma_wait3A_86 = arith.constant 0 : i32
    %dma_wait3A_87 = arith.constant 0 : i32
    %dma_wait3A_88 = tpu.memref_slice %arg8[%dma_wait3A_85, %dma_wait3A_86, %dma_wait3A_87] : memref<2x128x128xf32, #tpu.memory_space<vmem>> -> memref<1x128x128xf32, #tpu.memory_space<vmem>>
    %dma_wait3A_89 = tpu.memref_squeeze %dma_wait3A_88 : memref<1x128x128xf32, #tpu.memory_space<vmem>> -> memref<128x128xf32, #tpu.memory_space<vmem>>
    %dma_wait3A_90 = arith.constant 0 : i32
    %dma_wait3A_91 = tpu.memref_slice %arg6[%dma_wait3A_84, %dma_wait3A_90] : memref<82x128xi32, #tpu.memory_space<vmem>> -> memref<1x128xi32, #tpu.memory_space<vmem>>
    %dma_wait3A_92 = tpu.memref_squeeze %dma_wait3A_91 : memref<1x128xi32, #tpu.memory_space<vmem>> -> memref<128xi32, #tpu.memory_space<vmem>>
    %dma_wait3A_93 = arith.constant 0 : i32
    %dma_wait3A_94 = arith.constant 0 : i32
    %dma_wait3A_95 = tpu.memref_slice %arg2[%dma_wait3A_93, %dma_wait3A_94] : memref<10240x128xf32, #tpu.memory_space<hbm>> -> memref<10240x128xf32, #tpu.memory_space<hbm>>
    tpu.wait_indirect_dma semaphore(%arg10 : memref<!tpu.dma_semaphore, #tpu.memory_space<semaphore_mem>>) src(%dma_wait3A_95 : memref<10240x128xf32, #tpu.memory_space<hbm>>) dst(%dma_wait3A_89 : memref<128x128xf32, #tpu.memory_space<vmem>>)
    %dma_wait3A_96 = arith.constant 80 : i32
    %dma_wait3A_97 = arith.constant 0 : i32
    %dma_wait3A_98 = arith.constant 0 : i32
    %dma_wait3A_99 = tpu.memref_slice %arg7[%dma_wait3A_97, %dma_wait3A_98] : memref<2x128xi32, #tpu.memory_space<vmem>> -> memref<1x128xi32, #tpu.memory_space<vmem>>
    %dma_wait3A_100 = tpu.memref_squeeze %dma_wait3A_99 : memref<1x128xi32, #tpu.memory_space<vmem>> -> memref<128xi32, #tpu.memory_space<vmem>>
    %dma_wait3A_101 = arith.constant 0 : i32
    %dma_wait3A_102 = tpu.memref_slice %arg4[%add3A, %dma_wait3A_96, %dma_wait3A_101] : memref<32x82x128xi32, #tpu.memory_space<hbm>> -> memref<1x1x128xi32, #tpu.memory_space<hbm>>
    %dma_wait3A_103 = tpu.memref_squeeze %dma_wait3A_102 : memref<1x1x128xi32, #tpu.memory_space<hbm>> -> memref<128xi32, #tpu.memory_space<hbm>>
    %dma_wait3A_104 = arith.constant 0 : i32
    %dma_wait3A_105 = tpu.memref_slice %arg7[%dma_wait3A_97, %dma_wait3A_104] : memref<2x128xi32, #tpu.memory_space<vmem>> -> memref<1x128xi32, #tpu.memory_space<vmem>>
    %dma_wait3A_106 = tpu.memref_squeeze %dma_wait3A_105 : memref<1x128xi32, #tpu.memory_space<vmem>> -> memref<128xi32, #tpu.memory_space<vmem>>
    %dma_wait3A_107 = arith.constant 0 : i32
    %dma_wait3A_108 = tpu.memref_slice %arg4[%add3A, %dma_wait3A_96, %dma_wait3A_107] : memref<32x82x128xi32, #tpu.memory_space<hbm>> -> memref<1x1x128xi32, #tpu.memory_space<hbm>>
    %dma_wait3A_109 = tpu.memref_squeeze %dma_wait3A_108 : memref<1x1x128xi32, #tpu.memory_space<hbm>> -> memref<128xi32, #tpu.memory_space<hbm>>
    tpu.wait_dma2 semaphore(%arg12 : memref<!tpu.dma_semaphore, #tpu.memory_space<semaphore_mem>>) src(%dma_wait3A_109 : memref<128xi32, #tpu.memory_space<hbm>>) dst(%dma_wait3A_106 : memref<128xi32, #tpu.memory_space<vmem>>)
    %dma_wait3A_110 = arith.constant 81 : i32
    %dma_wait3A_111 = arith.constant 1 : i32
    %dma_wait3A_112 = arith.constant 0 : i32
    %dma_wait3A_113 = arith.constant 0 : i32
    %dma_wait3A_114 = tpu.memref_slice %arg8[%dma_wait3A_111, %dma_wait3A_112, %dma_wait3A_113] : memref<2x128x128xf32, #tpu.memory_space<vmem>> -> memref<1x128x128xf32, #tpu.memory_space<vmem>>
    %dma_wait3A_115 = tpu.memref_squeeze %dma_wait3A_114 : memref<1x128x128xf32, #tpu.memory_space<vmem>> -> memref<128x128xf32, #tpu.memory_space<vmem>>
    %dma_wait3A_116 = arith.constant 0 : i32
    %dma_wait3A_117 = tpu.memref_slice %arg6[%dma_wait3A_110, %dma_wait3A_116] : memref<82x128xi32, #tpu.memory_space<vmem>> -> memref<1x128xi32, #tpu.memory_space<vmem>>
    %dma_wait3A_118 = tpu.memref_squeeze %dma_wait3A_117 : memref<1x128xi32, #tpu.memory_space<vmem>> -> memref<128xi32, #tpu.memory_space<vmem>>
    %dma_wait3A_119 = arith.constant 0 : i32
    %dma_wait3A_120 = arith.constant 0 : i32
    %dma_wait3A_121 = tpu.memref_slice %arg2[%dma_wait3A_119, %dma_wait3A_120] : memref<10240x128xf32, #tpu.memory_space<hbm>> -> memref<10240x128xf32, #tpu.memory_space<hbm>>
    tpu.wait_indirect_dma semaphore(%arg11 : memref<!tpu.dma_semaphore, #tpu.memory_space<semaphore_mem>>) src(%dma_wait3A_121 : memref<10240x128xf32, #tpu.memory_space<hbm>>) dst(%dma_wait3A_115 : memref<128x128xf32, #tpu.memory_space<vmem>>)
    %dma_wait3A_122 = arith.constant 81 : i32
    %dma_wait3A_123 = arith.constant 1 : i32
    %dma_wait3A_124 = arith.constant 0 : i32
    %dma_wait3A_125 = tpu.memref_slice %arg7[%dma_wait3A_123, %dma_wait3A_124] : memref<2x128xi32, #tpu.memory_space<vmem>> -> memref<1x128xi32, #tpu.memory_space<vmem>>
    %dma_wait3A_126 = tpu.memref_squeeze %dma_wait3A_125 : memref<1x128xi32, #tpu.memory_space<vmem>> -> memref<128xi32, #tpu.memory_space<vmem>>
    %dma_wait3A_127 = arith.constant 0 : i32
    %dma_wait3A_128 = tpu.memref_slice %arg4[%add3A, %dma_wait3A_122, %dma_wait3A_127] : memref<32x82x128xi32, #tpu.memory_space<hbm>> -> memref<1x1x128xi32, #tpu.memory_space<hbm>>
    %dma_wait3A_129 = tpu.memref_squeeze %dma_wait3A_128 : memref<1x1x128xi32, #tpu.memory_space<hbm>> -> memref<128xi32, #tpu.memory_space<hbm>>
    %dma_wait3A_130 = arith.constant 0 : i32
    %dma_wait3A_131 = tpu.memref_slice %arg7[%dma_wait3A_123, %dma_wait3A_130] : memref<2x128xi32, #tpu.memory_space<vmem>> -> memref<1x128xi32, #tpu.memory_space<vmem>>
    %dma_wait3A_132 = tpu.memref_squeeze %dma_wait3A_131 : memref<1x128xi32, #tpu.memory_space<vmem>> -> memref<128xi32, #tpu.memory_space<vmem>>
    %dma_wait3A_133 = arith.constant 0 : i32
    %dma_wait3A_134 = tpu.memref_slice %arg4[%add3A, %dma_wait3A_122, %dma_wait3A_133] : memref<32x82x128xi32, #tpu.memory_space<hbm>> -> memref<1x1x128xi32, #tpu.memory_space<hbm>>
    %dma_wait3A_135 = tpu.memref_squeeze %dma_wait3A_134 : memref<1x1x128xi32, #tpu.memory_space<hbm>> -> memref<128xi32, #tpu.memory_space<hbm>>
    tpu.wait_dma2 semaphore(%arg13 : memref<!tpu.dma_semaphore, #tpu.memory_space<semaphore_mem>>) src(%dma_wait3A_135 : memref<128xi32, #tpu.memory_space<hbm>>) dst(%dma_wait3A_132 : memref<128xi32, #tpu.memory_space<vmem>>)
    %barrier3A_136 = arith.constant 0 : index
    tpu.barrier barrier_id(%barrier3A_136)
    %mul3A_137 = arith.constant 5 : i32
    %mul3A_138 = arith.muli %arg1, %mul3A_137 : i32
    %add3A_139 = arith.constant 0 : i32
    %add3A_140 = arith.addi %mul3A_138, %add3A_139 : i32
    %mul3A_141 = arith.constant 128 : i32
    %mul3A_142 = arith.muli %add3A_140, %mul3A_141 : i32
    %run_scoped3A = arith.constant 0 : i32
    "tpu.region"() ({
      %run_scoped3A_356 = tpu.sem_alloc : memref<!tpu.dma_semaphore, #tpu.memory_space<semaphore_mem>>
      %dma_start3A_357 = arith.constant 0 : i32
      %dma_start3A_358 = arith.constant 0 : i32
      %dma_start3A_359 = tpu.memref_slice %arg8[%run_scoped3A, %dma_start3A_357, %dma_start3A_358] : memref<2x128x128xf32, #tpu.memory_space<vmem>> -> memref<1x128x128xf32, #tpu.memory_space<vmem>>
      %dma_start3A_360 = tpu.memref_squeeze %dma_start3A_359 : memref<1x128x128xf32, #tpu.memory_space<vmem>> -> memref<128x128xf32, #tpu.memory_space<vmem>>
      %dma_start3A_361 = arith.constant 0 : i32
      %dma_start3A_362 = tpu.memref_slice %arg9[%mul3A_142, %dma_start3A_361] : memref<10240x128xf32, #tpu.memory_space<vmem_shared>> -> memref<128x128xf32, #tpu.memory_space<vmem_shared>>
      %dma_start3A_363 = arith.constant 0 : i32
      %dma_start3A_364 = arith.constant 0 : i32
      %dma_start3A_365 = tpu.memref_slice %arg8[%run_scoped3A, %dma_start3A_363, %dma_start3A_364] : memref<2x128x128xf32, #tpu.memory_space<vmem>> -> memref<1x128x128xf32, #tpu.memory_space<vmem>>
      %dma_start3A_366 = tpu.memref_squeeze %dma_start3A_365 : memref<1x128x128xf32, #tpu.memory_space<vmem>> -> memref<128x128xf32, #tpu.memory_space<vmem>>
      %dma_start3A_367 = arith.constant 0 : i32
      %dma_start3A_368 = tpu.memref_slice %arg9[%mul3A_142, %dma_start3A_367] : memref<10240x128xf32, #tpu.memory_space<vmem_shared>> -> memref<128x128xf32, #tpu.memory_space<vmem_shared>>
      tpu.enqueue_dma source(%dma_start3A_368 : memref<128x128xf32, #tpu.memory_space<vmem_shared>>) target(%dma_start3A_366 : memref<128x128xf32, #tpu.memory_space<vmem>>) target_semaphore(%run_scoped3A_356 : memref<!tpu.dma_semaphore, #tpu.memory_space<semaphore_mem>>)
      %dma_wait3A_369 = arith.constant 0 : i32
      %dma_wait3A_370 = arith.constant 0 : i32
      %dma_wait3A_371 = tpu.memref_slice %arg8[%run_scoped3A, %dma_wait3A_369, %dma_wait3A_370] : memref<2x128x128xf32, #tpu.memory_space<vmem>> -> memref<1x128x128xf32, #tpu.memory_space<vmem>>
      %dma_wait3A_372 = tpu.memref_squeeze %dma_wait3A_371 : memref<1x128x128xf32, #tpu.memory_space<vmem>> -> memref<128x128xf32, #tpu.memory_space<vmem>>
      %dma_wait3A_373 = arith.constant 0 : i32
      %dma_wait3A_374 = tpu.memref_slice %arg9[%mul3A_142, %dma_wait3A_373] : memref<10240x128xf32, #tpu.memory_space<vmem_shared>> -> memref<128x128xf32, #tpu.memory_space<vmem_shared>>
      %dma_wait3A_375 = arith.constant 0 : i32
      %dma_wait3A_376 = arith.constant 0 : i32
      %dma_wait3A_377 = tpu.memref_slice %arg8[%run_scoped3A, %dma_wait3A_375, %dma_wait3A_376] : memref<2x128x128xf32, #tpu.memory_space<vmem>> -> memref<1x128x128xf32, #tpu.memory_space<vmem>>
      %dma_wait3A_378 = tpu.memref_squeeze %dma_wait3A_377 : memref<1x128x128xf32, #tpu.memory_space<vmem>> -> memref<128x128xf32, #tpu.memory_space<vmem>>
      %dma_wait3A_379 = arith.constant 0 : i32
      %dma_wait3A_380 = tpu.memref_slice %arg9[%mul3A_142, %dma_wait3A_379] : memref<10240x128xf32, #tpu.memory_space<vmem_shared>> -> memref<128x128xf32, #tpu.memory_space<vmem_shared>>
      tpu.wait_dma2 semaphore(%run_scoped3A_356 : memref<!tpu.dma_semaphore, #tpu.memory_space<semaphore_mem>>) src(%dma_wait3A_380 : memref<128x128xf32, #tpu.memory_space<vmem_shared>>) dst(%dma_wait3A_378 : memref<128x128xf32, #tpu.memory_space<vmem>>)
      tpu.yield
    }) : () -> ()
    %dma_start3A_143 = arith.constant 0 : i32
    %dma_start3A_144 = arith.constant 0 : i32
    %dma_start3A_145 = arith.constant 0 : i32
    %dma_start3A_146 = tpu.memref_slice %arg8[%dma_start3A_143, %dma_start3A_144, %dma_start3A_145] : memref<2x128x128xf32, #tpu.memory_space<vmem>> -> memref<1x128x128xf32, #tpu.memory_space<vmem>>
    %dma_start3A_147 = tpu.memref_squeeze %dma_start3A_146 : memref<1x128x128xf32, #tpu.memory_space<vmem>> -> memref<128x128xf32, #tpu.memory_space<vmem>>
    %dma_start3A_148 = arith.constant 0 : i32
    %dma_start3A_149 = tpu.memref_slice %arg5[%arg0, %mul3A_142, %dma_start3A_148] : memref<2x10240x128xf32, #tpu.memory_space<hbm>> -> memref<1x128x128xf32, #tpu.memory_space<hbm>>
    %dma_start3A_150 = tpu.memref_squeeze %dma_start3A_149 : memref<1x128x128xf32, #tpu.memory_space<hbm>> -> memref<128x128xf32, #tpu.memory_space<hbm>>
    %dma_start3A_151 = arith.constant 0 : i32
    %dma_start3A_152 = tpu.memref_slice %arg5[%arg0, %mul3A_142, %dma_start3A_151] : memref<2x10240x128xf32, #tpu.memory_space<hbm>> -> memref<1x128x128xf32, #tpu.memory_space<hbm>>
    %dma_start3A_153 = tpu.memref_squeeze %dma_start3A_152 : memref<1x128x128xf32, #tpu.memory_space<hbm>> -> memref<128x128xf32, #tpu.memory_space<hbm>>
    %dma_start3A_154 = arith.constant 0 : i32
    %dma_start3A_155 = arith.constant 0 : i32
    %dma_start3A_156 = tpu.memref_slice %arg8[%dma_start3A_143, %dma_start3A_154, %dma_start3A_155] : memref<2x128x128xf32, #tpu.memory_space<vmem>> -> memref<1x128x128xf32, #tpu.memory_space<vmem>>
    %dma_start3A_157 = tpu.memref_squeeze %dma_start3A_156 : memref<1x128x128xf32, #tpu.memory_space<vmem>> -> memref<128x128xf32, #tpu.memory_space<vmem>>
    tpu.enqueue_dma source(%dma_start3A_157 : memref<128x128xf32, #tpu.memory_space<vmem>>) target(%dma_start3A_153 : memref<128x128xf32, #tpu.memory_space<hbm>>) target_semaphore(%arg10 : memref<!tpu.dma_semaphore, #tpu.memory_space<semaphore_mem>>)
    %mul3A_158 = arith.constant 5 : i32
    %mul3A_159 = arith.muli %arg1, %mul3A_158 : i32
    %add3A_160 = arith.constant 1 : i32
    %add3A_161 = arith.addi %mul3A_159, %add3A_160 : i32
    %mul3A_162 = arith.constant 128 : i32
    %mul3A_163 = arith.muli %add3A_161, %mul3A_162 : i32
    %run_scoped3A_164 = arith.constant 1 : i32
    "tpu.region"() ({
      %run_scoped3A_356 = tpu.sem_alloc : memref<!tpu.dma_semaphore, #tpu.memory_space<semaphore_mem>>
      %dma_start3A_357 = arith.constant 0 : i32
      %dma_start3A_358 = arith.constant 0 : i32
      %dma_start3A_359 = tpu.memref_slice %arg8[%run_scoped3A_164, %dma_start3A_357, %dma_start3A_358] : memref<2x128x128xf32, #tpu.memory_space<vmem>> -> memref<1x128x128xf32, #tpu.memory_space<vmem>>
      %dma_start3A_360 = tpu.memref_squeeze %dma_start3A_359 : memref<1x128x128xf32, #tpu.memory_space<vmem>> -> memref<128x128xf32, #tpu.memory_space<vmem>>
      %dma_start3A_361 = arith.constant 0 : i32
      %dma_start3A_362 = tpu.memref_slice %arg9[%mul3A_163, %dma_start3A_361] : memref<10240x128xf32, #tpu.memory_space<vmem_shared>> -> memref<128x128xf32, #tpu.memory_space<vmem_shared>>
      %dma_start3A_363 = arith.constant 0 : i32
      %dma_start3A_364 = arith.constant 0 : i32
      %dma_start3A_365 = tpu.memref_slice %arg8[%run_scoped3A_164, %dma_start3A_363, %dma_start3A_364] : memref<2x128x128xf32, #tpu.memory_space<vmem>> -> memref<1x128x128xf32, #tpu.memory_space<vmem>>
      %dma_start3A_366 = tpu.memref_squeeze %dma_start3A_365 : memref<1x128x128xf32, #tpu.memory_space<vmem>> -> memref<128x128xf32, #tpu.memory_space<vmem>>
      %dma_start3A_367 = arith.constant 0 : i32
      %dma_start3A_368 = tpu.memref_slice %arg9[%mul3A_163, %dma_start3A_367] : memref<10240x128xf32, #tpu.memory_space<vmem_shared>> -> memref<128x128xf32, #tpu.memory_space<vmem_shared>>
      tpu.enqueue_dma source(%dma_start3A_368 : memref<128x128xf32, #tpu.memory_space<vmem_shared>>) target(%dma_start3A_366 : memref<128x128xf32, #tpu.memory_space<vmem>>) target_semaphore(%run_scoped3A_356 : memref<!tpu.dma_semaphore, #tpu.memory_space<semaphore_mem>>)
      %dma_wait3A_369 = arith.constant 0 : i32
      %dma_wait3A_370 = arith.constant 0 : i32
      %dma_wait3A_371 = tpu.memref_slice %arg8[%run_scoped3A_164, %dma_wait3A_369, %dma_wait3A_370] : memref<2x128x128xf32, #tpu.memory_space<vmem>> -> memref<1x128x128xf32, #tpu.memory_space<vmem>>
      %dma_wait3A_372 = tpu.memref_squeeze %dma_wait3A_371 : memref<1x128x128xf32, #tpu.memory_space<vmem>> -> memref<128x128xf32, #tpu.memory_space<vmem>>
      %dma_wait3A_373 = arith.constant 0 : i32
      %dma_wait3A_374 = tpu.memref_slice %arg9[%mul3A_163, %dma_wait3A_373] : memref<10240x128xf32, #tpu.memory_space<vmem_shared>> -> memref<128x128xf32, #tpu.memory_space<vmem_shared>>
      %dma_wait3A_375 = arith.constant 0 : i32
      %dma_wait3A_376 = arith.constant 0 : i32
      %dma_wait3A_377 = tpu.memref_slice %arg8[%run_scoped3A_164, %dma_wait3A_375, %dma_wait3A_376] : memref<2x128x128xf32, #tpu.memory_space<vmem>> -> memref<1x128x128xf32, #tpu.memory_space<vmem>>
      %dma_wait3A_378 = tpu.memref_squeeze %dma_wait3A_377 : memref<1x128x128xf32, #tpu.memory_space<vmem>> -> memref<128x128xf32, #tpu.memory_space<vmem>>
      %dma_wait3A_379 = arith.constant 0 : i32
      %dma_wait3A_380 = tpu.memref_slice %arg9[%mul3A_163, %dma_wait3A_379] : memref<10240x128xf32, #tpu.memory_space<vmem_shared>> -> memref<128x128xf32, #tpu.memory_space<vmem_shared>>
      tpu.wait_dma2 semaphore(%run_scoped3A_356 : memref<!tpu.dma_semaphore, #tpu.memory_space<semaphore_mem>>) src(%dma_wait3A_380 : memref<128x128xf32, #tpu.memory_space<vmem_shared>>) dst(%dma_wait3A_378 : memref<128x128xf32, #tpu.memory_space<vmem>>)
      tpu.yield
    }) : () -> ()
    %dma_start3A_165 = arith.constant 1 : i32
    %dma_start3A_166 = arith.constant 0 : i32
    %dma_start3A_167 = arith.constant 0 : i32
    %dma_start3A_168 = tpu.memref_slice %arg8[%dma_start3A_165, %dma_start3A_166, %dma_start3A_167] : memref<2x128x128xf32, #tpu.memory_space<vmem>> -> memref<1x128x128xf32, #tpu.memory_space<vmem>>
    %dma_start3A_169 = tpu.memref_squeeze %dma_start3A_168 : memref<1x128x128xf32, #tpu.memory_space<vmem>> -> memref<128x128xf32, #tpu.memory_space<vmem>>
    %dma_start3A_170 = arith.constant 0 : i32
    %dma_start3A_171 = tpu.memref_slice %arg5[%arg0, %mul3A_163, %dma_start3A_170] : memref<2x10240x128xf32, #tpu.memory_space<hbm>> -> memref<1x128x128xf32, #tpu.memory_space<hbm>>
    %dma_start3A_172 = tpu.memref_squeeze %dma_start3A_171 : memref<1x128x128xf32, #tpu.memory_space<hbm>> -> memref<128x128xf32, #tpu.memory_space<hbm>>
    %dma_start3A_173 = arith.constant 0 : i32
    %dma_start3A_174 = tpu.memref_slice %arg5[%arg0, %mul3A_163, %dma_start3A_173] : memref<2x10240x128xf32, #tpu.memory_space<hbm>> -> memref<1x128x128xf32, #tpu.memory_space<hbm>>
    %dma_start3A_175 = tpu.memref_squeeze %dma_start3A_174 : memref<1x128x128xf32, #tpu.memory_space<hbm>> -> memref<128x128xf32, #tpu.memory_space<hbm>>
    %dma_start3A_176 = arith.constant 0 : i32
    %dma_start3A_177 = arith.constant 0 : i32
    %dma_start3A_178 = tpu.memref_slice %arg8[%dma_start3A_165, %dma_start3A_176, %dma_start3A_177] : memref<2x128x128xf32, #tpu.memory_space<vmem>> -> memref<1x128x128xf32, #tpu.memory_space<vmem>>
    %dma_start3A_179 = tpu.memref_squeeze %dma_start3A_178 : memref<1x128x128xf32, #tpu.memory_space<vmem>> -> memref<128x128xf32, #tpu.memory_space<vmem>>
    tpu.enqueue_dma source(%dma_start3A_179 : memref<128x128xf32, #tpu.memory_space<vmem>>) target(%dma_start3A_175 : memref<128x128xf32, #tpu.memory_space<hbm>>) target_semaphore(%arg11 : memref<!tpu.dma_semaphore, #tpu.memory_space<semaphore_mem>>)
    %mul3A_180 = arith.constant 5 : i32
    %mul3A_181 = arith.muli %arg1, %mul3A_180 : i32
    %add3A_182 = arith.constant 2 : i32
    %add3A_183 = arith.addi %mul3A_181, %add3A_182 : i32
    %mul3A_184 = arith.constant 128 : i32
    %mul3A_185 = arith.muli %add3A_183, %mul3A_184 : i32
    %mul3A_186 = arith.constant 5 : i32
    %mul3A_187 = arith.muli %arg1, %mul3A_186 : i32
    %add3A_188 = arith.constant 2 : i32
    %add3A_189 = arith.addi %mul3A_187, %add3A_188 : i32
    %sub3A = arith.constant 2 : i32
    %sub3A_190 = arith.subi %add3A_189, %sub3A : i32
    %mul3A_191 = arith.constant 128 : i32
    %mul3A_192 = arith.muli %sub3A_190, %mul3A_191 : i32
    %dma_wait3A_193 = arith.constant 0 : i32
    %dma_wait3A_194 = arith.constant 0 : i32
    %dma_wait3A_195 = arith.constant 0 : i32
    %dma_wait3A_196 = tpu.memref_slice %arg8[%dma_wait3A_193, %dma_wait3A_194, %dma_wait3A_195] : memref<2x128x128xf32, #tpu.memory_space<vmem>> -> memref<1x128x128xf32, #tpu.memory_space<vmem>>
    %dma_wait3A_197 = tpu.memref_squeeze %dma_wait3A_196 : memref<1x128x128xf32, #tpu.memory_space<vmem>> -> memref<128x128xf32, #tpu.memory_space<vmem>>
    %dma_wait3A_198 = arith.constant 0 : i32
    %dma_wait3A_199 = tpu.memref_slice %arg5[%arg0, %mul3A_192, %dma_wait3A_198] : memref<2x10240x128xf32, #tpu.memory_space<hbm>> -> memref<1x128x128xf32, #tpu.memory_space<hbm>>
    %dma_wait3A_200 = tpu.memref_squeeze %dma_wait3A_199 : memref<1x128x128xf32, #tpu.memory_space<hbm>> -> memref<128x128xf32, #tpu.memory_space<hbm>>
    %dma_wait3A_201 = arith.constant 0 : i32
    %dma_wait3A_202 = tpu.memref_slice %arg5[%arg0, %mul3A_192, %dma_wait3A_201] : memref<2x10240x128xf32, #tpu.memory_space<hbm>> -> memref<1x128x128xf32, #tpu.memory_space<hbm>>
    %dma_wait3A_203 = tpu.memref_squeeze %dma_wait3A_202 : memref<1x128x128xf32, #tpu.memory_space<hbm>> -> memref<128x128xf32, #tpu.memory_space<hbm>>
    %dma_wait3A_204 = arith.constant 0 : i32
    %dma_wait3A_205 = arith.constant 0 : i32
    %dma_wait3A_206 = tpu.memref_slice %arg8[%dma_wait3A_193, %dma_wait3A_204, %dma_wait3A_205] : memref<2x128x128xf32, #tpu.memory_space<vmem>> -> memref<1x128x128xf32, #tpu.memory_space<vmem>>
    %dma_wait3A_207 = tpu.memref_squeeze %dma_wait3A_206 : memref<1x128x128xf32, #tpu.memory_space<vmem>> -> memref<128x128xf32, #tpu.memory_space<vmem>>
    tpu.wait_dma2 semaphore(%arg10 : memref<!tpu.dma_semaphore, #tpu.memory_space<semaphore_mem>>) src(%dma_wait3A_207 : memref<128x128xf32, #tpu.memory_space<vmem>>) dst(%dma_wait3A_203 : memref<128x128xf32, #tpu.memory_space<hbm>>)
    %run_scoped3A_208 = arith.constant 0 : i32
    "tpu.region"() ({
      %run_scoped3A_356 = tpu.sem_alloc : memref<!tpu.dma_semaphore, #tpu.memory_space<semaphore_mem>>
      %dma_start3A_357 = arith.constant 0 : i32
      %dma_start3A_358 = arith.constant 0 : i32
      %dma_start3A_359 = tpu.memref_slice %arg8[%run_scoped3A_208, %dma_start3A_357, %dma_start3A_358] : memref<2x128x128xf32, #tpu.memory_space<vmem>> -> memref<1x128x128xf32, #tpu.memory_space<vmem>>
      %dma_start3A_360 = tpu.memref_squeeze %dma_start3A_359 : memref<1x128x128xf32, #tpu.memory_space<vmem>> -> memref<128x128xf32, #tpu.memory_space<vmem>>
      %dma_start3A_361 = arith.constant 0 : i32
      %dma_start3A_362 = tpu.memref_slice %arg9[%mul3A_185, %dma_start3A_361] : memref<10240x128xf32, #tpu.memory_space<vmem_shared>> -> memref<128x128xf32, #tpu.memory_space<vmem_shared>>
      %dma_start3A_363 = arith.constant 0 : i32
      %dma_start3A_364 = arith.constant 0 : i32
      %dma_start3A_365 = tpu.memref_slice %arg8[%run_scoped3A_208, %dma_start3A_363, %dma_start3A_364] : memref<2x128x128xf32, #tpu.memory_space<vmem>> -> memref<1x128x128xf32, #tpu.memory_space<vmem>>
      %dma_start3A_366 = tpu.memref_squeeze %dma_start3A_365 : memref<1x128x128xf32, #tpu.memory_space<vmem>> -> memref<128x128xf32, #tpu.memory_space<vmem>>
      %dma_start3A_367 = arith.constant 0 : i32
      %dma_start3A_368 = tpu.memref_slice %arg9[%mul3A_185, %dma_start3A_367] : memref<10240x128xf32, #tpu.memory_space<vmem_shared>> -> memref<128x128xf32, #tpu.memory_space<vmem_shared>>
      tpu.enqueue_dma source(%dma_start3A_368 : memref<128x128xf32, #tpu.memory_space<vmem_shared>>) target(%dma_start3A_366 : memref<128x128xf32, #tpu.memory_space<vmem>>) target_semaphore(%run_scoped3A_356 : memref<!tpu.dma_semaphore, #tpu.memory_space<semaphore_mem>>)
      %dma_wait3A_369 = arith.constant 0 : i32
      %dma_wait3A_370 = arith.constant 0 : i32
      %dma_wait3A_371 = tpu.memref_slice %arg8[%run_scoped3A_208, %dma_wait3A_369, %dma_wait3A_370] : memref<2x128x128xf32, #tpu.memory_space<vmem>> -> memref<1x128x128xf32, #tpu.memory_space<vmem>>
      %dma_wait3A_372 = tpu.memref_squeeze %dma_wait3A_371 : memref<1x128x128xf32, #tpu.memory_space<vmem>> -> memref<128x128xf32, #tpu.memory_space<vmem>>
      %dma_wait3A_373 = arith.constant 0 : i32
      %dma_wait3A_374 = tpu.memref_slice %arg9[%mul3A_185, %dma_wait3A_373] : memref<10240x128xf32, #tpu.memory_space<vmem_shared>> -> memref<128x128xf32, #tpu.memory_space<vmem_shared>>
      %dma_wait3A_375 = arith.constant 0 : i32
      %dma_wait3A_376 = arith.constant 0 : i32
      %dma_wait3A_377 = tpu.memref_slice %arg8[%run_scoped3A_208, %dma_wait3A_375, %dma_wait3A_376] : memref<2x128x128xf32, #tpu.memory_space<vmem>> -> memref<1x128x128xf32, #tpu.memory_space<vmem>>
      %dma_wait3A_378 = tpu.memref_squeeze %dma_wait3A_377 : memref<1x128x128xf32, #tpu.memory_space<vmem>> -> memref<128x128xf32, #tpu.memory_space<vmem>>
      %dma_wait3A_379 = arith.constant 0 : i32
      %dma_wait3A_380 = tpu.memref_slice %arg9[%mul3A_185, %dma_wait3A_379] : memref<10240x128xf32, #tpu.memory_space<vmem_shared>> -> memref<128x128xf32, #tpu.memory_space<vmem_shared>>
      tpu.wait_dma2 semaphore(%run_scoped3A_356 : memref<!tpu.dma_semaphore, #tpu.memory_space<semaphore_mem>>) src(%dma_wait3A_380 : memref<128x128xf32, #tpu.memory_space<vmem_shared>>) dst(%dma_wait3A_378 : memref<128x128xf32, #tpu.memory_space<vmem>>)
      tpu.yield
    }) : () -> ()
    %dma_start3A_209 = arith.constant 0 : i32
    %dma_start3A_210 = arith.constant 0 : i32
    %dma_start3A_211 = arith.constant 0 : i32
    %dma_start3A_212 = tpu.memref_slice %arg8[%dma_start3A_209, %dma_start3A_210, %dma_start3A_211] : memref<2x128x128xf32, #tpu.memory_space<vmem>> -> memref<1x128x128xf32, #tpu.memory_space<vmem>>
    %dma_start3A_213 = tpu.memref_squeeze %dma_start3A_212 : memref<1x128x128xf32, #tpu.memory_space<vmem>> -> memref<128x128xf32, #tpu.memory_space<vmem>>
    %dma_start3A_214 = arith.constant 0 : i32
    %dma_start3A_215 = tpu.memref_slice %arg5[%arg0, %mul3A_185, %dma_start3A_214] : memref<2x10240x128xf32, #tpu.memory_space<hbm>> -> memref<1x128x128xf32, #tpu.memory_space<hbm>>
    %dma_start3A_216 = tpu.memref_squeeze %dma_start3A_215 : memref<1x128x128xf32, #tpu.memory_space<hbm>> -> memref<128x128xf32, #tpu.memory_space<hbm>>
    %dma_start3A_217 = arith.constant 0 : i32
    %dma_start3A_218 = tpu.memref_slice %arg5[%arg0, %mul3A_185, %dma_start3A_217] : memref<2x10240x128xf32, #tpu.memory_space<hbm>> -> memref<1x128x128xf32, #tpu.memory_space<hbm>>
    %dma_start3A_219 = tpu.memref_squeeze %dma_start3A_218 : memref<1x128x128xf32, #tpu.memory_space<hbm>> -> memref<128x128xf32, #tpu.memory_space<hbm>>
    %dma_start3A_220 = arith.constant 0 : i32
    %dma_start3A_221 = arith.constant 0 : i32
    %dma_start3A_222 = tpu.memref_slice %arg8[%dma_start3A_209, %dma_start3A_220, %dma_start3A_221] : memref<2x128x128xf32, #tpu.memory_space<vmem>> -> memref<1x128x128xf32, #tpu.memory_space<vmem>>
    %dma_start3A_223 = tpu.memref_squeeze %dma_start3A_222 : memref<1x128x128xf32, #tpu.memory_space<vmem>> -> memref<128x128xf32, #tpu.memory_space<vmem>>
    tpu.enqueue_dma source(%dma_start3A_223 : memref<128x128xf32, #tpu.memory_space<vmem>>) target(%dma_start3A_219 : memref<128x128xf32, #tpu.memory_space<hbm>>) target_semaphore(%arg10 : memref<!tpu.dma_semaphore, #tpu.memory_space<semaphore_mem>>)
    %mul3A_224 = arith.constant 5 : i32
    %mul3A_225 = arith.muli %arg1, %mul3A_224 : i32
    %add3A_226 = arith.constant 3 : i32
    %add3A_227 = arith.addi %mul3A_225, %add3A_226 : i32
    %mul3A_228 = arith.constant 128 : i32
    %mul3A_229 = arith.muli %add3A_227, %mul3A_228 : i32
    %mul3A_230 = arith.constant 5 : i32
    %mul3A_231 = arith.muli %arg1, %mul3A_230 : i32
    %add3A_232 = arith.constant 3 : i32
    %add3A_233 = arith.addi %mul3A_231, %add3A_232 : i32
    %sub3A_234 = arith.constant 2 : i32
    %sub3A_235 = arith.subi %add3A_233, %sub3A_234 : i32
    %mul3A_236 = arith.constant 128 : i32
    %mul3A_237 = arith.muli %sub3A_235, %mul3A_236 : i32
    %dma_wait3A_238 = arith.constant 1 : i32
    %dma_wait3A_239 = arith.constant 0 : i32
    %dma_wait3A_240 = arith.constant 0 : i32
    %dma_wait3A_241 = tpu.memref_slice %arg8[%dma_wait3A_238, %dma_wait3A_239, %dma_wait3A_240] : memref<2x128x128xf32, #tpu.memory_space<vmem>> -> memref<1x128x128xf32, #tpu.memory_space<vmem>>
    %dma_wait3A_242 = tpu.memref_squeeze %dma_wait3A_241 : memref<1x128x128xf32, #tpu.memory_space<vmem>> -> memref<128x128xf32, #tpu.memory_space<vmem>>
    %dma_wait3A_243 = arith.constant 0 : i32
    %dma_wait3A_244 = tpu.memref_slice %arg5[%arg0, %mul3A_237, %dma_wait3A_243] : memref<2x10240x128xf32, #tpu.memory_space<hbm>> -> memref<1x128x128xf32, #tpu.memory_space<hbm>>
    %dma_wait3A_245 = tpu.memref_squeeze %dma_wait3A_244 : memref<1x128x128xf32, #tpu.memory_space<hbm>> -> memref<128x128xf32, #tpu.memory_space<hbm>>
    %dma_wait3A_246 = arith.constant 0 : i32
    %dma_wait3A_247 = tpu.memref_slice %arg5[%arg0, %mul3A_237, %dma_wait3A_246] : memref<2x10240x128xf32, #tpu.memory_space<hbm>> -> memref<1x128x128xf32, #tpu.memory_space<hbm>>
    %dma_wait3A_248 = tpu.memref_squeeze %dma_wait3A_247 : memref<1x128x128xf32, #tpu.memory_space<hbm>> -> memref<128x128xf32, #tpu.memory_space<hbm>>
    %dma_wait3A_249 = arith.constant 0 : i32
    %dma_wait3A_250 = arith.constant 0 : i32
    %dma_wait3A_251 = tpu.memref_slice %arg8[%dma_wait3A_238, %dma_wait3A_249, %dma_wait3A_250] : memref<2x128x128xf32, #tpu.memory_space<vmem>> -> memref<1x128x128xf32, #tpu.memory_space<vmem>>
    %dma_wait3A_252 = tpu.memref_squeeze %dma_wait3A_251 : memref<1x128x128xf32, #tpu.memory_space<vmem>> -> memref<128x128xf32, #tpu.memory_space<vmem>>
    tpu.wait_dma2 semaphore(%arg11 : memref<!tpu.dma_semaphore, #tpu.memory_space<semaphore_mem>>) src(%dma_wait3A_252 : memref<128x128xf32, #tpu.memory_space<vmem>>) dst(%dma_wait3A_248 : memref<128x128xf32, #tpu.memory_space<hbm>>)
    %run_scoped3A_253 = arith.constant 1 : i32
    "tpu.region"() ({
      %run_scoped3A_356 = tpu.sem_alloc : memref<!tpu.dma_semaphore, #tpu.memory_space<semaphore_mem>>
      %dma_start3A_357 = arith.constant 0 : i32
      %dma_start3A_358 = arith.constant 0 : i32
      %dma_start3A_359 = tpu.memref_slice %arg8[%run_scoped3A_253, %dma_start3A_357, %dma_start3A_358] : memref<2x128x128xf32, #tpu.memory_space<vmem>> -> memref<1x128x128xf32, #tpu.memory_space<vmem>>
      %dma_start3A_360 = tpu.memref_squeeze %dma_start3A_359 : memref<1x128x128xf32, #tpu.memory_space<vmem>> -> memref<128x128xf32, #tpu.memory_space<vmem>>
      %dma_start3A_361 = arith.constant 0 : i32
      %dma_start3A_362 = tpu.memref_slice %arg9[%mul3A_229, %dma_start3A_361] : memref<10240x128xf32, #tpu.memory_space<vmem_shared>> -> memref<128x128xf32, #tpu.memory_space<vmem_shared>>
      %dma_start3A_363 = arith.constant 0 : i32
      %dma_start3A_364 = arith.constant 0 : i32
      %dma_start3A_365 = tpu.memref_slice %arg8[%run_scoped3A_253, %dma_start3A_363, %dma_start3A_364] : memref<2x128x128xf32, #tpu.memory_space<vmem>> -> memref<1x128x128xf32, #tpu.memory_space<vmem>>
      %dma_start3A_366 = tpu.memref_squeeze %dma_start3A_365 : memref<1x128x128xf32, #tpu.memory_space<vmem>> -> memref<128x128xf32, #tpu.memory_space<vmem>>
      %dma_start3A_367 = arith.constant 0 : i32
      %dma_start3A_368 = tpu.memref_slice %arg9[%mul3A_229, %dma_start3A_367] : memref<10240x128xf32, #tpu.memory_space<vmem_shared>> -> memref<128x128xf32, #tpu.memory_space<vmem_shared>>
      tpu.enqueue_dma source(%dma_start3A_368 : memref<128x128xf32, #tpu.memory_space<vmem_shared>>) target(%dma_start3A_366 : memref<128x128xf32, #tpu.memory_space<vmem>>) target_semaphore(%run_scoped3A_356 : memref<!tpu.dma_semaphore, #tpu.memory_space<semaphore_mem>>)
      %dma_wait3A_369 = arith.constant 0 : i32
      %dma_wait3A_370 = arith.constant 0 : i32
      %dma_wait3A_371 = tpu.memref_slice %arg8[%run_scoped3A_253, %dma_wait3A_369, %dma_wait3A_370] : memref<2x128x128xf32, #tpu.memory_space<vmem>> -> memref<1x128x128xf32, #tpu.memory_space<vmem>>
      %dma_wait3A_372 = tpu.memref_squeeze %dma_wait3A_371 : memref<1x128x128xf32, #tpu.memory_space<vmem>> -> memref<128x128xf32, #tpu.memory_space<vmem>>
      %dma_wait3A_373 = arith.constant 0 : i32
      %dma_wait3A_374 = tpu.memref_slice %arg9[%mul3A_229, %dma_wait3A_373] : memref<10240x128xf32, #tpu.memory_space<vmem_shared>> -> memref<128x128xf32, #tpu.memory_space<vmem_shared>>
      %dma_wait3A_375 = arith.constant 0 : i32
      %dma_wait3A_376 = arith.constant 0 : i32
      %dma_wait3A_377 = tpu.memref_slice %arg8[%run_scoped3A_253, %dma_wait3A_375, %dma_wait3A_376] : memref<2x128x128xf32, #tpu.memory_space<vmem>> -> memref<1x128x128xf32, #tpu.memory_space<vmem>>
      %dma_wait3A_378 = tpu.memref_squeeze %dma_wait3A_377 : memref<1x128x128xf32, #tpu.memory_space<vmem>> -> memref<128x128xf32, #tpu.memory_space<vmem>>
      %dma_wait3A_379 = arith.constant 0 : i32
      %dma_wait3A_380 = tpu.memref_slice %arg9[%mul3A_229, %dma_wait3A_379] : memref<10240x128xf32, #tpu.memory_space<vmem_shared>> -> memref<128x128xf32, #tpu.memory_space<vmem_shared>>
      tpu.wait_dma2 semaphore(%run_scoped3A_356 : memref<!tpu.dma_semaphore, #tpu.memory_space<semaphore_mem>>) src(%dma_wait3A_380 : memref<128x128xf32, #tpu.memory_space<vmem_shared>>) dst(%dma_wait3A_378 : memref<128x128xf32, #tpu.memory_space<vmem>>)
      tpu.yield
    }) : () -> ()
    %dma_start3A_254 = arith.constant 1 : i32
    %dma_start3A_255 = arith.constant 0 : i32
    %dma_start3A_256 = arith.constant 0 : i32
    %dma_start3A_257 = tpu.memref_slice %arg8[%dma_start3A_254, %dma_start3A_255, %dma_start3A_256] : memref<2x128x128xf32, #tpu.memory_space<vmem>> -> memref<1x128x128xf32, #tpu.memory_space<vmem>>
    %dma_start3A_258 = tpu.memref_squeeze %dma_start3A_257 : memref<1x128x128xf32, #tpu.memory_space<vmem>> -> memref<128x128xf32, #tpu.memory_space<vmem>>
    %dma_start3A_259 = arith.constant 0 : i32
    %dma_start3A_260 = tpu.memref_slice %arg5[%arg0, %mul3A_229, %dma_start3A_259] : memref<2x10240x128xf32, #tpu.memory_space<hbm>> -> memref<1x128x128xf32, #tpu.memory_space<hbm>>
    %dma_start3A_261 = tpu.memref_squeeze %dma_start3A_260 : memref<1x128x128xf32, #tpu.memory_space<hbm>> -> memref<128x128xf32, #tpu.memory_space<hbm>>
    %dma_start3A_262 = arith.constant 0 : i32
    %dma_start3A_263 = tpu.memref_slice %arg5[%arg0, %mul3A_229, %dma_start3A_262] : memref<2x10240x128xf32, #tpu.memory_space<hbm>> -> memref<1x128x128xf32, #tpu.memory_space<hbm>>
    %dma_start3A_264 = tpu.memref_squeeze %dma_start3A_263 : memref<1x128x128xf32, #tpu.memory_space<hbm>> -> memref<128x128xf32, #tpu.memory_space<hbm>>
    %dma_start3A_265 = arith.constant 0 : i32
    %dma_start3A_266 = arith.constant 0 : i32
    %dma_start3A_267 = tpu.memref_slice %arg8[%dma_start3A_254, %dma_start3A_265, %dma_start3A_266] : memref<2x128x128xf32, #tpu.memory_space<vmem>> -> memref<1x128x128xf32, #tpu.memory_space<vmem>>
    %dma_start3A_268 = tpu.memref_squeeze %dma_start3A_267 : memref<1x128x128xf32, #tpu.memory_space<vmem>> -> memref<128x128xf32, #tpu.memory_space<vmem>>
    tpu.enqueue_dma source(%dma_start3A_268 : memref<128x128xf32, #tpu.memory_space<vmem>>) target(%dma_start3A_264 : memref<128x128xf32, #tpu.memory_space<hbm>>) target_semaphore(%arg11 : memref<!tpu.dma_semaphore, #tpu.memory_space<semaphore_mem>>)
    %mul3A_269 = arith.constant 5 : i32
    %mul3A_270 = arith.muli %arg1, %mul3A_269 : i32
    %add3A_271 = arith.constant 4 : i32
    %add3A_272 = arith.addi %mul3A_270, %add3A_271 : i32
    %mul3A_273 = arith.constant 128 : i32
    %mul3A_274 = arith.muli %add3A_272, %mul3A_273 : i32
    %mul3A_275 = arith.constant 5 : i32
    %mul3A_276 = arith.muli %arg1, %mul3A_275 : i32
    %add3A_277 = arith.constant 4 : i32
    %add3A_278 = arith.addi %mul3A_276, %add3A_277 : i32
    %sub3A_279 = arith.constant 2 : i32
    %sub3A_280 = arith.subi %add3A_278, %sub3A_279 : i32
    %mul3A_281 = arith.constant 128 : i32
    %mul3A_282 = arith.muli %sub3A_280, %mul3A_281 : i32
    %dma_wait3A_283 = arith.constant 0 : i32
    %dma_wait3A_284 = arith.constant 0 : i32
    %dma_wait3A_285 = arith.constant 0 : i32
    %dma_wait3A_286 = tpu.memref_slice %arg8[%dma_wait3A_283, %dma_wait3A_284, %dma_wait3A_285] : memref<2x128x128xf32, #tpu.memory_space<vmem>> -> memref<1x128x128xf32, #tpu.memory_space<vmem>>
    %dma_wait3A_287 = tpu.memref_squeeze %dma_wait3A_286 : memref<1x128x128xf32, #tpu.memory_space<vmem>> -> memref<128x128xf32, #tpu.memory_space<vmem>>
    %dma_wait3A_288 = arith.constant 0 : i32
    %dma_wait3A_289 = tpu.memref_slice %arg5[%arg0, %mul3A_282, %dma_wait3A_288] : memref<2x10240x128xf32, #tpu.memory_space<hbm>> -> memref<1x128x128xf32, #tpu.memory_space<hbm>>
    %dma_wait3A_290 = tpu.memref_squeeze %dma_wait3A_289 : memref<1x128x128xf32, #tpu.memory_space<hbm>> -> memref<128x128xf32, #tpu.memory_space<hbm>>
    %dma_wait3A_291 = arith.constant 0 : i32
    %dma_wait3A_292 = tpu.memref_slice %arg5[%arg0, %mul3A_282, %dma_wait3A_291] : memref<2x10240x128xf32, #tpu.memory_space<hbm>> -> memref<1x128x128xf32, #tpu.memory_space<hbm>>
    %dma_wait3A_293 = tpu.memref_squeeze %dma_wait3A_292 : memref<1x128x128xf32, #tpu.memory_space<hbm>> -> memref<128x128xf32, #tpu.memory_space<hbm>>
    %dma_wait3A_294 = arith.constant 0 : i32
    %dma_wait3A_295 = arith.constant 0 : i32
    %dma_wait3A_296 = tpu.memref_slice %arg8[%dma_wait3A_283, %dma_wait3A_294, %dma_wait3A_295] : memref<2x128x128xf32, #tpu.memory_space<vmem>> -> memref<1x128x128xf32, #tpu.memory_space<vmem>>
    %dma_wait3A_297 = tpu.memref_squeeze %dma_wait3A_296 : memref<1x128x128xf32, #tpu.memory_space<vmem>> -> memref<128x128xf32, #tpu.memory_space<vmem>>
    tpu.wait_dma2 semaphore(%arg10 : memref<!tpu.dma_semaphore, #tpu.memory_space<semaphore_mem>>) src(%dma_wait3A_297 : memref<128x128xf32, #tpu.memory_space<vmem>>) dst(%dma_wait3A_293 : memref<128x128xf32, #tpu.memory_space<hbm>>)
    %run_scoped3A_298 = arith.constant 0 : i32
    "tpu.region"() ({
      %run_scoped3A_356 = tpu.sem_alloc : memref<!tpu.dma_semaphore, #tpu.memory_space<semaphore_mem>>
      %dma_start3A_357 = arith.constant 0 : i32
      %dma_start3A_358 = arith.constant 0 : i32
      %dma_start3A_359 = tpu.memref_slice %arg8[%run_scoped3A_298, %dma_start3A_357, %dma_start3A_358] : memref<2x128x128xf32, #tpu.memory_space<vmem>> -> memref<1x128x128xf32, #tpu.memory_space<vmem>>
      %dma_start3A_360 = tpu.memref_squeeze %dma_start3A_359 : memref<1x128x128xf32, #tpu.memory_space<vmem>> -> memref<128x128xf32, #tpu.memory_space<vmem>>
      %dma_start3A_361 = arith.constant 0 : i32
      %dma_start3A_362 = tpu.memref_slice %arg9[%mul3A_274, %dma_start3A_361] : memref<10240x128xf32, #tpu.memory_space<vmem_shared>> -> memref<128x128xf32, #tpu.memory_space<vmem_shared>>
      %dma_start3A_363 = arith.constant 0 : i32
      %dma_start3A_364 = arith.constant 0 : i32
      %dma_start3A_365 = tpu.memref_slice %arg8[%run_scoped3A_298, %dma_start3A_363, %dma_start3A_364] : memref<2x128x128xf32, #tpu.memory_space<vmem>> -> memref<1x128x128xf32, #tpu.memory_space<vmem>>
      %dma_start3A_366 = tpu.memref_squeeze %dma_start3A_365 : memref<1x128x128xf32, #tpu.memory_space<vmem>> -> memref<128x128xf32, #tpu.memory_space<vmem>>
      %dma_start3A_367 = arith.constant 0 : i32
      %dma_start3A_368 = tpu.memref_slice %arg9[%mul3A_274, %dma_start3A_367] : memref<10240x128xf32, #tpu.memory_space<vmem_shared>> -> memref<128x128xf32, #tpu.memory_space<vmem_shared>>
      tpu.enqueue_dma source(%dma_start3A_368 : memref<128x128xf32, #tpu.memory_space<vmem_shared>>) target(%dma_start3A_366 : memref<128x128xf32, #tpu.memory_space<vmem>>) target_semaphore(%run_scoped3A_356 : memref<!tpu.dma_semaphore, #tpu.memory_space<semaphore_mem>>)
      %dma_wait3A_369 = arith.constant 0 : i32
      %dma_wait3A_370 = arith.constant 0 : i32
      %dma_wait3A_371 = tpu.memref_slice %arg8[%run_scoped3A_298, %dma_wait3A_369, %dma_wait3A_370] : memref<2x128x128xf32, #tpu.memory_space<vmem>> -> memref<1x128x128xf32, #tpu.memory_space<vmem>>
      %dma_wait3A_372 = tpu.memref_squeeze %dma_wait3A_371 : memref<1x128x128xf32, #tpu.memory_space<vmem>> -> memref<128x128xf32, #tpu.memory_space<vmem>>
      %dma_wait3A_373 = arith.constant 0 : i32
      %dma_wait3A_374 = tpu.memref_slice %arg9[%mul3A_274, %dma_wait3A_373] : memref<10240x128xf32, #tpu.memory_space<vmem_shared>> -> memref<128x128xf32, #tpu.memory_space<vmem_shared>>
      %dma_wait3A_375 = arith.constant 0 : i32
      %dma_wait3A_376 = arith.constant 0 : i32
      %dma_wait3A_377 = tpu.memref_slice %arg8[%run_scoped3A_298, %dma_wait3A_375, %dma_wait3A_376] : memref<2x128x128xf32, #tpu.memory_space<vmem>> -> memref<1x128x128xf32, #tpu.memory_space<vmem>>
      %dma_wait3A_378 = tpu.memref_squeeze %dma_wait3A_377 : memref<1x128x128xf32, #tpu.memory_space<vmem>> -> memref<128x128xf32, #tpu.memory_space<vmem>>
      %dma_wait3A_379 = arith.constant 0 : i32
      %dma_wait3A_380 = tpu.memref_slice %arg9[%mul3A_274, %dma_wait3A_379] : memref<10240x128xf32, #tpu.memory_space<vmem_shared>> -> memref<128x128xf32, #tpu.memory_space<vmem_shared>>
      tpu.wait_dma2 semaphore(%run_scoped3A_356 : memref<!tpu.dma_semaphore, #tpu.memory_space<semaphore_mem>>) src(%dma_wait3A_380 : memref<128x128xf32, #tpu.memory_space<vmem_shared>>) dst(%dma_wait3A_378 : memref<128x128xf32, #tpu.memory_space<vmem>>)
      tpu.yield
    }) : () -> ()
    %dma_start3A_299 = arith.constant 0 : i32
    %dma_start3A_300 = arith.constant 0 : i32
    %dma_start3A_301 = arith.constant 0 : i32
    %dma_start3A_302 = tpu.memref_slice %arg8[%dma_start3A_299, %dma_start3A_300, %dma_start3A_301] : memref<2x128x128xf32, #tpu.memory_space<vmem>> -> memref<1x128x128xf32, #tpu.memory_space<vmem>>
    %dma_start3A_303 = tpu.memref_squeeze %dma_start3A_302 : memref<1x128x128xf32, #tpu.memory_space<vmem>> -> memref<128x128xf32, #tpu.memory_space<vmem>>
    %dma_start3A_304 = arith.constant 0 : i32
    %dma_start3A_305 = tpu.memref_slice %arg5[%arg0, %mul3A_274, %dma_start3A_304] : memref<2x10240x128xf32, #tpu.memory_space<hbm>> -> memref<1x128x128xf32, #tpu.memory_space<hbm>>
    %dma_start3A_306 = tpu.memref_squeeze %dma_start3A_305 : memref<1x128x128xf32, #tpu.memory_space<hbm>> -> memref<128x128xf32, #tpu.memory_space<hbm>>
    %dma_start3A_307 = arith.constant 0 : i32
    %dma_start3A_308 = tpu.memref_slice %arg5[%arg0, %mul3A_274, %dma_start3A_307] : memref<2x10240x128xf32, #tpu.memory_space<hbm>> -> memref<1x128x128xf32, #tpu.memory_space<hbm>>
    %dma_start3A_309 = tpu.memref_squeeze %dma_start3A_308 : memref<1x128x128xf32, #tpu.memory_space<hbm>> -> memref<128x128xf32, #tpu.memory_space<hbm>>
    %dma_start3A_310 = arith.constant 0 : i32
    %dma_start3A_311 = arith.constant 0 : i32
    %dma_start3A_312 = tpu.memref_slice %arg8[%dma_start3A_299, %dma_start3A_310, %dma_start3A_311] : memref<2x128x128xf32, #tpu.memory_space<vmem>> -> memref<1x128x128xf32, #tpu.memory_space<vmem>>
    %dma_start3A_313 = tpu.memref_squeeze %dma_start3A_312 : memref<1x128x128xf32, #tpu.memory_space<vmem>> -> memref<128x128xf32, #tpu.memory_space<vmem>>
    tpu.enqueue_dma source(%dma_start3A_313 : memref<128x128xf32, #tpu.memory_space<vmem>>) target(%dma_start3A_309 : memref<128x128xf32, #tpu.memory_space<hbm>>) target_semaphore(%arg10 : memref<!tpu.dma_semaphore, #tpu.memory_space<semaphore_mem>>)
    %mul3A_314 = arith.constant 5 : i32
    %mul3A_315 = arith.muli %arg1, %mul3A_314 : i32
    %add3A_316 = arith.constant 3 : i32
    %add3A_317 = arith.addi %mul3A_315, %add3A_316 : i32
    %mul3A_318 = arith.constant 128 : i32
    %mul3A_319 = arith.muli %add3A_317, %mul3A_318 : i32
    %dma_wait3A_320 = arith.constant 1 : i32
    %dma_wait3A_321 = arith.constant 0 : i32
    %dma_wait3A_322 = arith.constant 0 : i32
    %dma_wait3A_323 = tpu.memref_slice %arg8[%dma_wait3A_320, %dma_wait3A_321, %dma_wait3A_322] : memref<2x128x128xf32, #tpu.memory_space<vmem>> -> memref<1x128x128xf32, #tpu.memory_space<vmem>>
    %dma_wait3A_324 = tpu.memref_squeeze %dma_wait3A_323 : memref<1x128x128xf32, #tpu.memory_space<vmem>> -> memref<128x128xf32, #tpu.memory_space<vmem>>
    %dma_wait3A_325 = arith.constant 0 : i32
    %dma_wait3A_326 = tpu.memref_slice %arg5[%arg0, %mul3A_319, %dma_wait3A_325] : memref<2x10240x128xf32, #tpu.memory_space<hbm>> -> memref<1x128x128xf32, #tpu.memory_space<hbm>>
    %dma_wait3A_327 = tpu.memref_squeeze %dma_wait3A_326 : memref<1x128x128xf32, #tpu.memory_space<hbm>> -> memref<128x128xf32, #tpu.memory_space<hbm>>
    %dma_wait3A_328 = arith.constant 0 : i32
    %dma_wait3A_329 = tpu.memref_slice %arg5[%arg0, %mul3A_319, %dma_wait3A_328] : memref<2x10240x128xf32, #tpu.memory_space<hbm>> -> memref<1x128x128xf32, #tpu.memory_space<hbm>>
    %dma_wait3A_330 = tpu.memref_squeeze %dma_wait3A_329 : memref<1x128x128xf32, #tpu.memory_space<hbm>> -> memref<128x128xf32, #tpu.memory_space<hbm>>
    %dma_wait3A_331 = arith.constant 0 : i32
    %dma_wait3A_332 = arith.constant 0 : i32
    %dma_wait3A_333 = tpu.memref_slice %arg8[%dma_wait3A_320, %dma_wait3A_331, %dma_wait3A_332] : memref<2x128x128xf32, #tpu.memory_space<vmem>> -> memref<1x128x128xf32, #tpu.memory_space<vmem>>
    %dma_wait3A_334 = tpu.memref_squeeze %dma_wait3A_333 : memref<1x128x128xf32, #tpu.memory_space<vmem>> -> memref<128x128xf32, #tpu.memory_space<vmem>>
    tpu.wait_dma2 semaphore(%arg11 : memref<!tpu.dma_semaphore, #tpu.memory_space<semaphore_mem>>) src(%dma_wait3A_334 : memref<128x128xf32, #tpu.memory_space<vmem>>) dst(%dma_wait3A_330 : memref<128x128xf32, #tpu.memory_space<hbm>>)
    %mul3A_335 = arith.constant 5 : i32
    %mul3A_336 = arith.muli %arg1, %mul3A_335 : i32
    %add3A_337 = arith.constant 4 : i32
    %add3A_338 = arith.addi %mul3A_336, %add3A_337 : i32
    %mul3A_339 = arith.constant 128 : i32
    %mul3A_340 = arith.muli %add3A_338, %mul3A_339 : i32
    %dma_wait3A_341 = arith.constant 0 : i32
    %dma_wait3A_342 = arith.constant 0 : i32
    %dma_wait3A_343 = arith.constant 0 : i32
    %dma_wait3A_344 = tpu.memref_slice %arg8[%dma_wait3A_341, %dma_wait3A_342, %dma_wait3A_343] : memref<2x128x128xf32, #tpu.memory_space<vmem>> -> memref<1x128x128xf32, #tpu.memory_space<vmem>>
    %dma_wait3A_345 = tpu.memref_squeeze %dma_wait3A_344 : memref<1x128x128xf32, #tpu.memory_space<vmem>> -> memref<128x128xf32, #tpu.memory_space<vmem>>
    %dma_wait3A_346 = arith.constant 0 : i32
    %dma_wait3A_347 = tpu.memref_slice %arg5[%arg0, %mul3A_340, %dma_wait3A_346] : memref<2x10240x128xf32, #tpu.memory_space<hbm>> -> memref<1x128x128xf32, #tpu.memory_space<hbm>>
    %dma_wait3A_348 = tpu.memref_squeeze %dma_wait3A_347 : memref<1x128x128xf32, #tpu.memory_space<hbm>> -> memref<128x128xf32, #tpu.memory_space<hbm>>
    %dma_wait3A_349 = arith.constant 0 : i32
    %dma_wait3A_350 = tpu.memref_slice %arg5[%arg0, %mul3A_340, %dma_wait3A_349] : memref<2x10240x128xf32, #tpu.memory_space<hbm>> -> memref<1x128x128xf32, #tpu.memory_space<hbm>>
    %dma_wait3A_351 = tpu.memref_squeeze %dma_wait3A_350 : memref<1x128x128xf32, #tpu.memory_space<hbm>> -> memref<128x128xf32, #tpu.memory_space<hbm>>
    %dma_wait3A_352 = arith.constant 0 : i32
    %dma_wait3A_353 = arith.constant 0 : i32
    %dma_wait3A_354 = tpu.memref_slice %arg8[%dma_wait3A_341, %dma_wait3A_352, %dma_wait3A_353] : memref<2x128x128xf32, #tpu.memory_space<vmem>> -> memref<1x128x128xf32, #tpu.memory_space<vmem>>
    %dma_wait3A_355 = tpu.memref_squeeze %dma_wait3A_354 : memref<1x128x128xf32, #tpu.memory_space<vmem>> -> memref<128x128xf32, #tpu.memory_space<vmem>>
    tpu.wait_dma2 semaphore(%arg10 : memref<!tpu.dma_semaphore, #tpu.memory_space<semaphore_mem>>) src(%dma_wait3A_355 : memref<128x128xf32, #tpu.memory_space<vmem>>) dst(%dma_wait3A_351 : memref<128x128xf32, #tpu.memory_space<hbm>>)
    return
  }
}

#map = affine_map<(d0, d1) -> (0, 0)>
#map1 = affine_map<(d0, d1) -> (0, 0, 0)>
module attributes {stable_mosaic.version = 14 : i64} {
  func.func @_sc_aggregate(%arg0: i32, %arg1: i32, %arg2: memref<10240x128xf32, #tpu.memory_space<hbm>>, %arg3: memref<32x82x128xi32, #tpu.memory_space<hbm>>, %arg4: memref<32x82x128xi32, #tpu.memory_space<hbm>>, %arg5: memref<2x10240x128xf32, #tpu.memory_space<hbm>>, %arg6: memref<82x128xi32, #tpu.memory_space<vmem>>, %arg7: memref<2x128xi32, #tpu.memory_space<vmem>>, %arg8: memref<2x128x128xf32, #tpu.memory_space<vmem>>, %arg9: memref<10240x128xf32, #tpu.memory_space<vmem_shared>>, %arg10: memref<!tpu.dma_semaphore, #tpu.memory_space<semaphore_mem>>, %arg11: memref<!tpu.dma_semaphore, #tpu.memory_space<semaphore_mem>>, %arg12: memref<!tpu.dma_semaphore, #tpu.memory_space<semaphore_mem>>, %arg13: memref<!tpu.dma_semaphore, #tpu.memory_space<semaphore_mem>>) attributes {dimension_semantics = [#tpu.dimension_semantics<core_parallel>, #tpu.dimension_semantics<subcore_parallel>], iteration_bounds = array<i64: 2, 16>, scalar_prefetch = 0 : i64, scratch_operands = 8 : i64, tpu.core_type = #tpu.core_type<sc_vector_subcore>, window_params = [{transform_indices = #map}, {transform_indices = #map1}, {transform_indices = #map1}, {transform_indices = #map1}]} {
    %mul3A = arith.constant 16 : i32
    %mul3A_0 = arith.muli %arg0, %mul3A : i32
    %add3A = arith.addi %mul3A_0, %arg1 : i32
    %dma_start3A = arith.constant 0 : i32
    %dma_start3A_1 = arith.constant 0 : i32
    %dma_start3A_2 = tpu.memref_slice %arg3[%add3A, %dma_start3A, %dma_start3A_1] : memref<32x82x128xi32, #tpu.memory_space<hbm>> -> memref<1x82x128xi32, #tpu.memory_space<hbm>>
    %dma_start3A_3 = tpu.memref_squeeze %dma_start3A_2 : memref<1x82x128xi32, #tpu.memory_space<hbm>> -> memref<82x128xi32, #tpu.memory_space<hbm>>
    %dma_start3A_4 = arith.constant 0 : i32
    %dma_start3A_5 = arith.constant 0 : i32
    %dma_start3A_6 = tpu.memref_slice %arg3[%add3A, %dma_start3A_4, %dma_start3A_5] : memref<32x82x128xi32, #tpu.memory_space<hbm>> -> memref<1x82x128xi32, #tpu.memory_space<hbm>>
    %dma_start3A_7 = tpu.memref_squeeze %dma_start3A_6 : memref<1x82x128xi32, #tpu.memory_space<hbm>> -> memref<82x128xi32, #tpu.memory_space<hbm>>
    tpu.enqueue_dma source(%dma_start3A_7 : memref<82x128xi32, #tpu.memory_space<hbm>>) target(%arg6 : memref<82x128xi32, #tpu.memory_space<vmem>>) target_semaphore(%arg10 : memref<!tpu.dma_semaphore, #tpu.memory_space<semaphore_mem>>)
    %scan3A = arith.constant 0 : i32
    %scan3A_8 = arith.constant 0 : i32
    %scan3A_9 = arith.constant 128 : i32
    %scan3A_10 = arith.addi %scan3A_8, %scan3A_9 : i32
    %scan3A_11 = arith.constant 1 : i32
    scf.for %scan3A_356 = %scan3A_8 to %scan3A_10 step %scan3A_11  : i32 {
      %broadcast_in_dim3A = arith.constant 0.000000e+00 : f32
      %broadcast_in_dim3A_357 = vector.broadcast %broadcast_in_dim3A : f32 to vector<16xf32>
      %swap3A = arith.constant 0 : i32
      %swap3A_358 = arith.index_cast %swap3A : i32 to index
      %swap3A_359 = arith.index_cast %scan3A_356 : i32 to index
      %swap3A_360 = arith.constant 0 : index
      %swap3A_361 = tpu.vector_load %arg8[%swap3A_358, %swap3A_359, %swap3A_360] {strides = array<i32>} : memref<2x128x128xf32, #tpu.memory_space<vmem>>, vector<1x1x16xf32>,
      %swap3A_362 = vector.shape_cast %swap3A_361 : vector<1x1x16xf32> to vector<16xf32>
      %swap3A_363 = vector.shape_cast %broadcast_in_dim3A_357 : vector<16xf32> to vector<1x1x16xf32>
      tpu.vector_store %arg8[%swap3A_358, %swap3A_359, %swap3A_360], %swap3A_363 {strides = array<i32>} : memref<2x128x128xf32, #tpu.memory_space<vmem>>, vector<1x1x16xf32>,
      %broadcast_in_dim3A_364 = arith.constant 0.000000e+00 : f32
      %broadcast_in_dim3A_365 = vector.broadcast %broadcast_in_dim3A_364 : f32 to vector<16xf32>
      %swap3A_366 = arith.constant 0 : i32
      %swap3A_367 = arith.index_cast %swap3A_366 : i32 to index
      %swap3A_368 = arith.index_cast %scan3A_356 : i32 to index
      %swap3A_369 = arith.constant 16 : index
      %swap3A_370 = tpu.vector_load %arg8[%swap3A_367, %swap3A_368, %swap3A_369] {strides = array<i32>} : memref<2x128x128xf32, #tpu.memory_space<vmem>>, vector<1x1x16xf32>,
      %swap3A_371 = vector.shape_cast %swap3A_370 : vector<1x1x16xf32> to vector<16xf32>
      %swap3A_372 = vector.shape_cast %broadcast_in_dim3A_365 : vector<16xf32> to vector<1x1x16xf32>
      tpu.vector_store %arg8[%swap3A_367, %swap3A_368, %swap3A_369], %swap3A_372 {strides = array<i32>} : memref<2x128x128xf32, #tpu.memory_space<vmem>>, vector<1x1x16xf32>,
      %broadcast_in_dim3A_373 = arith.constant 0.000000e+00 : f32
      %broadcast_in_dim3A_374 = vector.broadcast %broadcast_in_dim3A_373 : f32 to vector<16xf32>
      %swap3A_375 = arith.constant 0 : i32
      %swap3A_376 = arith.index_cast %swap3A_375 : i32 to index
      %swap3A_377 = arith.index_cast %scan3A_356 : i32 to index
      %swap3A_378 = arith.constant 32 : index
      %swap3A_379 = tpu.vector_load %arg8[%swap3A_376, %swap3A_377, %swap3A_378] {strides = array<i32>} : memref<2x128x128xf32, #tpu.memory_space<vmem>>, vector<1x1x16xf32>,
      %swap3A_380 = vector.shape_cast %swap3A_379 : vector<1x1x16xf32> to vector<16xf32>
      %swap3A_381 = vector.shape_cast %broadcast_in_dim3A_374 : vector<16xf32> to vector<1x1x16xf32>
      tpu.vector_store %arg8[%swap3A_376, %swap3A_377, %swap3A_378], %swap3A_381 {strides = array<i32>} : memref<2x128x128xf32, #tpu.memory_space<vmem>>, vector<1x1x16xf32>,
      %broadcast_in_dim3A_382 = arith.constant 0.000000e+00 : f32
      %broadcast_in_dim3A_383 = vector.broadcast %broadcast_in_dim3A_382 : f32 to vector<16xf32>
      %swap3A_384 = arith.constant 0 : i32
      %swap3A_385 = arith.index_cast %swap3A_384 : i32 to index
      %swap3A_386 = arith.index_cast %scan3A_356 : i32 to index
      %swap3A_387 = arith.constant 48 : index
      %swap3A_388 = tpu.vector_load %arg8[%swap3A_385, %swap3A_386, %swap3A_387] {strides = array<i32>} : memref<2x128x128xf32, #tpu.memory_space<vmem>>, vector<1x1x16xf32>,
      %swap3A_389 = vector.shape_cast %swap3A_388 : vector<1x1x16xf32> to vector<16xf32>
      %swap3A_390 = vector.shape_cast %broadcast_in_dim3A_383 : vector<16xf32> to vector<1x1x16xf32>
      tpu.vector_store %arg8[%swap3A_385, %swap3A_386, %swap3A_387], %swap3A_390 {strides = array<i32>} : memref<2x128x128xf32, #tpu.memory_space<vmem>>, vector<1x1x16xf32>,
      %broadcast_in_dim3A_391 = arith.constant 0.000000e+00 : f32
      %broadcast_in_dim3A_392 = vector.broadcast %broadcast_in_dim3A_391 : f32 to vector<16xf32>
      %swap3A_393 = arith.constant 0 : i32
      %swap3A_394 = arith.index_cast %swap3A_393 : i32 to index
      %swap3A_395 = arith.index_cast %scan3A_356 : i32 to index
      %swap3A_396 = arith.constant 64 : index
      %swap3A_397 = tpu.vector_load %arg8[%swap3A_394, %swap3A_395, %swap3A_396] {strides = array<i32>} : memref<2x128x128xf32, #tpu.memory_space<vmem>>, vector<1x1x16xf32>,
      %swap3A_398 = vector.shape_cast %swap3A_397 : vector<1x1x16xf32> to vector<16xf32>
      %swap3A_399 = vector.shape_cast %broadcast_in_dim3A_392 : vector<16xf32> to vector<1x1x16xf32>
      tpu.vector_store %arg8[%swap3A_394, %swap3A_395, %swap3A_396], %swap3A_399 {strides = array<i32>} : memref<2x128x128xf32, #tpu.memory_space<vmem>>, vector<1x1x16xf32>,
      %broadcast_in_dim3A_400 = arith.constant 0.000000e+00 : f32
      %broadcast_in_dim3A_401 = vector.broadcast %broadcast_in_dim3A_400 : f32 to vector<16xf32>
      %swap3A_402 = arith.constant 0 : i32
      %swap3A_403 = arith.index_cast %swap3A_402 : i32 to index
      %swap3A_404 = arith.index_cast %scan3A_356 : i32 to index
      %swap3A_405 = arith.constant 80 : index
      %swap3A_406 = tpu.vector_load %arg8[%swap3A_403, %swap3A_404, %swap3A_405] {strides = array<i32>} : memref<2x128x128xf32, #tpu.memory_space<vmem>>, vector<1x1x16xf32>,
      %swap3A_407 = vector.shape_cast %swap3A_406 : vector<1x1x16xf32> to vector<16xf32>
      %swap3A_408 = vector.shape_cast %broadcast_in_dim3A_401 : vector<16xf32> to vector<1x1x16xf32>
      tpu.vector_store %arg8[%swap3A_403, %swap3A_404, %swap3A_405], %swap3A_408 {strides = array<i32>} : memref<2x128x128xf32, #tpu.memory_space<vmem>>, vector<1x1x16xf32>,
      %broadcast_in_dim3A_409 = arith.constant 0.000000e+00 : f32
      %broadcast_in_dim3A_410 = vector.broadcast %broadcast_in_dim3A_409 : f32 to vector<16xf32>
      %swap3A_411 = arith.constant 0 : i32
      %swap3A_412 = arith.index_cast %swap3A_411 : i32 to index
      %swap3A_413 = arith.index_cast %scan3A_356 : i32 to index
      %swap3A_414 = arith.constant 96 : index
      %swap3A_415 = tpu.vector_load %arg8[%swap3A_412, %swap3A_413, %swap3A_414] {strides = array<i32>} : memref<2x128x128xf32, #tpu.memory_space<vmem>>, vector<1x1x16xf32>,
      %swap3A_416 = vector.shape_cast %swap3A_415 : vector<1x1x16xf32> to vector<16xf32>
      %swap3A_417 = vector.shape_cast %broadcast_in_dim3A_410 : vector<16xf32> to vector<1x1x16xf32>
      tpu.vector_store %arg8[%swap3A_412, %swap3A_413, %swap3A_414], %swap3A_417 {strides = array<i32>} : memref<2x128x128xf32, #tpu.memory_space<vmem>>, vector<1x1x16xf32>,
      %broadcast_in_dim3A_418 = arith.constant 0.000000e+00 : f32
      %broadcast_in_dim3A_419 = vector.broadcast %broadcast_in_dim3A_418 : f32 to vector<16xf32>
      %swap3A_420 = arith.constant 0 : i32
      %swap3A_421 = arith.index_cast %swap3A_420 : i32 to index
      %swap3A_422 = arith.index_cast %scan3A_356 : i32 to index
      %swap3A_423 = arith.constant 112 : index
      %swap3A_424 = tpu.vector_load %arg8[%swap3A_421, %swap3A_422, %swap3A_423] {strides = array<i32>} : memref<2x128x128xf32, #tpu.memory_space<vmem>>, vector<1x1x16xf32>,
      %swap3A_425 = vector.shape_cast %swap3A_424 : vector<1x1x16xf32> to vector<16xf32>
      %swap3A_426 = vector.shape_cast %broadcast_in_dim3A_419 : vector<16xf32> to vector<1x1x16xf32>
      tpu.vector_store %arg8[%swap3A_421, %swap3A_422, %swap3A_423], %swap3A_426 {strides = array<i32>} : memref<2x128x128xf32, #tpu.memory_space<vmem>>, vector<1x1x16xf32>,
    }
    %scan3A_12 = arith.constant 128 : i32
    %scan3A_13 = arith.constant 0 : i32
    %scan3A_14 = arith.constant 0 : i32
    %scan3A_15 = arith.constant 5 : i32
    %scan3A_16 = arith.addi %scan3A_14, %scan3A_15 : i32
    %scan3A_17 = arith.constant 1 : i32
    scf.for %scan3A_356 = %scan3A_14 to %scan3A_16 step %scan3A_17  : i32 {
      %mul3A_357 = arith.constant 5 : i32
      %mul3A_358 = arith.muli %arg1, %mul3A_357 : i32
      %add3A_359 = arith.addi %mul3A_358, %scan3A_356 : i32
      %mul3A_360 = arith.constant 128 : i32
      %mul3A_361 = arith.muli %add3A_359, %mul3A_360 : i32
      %run_scoped3A_362 = arith.constant 0 : i32
      "tpu.region"() ({
        %run_scoped3A_363 = tpu.sem_alloc : memref<!tpu.dma_semaphore, #tpu.memory_space<semaphore_mem>>
        %dma_start3A_364 = arith.constant 0 : i32
        %dma_start3A_365 = arith.constant 0 : i32
        %dma_start3A_366 = tpu.memref_slice %arg8[%run_scoped3A_362, %dma_start3A_364, %dma_start3A_365] : memref<2x128x128xf32, #tpu.memory_space<vmem>> -> memref<1x128x128xf32, #tpu.memory_space<vmem>>
        %dma_start3A_367 = tpu.memref_squeeze %dma_start3A_366 : memref<1x128x128xf32, #tpu.memory_space<vmem>> -> memref<128x128xf32, #tpu.memory_space<vmem>>
        %dma_start3A_368 = arith.constant 0 : i32
        %dma_start3A_369 = tpu.memref_slice %arg9[%mul3A_361, %dma_start3A_368] : memref<10240x128xf32, #tpu.memory_space<vmem_shared>> -> memref<128x128xf32, #tpu.memory_space<vmem_shared>>
        %dma_start3A_370 = arith.constant 0 : i32
        %dma_start3A_371 = tpu.memref_slice %arg9[%mul3A_361, %dma_start3A_370] : memref<10240x128xf32, #tpu.memory_space<vmem_shared>> -> memref<128x128xf32, #tpu.memory_space<vmem_shared>>
        %dma_start3A_372 = arith.constant 0 : i32
        %dma_start3A_373 = arith.constant 0 : i32
        %dma_start3A_374 = tpu.memref_slice %arg8[%run_scoped3A_362, %dma_start3A_372, %dma_start3A_373] : memref<2x128x128xf32, #tpu.memory_space<vmem>> -> memref<1x128x128xf32, #tpu.memory_space<vmem>>
        %dma_start3A_375 = tpu.memref_squeeze %dma_start3A_374 : memref<1x128x128xf32, #tpu.memory_space<vmem>> -> memref<128x128xf32, #tpu.memory_space<vmem>>
        tpu.enqueue_dma source(%dma_start3A_375 : memref<128x128xf32, #tpu.memory_space<vmem>>) target(%dma_start3A_371 : memref<128x128xf32, #tpu.memory_space<vmem_shared>>) target_semaphore(%run_scoped3A_363 : memref<!tpu.dma_semaphore, #tpu.memory_space<semaphore_mem>>)
        %dma_wait3A_376 = arith.constant 0 : i32
        %dma_wait3A_377 = arith.constant 0 : i32
        %dma_wait3A_378 = tpu.memref_slice %arg8[%run_scoped3A_362, %dma_wait3A_376, %dma_wait3A_377] : memref<2x128x128xf32, #tpu.memory_space<vmem>> -> memref<1x128x128xf32, #tpu.memory_space<vmem>>
        %dma_wait3A_379 = tpu.memref_squeeze %dma_wait3A_378 : memref<1x128x128xf32, #tpu.memory_space<vmem>> -> memref<128x128xf32, #tpu.memory_space<vmem>>
        %dma_wait3A_380 = arith.constant 0 : i32
        %dma_wait3A_381 = tpu.memref_slice %arg9[%mul3A_361, %dma_wait3A_380] : memref<10240x128xf32, #tpu.memory_space<vmem_shared>> -> memref<128x128xf32, #tpu.memory_space<vmem_shared>>
        %dma_wait3A_382 = arith.constant 0 : i32
        %dma_wait3A_383 = tpu.memref_slice %arg9[%mul3A_361, %dma_wait3A_382] : memref<10240x128xf32, #tpu.memory_space<vmem_shared>> -> memref<128x128xf32, #tpu.memory_space<vmem_shared>>
        %dma_wait3A_384 = arith.constant 0 : i32
        %dma_wait3A_385 = arith.constant 0 : i32
        %dma_wait3A_386 = tpu.memref_slice %arg8[%run_scoped3A_362, %dma_wait3A_384, %dma_wait3A_385] : memref<2x128x128xf32, #tpu.memory_space<vmem>> -> memref<1x128x128xf32, #tpu.memory_space<vmem>>
        %dma_wait3A_387 = tpu.memref_squeeze %dma_wait3A_386 : memref<1x128x128xf32, #tpu.memory_space<vmem>> -> memref<128x128xf32, #tpu.memory_space<vmem>>
        tpu.wait_dma2 semaphore(%run_scoped3A_363 : memref<!tpu.dma_semaphore, #tpu.memory_space<semaphore_mem>>) src(%dma_wait3A_387 : memref<128x128xf32, #tpu.memory_space<vmem>>) dst(%dma_wait3A_383 : memref<128x128xf32, #tpu.memory_space<vmem_shared>>)
        tpu.yield
      }) : () -> ()
    }
    %scan3A_18 = arith.constant 5 : i32
    %dma_wait3A = arith.constant 0 : i32
    %dma_wait3A_19 = arith.constant 0 : i32
    %dma_wait3A_20 = tpu.memref_slice %arg3[%add3A, %dma_wait3A, %dma_wait3A_19] : memref<32x82x128xi32, #tpu.memory_space<hbm>> -> memref<1x82x128xi32, #tpu.memory_space<hbm>>
    %dma_wait3A_21 = tpu.memref_squeeze %dma_wait3A_20 : memref<1x82x128xi32, #tpu.memory_space<hbm>> -> memref<82x128xi32, #tpu.memory_space<hbm>>
    %dma_wait3A_22 = arith.constant 0 : i32
    %dma_wait3A_23 = arith.constant 0 : i32
    %dma_wait3A_24 = tpu.memref_slice %arg3[%add3A, %dma_wait3A_22, %dma_wait3A_23] : memref<32x82x128xi32, #tpu.memory_space<hbm>> -> memref<1x82x128xi32, #tpu.memory_space<hbm>>
    %dma_wait3A_25 = tpu.memref_squeeze %dma_wait3A_24 : memref<1x82x128xi32, #tpu.memory_space<hbm>> -> memref<82x128xi32, #tpu.memory_space<hbm>>
    tpu.wait_dma2 semaphore(%arg10 : memref<!tpu.dma_semaphore, #tpu.memory_space<semaphore_mem>>) src(%dma_wait3A_25 : memref<82x128xi32, #tpu.memory_space<hbm>>) dst(%arg6 : memref<82x128xi32, #tpu.memory_space<vmem>>)
    %barrier3A = arith.constant 0 : index
    tpu.barrier barrier_id(%barrier3A)
    %dma_start3A_26 = arith.constant 0 : i32
    %dma_start3A_27 = arith.constant 0 : i32
    %dma_start3A_28 = arith.constant 0 : i32
    %dma_start3A_29 = arith.constant 0 : i32
    %dma_start3A_30 = tpu.memref_slice %arg8[%dma_start3A_27, %dma_start3A_28, %dma_start3A_29] : memref<2x128x128xf32, #tpu.memory_space<vmem>> -> memref<1x128x128xf32, #tpu.memory_space<vmem>>
    %dma_start3A_31 = tpu.memref_squeeze %dma_start3A_30 : memref<1x128x128xf32, #tpu.memory_space<vmem>> -> memref<128x128xf32, #tpu.memory_space<vmem>>
    %dma_start3A_32 = arith.constant 0 : i32
    %dma_start3A_33 = tpu.memref_slice %arg6[%dma_start3A_26, %dma_start3A_32] : memref<82x128xi32, #tpu.memory_space<vmem>> -> memref<1x128xi32, #tpu.memory_space<vmem>>
    %dma_start3A_34 = tpu.memref_squeeze %dma_start3A_33 : memref<1x128xi32, #tpu.memory_space<vmem>> -> memref<128xi32, #tpu.memory_space<vmem>>
    %dma_start3A_35 = arith.constant 0 : i32
    %dma_start3A_36 = arith.constant 0 : i32
    %dma_start3A_37 = tpu.memref_slice %arg2[%dma_start3A_35, %dma_start3A_36] : memref<10240x128xf32, #tpu.memory_space<hbm>> -> memref<10240x128xf32, #tpu.memory_space<hbm>>
    tpu.enqueue_indirect_dma source(%dma_start3A_37 : memref<10240x128xf32, #tpu.memory_space<hbm>>) target(%dma_start3A_31 : memref<128x128xf32, #tpu.memory_space<vmem>>) offsets(%dma_start3A_34 : memref<128xi32, #tpu.memory_space<vmem>>) semaphore(%arg10 : memref<!tpu.dma_semaphore, #tpu.memory_space<semaphore_mem>>)
    %dma_start3A_38 = arith.constant 0 : i32
    %dma_start3A_39 = arith.constant 0 : i32
    %dma_start3A_40 = arith.constant 0 : i32
    %dma_start3A_41 = tpu.memref_slice %arg7[%dma_start3A_39, %dma_start3A_40] : memref<2x128xi32, #tpu.memory_space<vmem>> -> memref<1x128xi32, #tpu.memory_space<vmem>>
    %dma_start3A_42 = tpu.memref_squeeze %dma_start3A_41 : memref<1x128xi32, #tpu.memory_space<vmem>> -> memref<128xi32, #tpu.memory_space<vmem>>
    %dma_start3A_43 = arith.constant 0 : i32
    %dma_start3A_44 = tpu.memref_slice %arg4[%add3A, %dma_start3A_38, %dma_start3A_43] : memref<32x82x128xi32, #tpu.memory_space<hbm>> -> memref<1x1x128xi32, #tpu.memory_space<hbm>>
    %dma_start3A_45 = tpu.memref_squeeze %dma_start3A_44 : memref<1x1x128xi32, #tpu.memory_space<hbm>> -> memref<128xi32, #tpu.memory_space<hbm>>
    %dma_start3A_46 = arith.constant 0 : i32
    %dma_start3A_47 = tpu.memref_slice %arg7[%dma_start3A_39, %dma_start3A_46] : memref<2x128xi32, #tpu.memory_space<vmem>> -> memref<1x128xi32, #tpu.memory_space<vmem>>
    %dma_start3A_48 = tpu.memref_squeeze %dma_start3A_47 : memref<1x128xi32, #tpu.memory_space<vmem>> -> memref<128xi32, #tpu.memory_space<vmem>>
    %dma_start3A_49 = arith.constant 0 : i32
    %dma_start3A_50 = tpu.memref_slice %arg4[%add3A, %dma_start3A_38, %dma_start3A_49] : memref<32x82x128xi32, #tpu.memory_space<hbm>> -> memref<1x1x128xi32, #tpu.memory_space<hbm>>
    %dma_start3A_51 = tpu.memref_squeeze %dma_start3A_50 : memref<1x1x128xi32, #tpu.memory_space<hbm>> -> memref<128xi32, #tpu.memory_space<hbm>>
    tpu.enqueue_dma source(%dma_start3A_51 : memref<128xi32, #tpu.memory_space<hbm>>) target(%dma_start3A_48 : memref<128xi32, #tpu.memory_space<vmem>>) target_semaphore(%arg12 : memref<!tpu.dma_semaphore, #tpu.memory_space<semaphore_mem>>)
    %dma_start3A_52 = arith.constant 1 : i32
    %dma_start3A_53 = arith.constant 1 : i32
    %dma_start3A_54 = arith.constant 0 : i32
    %dma_start3A_55 = arith.constant 0 : i32
    %dma_start3A_56 = tpu.memref_slice %arg8[%dma_start3A_53, %dma_start3A_54, %dma_start3A_55] : memref<2x128x128xf32, #tpu.memory_space<vmem>> -> memref<1x128x128xf32, #tpu.memory_space<vmem>>
    %dma_start3A_57 = tpu.memref_squeeze %dma_start3A_56 : memref<1x128x128xf32, #tpu.memory_space<vmem>> -> memref<128x128xf32, #tpu.memory_space<vmem>>
    %dma_start3A_58 = arith.constant 0 : i32
    %dma_start3A_59 = tpu.memref_slice %arg6[%dma_start3A_52, %dma_start3A_58] : memref<82x128xi32, #tpu.memory_space<vmem>> -> memref<1x128xi32, #tpu.memory_space<vmem>>
    %dma_start3A_60 = tpu.memref_squeeze %dma_start3A_59 : memref<1x128xi32, #tpu.memory_space<vmem>> -> memref<128xi32, #tpu.memory_space<vmem>>
    %dma_start3A_61 = arith.constant 0 : i32
    %dma_start3A_62 = arith.constant 0 : i32
    %dma_start3A_63 = tpu.memref_slice %arg2[%dma_start3A_61, %dma_start3A_62] : memref<10240x128xf32, #tpu.memory_space<hbm>> -> memref<10240x128xf32, #tpu.memory_space<hbm>>
    tpu.enqueue_indirect_dma source(%dma_start3A_63 : memref<10240x128xf32, #tpu.memory_space<hbm>>) target(%dma_start3A_57 : memref<128x128xf32, #tpu.memory_space<vmem>>) offsets(%dma_start3A_60 : memref<128xi32, #tpu.memory_space<vmem>>) semaphore(%arg11 : memref<!tpu.dma_semaphore, #tpu.memory_space<semaphore_mem>>)
    %dma_start3A_64 = arith.constant 1 : i32
    %dma_start3A_65 = arith.constant 1 : i32
    %dma_start3A_66 = arith.constant 0 : i32
    %dma_start3A_67 = tpu.memref_slice %arg7[%dma_start3A_65, %dma_start3A_66] : memref<2x128xi32, #tpu.memory_space<vmem>> -> memref<1x128xi32, #tpu.memory_space<vmem>>
    %dma_start3A_68 = tpu.memref_squeeze %dma_start3A_67 : memref<1x128xi32, #tpu.memory_space<vmem>> -> memref<128xi32, #tpu.memory_space<vmem>>
    %dma_start3A_69 = arith.constant 0 : i32
    %dma_start3A_70 = tpu.memref_slice %arg4[%add3A, %dma_start3A_64, %dma_start3A_69] : memref<32x82x128xi32, #tpu.memory_space<hbm>> -> memref<1x1x128xi32, #tpu.memory_space<hbm>>
    %dma_start3A_71 = tpu.memref_squeeze %dma_start3A_70 : memref<1x1x128xi32, #tpu.memory_space<hbm>> -> memref<128xi32, #tpu.memory_space<hbm>>
    %dma_start3A_72 = arith.constant 0 : i32
    %dma_start3A_73 = tpu.memref_slice %arg7[%dma_start3A_65, %dma_start3A_72] : memref<2x128xi32, #tpu.memory_space<vmem>> -> memref<1x128xi32, #tpu.memory_space<vmem>>
    %dma_start3A_74 = tpu.memref_squeeze %dma_start3A_73 : memref<1x128xi32, #tpu.memory_space<vmem>> -> memref<128xi32, #tpu.memory_space<vmem>>
    %dma_start3A_75 = arith.constant 0 : i32
    %dma_start3A_76 = tpu.memref_slice %arg4[%add3A, %dma_start3A_64, %dma_start3A_75] : memref<32x82x128xi32, #tpu.memory_space<hbm>> -> memref<1x1x128xi32, #tpu.memory_space<hbm>>
    %dma_start3A_77 = tpu.memref_squeeze %dma_start3A_76 : memref<1x1x128xi32, #tpu.memory_space<hbm>> -> memref<128xi32, #tpu.memory_space<hbm>>
    tpu.enqueue_dma source(%dma_start3A_77 : memref<128xi32, #tpu.memory_space<hbm>>) target(%dma_start3A_74 : memref<128xi32, #tpu.memory_space<vmem>>) target_semaphore(%arg13 : memref<!tpu.dma_semaphore, #tpu.memory_space<semaphore_mem>>)
    %scan3A_78 = arith.constant 0 : i32
    %scan3A_79 = arith.constant 0 : i32
    %scan3A_80 = arith.constant 40 : i32
    %scan3A_81 = arith.addi %scan3A_79, %scan3A_80 : i32
    %scan3A_82 = arith.constant 1 : i32
    scf.for %scan3A_356 = %scan3A_79 to %scan3A_81 step %scan3A_82  : i32 {
      %mul3A_357 = arith.constant 2 : i32
      %mul3A_358 = arith.muli %scan3A_356, %mul3A_357 : i32
      %add3A_359 = arith.constant 0 : i32
      %add3A_360 = arith.addi %mul3A_358, %add3A_359 : i32
      %dma_wait3A_361 = arith.constant 0 : i32
      %dma_wait3A_362 = arith.constant 0 : i32
      %dma_wait3A_363 = arith.constant 0 : i32
      %dma_wait3A_364 = tpu.memref_slice %arg8[%dma_wait3A_361, %dma_wait3A_362, %dma_wait3A_363] : memref<2x128x128xf32, #tpu.memory_space<vmem>> -> memref<1x128x128xf32, #tpu.memory_space<vmem>>
      %dma_wait3A_365 = tpu.memref_squeeze %dma_wait3A_364 : memref<1x128x128xf32, #tpu.memory_space<vmem>> -> memref<128x128xf32, #tpu.memory_space<vmem>>
      %dma_wait3A_366 = arith.constant 0 : i32
      %dma_wait3A_367 = tpu.memref_slice %arg6[%add3A_360, %dma_wait3A_366] : memref<82x128xi32, #tpu.memory_space<vmem>> -> memref<1x128xi32, #tpu.memory_space<vmem>>
      %dma_wait3A_368 = tpu.memref_squeeze %dma_wait3A_367 : memref<1x128xi32, #tpu.memory_space<vmem>> -> memref<128xi32, #tpu.memory_space<vmem>>
      %dma_wait3A_369 = arith.constant 0 : i32
      %dma_wait3A_370 = arith.constant 0 : i32
      %dma_wait3A_371 = tpu.memref_slice %arg2[%dma_wait3A_369, %dma_wait3A_370] : memref<10240x128xf32, #tpu.memory_space<hbm>> -> memref<10240x128xf32, #tpu.memory_space<hbm>>
      tpu.wait_indirect_dma semaphore(%arg10 : memref<!tpu.dma_semaphore, #tpu.memory_space<semaphore_mem>>) src(%dma_wait3A_371 : memref<10240x128xf32, #tpu.memory_space<hbm>>) dst(%dma_wait3A_365 : memref<128x128xf32, #tpu.memory_space<vmem>>)
      %dma_wait3A_372 = arith.constant 0 : i32
      %dma_wait3A_373 = arith.constant 0 : i32
      %dma_wait3A_374 = tpu.memref_slice %arg7[%dma_wait3A_372, %dma_wait3A_373] : memref<2x128xi32, #tpu.memory_space<vmem>> -> memref<1x128xi32, #tpu.memory_space<vmem>>
      %dma_wait3A_375 = tpu.memref_squeeze %dma_wait3A_374 : memref<1x128xi32, #tpu.memory_space<vmem>> -> memref<128xi32, #tpu.memory_space<vmem>>
      %dma_wait3A_376 = arith.constant 0 : i32
      %dma_wait3A_377 = tpu.memref_slice %arg4[%add3A, %add3A_360, %dma_wait3A_376] : memref<32x82x128xi32, #tpu.memory_space<hbm>> -> memref<1x1x128xi32, #tpu.memory_space<hbm>>
      %dma_wait3A_378 = tpu.memref_squeeze %dma_wait3A_377 : memref<1x1x128xi32, #tpu.memory_space<hbm>> -> memref<128xi32, #tpu.memory_space<hbm>>
      %dma_wait3A_379 = arith.constant 0 : i32
      %dma_wait3A_380 = tpu.memref_slice %arg7[%dma_wait3A_372, %dma_wait3A_379] : memref<2x128xi32, #tpu.memory_space<vmem>> -> memref<1x128xi32, #tpu.memory_space<vmem>>
      %dma_wait3A_381 = tpu.memref_squeeze %dma_wait3A_380 : memref<1x128xi32, #tpu.memory_space<vmem>> -> memref<128xi32, #tpu.memory_space<vmem>>
      %dma_wait3A_382 = arith.constant 0 : i32
      %dma_wait3A_383 = tpu.memref_slice %arg4[%add3A, %add3A_360, %dma_wait3A_382] : memref<32x82x128xi32, #tpu.memory_space<hbm>> -> memref<1x1x128xi32, #tpu.memory_space<hbm>>
      %dma_wait3A_384 = tpu.memref_squeeze %dma_wait3A_383 : memref<1x1x128xi32, #tpu.memory_space<hbm>> -> memref<128xi32, #tpu.memory_space<hbm>>
      tpu.wait_dma2 semaphore(%arg12 : memref<!tpu.dma_semaphore, #tpu.memory_space<semaphore_mem>>) src(%dma_wait3A_384 : memref<128xi32, #tpu.memory_space<hbm>>) dst(%dma_wait3A_381 : memref<128xi32, #tpu.memory_space<vmem>>)
      %run_scoped3A_385 = arith.constant 0 : i32
      %run_scoped3A_386 = arith.constant 0 : i32
      "tpu.region"() ({
        %run_scoped3A_469 = tpu.sem_alloc : memref<!tpu.dma_semaphore, #tpu.memory_space<semaphore_mem>>
        %dma_start3A_470 = arith.constant 0 : i32
        %dma_start3A_471 = arith.constant 0 : i32
        %dma_start3A_472 = tpu.memref_slice %arg8[%run_scoped3A_385, %dma_start3A_470, %dma_start3A_471] : memref<2x128x128xf32, #tpu.memory_space<vmem>> -> memref<1x128x128xf32, #tpu.memory_space<vmem>>
        %dma_start3A_473 = tpu.memref_squeeze %dma_start3A_472 : memref<1x128x128xf32, #tpu.memory_space<vmem>> -> memref<128x128xf32, #tpu.memory_space<vmem>>
        %dma_start3A_474 = arith.constant 0 : i32
        %dma_start3A_475 = tpu.memref_slice %arg7[%run_scoped3A_386, %dma_start3A_474] : memref<2x128xi32, #tpu.memory_space<vmem>> -> memref<1x128xi32, #tpu.memory_space<vmem>>
        %dma_start3A_476 = tpu.memref_squeeze %dma_start3A_475 : memref<1x128xi32, #tpu.memory_space<vmem>> -> memref<128xi32, #tpu.memory_space<vmem>>
        %dma_start3A_477 = arith.constant 0 : i32
        %dma_start3A_478 = arith.constant 0 : i32
        %dma_start3A_479 = tpu.memref_slice %arg9[%dma_start3A_477, %dma_start3A_478] : memref<10240x128xf32, #tpu.memory_space<vmem_shared>> -> memref<10240x128xf32, #tpu.memory_space<vmem_shared>>
        tpu.enqueue_indirect_dma source(%dma_start3A_473 : memref<128x128xf32, #tpu.memory_space<vmem>>) target(%dma_start3A_479 : memref<10240x128xf32, #tpu.memory_space<vmem_shared>>) offsets(%dma_start3A_476 : memref<128xi32, #tpu.memory_space<vmem>>) semaphore(%run_scoped3A_469 : memref<!tpu.dma_semaphore, #tpu.memory_space<semaphore_mem>>) {add = true}
        %dma_wait3A_480 = arith.constant 0 : i32
        %dma_wait3A_481 = arith.constant 0 : i32
        %dma_wait3A_482 = tpu.memref_slice %arg8[%run_scoped3A_385, %dma_wait3A_480, %dma_wait3A_481] : memref<2x128x128xf32, #tpu.memory_space<vmem>> -> memref<1x128x128xf32, #tpu.memory_space<vmem>>
        %dma_wait3A_483 = tpu.memref_squeeze %dma_wait3A_482 : memref<1x128x128xf32, #tpu.memory_space<vmem>> -> memref<128x128xf32, #tpu.memory_space<vmem>>
        %dma_wait3A_484 = arith.constant 0 : i32
        %dma_wait3A_485 = tpu.memref_slice %arg7[%run_scoped3A_386, %dma_wait3A_484] : memref<2x128xi32, #tpu.memory_space<vmem>> -> memref<1x128xi32, #tpu.memory_space<vmem>>
        %dma_wait3A_486 = tpu.memref_squeeze %dma_wait3A_485 : memref<1x128xi32, #tpu.memory_space<vmem>> -> memref<128xi32, #tpu.memory_space<vmem>>
        %dma_wait3A_487 = arith.constant 0 : i32
        %dma_wait3A_488 = arith.constant 0 : i32
        %dma_wait3A_489 = tpu.memref_slice %arg9[%dma_wait3A_487, %dma_wait3A_488] : memref<10240x128xf32, #tpu.memory_space<vmem_shared>> -> memref<10240x128xf32, #tpu.memory_space<vmem_shared>>
        tpu.wait_indirect_dma semaphore(%run_scoped3A_469 : memref<!tpu.dma_semaphore, #tpu.memory_space<semaphore_mem>>) src(%dma_wait3A_483 : memref<128x128xf32, #tpu.memory_space<vmem>>) dst(%dma_wait3A_489 : memref<10240x128xf32, #tpu.memory_space<vmem_shared>>)
        tpu.yield
      }) : () -> ()
      %add3A_387 = arith.constant 2 : i32
      %add3A_388 = arith.addi %add3A_360, %add3A_387 : i32
      %dma_start3A_389 = arith.constant 0 : i32
      %dma_start3A_390 = arith.constant 0 : i32
      %dma_start3A_391 = arith.constant 0 : i32
      %dma_start3A_392 = tpu.memref_slice %arg8[%dma_start3A_389, %dma_start3A_390, %dma_start3A_391] : memref<2x128x128xf32, #tpu.memory_space<vmem>> -> memref<1x128x128xf32, #tpu.memory_space<vmem>>
      %dma_start3A_393 = tpu.memref_squeeze %dma_start3A_392 : memref<1x128x128xf32, #tpu.memory_space<vmem>> -> memref<128x128xf32, #tpu.memory_space<vmem>>
      %dma_start3A_394 = arith.constant 0 : i32
      %dma_start3A_395 = tpu.memref_slice %arg6[%add3A_388, %dma_start3A_394] : memref<82x128xi32, #tpu.memory_space<vmem>> -> memref<1x128xi32, #tpu.memory_space<vmem>>
      %dma_start3A_396 = tpu.memref_squeeze %dma_start3A_395 : memref<1x128xi32, #tpu.memory_space<vmem>> -> memref<128xi32, #tpu.memory_space<vmem>>
      %dma_start3A_397 = arith.constant 0 : i32
      %dma_start3A_398 = arith.constant 0 : i32
      %dma_start3A_399 = tpu.memref_slice %arg2[%dma_start3A_397, %dma_start3A_398] : memref<10240x128xf32, #tpu.memory_space<hbm>> -> memref<10240x128xf32, #tpu.memory_space<hbm>>
      tpu.enqueue_indirect_dma source(%dma_start3A_399 : memref<10240x128xf32, #tpu.memory_space<hbm>>) target(%dma_start3A_393 : memref<128x128xf32, #tpu.memory_space<vmem>>) offsets(%dma_start3A_396 : memref<128xi32, #tpu.memory_space<vmem>>) semaphore(%arg10 : memref<!tpu.dma_semaphore, #tpu.memory_space<semaphore_mem>>)
      %dma_start3A_400 = arith.constant 0 : i32
      %dma_start3A_401 = arith.constant 0 : i32
      %dma_start3A_402 = tpu.memref_slice %arg7[%dma_start3A_400, %dma_start3A_401] : memref<2x128xi32, #tpu.memory_space<vmem>> -> memref<1x128xi32, #tpu.memory_space<vmem>>
      %dma_start3A_403 = tpu.memref_squeeze %dma_start3A_402 : memref<1x128xi32, #tpu.memory_space<vmem>> -> memref<128xi32, #tpu.memory_space<vmem>>
      %dma_start3A_404 = arith.constant 0 : i32
      %dma_start3A_405 = tpu.memref_slice %arg4[%add3A, %add3A_388, %dma_start3A_404] : memref<32x82x128xi32, #tpu.memory_space<hbm>> -> memref<1x1x128xi32, #tpu.memory_space<hbm>>
      %dma_start3A_406 = tpu.memref_squeeze %dma_start3A_405 : memref<1x1x128xi32, #tpu.memory_space<hbm>> -> memref<128xi32, #tpu.memory_space<hbm>>
      %dma_start3A_407 = arith.constant 0 : i32
      %dma_start3A_408 = tpu.memref_slice %arg7[%dma_start3A_400, %dma_start3A_407] : memref<2x128xi32, #tpu.memory_space<vmem>> -> memref<1x128xi32, #tpu.memory_space<vmem>>
      %dma_start3A_409 = tpu.memref_squeeze %dma_start3A_408 : memref<1x128xi32, #tpu.memory_space<vmem>> -> memref<128xi32, #tpu.memory_space<vmem>>
      %dma_start3A_410 = arith.constant 0 : i32
      %dma_start3A_411 = tpu.memref_slice %arg4[%add3A, %add3A_388, %dma_start3A_410] : memref<32x82x128xi32, #tpu.memory_space<hbm>> -> memref<1x1x128xi32, #tpu.memory_space<hbm>>
      %dma_start3A_412 = tpu.memref_squeeze %dma_start3A_411 : memref<1x1x128xi32, #tpu.memory_space<hbm>> -> memref<128xi32, #tpu.memory_space<hbm>>
      tpu.enqueue_dma source(%dma_start3A_412 : memref<128xi32, #tpu.memory_space<hbm>>) target(%dma_start3A_409 : memref<128xi32, #tpu.memory_space<vmem>>) target_semaphore(%arg12 : memref<!tpu.dma_semaphore, #tpu.memory_space<semaphore_mem>>)
      %mul3A_413 = arith.constant 2 : i32
      %mul3A_414 = arith.muli %scan3A_356, %mul3A_413 : i32
      %add3A_415 = arith.constant 1 : i32
      %add3A_416 = arith.addi %mul3A_414, %add3A_415 : i32
      %dma_wait3A_417 = arith.constant 1 : i32
      %dma_wait3A_418 = arith.constant 0 : i32
      %dma_wait3A_419 = arith.constant 0 : i32
      %dma_wait3A_420 = tpu.memref_slice %arg8[%dma_wait3A_417, %dma_wait3A_418, %dma_wait3A_419] : memref<2x128x128xf32, #tpu.memory_space<vmem>> -> memref<1x128x128xf32, #tpu.memory_space<vmem>>
      %dma_wait3A_421 = tpu.memref_squeeze %dma_wait3A_420 : memref<1x128x128xf32, #tpu.memory_space<vmem>> -> memref<128x128xf32, #tpu.memory_space<vmem>>
      %dma_wait3A_422 = arith.constant 0 : i32
      %dma_wait3A_423 = tpu.memref_slice %arg6[%add3A_416, %dma_wait3A_422] : memref<82x128xi32, #tpu.memory_space<vmem>> -> memref<1x128xi32, #tpu.memory_space<vmem>>
      %dma_wait3A_424 = tpu.memref_squeeze %dma_wait3A_423 : memref<1x128xi32, #tpu.memory_space<vmem>> -> memref<128xi32, #tpu.memory_space<vmem>>
      %dma_wait3A_425 = arith.constant 0 : i32
      %dma_wait3A_426 = arith.constant 0 : i32
      %dma_wait3A_427 = tpu.memref_slice %arg2[%dma_wait3A_425, %dma_wait3A_426] : memref<10240x128xf32, #tpu.memory_space<hbm>> -> memref<10240x128xf32, #tpu.memory_space<hbm>>
      tpu.wait_indirect_dma semaphore(%arg11 : memref<!tpu.dma_semaphore, #tpu.memory_space<semaphore_mem>>) src(%dma_wait3A_427 : memref<10240x128xf32, #tpu.memory_space<hbm>>) dst(%dma_wait3A_421 : memref<128x128xf32, #tpu.memory_space<vmem>>)
      %dma_wait3A_428 = arith.constant 1 : i32
      %dma_wait3A_429 = arith.constant 0 : i32
      %dma_wait3A_430 = tpu.memref_slice %arg7[%dma_wait3A_428, %dma_wait3A_429] : memref<2x128xi32, #tpu.memory_space<vmem>> -> memref<1x128xi32, #tpu.memory_space<vmem>>
      %dma_wait3A_431 = tpu.memref_squeeze %dma_wait3A_430 : memref<1x128xi32, #tpu.memory_space<vmem>> -> memref<128xi32, #tpu.memory_space<vmem>>
      %dma_wait3A_432 = arith.constant 0 : i32
      %dma_wait3A_433 = tpu.memref_slice %arg4[%add3A, %add3A_416, %dma_wait3A_432] : memref<32x82x128xi32, #tpu.memory_space<hbm>> -> memref<1x1x128xi32, #tpu.memory_space<hbm>>
      %dma_wait3A_434 = tpu.memref_squeeze %dma_wait3A_433 : memref<1x1x128xi32, #tpu.memory_space<hbm>> -> memref<128xi32, #tpu.memory_space<hbm>>
      %dma_wait3A_435 = arith.constant 0 : i32
      %dma_wait3A_436 = tpu.memref_slice %arg7[%dma_wait3A_428, %dma_wait3A_435] : memref<2x128xi32, #tpu.memory_space<vmem>> -> memref<1x128xi32, #tpu.memory_space<vmem>>
      %dma_wait3A_437 = tpu.memref_squeeze %dma_wait3A_436 : memref<1x128xi32, #tpu.memory_space<vmem>> -> memref<128xi32, #tpu.memory_space<vmem>>
      %dma_wait3A_438 = arith.constant 0 : i32
      %dma_wait3A_439 = tpu.memref_slice %arg4[%add3A, %add3A_416, %dma_wait3A_438] : memref<32x82x128xi32, #tpu.memory_space<hbm>> -> memref<1x1x128xi32, #tpu.memory_space<hbm>>
      %dma_wait3A_440 = tpu.memref_squeeze %dma_wait3A_439 : memref<1x1x128xi32, #tpu.memory_space<hbm>> -> memref<128xi32, #tpu.memory_space<hbm>>
      tpu.wait_dma2 semaphore(%arg13 : memref<!tpu.dma_semaphore, #tpu.memory_space<semaphore_mem>>) src(%dma_wait3A_440 : memref<128xi32, #tpu.memory_space<hbm>>) dst(%dma_wait3A_437 : memref<128xi32, #tpu.memory_space<vmem>>)
      %run_scoped3A_441 = arith.constant 1 : i32
      %run_scoped3A_442 = arith.constant 1 : i32
      "tpu.region"() ({
        %run_scoped3A_469 = tpu.sem_alloc : memref<!tpu.dma_semaphore, #tpu.memory_space<semaphore_mem>>
        %dma_start3A_470 = arith.constant 0 : i32
        %dma_start3A_471 = arith.constant 0 : i32
        %dma_start3A_472 = tpu.memref_slice %arg8[%run_scoped3A_441, %dma_start3A_470, %dma_start3A_471] : memref<2x128x128xf32, #tpu.memory_space<vmem>> -> memref<1x128x128xf32, #tpu.memory_space<vmem>>
        %dma_start3A_473 = tpu.memref_squeeze %dma_start3A_472 : memref<1x128x128xf32, #tpu.memory_space<vmem>> -> memref<128x128xf32, #tpu.memory_space<vmem>>
        %dma_start3A_474 = arith.constant 0 : i32
        %dma_start3A_475 = tpu.memref_slice %arg7[%run_scoped3A_442, %dma_start3A_474] : memref<2x128xi32, #tpu.memory_space<vmem>> -> memref<1x128xi32, #tpu.memory_space<vmem>>
        %dma_start3A_476 = tpu.memref_squeeze %dma_start3A_475 : memref<1x128xi32, #tpu.memory_space<vmem>> -> memref<128xi32, #tpu.memory_space<vmem>>
        %dma_start3A_477 = arith.constant 0 : i32
        %dma_start3A_478 = arith.constant 0 : i32
        %dma_start3A_479 = tpu.memref_slice %arg9[%dma_start3A_477, %dma_start3A_478] : memref<10240x128xf32, #tpu.memory_space<vmem_shared>> -> memref<10240x128xf32, #tpu.memory_space<vmem_shared>>
        tpu.enqueue_indirect_dma source(%dma_start3A_473 : memref<128x128xf32, #tpu.memory_space<vmem>>) target(%dma_start3A_479 : memref<10240x128xf32, #tpu.memory_space<vmem_shared>>) offsets(%dma_start3A_476 : memref<128xi32, #tpu.memory_space<vmem>>) semaphore(%run_scoped3A_469 : memref<!tpu.dma_semaphore, #tpu.memory_space<semaphore_mem>>) {add = true}
        %dma_wait3A_480 = arith.constant 0 : i32
        %dma_wait3A_481 = arith.constant 0 : i32
        %dma_wait3A_482 = tpu.memref_slice %arg8[%run_scoped3A_441, %dma_wait3A_480, %dma_wait3A_481] : memref<2x128x128xf32, #tpu.memory_space<vmem>> -> memref<1x128x128xf32, #tpu.memory_space<vmem>>
        %dma_wait3A_483 = tpu.memref_squeeze %dma_wait3A_482 : memref<1x128x128xf32, #tpu.memory_space<vmem>> -> memref<128x128xf32, #tpu.memory_space<vmem>>
        %dma_wait3A_484 = arith.constant 0 : i32
        %dma_wait3A_485 = tpu.memref_slice %arg7[%run_scoped3A_442, %dma_wait3A_484] : memref<2x128xi32, #tpu.memory_space<vmem>> -> memref<1x128xi32, #tpu.memory_space<vmem>>
        %dma_wait3A_486 = tpu.memref_squeeze %dma_wait3A_485 : memref<1x128xi32, #tpu.memory_space<vmem>> -> memref<128xi32, #tpu.memory_space<vmem>>
        %dma_wait3A_487 = arith.constant 0 : i32
        %dma_wait3A_488 = arith.constant 0 : i32
        %dma_wait3A_489 = tpu.memref_slice %arg9[%dma_wait3A_487, %dma_wait3A_488] : memref<10240x128xf32, #tpu.memory_space<vmem_shared>> -> memref<10240x128xf32, #tpu.memory_space<vmem_shared>>
        tpu.wait_indirect_dma semaphore(%run_scoped3A_469 : memref<!tpu.dma_semaphore, #tpu.memory_space<semaphore_mem>>) src(%dma_wait3A_483 : memref<128x128xf32, #tpu.memory_space<vmem>>) dst(%dma_wait3A_489 : memref<10240x128xf32, #tpu.memory_space<vmem_shared>>)
        tpu.yield
      }) : () -> ()
      %add3A_443 = arith.constant 2 : i32
      %add3A_444 = arith.addi %add3A_416, %add3A_443 : i32
      %dma_start3A_445 = arith.constant 1 : i32
      %dma_start3A_446 = arith.constant 0 : i32
      %dma_start3A_447 = arith.constant 0 : i32
      %dma_start3A_448 = tpu.memref_slice %arg8[%dma_start3A_445, %dma_start3A_446, %dma_start3A_447] : memref<2x128x128xf32, #tpu.memory_space<vmem>> -> memref<1x128x128xf32, #tpu.memory_space<vmem>>
      %dma_start3A_449 = tpu.memref_squeeze %dma_start3A_448 : memref<1x128x128xf32, #tpu.memory_space<vmem>> -> memref<128x128xf32, #tpu.memory_space<vmem>>
      %dma_start3A_450 = arith.constant 0 : i32
      %dma_start3A_451 = tpu.memref_slice %arg6[%add3A_444, %dma_start3A_450] : memref<82x128xi32, #tpu.memory_space<vmem>> -> memref<1x128xi32, #tpu.memory_space<vmem>>
      %dma_start3A_452 = tpu.memref_squeeze %dma_start3A_451 : memref<1x128xi32, #tpu.memory_space<vmem>> -> memref<128xi32, #tpu.memory_space<vmem>>
      %dma_start3A_453 = arith.constant 0 : i32
      %dma_start3A_454 = arith.constant 0 : i32
      %dma_start3A_455 = tpu.memref_slice %arg2[%dma_start3A_453, %dma_start3A_454] : memref<10240x128xf32, #tpu.memory_space<hbm>> -> memref<10240x128xf32, #tpu.memory_space<hbm>>
      tpu.enqueue_indirect_dma source(%dma_start3A_455 : memref<10240x128xf32, #tpu.memory_space<hbm>>) target(%dma_start3A_449 : memref<128x128xf32, #tpu.memory_space<vmem>>) offsets(%dma_start3A_452 : memref<128xi32, #tpu.memory_space<vmem>>) semaphore(%arg11 : memref<!tpu.dma_semaphore, #tpu.memory_space<semaphore_mem>>)
      %dma_start3A_456 = arith.constant 1 : i32
      %dma_start3A_457 = arith.constant 0 : i32
      %dma_start3A_458 = tpu.memref_slice %arg7[%dma_start3A_456, %dma_start3A_457] : memref<2x128xi32, #tpu.memory_space<vmem>> -> memref<1x128xi32, #tpu.memory_space<vmem>>
      %dma_start3A_459 = tpu.memref_squeeze %dma_start3A_458 : memref<1x128xi32, #tpu.memory_space<vmem>> -> memref<128xi32, #tpu.memory_space<vmem>>
      %dma_start3A_460 = arith.constant 0 : i32
      %dma_start3A_461 = tpu.memref_slice %arg4[%add3A, %add3A_444, %dma_start3A_460] : memref<32x82x128xi32, #tpu.memory_space<hbm>> -> memref<1x1x128xi32, #tpu.memory_space<hbm>>
      %dma_start3A_462 = tpu.memref_squeeze %dma_start3A_461 : memref<1x1x128xi32, #tpu.memory_space<hbm>> -> memref<128xi32, #tpu.memory_space<hbm>>
      %dma_start3A_463 = arith.constant 0 : i32
      %dma_start3A_464 = tpu.memref_slice %arg7[%dma_start3A_456, %dma_start3A_463] : memref<2x128xi32, #tpu.memory_space<vmem>> -> memref<1x128xi32, #tpu.memory_space<vmem>>
      %dma_start3A_465 = tpu.memref_squeeze %dma_start3A_464 : memref<1x128xi32, #tpu.memory_space<vmem>> -> memref<128xi32, #tpu.memory_space<vmem>>
      %dma_start3A_466 = arith.constant 0 : i32
      %dma_start3A_467 = tpu.memref_slice %arg4[%add3A, %add3A_444, %dma_start3A_466] : memref<32x82x128xi32, #tpu.memory_space<hbm>> -> memref<1x1x128xi32, #tpu.memory_space<hbm>>
      %dma_start3A_468 = tpu.memref_squeeze %dma_start3A_467 : memref<1x1x128xi32, #tpu.memory_space<hbm>> -> memref<128xi32, #tpu.memory_space<hbm>>
      tpu.enqueue_dma source(%dma_start3A_468 : memref<128xi32, #tpu.memory_space<hbm>>) target(%dma_start3A_465 : memref<128xi32, #tpu.memory_space<vmem>>) target_semaphore(%arg13 : memref<!tpu.dma_semaphore, #tpu.memory_space<semaphore_mem>>)
    }
    %scan3A_83 = arith.constant 40 : i32
    %dma_wait3A_84 = arith.constant 80 : i32
    %dma_wait3A_85 = arith.constant 0 : i32
    %dma_wait3A_86 = arith.constant 0 : i32
    %dma_wait3A_87 = arith.constant 0 : i32
    %dma_wait3A_88 = tpu.memref_slice %arg8[%dma_wait3A_85, %dma_wait3A_86, %dma_wait3A_87] : memref<2x128x128xf32, #tpu.memory_space<vmem>> -> memref<1x128x128xf32, #tpu.memory_space<vmem>>
    %dma_wait3A_89 = tpu.memref_squeeze %dma_wait3A_88 : memref<1x128x128xf32, #tpu.memory_space<vmem>> -> memref<128x128xf32, #tpu.memory_space<vmem>>
    %dma_wait3A_90 = arith.constant 0 : i32
    %dma_wait3A_91 = tpu.memref_slice %arg6[%dma_wait3A_84, %dma_wait3A_90] : memref<82x128xi32, #tpu.memory_space<vmem>> -> memref<1x128xi32, #tpu.memory_space<vmem>>
    %dma_wait3A_92 = tpu.memref_squeeze %dma_wait3A_91 : memref<1x128xi32, #tpu.memory_space<vmem>> -> memref<128xi32, #tpu.memory_space<vmem>>
    %dma_wait3A_93 = arith.constant 0 : i32
    %dma_wait3A_94 = arith.constant 0 : i32
    %dma_wait3A_95 = tpu.memref_slice %arg2[%dma_wait3A_93, %dma_wait3A_94] : memref<10240x128xf32, #tpu.memory_space<hbm>> -> memref<10240x128xf32, #tpu.memory_space<hbm>>
    tpu.wait_indirect_dma semaphore(%arg10 : memref<!tpu.dma_semaphore, #tpu.memory_space<semaphore_mem>>) src(%dma_wait3A_95 : memref<10240x128xf32, #tpu.memory_space<hbm>>) dst(%dma_wait3A_89 : memref<128x128xf32, #tpu.memory_space<vmem>>)
    %dma_wait3A_96 = arith.constant 80 : i32
    %dma_wait3A_97 = arith.constant 0 : i32
    %dma_wait3A_98 = arith.constant 0 : i32
    %dma_wait3A_99 = tpu.memref_slice %arg7[%dma_wait3A_97, %dma_wait3A_98] : memref<2x128xi32, #tpu.memory_space<vmem>> -> memref<1x128xi32, #tpu.memory_space<vmem>>
    %dma_wait3A_100 = tpu.memref_squeeze %dma_wait3A_99 : memref<1x128xi32, #tpu.memory_space<vmem>> -> memref<128xi32, #tpu.memory_space<vmem>>
    %dma_wait3A_101 = arith.constant 0 : i32
    %dma_wait3A_102 = tpu.memref_slice %arg4[%add3A, %dma_wait3A_96, %dma_wait3A_101] : memref<32x82x128xi32, #tpu.memory_space<hbm>> -> memref<1x1x128xi32, #tpu.memory_space<hbm>>
    %dma_wait3A_103 = tpu.memref_squeeze %dma_wait3A_102 : memref<1x1x128xi32, #tpu.memory_space<hbm>> -> memref<128xi32, #tpu.memory_space<hbm>>
    %dma_wait3A_104 = arith.constant 0 : i32
    %dma_wait3A_105 = tpu.memref_slice %arg7[%dma_wait3A_97, %dma_wait3A_104] : memref<2x128xi32, #tpu.memory_space<vmem>> -> memref<1x128xi32, #tpu.memory_space<vmem>>
    %dma_wait3A_106 = tpu.memref_squeeze %dma_wait3A_105 : memref<1x128xi32, #tpu.memory_space<vmem>> -> memref<128xi32, #tpu.memory_space<vmem>>
    %dma_wait3A_107 = arith.constant 0 : i32
    %dma_wait3A_108 = tpu.memref_slice %arg4[%add3A, %dma_wait3A_96, %dma_wait3A_107] : memref<32x82x128xi32, #tpu.memory_space<hbm>> -> memref<1x1x128xi32, #tpu.memory_space<hbm>>
    %dma_wait3A_109 = tpu.memref_squeeze %dma_wait3A_108 : memref<1x1x128xi32, #tpu.memory_space<hbm>> -> memref<128xi32, #tpu.memory_space<hbm>>
    tpu.wait_dma2 semaphore(%arg12 : memref<!tpu.dma_semaphore, #tpu.memory_space<semaphore_mem>>) src(%dma_wait3A_109 : memref<128xi32, #tpu.memory_space<hbm>>) dst(%dma_wait3A_106 : memref<128xi32, #tpu.memory_space<vmem>>)
    %dma_wait3A_110 = arith.constant 81 : i32
    %dma_wait3A_111 = arith.constant 1 : i32
    %dma_wait3A_112 = arith.constant 0 : i32
    %dma_wait3A_113 = arith.constant 0 : i32
    %dma_wait3A_114 = tpu.memref_slice %arg8[%dma_wait3A_111, %dma_wait3A_112, %dma_wait3A_113] : memref<2x128x128xf32, #tpu.memory_space<vmem>> -> memref<1x128x128xf32, #tpu.memory_space<vmem>>
    %dma_wait3A_115 = tpu.memref_squeeze %dma_wait3A_114 : memref<1x128x128xf32, #tpu.memory_space<vmem>> -> memref<128x128xf32, #tpu.memory_space<vmem>>
    %dma_wait3A_116 = arith.constant 0 : i32
    %dma_wait3A_117 = tpu.memref_slice %arg6[%dma_wait3A_110, %dma_wait3A_116] : memref<82x128xi32, #tpu.memory_space<vmem>> -> memref<1x128xi32, #tpu.memory_space<vmem>>
    %dma_wait3A_118 = tpu.memref_squeeze %dma_wait3A_117 : memref<1x128xi32, #tpu.memory_space<vmem>> -> memref<128xi32, #tpu.memory_space<vmem>>
    %dma_wait3A_119 = arith.constant 0 : i32
    %dma_wait3A_120 = arith.constant 0 : i32
    %dma_wait3A_121 = tpu.memref_slice %arg2[%dma_wait3A_119, %dma_wait3A_120] : memref<10240x128xf32, #tpu.memory_space<hbm>> -> memref<10240x128xf32, #tpu.memory_space<hbm>>
    tpu.wait_indirect_dma semaphore(%arg11 : memref<!tpu.dma_semaphore, #tpu.memory_space<semaphore_mem>>) src(%dma_wait3A_121 : memref<10240x128xf32, #tpu.memory_space<hbm>>) dst(%dma_wait3A_115 : memref<128x128xf32, #tpu.memory_space<vmem>>)
    %dma_wait3A_122 = arith.constant 81 : i32
    %dma_wait3A_123 = arith.constant 1 : i32
    %dma_wait3A_124 = arith.constant 0 : i32
    %dma_wait3A_125 = tpu.memref_slice %arg7[%dma_wait3A_123, %dma_wait3A_124] : memref<2x128xi32, #tpu.memory_space<vmem>> -> memref<1x128xi32, #tpu.memory_space<vmem>>
    %dma_wait3A_126 = tpu.memref_squeeze %dma_wait3A_125 : memref<1x128xi32, #tpu.memory_space<vmem>> -> memref<128xi32, #tpu.memory_space<vmem>>
    %dma_wait3A_127 = arith.constant 0 : i32
    %dma_wait3A_128 = tpu.memref_slice %arg4[%add3A, %dma_wait3A_122, %dma_wait3A_127] : memref<32x82x128xi32, #tpu.memory_space<hbm>> -> memref<1x1x128xi32, #tpu.memory_space<hbm>>
    %dma_wait3A_129 = tpu.memref_squeeze %dma_wait3A_128 : memref<1x1x128xi32, #tpu.memory_space<hbm>> -> memref<128xi32, #tpu.memory_space<hbm>>
    %dma_wait3A_130 = arith.constant 0 : i32
    %dma_wait3A_131 = tpu.memref_slice %arg7[%dma_wait3A_123, %dma_wait3A_130] : memref<2x128xi32, #tpu.memory_space<vmem>> -> memref<1x128xi32, #tpu.memory_space<vmem>>
    %dma_wait3A_132 = tpu.memref_squeeze %dma_wait3A_131 : memref<1x128xi32, #tpu.memory_space<vmem>> -> memref<128xi32, #tpu.memory_space<vmem>>
    %dma_wait3A_133 = arith.constant 0 : i32
    %dma_wait3A_134 = tpu.memref_slice %arg4[%add3A, %dma_wait3A_122, %dma_wait3A_133] : memref<32x82x128xi32, #tpu.memory_space<hbm>> -> memref<1x1x128xi32, #tpu.memory_space<hbm>>
    %dma_wait3A_135 = tpu.memref_squeeze %dma_wait3A_134 : memref<1x1x128xi32, #tpu.memory_space<hbm>> -> memref<128xi32, #tpu.memory_space<hbm>>
    tpu.wait_dma2 semaphore(%arg13 : memref<!tpu.dma_semaphore, #tpu.memory_space<semaphore_mem>>) src(%dma_wait3A_135 : memref<128xi32, #tpu.memory_space<hbm>>) dst(%dma_wait3A_132 : memref<128xi32, #tpu.memory_space<vmem>>)
    %barrier3A_136 = arith.constant 0 : index
    tpu.barrier barrier_id(%barrier3A_136)
    %mul3A_137 = arith.constant 5 : i32
    %mul3A_138 = arith.muli %arg1, %mul3A_137 : i32
    %add3A_139 = arith.constant 0 : i32
    %add3A_140 = arith.addi %mul3A_138, %add3A_139 : i32
    %mul3A_141 = arith.constant 128 : i32
    %mul3A_142 = arith.muli %add3A_140, %mul3A_141 : i32
    %run_scoped3A = arith.constant 0 : i32
    "tpu.region"() ({
      %run_scoped3A_356 = tpu.sem_alloc : memref<!tpu.dma_semaphore, #tpu.memory_space<semaphore_mem>>
      %dma_start3A_357 = arith.constant 0 : i32
      %dma_start3A_358 = arith.constant 0 : i32
      %dma_start3A_359 = tpu.memref_slice %arg8[%run_scoped3A, %dma_start3A_357, %dma_start3A_358] : memref<2x128x128xf32, #tpu.memory_space<vmem>> -> memref<1x128x128xf32, #tpu.memory_space<vmem>>
      %dma_start3A_360 = tpu.memref_squeeze %dma_start3A_359 : memref<1x128x128xf32, #tpu.memory_space<vmem>> -> memref<128x128xf32, #tpu.memory_space<vmem>>
      %dma_start3A_361 = arith.constant 0 : i32
      %dma_start3A_362 = tpu.memref_slice %arg9[%mul3A_142, %dma_start3A_361] : memref<10240x128xf32, #tpu.memory_space<vmem_shared>> -> memref<128x128xf32, #tpu.memory_space<vmem_shared>>
      %dma_start3A_363 = arith.constant 0 : i32
      %dma_start3A_364 = arith.constant 0 : i32
      %dma_start3A_365 = tpu.memref_slice %arg8[%run_scoped3A, %dma_start3A_363, %dma_start3A_364] : memref<2x128x128xf32, #tpu.memory_space<vmem>> -> memref<1x128x128xf32, #tpu.memory_space<vmem>>
      %dma_start3A_366 = tpu.memref_squeeze %dma_start3A_365 : memref<1x128x128xf32, #tpu.memory_space<vmem>> -> memref<128x128xf32, #tpu.memory_space<vmem>>
      %dma_start3A_367 = arith.constant 0 : i32
      %dma_start3A_368 = tpu.memref_slice %arg9[%mul3A_142, %dma_start3A_367] : memref<10240x128xf32, #tpu.memory_space<vmem_shared>> -> memref<128x128xf32, #tpu.memory_space<vmem_shared>>
      tpu.enqueue_dma source(%dma_start3A_368 : memref<128x128xf32, #tpu.memory_space<vmem_shared>>) target(%dma_start3A_366 : memref<128x128xf32, #tpu.memory_space<vmem>>) target_semaphore(%run_scoped3A_356 : memref<!tpu.dma_semaphore, #tpu.memory_space<semaphore_mem>>)
      %dma_wait3A_369 = arith.constant 0 : i32
      %dma_wait3A_370 = arith.constant 0 : i32
      %dma_wait3A_371 = tpu.memref_slice %arg8[%run_scoped3A, %dma_wait3A_369, %dma_wait3A_370] : memref<2x128x128xf32, #tpu.memory_space<vmem>> -> memref<1x128x128xf32, #tpu.memory_space<vmem>>
      %dma_wait3A_372 = tpu.memref_squeeze %dma_wait3A_371 : memref<1x128x128xf32, #tpu.memory_space<vmem>> -> memref<128x128xf32, #tpu.memory_space<vmem>>
      %dma_wait3A_373 = arith.constant 0 : i32
      %dma_wait3A_374 = tpu.memref_slice %arg9[%mul3A_142, %dma_wait3A_373] : memref<10240x128xf32, #tpu.memory_space<vmem_shared>> -> memref<128x128xf32, #tpu.memory_space<vmem_shared>>
      %dma_wait3A_375 = arith.constant 0 : i32
      %dma_wait3A_376 = arith.constant 0 : i32
      %dma_wait3A_377 = tpu.memref_slice %arg8[%run_scoped3A, %dma_wait3A_375, %dma_wait3A_376] : memref<2x128x128xf32, #tpu.memory_space<vmem>> -> memref<1x128x128xf32, #tpu.memory_space<vmem>>
      %dma_wait3A_378 = tpu.memref_squeeze %dma_wait3A_377 : memref<1x128x128xf32, #tpu.memory_space<vmem>> -> memref<128x128xf32, #tpu.memory_space<vmem>>
      %dma_wait3A_379 = arith.constant 0 : i32
      %dma_wait3A_380 = tpu.memref_slice %arg9[%mul3A_142, %dma_wait3A_379] : memref<10240x128xf32, #tpu.memory_space<vmem_shared>> -> memref<128x128xf32, #tpu.memory_space<vmem_shared>>
      tpu.wait_dma2 semaphore(%run_scoped3A_356 : memref<!tpu.dma_semaphore, #tpu.memory_space<semaphore_mem>>) src(%dma_wait3A_380 : memref<128x128xf32, #tpu.memory_space<vmem_shared>>) dst(%dma_wait3A_378 : memref<128x128xf32, #tpu.memory_space<vmem>>)
      tpu.yield
    }) : () -> ()
    %dma_start3A_143 = arith.constant 0 : i32
    %dma_start3A_144 = arith.constant 0 : i32
    %dma_start3A_145 = arith.constant 0 : i32
    %dma_start3A_146 = tpu.memref_slice %arg8[%dma_start3A_143, %dma_start3A_144, %dma_start3A_145] : memref<2x128x128xf32, #tpu.memory_space<vmem>> -> memref<1x128x128xf32, #tpu.memory_space<vmem>>
    %dma_start3A_147 = tpu.memref_squeeze %dma_start3A_146 : memref<1x128x128xf32, #tpu.memory_space<vmem>> -> memref<128x128xf32, #tpu.memory_space<vmem>>
    %dma_start3A_148 = arith.constant 0 : i32
    %dma_start3A_149 = tpu.memref_slice %arg5[%arg0, %mul3A_142, %dma_start3A_148] : memref<2x10240x128xf32, #tpu.memory_space<hbm>> -> memref<1x128x128xf32, #tpu.memory_space<hbm>>
    %dma_start3A_150 = tpu.memref_squeeze %dma_start3A_149 : memref<1x128x128xf32, #tpu.memory_space<hbm>> -> memref<128x128xf32, #tpu.memory_space<hbm>>
    %dma_start3A_151 = arith.constant 0 : i32
    %dma_start3A_152 = tpu.memref_slice %arg5[%arg0, %mul3A_142, %dma_start3A_151] : memref<2x10240x128xf32, #tpu.memory_space<hbm>> -> memref<1x128x128xf32, #tpu.memory_space<hbm>>
    %dma_start3A_153 = tpu.memref_squeeze %dma_start3A_152 : memref<1x128x128xf32, #tpu.memory_space<hbm>> -> memref<128x128xf32, #tpu.memory_space<hbm>>
    %dma_start3A_154 = arith.constant 0 : i32
    %dma_start3A_155 = arith.constant 0 : i32
    %dma_start3A_156 = tpu.memref_slice %arg8[%dma_start3A_143, %dma_start3A_154, %dma_start3A_155] : memref<2x128x128xf32, #tpu.memory_space<vmem>> -> memref<1x128x128xf32, #tpu.memory_space<vmem>>
    %dma_start3A_157 = tpu.memref_squeeze %dma_start3A_156 : memref<1x128x128xf32, #tpu.memory_space<vmem>> -> memref<128x128xf32, #tpu.memory_space<vmem>>
    tpu.enqueue_dma source(%dma_start3A_157 : memref<128x128xf32, #tpu.memory_space<vmem>>) target(%dma_start3A_153 : memref<128x128xf32, #tpu.memory_space<hbm>>) target_semaphore(%arg10 : memref<!tpu.dma_semaphore, #tpu.memory_space<semaphore_mem>>)
    %mul3A_158 = arith.constant 5 : i32
    %mul3A_159 = arith.muli %arg1, %mul3A_158 : i32
    %add3A_160 = arith.constant 1 : i32
    %add3A_161 = arith.addi %mul3A_159, %add3A_160 : i32
    %mul3A_162 = arith.constant 128 : i32
    %mul3A_163 = arith.muli %add3A_161, %mul3A_162 : i32
    %run_scoped3A_164 = arith.constant 1 : i32
    "tpu.region"() ({
      %run_scoped3A_356 = tpu.sem_alloc : memref<!tpu.dma_semaphore, #tpu.memory_space<semaphore_mem>>
      %dma_start3A_357 = arith.constant 0 : i32
      %dma_start3A_358 = arith.constant 0 : i32
      %dma_start3A_359 = tpu.memref_slice %arg8[%run_scoped3A_164, %dma_start3A_357, %dma_start3A_358] : memref<2x128x128xf32, #tpu.memory_space<vmem>> -> memref<1x128x128xf32, #tpu.memory_space<vmem>>
      %dma_start3A_360 = tpu.memref_squeeze %dma_start3A_359 : memref<1x128x128xf32, #tpu.memory_space<vmem>> -> memref<128x128xf32, #tpu.memory_space<vmem>>
      %dma_start3A_361 = arith.constant 0 : i32
      %dma_start3A_362 = tpu.memref_slice %arg9[%mul3A_163, %dma_start3A_361] : memref<10240x128xf32, #tpu.memory_space<vmem_shared>> -> memref<128x128xf32, #tpu.memory_space<vmem_shared>>
      %dma_start3A_363 = arith.constant 0 : i32
      %dma_start3A_364 = arith.constant 0 : i32
      %dma_start3A_365 = tpu.memref_slice %arg8[%run_scoped3A_164, %dma_start3A_363, %dma_start3A_364] : memref<2x128x128xf32, #tpu.memory_space<vmem>> -> memref<1x128x128xf32, #tpu.memory_space<vmem>>
      %dma_start3A_366 = tpu.memref_squeeze %dma_start3A_365 : memref<1x128x128xf32, #tpu.memory_space<vmem>> -> memref<128x128xf32, #tpu.memory_space<vmem>>
      %dma_start3A_367 = arith.constant 0 : i32
      %dma_start3A_368 = tpu.memref_slice %arg9[%mul3A_163, %dma_start3A_367] : memref<10240x128xf32, #tpu.memory_space<vmem_shared>> -> memref<128x128xf32, #tpu.memory_space<vmem_shared>>
      tpu.enqueue_dma source(%dma_start3A_368 : memref<128x128xf32, #tpu.memory_space<vmem_shared>>) target(%dma_start3A_366 : memref<128x128xf32, #tpu.memory_space<vmem>>) target_semaphore(%run_scoped3A_356 : memref<!tpu.dma_semaphore, #tpu.memory_space<semaphore_mem>>)
      %dma_wait3A_369 = arith.constant 0 : i32
      %dma_wait3A_370 = arith.constant 0 : i32
      %dma_wait3A_371 = tpu.memref_slice %arg8[%run_scoped3A_164, %dma_wait3A_369, %dma_wait3A_370] : memref<2x128x128xf32, #tpu.memory_space<vmem>> -> memref<1x128x128xf32, #tpu.memory_space<vmem>>
      %dma_wait3A_372 = tpu.memref_squeeze %dma_wait3A_371 : memref<1x128x128xf32, #tpu.memory_space<vmem>> -> memref<128x128xf32, #tpu.memory_space<vmem>>
      %dma_wait3A_373 = arith.constant 0 : i32
      %dma_wait3A_374 = tpu.memref_slice %arg9[%mul3A_163, %dma_wait3A_373] : memref<10240x128xf32, #tpu.memory_space<vmem_shared>> -> memref<128x128xf32, #tpu.memory_space<vmem_shared>>
      %dma_wait3A_375 = arith.constant 0 : i32
      %dma_wait3A_376 = arith.constant 0 : i32
      %dma_wait3A_377 = tpu.memref_slice %arg8[%run_scoped3A_164, %dma_wait3A_375, %dma_wait3A_376] : memref<2x128x128xf32, #tpu.memory_space<vmem>> -> memref<1x128x128xf32, #tpu.memory_space<vmem>>
      %dma_wait3A_378 = tpu.memref_squeeze %dma_wait3A_377 : memref<1x128x128xf32, #tpu.memory_space<vmem>> -> memref<128x128xf32, #tpu.memory_space<vmem>>
      %dma_wait3A_379 = arith.constant 0 : i32
      %dma_wait3A_380 = tpu.memref_slice %arg9[%mul3A_163, %dma_wait3A_379] : memref<10240x128xf32, #tpu.memory_space<vmem_shared>> -> memref<128x128xf32, #tpu.memory_space<vmem_shared>>
      tpu.wait_dma2 semaphore(%run_scoped3A_356 : memref<!tpu.dma_semaphore, #tpu.memory_space<semaphore_mem>>) src(%dma_wait3A_380 : memref<128x128xf32, #tpu.memory_space<vmem_shared>>) dst(%dma_wait3A_378 : memref<128x128xf32, #tpu.memory_space<vmem>>)
      tpu.yield
    }) : () -> ()
    %dma_start3A_165 = arith.constant 1 : i32
    %dma_start3A_166 = arith.constant 0 : i32
    %dma_start3A_167 = arith.constant 0 : i32
    %dma_start3A_168 = tpu.memref_slice %arg8[%dma_start3A_165, %dma_start3A_166, %dma_start3A_167] : memref<2x128x128xf32, #tpu.memory_space<vmem>> -> memref<1x128x128xf32, #tpu.memory_space<vmem>>
    %dma_start3A_169 = tpu.memref_squeeze %dma_start3A_168 : memref<1x128x128xf32, #tpu.memory_space<vmem>> -> memref<128x128xf32, #tpu.memory_space<vmem>>
    %dma_start3A_170 = arith.constant 0 : i32
    %dma_start3A_171 = tpu.memref_slice %arg5[%arg0, %mul3A_163, %dma_start3A_170] : memref<2x10240x128xf32, #tpu.memory_space<hbm>> -> memref<1x128x128xf32, #tpu.memory_space<hbm>>
    %dma_start3A_172 = tpu.memref_squeeze %dma_start3A_171 : memref<1x128x128xf32, #tpu.memory_space<hbm>> -> memref<128x128xf32, #tpu.memory_space<hbm>>
    %dma_start3A_173 = arith.constant 0 : i32
    %dma_start3A_174 = tpu.memref_slice %arg5[%arg0, %mul3A_163, %dma_start3A_173] : memref<2x10240x128xf32, #tpu.memory_space<hbm>> -> memref<1x128x128xf32, #tpu.memory_space<hbm>>
    %dma_start3A_175 = tpu.memref_squeeze %dma_start3A_174 : memref<1x128x128xf32, #tpu.memory_space<hbm>> -> memref<128x128xf32, #tpu.memory_space<hbm>>
    %dma_start3A_176 = arith.constant 0 : i32
    %dma_start3A_177 = arith.constant 0 : i32
    %dma_start3A_178 = tpu.memref_slice %arg8[%dma_start3A_165, %dma_start3A_176, %dma_start3A_177] : memref<2x128x128xf32, #tpu.memory_space<vmem>> -> memref<1x128x128xf32, #tpu.memory_space<vmem>>
    %dma_start3A_179 = tpu.memref_squeeze %dma_start3A_178 : memref<1x128x128xf32, #tpu.memory_space<vmem>> -> memref<128x128xf32, #tpu.memory_space<vmem>>
    tpu.enqueue_dma source(%dma_start3A_179 : memref<128x128xf32, #tpu.memory_space<vmem>>) target(%dma_start3A_175 : memref<128x128xf32, #tpu.memory_space<hbm>>) target_semaphore(%arg11 : memref<!tpu.dma_semaphore, #tpu.memory_space<semaphore_mem>>)
    %mul3A_180 = arith.constant 5 : i32
    %mul3A_181 = arith.muli %arg1, %mul3A_180 : i32
    %add3A_182 = arith.constant 2 : i32
    %add3A_183 = arith.addi %mul3A_181, %add3A_182 : i32
    %mul3A_184 = arith.constant 128 : i32
    %mul3A_185 = arith.muli %add3A_183, %mul3A_184 : i32
    %mul3A_186 = arith.constant 5 : i32
    %mul3A_187 = arith.muli %arg1, %mul3A_186 : i32
    %add3A_188 = arith.constant 2 : i32
    %add3A_189 = arith.addi %mul3A_187, %add3A_188 : i32
    %sub3A = arith.constant 2 : i32
    %sub3A_190 = arith.subi %add3A_189, %sub3A : i32
    %mul3A_191 = arith.constant 128 : i32
    %mul3A_192 = arith.muli %sub3A_190, %mul3A_191 : i32
    %dma_wait3A_193 = arith.constant 0 : i32
    %dma_wait3A_194 = arith.constant 0 : i32
    %dma_wait3A_195 = arith.constant 0 : i32
    %dma_wait3A_196 = tpu.memref_slice %arg8[%dma_wait3A_193, %dma_wait3A_194, %dma_wait3A_195] : memref<2x128x128xf32, #tpu.memory_space<vmem>> -> memref<1x128x128xf32, #tpu.memory_space<vmem>>
    %dma_wait3A_197 = tpu.memref_squeeze %dma_wait3A_196 : memref<1x128x128xf32, #tpu.memory_space<vmem>> -> memref<128x128xf32, #tpu.memory_space<vmem>>
    %dma_wait3A_198 = arith.constant 0 : i32
    %dma_wait3A_199 = tpu.memref_slice %arg5[%arg0, %mul3A_192, %dma_wait3A_198] : memref<2x10240x128xf32, #tpu.memory_space<hbm>> -> memref<1x128x128xf32, #tpu.memory_space<hbm>>
    %dma_wait3A_200 = tpu.memref_squeeze %dma_wait3A_199 : memref<1x128x128xf32, #tpu.memory_space<hbm>> -> memref<128x128xf32, #tpu.memory_space<hbm>>
    %dma_wait3A_201 = arith.constant 0 : i32
    %dma_wait3A_202 = tpu.memref_slice %arg5[%arg0, %mul3A_192, %dma_wait3A_201] : memref<2x10240x128xf32, #tpu.memory_space<hbm>> -> memref<1x128x128xf32, #tpu.memory_space<hbm>>
    %dma_wait3A_203 = tpu.memref_squeeze %dma_wait3A_202 : memref<1x128x128xf32, #tpu.memory_space<hbm>> -> memref<128x128xf32, #tpu.memory_space<hbm>>
    %dma_wait3A_204 = arith.constant 0 : i32
    %dma_wait3A_205 = arith.constant 0 : i32
    %dma_wait3A_206 = tpu.memref_slice %arg8[%dma_wait3A_193, %dma_wait3A_204, %dma_wait3A_205] : memref<2x128x128xf32, #tpu.memory_space<vmem>> -> memref<1x128x128xf32, #tpu.memory_space<vmem>>
    %dma_wait3A_207 = tpu.memref_squeeze %dma_wait3A_206 : memref<1x128x128xf32, #tpu.memory_space<vmem>> -> memref<128x128xf32, #tpu.memory_space<vmem>>
    tpu.wait_dma2 semaphore(%arg10 : memref<!tpu.dma_semaphore, #tpu.memory_space<semaphore_mem>>) src(%dma_wait3A_207 : memref<128x128xf32, #tpu.memory_space<vmem>>) dst(%dma_wait3A_203 : memref<128x128xf32, #tpu.memory_space<hbm>>)
    %run_scoped3A_208 = arith.constant 0 : i32
    "tpu.region"() ({
      %run_scoped3A_356 = tpu.sem_alloc : memref<!tpu.dma_semaphore, #tpu.memory_space<semaphore_mem>>
      %dma_start3A_357 = arith.constant 0 : i32
      %dma_start3A_358 = arith.constant 0 : i32
      %dma_start3A_359 = tpu.memref_slice %arg8[%run_scoped3A_208, %dma_start3A_357, %dma_start3A_358] : memref<2x128x128xf32, #tpu.memory_space<vmem>> -> memref<1x128x128xf32, #tpu.memory_space<vmem>>
      %dma_start3A_360 = tpu.memref_squeeze %dma_start3A_359 : memref<1x128x128xf32, #tpu.memory_space<vmem>> -> memref<128x128xf32, #tpu.memory_space<vmem>>
      %dma_start3A_361 = arith.constant 0 : i32
      %dma_start3A_362 = tpu.memref_slice %arg9[%mul3A_185, %dma_start3A_361] : memref<10240x128xf32, #tpu.memory_space<vmem_shared>> -> memref<128x128xf32, #tpu.memory_space<vmem_shared>>
      %dma_start3A_363 = arith.constant 0 : i32
      %dma_start3A_364 = arith.constant 0 : i32
      %dma_start3A_365 = tpu.memref_slice %arg8[%run_scoped3A_208, %dma_start3A_363, %dma_start3A_364] : memref<2x128x128xf32, #tpu.memory_space<vmem>> -> memref<1x128x128xf32, #tpu.memory_space<vmem>>
      %dma_start3A_366 = tpu.memref_squeeze %dma_start3A_365 : memref<1x128x128xf32, #tpu.memory_space<vmem>> -> memref<128x128xf32, #tpu.memory_space<vmem>>
      %dma_start3A_367 = arith.constant 0 : i32
      %dma_start3A_368 = tpu.memref_slice %arg9[%mul3A_185, %dma_start3A_367] : memref<10240x128xf32, #tpu.memory_space<vmem_shared>> -> memref<128x128xf32, #tpu.memory_space<vmem_shared>>
      tpu.enqueue_dma source(%dma_start3A_368 : memref<128x128xf32, #tpu.memory_space<vmem_shared>>) target(%dma_start3A_366 : memref<128x128xf32, #tpu.memory_space<vmem>>) target_semaphore(%run_scoped3A_356 : memref<!tpu.dma_semaphore, #tpu.memory_space<semaphore_mem>>)
      %dma_wait3A_369 = arith.constant 0 : i32
      %dma_wait3A_370 = arith.constant 0 : i32
      %dma_wait3A_371 = tpu.memref_slice %arg8[%run_scoped3A_208, %dma_wait3A_369, %dma_wait3A_370] : memref<2x128x128xf32, #tpu.memory_space<vmem>> -> memref<1x128x128xf32, #tpu.memory_space<vmem>>
      %dma_wait3A_372 = tpu.memref_squeeze %dma_wait3A_371 : memref<1x128x128xf32, #tpu.memory_space<vmem>> -> memref<128x128xf32, #tpu.memory_space<vmem>>
      %dma_wait3A_373 = arith.constant 0 : i32
      %dma_wait3A_374 = tpu.memref_slice %arg9[%mul3A_185, %dma_wait3A_373] : memref<10240x128xf32, #tpu.memory_space<vmem_shared>> -> memref<128x128xf32, #tpu.memory_space<vmem_shared>>
      %dma_wait3A_375 = arith.constant 0 : i32
      %dma_wait3A_376 = arith.constant 0 : i32
      %dma_wait3A_377 = tpu.memref_slice %arg8[%run_scoped3A_208, %dma_wait3A_375, %dma_wait3A_376] : memref<2x128x128xf32, #tpu.memory_space<vmem>> -> memref<1x128x128xf32, #tpu.memory_space<vmem>>
      %dma_wait3A_378 = tpu.memref_squeeze %dma_wait3A_377 : memref<1x128x128xf32, #tpu.memory_space<vmem>> -> memref<128x128xf32, #tpu.memory_space<vmem>>
      %dma_wait3A_379 = arith.constant 0 : i32
      %dma_wait3A_380 = tpu.memref_slice %arg9[%mul3A_185, %dma_wait3A_379] : memref<10240x128xf32, #tpu.memory_space<vmem_shared>> -> memref<128x128xf32, #tpu.memory_space<vmem_shared>>
      tpu.wait_dma2 semaphore(%run_scoped3A_356 : memref<!tpu.dma_semaphore, #tpu.memory_space<semaphore_mem>>) src(%dma_wait3A_380 : memref<128x128xf32, #tpu.memory_space<vmem_shared>>) dst(%dma_wait3A_378 : memref<128x128xf32, #tpu.memory_space<vmem>>)
      tpu.yield
    }) : () -> ()
    %dma_start3A_209 = arith.constant 0 : i32
    %dma_start3A_210 = arith.constant 0 : i32
    %dma_start3A_211 = arith.constant 0 : i32
    %dma_start3A_212 = tpu.memref_slice %arg8[%dma_start3A_209, %dma_start3A_210, %dma_start3A_211] : memref<2x128x128xf32, #tpu.memory_space<vmem>> -> memref<1x128x128xf32, #tpu.memory_space<vmem>>
    %dma_start3A_213 = tpu.memref_squeeze %dma_start3A_212 : memref<1x128x128xf32, #tpu.memory_space<vmem>> -> memref<128x128xf32, #tpu.memory_space<vmem>>
    %dma_start3A_214 = arith.constant 0 : i32
    %dma_start3A_215 = tpu.memref_slice %arg5[%arg0, %mul3A_185, %dma_start3A_214] : memref<2x10240x128xf32, #tpu.memory_space<hbm>> -> memref<1x128x128xf32, #tpu.memory_space<hbm>>
    %dma_start3A_216 = tpu.memref_squeeze %dma_start3A_215 : memref<1x128x128xf32, #tpu.memory_space<hbm>> -> memref<128x128xf32, #tpu.memory_space<hbm>>
    %dma_start3A_217 = arith.constant 0 : i32
    %dma_start3A_218 = tpu.memref_slice %arg5[%arg0, %mul3A_185, %dma_start3A_217] : memref<2x10240x128xf32, #tpu.memory_space<hbm>> -> memref<1x128x128xf32, #tpu.memory_space<hbm>>
    %dma_start3A_219 = tpu.memref_squeeze %dma_start3A_218 : memref<1x128x128xf32, #tpu.memory_space<hbm>> -> memref<128x128xf32, #tpu.memory_space<hbm>>
    %dma_start3A_220 = arith.constant 0 : i32
    %dma_start3A_221 = arith.constant 0 : i32
    %dma_start3A_222 = tpu.memref_slice %arg8[%dma_start3A_209, %dma_start3A_220, %dma_start3A_221] : memref<2x128x128xf32, #tpu.memory_space<vmem>> -> memref<1x128x128xf32, #tpu.memory_space<vmem>>
    %dma_start3A_223 = tpu.memref_squeeze %dma_start3A_222 : memref<1x128x128xf32, #tpu.memory_space<vmem>> -> memref<128x128xf32, #tpu.memory_space<vmem>>
    tpu.enqueue_dma source(%dma_start3A_223 : memref<128x128xf32, #tpu.memory_space<vmem>>) target(%dma_start3A_219 : memref<128x128xf32, #tpu.memory_space<hbm>>) target_semaphore(%arg10 : memref<!tpu.dma_semaphore, #tpu.memory_space<semaphore_mem>>)
    %mul3A_224 = arith.constant 5 : i32
    %mul3A_225 = arith.muli %arg1, %mul3A_224 : i32
    %add3A_226 = arith.constant 3 : i32
    %add3A_227 = arith.addi %mul3A_225, %add3A_226 : i32
    %mul3A_228 = arith.constant 128 : i32
    %mul3A_229 = arith.muli %add3A_227, %mul3A_228 : i32
    %mul3A_230 = arith.constant 5 : i32
    %mul3A_231 = arith.muli %arg1, %mul3A_230 : i32
    %add3A_232 = arith.constant 3 : i32
    %add3A_233 = arith.addi %mul3A_231, %add3A_232 : i32
    %sub3A_234 = arith.constant 2 : i32
    %sub3A_235 = arith.subi %add3A_233, %sub3A_234 : i32
    %mul3A_236 = arith.constant 128 : i32
    %mul3A_237 = arith.muli %sub3A_235, %mul3A_236 : i32
    %dma_wait3A_238 = arith.constant 1 : i32
    %dma_wait3A_239 = arith.constant 0 : i32
    %dma_wait3A_240 = arith.constant 0 : i32
    %dma_wait3A_241 = tpu.memref_slice %arg8[%dma_wait3A_238, %dma_wait3A_239, %dma_wait3A_240] : memref<2x128x128xf32, #tpu.memory_space<vmem>> -> memref<1x128x128xf32, #tpu.memory_space<vmem>>
    %dma_wait3A_242 = tpu.memref_squeeze %dma_wait3A_241 : memref<1x128x128xf32, #tpu.memory_space<vmem>> -> memref<128x128xf32, #tpu.memory_space<vmem>>
    %dma_wait3A_243 = arith.constant 0 : i32
    %dma_wait3A_244 = tpu.memref_slice %arg5[%arg0, %mul3A_237, %dma_wait3A_243] : memref<2x10240x128xf32, #tpu.memory_space<hbm>> -> memref<1x128x128xf32, #tpu.memory_space<hbm>>
    %dma_wait3A_245 = tpu.memref_squeeze %dma_wait3A_244 : memref<1x128x128xf32, #tpu.memory_space<hbm>> -> memref<128x128xf32, #tpu.memory_space<hbm>>
    %dma_wait3A_246 = arith.constant 0 : i32
    %dma_wait3A_247 = tpu.memref_slice %arg5[%arg0, %mul3A_237, %dma_wait3A_246] : memref<2x10240x128xf32, #tpu.memory_space<hbm>> -> memref<1x128x128xf32, #tpu.memory_space<hbm>>
    %dma_wait3A_248 = tpu.memref_squeeze %dma_wait3A_247 : memref<1x128x128xf32, #tpu.memory_space<hbm>> -> memref<128x128xf32, #tpu.memory_space<hbm>>
    %dma_wait3A_249 = arith.constant 0 : i32
    %dma_wait3A_250 = arith.constant 0 : i32
    %dma_wait3A_251 = tpu.memref_slice %arg8[%dma_wait3A_238, %dma_wait3A_249, %dma_wait3A_250] : memref<2x128x128xf32, #tpu.memory_space<vmem>> -> memref<1x128x128xf32, #tpu.memory_space<vmem>>
    %dma_wait3A_252 = tpu.memref_squeeze %dma_wait3A_251 : memref<1x128x128xf32, #tpu.memory_space<vmem>> -> memref<128x128xf32, #tpu.memory_space<vmem>>
    tpu.wait_dma2 semaphore(%arg11 : memref<!tpu.dma_semaphore, #tpu.memory_space<semaphore_mem>>) src(%dma_wait3A_252 : memref<128x128xf32, #tpu.memory_space<vmem>>) dst(%dma_wait3A_248 : memref<128x128xf32, #tpu.memory_space<hbm>>)
    %run_scoped3A_253 = arith.constant 1 : i32
    "tpu.region"() ({
      %run_scoped3A_356 = tpu.sem_alloc : memref<!tpu.dma_semaphore, #tpu.memory_space<semaphore_mem>>
      %dma_start3A_357 = arith.constant 0 : i32
      %dma_start3A_358 = arith.constant 0 : i32
      %dma_start3A_359 = tpu.memref_slice %arg8[%run_scoped3A_253, %dma_start3A_357, %dma_start3A_358] : memref<2x128x128xf32, #tpu.memory_space<vmem>> -> memref<1x128x128xf32, #tpu.memory_space<vmem>>
      %dma_start3A_360 = tpu.memref_squeeze %dma_start3A_359 : memref<1x128x128xf32, #tpu.memory_space<vmem>> -> memref<128x128xf32, #tpu.memory_space<vmem>>
      %dma_start3A_361 = arith.constant 0 : i32
      %dma_start3A_362 = tpu.memref_slice %arg9[%mul3A_229, %dma_start3A_361] : memref<10240x128xf32, #tpu.memory_space<vmem_shared>> -> memref<128x128xf32, #tpu.memory_space<vmem_shared>>
      %dma_start3A_363 = arith.constant 0 : i32
      %dma_start3A_364 = arith.constant 0 : i32
      %dma_start3A_365 = tpu.memref_slice %arg8[%run_scoped3A_253, %dma_start3A_363, %dma_start3A_364] : memref<2x128x128xf32, #tpu.memory_space<vmem>> -> memref<1x128x128xf32, #tpu.memory_space<vmem>>
      %dma_start3A_366 = tpu.memref_squeeze %dma_start3A_365 : memref<1x128x128xf32, #tpu.memory_space<vmem>> -> memref<128x128xf32, #tpu.memory_space<vmem>>
      %dma_start3A_367 = arith.constant 0 : i32
      %dma_start3A_368 = tpu.memref_slice %arg9[%mul3A_229, %dma_start3A_367] : memref<10240x128xf32, #tpu.memory_space<vmem_shared>> -> memref<128x128xf32, #tpu.memory_space<vmem_shared>>
      tpu.enqueue_dma source(%dma_start3A_368 : memref<128x128xf32, #tpu.memory_space<vmem_shared>>) target(%dma_start3A_366 : memref<128x128xf32, #tpu.memory_space<vmem>>) target_semaphore(%run_scoped3A_356 : memref<!tpu.dma_semaphore, #tpu.memory_space<semaphore_mem>>)
      %dma_wait3A_369 = arith.constant 0 : i32
      %dma_wait3A_370 = arith.constant 0 : i32
      %dma_wait3A_371 = tpu.memref_slice %arg8[%run_scoped3A_253, %dma_wait3A_369, %dma_wait3A_370] : memref<2x128x128xf32, #tpu.memory_space<vmem>> -> memref<1x128x128xf32, #tpu.memory_space<vmem>>
      %dma_wait3A_372 = tpu.memref_squeeze %dma_wait3A_371 : memref<1x128x128xf32, #tpu.memory_space<vmem>> -> memref<128x128xf32, #tpu.memory_space<vmem>>
      %dma_wait3A_373 = arith.constant 0 : i32
      %dma_wait3A_374 = tpu.memref_slice %arg9[%mul3A_229, %dma_wait3A_373] : memref<10240x128xf32, #tpu.memory_space<vmem_shared>> -> memref<128x128xf32, #tpu.memory_space<vmem_shared>>
      %dma_wait3A_375 = arith.constant 0 : i32
      %dma_wait3A_376 = arith.constant 0 : i32
      %dma_wait3A_377 = tpu.memref_slice %arg8[%run_scoped3A_253, %dma_wait3A_375, %dma_wait3A_376] : memref<2x128x128xf32, #tpu.memory_space<vmem>> -> memref<1x128x128xf32, #tpu.memory_space<vmem>>
      %dma_wait3A_378 = tpu.memref_squeeze %dma_wait3A_377 : memref<1x128x128xf32, #tpu.memory_space<vmem>> -> memref<128x128xf32, #tpu.memory_space<vmem>>
      %dma_wait3A_379 = arith.constant 0 : i32
      %dma_wait3A_380 = tpu.memref_slice %arg9[%mul3A_229, %dma_wait3A_379] : memref<10240x128xf32, #tpu.memory_space<vmem_shared>> -> memref<128x128xf32, #tpu.memory_space<vmem_shared>>
      tpu.wait_dma2 semaphore(%run_scoped3A_356 : memref<!tpu.dma_semaphore, #tpu.memory_space<semaphore_mem>>) src(%dma_wait3A_380 : memref<128x128xf32, #tpu.memory_space<vmem_shared>>) dst(%dma_wait3A_378 : memref<128x128xf32, #tpu.memory_space<vmem>>)
      tpu.yield
    }) : () -> ()
    %dma_start3A_254 = arith.constant 1 : i32
    %dma_start3A_255 = arith.constant 0 : i32
    %dma_start3A_256 = arith.constant 0 : i32
    %dma_start3A_257 = tpu.memref_slice %arg8[%dma_start3A_254, %dma_start3A_255, %dma_start3A_256] : memref<2x128x128xf32, #tpu.memory_space<vmem>> -> memref<1x128x128xf32, #tpu.memory_space<vmem>>
    %dma_start3A_258 = tpu.memref_squeeze %dma_start3A_257 : memref<1x128x128xf32, #tpu.memory_space<vmem>> -> memref<128x128xf32, #tpu.memory_space<vmem>>
    %dma_start3A_259 = arith.constant 0 : i32
    %dma_start3A_260 = tpu.memref_slice %arg5[%arg0, %mul3A_229, %dma_start3A_259] : memref<2x10240x128xf32, #tpu.memory_space<hbm>> -> memref<1x128x128xf32, #tpu.memory_space<hbm>>
    %dma_start3A_261 = tpu.memref_squeeze %dma_start3A_260 : memref<1x128x128xf32, #tpu.memory_space<hbm>> -> memref<128x128xf32, #tpu.memory_space<hbm>>
    %dma_start3A_262 = arith.constant 0 : i32
    %dma_start3A_263 = tpu.memref_slice %arg5[%arg0, %mul3A_229, %dma_start3A_262] : memref<2x10240x128xf32, #tpu.memory_space<hbm>> -> memref<1x128x128xf32, #tpu.memory_space<hbm>>
    %dma_start3A_264 = tpu.memref_squeeze %dma_start3A_263 : memref<1x128x128xf32, #tpu.memory_space<hbm>> -> memref<128x128xf32, #tpu.memory_space<hbm>>
    %dma_start3A_265 = arith.constant 0 : i32
    %dma_start3A_266 = arith.constant 0 : i32
    %dma_start3A_267 = tpu.memref_slice %arg8[%dma_start3A_254, %dma_start3A_265, %dma_start3A_266] : memref<2x128x128xf32, #tpu.memory_space<vmem>> -> memref<1x128x128xf32, #tpu.memory_space<vmem>>
    %dma_start3A_268 = tpu.memref_squeeze %dma_start3A_267 : memref<1x128x128xf32, #tpu.memory_space<vmem>> -> memref<128x128xf32, #tpu.memory_space<vmem>>
    tpu.enqueue_dma source(%dma_start3A_268 : memref<128x128xf32, #tpu.memory_space<vmem>>) target(%dma_start3A_264 : memref<128x128xf32, #tpu.memory_space<hbm>>) target_semaphore(%arg11 : memref<!tpu.dma_semaphore, #tpu.memory_space<semaphore_mem>>)
    %mul3A_269 = arith.constant 5 : i32
    %mul3A_270 = arith.muli %arg1, %mul3A_269 : i32
    %add3A_271 = arith.constant 4 : i32
    %add3A_272 = arith.addi %mul3A_270, %add3A_271 : i32
    %mul3A_273 = arith.constant 128 : i32
    %mul3A_274 = arith.muli %add3A_272, %mul3A_273 : i32
    %mul3A_275 = arith.constant 5 : i32
    %mul3A_276 = arith.muli %arg1, %mul3A_275 : i32
    %add3A_277 = arith.constant 4 : i32
    %add3A_278 = arith.addi %mul3A_276, %add3A_277 : i32
    %sub3A_279 = arith.constant 2 : i32
    %sub3A_280 = arith.subi %add3A_278, %sub3A_279 : i32
    %mul3A_281 = arith.constant 128 : i32
    %mul3A_282 = arith.muli %sub3A_280, %mul3A_281 : i32
    %dma_wait3A_283 = arith.constant 0 : i32
    %dma_wait3A_284 = arith.constant 0 : i32
    %dma_wait3A_285 = arith.constant 0 : i32
    %dma_wait3A_286 = tpu.memref_slice %arg8[%dma_wait3A_283, %dma_wait3A_284, %dma_wait3A_285] : memref<2x128x128xf32, #tpu.memory_space<vmem>> -> memref<1x128x128xf32, #tpu.memory_space<vmem>>
    %dma_wait3A_287 = tpu.memref_squeeze %dma_wait3A_286 : memref<1x128x128xf32, #tpu.memory_space<vmem>> -> memref<128x128xf32, #tpu.memory_space<vmem>>
    %dma_wait3A_288 = arith.constant 0 : i32
    %dma_wait3A_289 = tpu.memref_slice %arg5[%arg0, %mul3A_282, %dma_wait3A_288] : memref<2x10240x128xf32, #tpu.memory_space<hbm>> -> memref<1x128x128xf32, #tpu.memory_space<hbm>>
    %dma_wait3A_290 = tpu.memref_squeeze %dma_wait3A_289 : memref<1x128x128xf32, #tpu.memory_space<hbm>> -> memref<128x128xf32, #tpu.memory_space<hbm>>
    %dma_wait3A_291 = arith.constant 0 : i32
    %dma_wait3A_292 = tpu.memref_slice %arg5[%arg0, %mul3A_282, %dma_wait3A_291] : memref<2x10240x128xf32, #tpu.memory_space<hbm>> -> memref<1x128x128xf32, #tpu.memory_space<hbm>>
    %dma_wait3A_293 = tpu.memref_squeeze %dma_wait3A_292 : memref<1x128x128xf32, #tpu.memory_space<hbm>> -> memref<128x128xf32, #tpu.memory_space<hbm>>
    %dma_wait3A_294 = arith.constant 0 : i32
    %dma_wait3A_295 = arith.constant 0 : i32
    %dma_wait3A_296 = tpu.memref_slice %arg8[%dma_wait3A_283, %dma_wait3A_294, %dma_wait3A_295] : memref<2x128x128xf32, #tpu.memory_space<vmem>> -> memref<1x128x128xf32, #tpu.memory_space<vmem>>
    %dma_wait3A_297 = tpu.memref_squeeze %dma_wait3A_296 : memref<1x128x128xf32, #tpu.memory_space<vmem>> -> memref<128x128xf32, #tpu.memory_space<vmem>>
    tpu.wait_dma2 semaphore(%arg10 : memref<!tpu.dma_semaphore, #tpu.memory_space<semaphore_mem>>) src(%dma_wait3A_297 : memref<128x128xf32, #tpu.memory_space<vmem>>) dst(%dma_wait3A_293 : memref<128x128xf32, #tpu.memory_space<hbm>>)
    %run_scoped3A_298 = arith.constant 0 : i32
    "tpu.region"() ({
      %run_scoped3A_356 = tpu.sem_alloc : memref<!tpu.dma_semaphore, #tpu.memory_space<semaphore_mem>>
      %dma_start3A_357 = arith.constant 0 : i32
      %dma_start3A_358 = arith.constant 0 : i32
      %dma_start3A_359 = tpu.memref_slice %arg8[%run_scoped3A_298, %dma_start3A_357, %dma_start3A_358] : memref<2x128x128xf32, #tpu.memory_space<vmem>> -> memref<1x128x128xf32, #tpu.memory_space<vmem>>
      %dma_start3A_360 = tpu.memref_squeeze %dma_start3A_359 : memref<1x128x128xf32, #tpu.memory_space<vmem>> -> memref<128x128xf32, #tpu.memory_space<vmem>>
      %dma_start3A_361 = arith.constant 0 : i32
      %dma_start3A_362 = tpu.memref_slice %arg9[%mul3A_274, %dma_start3A_361] : memref<10240x128xf32, #tpu.memory_space<vmem_shared>> -> memref<128x128xf32, #tpu.memory_space<vmem_shared>>
      %dma_start3A_363 = arith.constant 0 : i32
      %dma_start3A_364 = arith.constant 0 : i32
      %dma_start3A_365 = tpu.memref_slice %arg8[%run_scoped3A_298, %dma_start3A_363, %dma_start3A_364] : memref<2x128x128xf32, #tpu.memory_space<vmem>> -> memref<1x128x128xf32, #tpu.memory_space<vmem>>
      %dma_start3A_366 = tpu.memref_squeeze %dma_start3A_365 : memref<1x128x128xf32, #tpu.memory_space<vmem>> -> memref<128x128xf32, #tpu.memory_space<vmem>>
      %dma_start3A_367 = arith.constant 0 : i32
      %dma_start3A_368 = tpu.memref_slice %arg9[%mul3A_274, %dma_start3A_367] : memref<10240x128xf32, #tpu.memory_space<vmem_shared>> -> memref<128x128xf32, #tpu.memory_space<vmem_shared>>
      tpu.enqueue_dma source(%dma_start3A_368 : memref<128x128xf32, #tpu.memory_space<vmem_shared>>) target(%dma_start3A_366 : memref<128x128xf32, #tpu.memory_space<vmem>>) target_semaphore(%run_scoped3A_356 : memref<!tpu.dma_semaphore, #tpu.memory_space<semaphore_mem>>)
      %dma_wait3A_369 = arith.constant 0 : i32
      %dma_wait3A_370 = arith.constant 0 : i32
      %dma_wait3A_371 = tpu.memref_slice %arg8[%run_scoped3A_298, %dma_wait3A_369, %dma_wait3A_370] : memref<2x128x128xf32, #tpu.memory_space<vmem>> -> memref<1x128x128xf32, #tpu.memory_space<vmem>>
      %dma_wait3A_372 = tpu.memref_squeeze %dma_wait3A_371 : memref<1x128x128xf32, #tpu.memory_space<vmem>> -> memref<128x128xf32, #tpu.memory_space<vmem>>
      %dma_wait3A_373 = arith.constant 0 : i32
      %dma_wait3A_374 = tpu.memref_slice %arg9[%mul3A_274, %dma_wait3A_373] : memref<10240x128xf32, #tpu.memory_space<vmem_shared>> -> memref<128x128xf32, #tpu.memory_space<vmem_shared>>
      %dma_wait3A_375 = arith.constant 0 : i32
      %dma_wait3A_376 = arith.constant 0 : i32
      %dma_wait3A_377 = tpu.memref_slice %arg8[%run_scoped3A_298, %dma_wait3A_375, %dma_wait3A_376] : memref<2x128x128xf32, #tpu.memory_space<vmem>> -> memref<1x128x128xf32, #tpu.memory_space<vmem>>
      %dma_wait3A_378 = tpu.memref_squeeze %dma_wait3A_377 : memref<1x128x128xf32, #tpu.memory_space<vmem>> -> memref<128x128xf32, #tpu.memory_space<vmem>>
      %dma_wait3A_379 = arith.constant 0 : i32
      %dma_wait3A_380 = tpu.memref_slice %arg9[%mul3A_274, %dma_wait3A_379] : memref<10240x128xf32, #tpu.memory_space<vmem_shared>> -> memref<128x128xf32, #tpu.memory_space<vmem_shared>>
      tpu.wait_dma2 semaphore(%run_scoped3A_356 : memref<!tpu.dma_semaphore, #tpu.memory_space<semaphore_mem>>) src(%dma_wait3A_380 : memref<128x128xf32, #tpu.memory_space<vmem_shared>>) dst(%dma_wait3A_378 : memref<128x128xf32, #tpu.memory_space<vmem>>)
      tpu.yield
    }) : () -> ()
    %dma_start3A_299 = arith.constant 0 : i32
    %dma_start3A_300 = arith.constant 0 : i32
    %dma_start3A_301 = arith.constant 0 : i32
    %dma_start3A_302 = tpu.memref_slice %arg8[%dma_start3A_299, %dma_start3A_300, %dma_start3A_301] : memref<2x128x128xf32, #tpu.memory_space<vmem>> -> memref<1x128x128xf32, #tpu.memory_space<vmem>>
    %dma_start3A_303 = tpu.memref_squeeze %dma_start3A_302 : memref<1x128x128xf32, #tpu.memory_space<vmem>> -> memref<128x128xf32, #tpu.memory_space<vmem>>
    %dma_start3A_304 = arith.constant 0 : i32
    %dma_start3A_305 = tpu.memref_slice %arg5[%arg0, %mul3A_274, %dma_start3A_304] : memref<2x10240x128xf32, #tpu.memory_space<hbm>> -> memref<1x128x128xf32, #tpu.memory_space<hbm>>
    %dma_start3A_306 = tpu.memref_squeeze %dma_start3A_305 : memref<1x128x128xf32, #tpu.memory_space<hbm>> -> memref<128x128xf32, #tpu.memory_space<hbm>>
    %dma_start3A_307 = arith.constant 0 : i32
    %dma_start3A_308 = tpu.memref_slice %arg5[%arg0, %mul3A_274, %dma_start3A_307] : memref<2x10240x128xf32, #tpu.memory_space<hbm>> -> memref<1x128x128xf32, #tpu.memory_space<hbm>>
    %dma_start3A_309 = tpu.memref_squeeze %dma_start3A_308 : memref<1x128x128xf32, #tpu.memory_space<hbm>> -> memref<128x128xf32, #tpu.memory_space<hbm>>
    %dma_start3A_310 = arith.constant 0 : i32
    %dma_start3A_311 = arith.constant 0 : i32
    %dma_start3A_312 = tpu.memref_slice %arg8[%dma_start3A_299, %dma_start3A_310, %dma_start3A_311] : memref<2x128x128xf32, #tpu.memory_space<vmem>> -> memref<1x128x128xf32, #tpu.memory_space<vmem>>
    %dma_start3A_313 = tpu.memref_squeeze %dma_start3A_312 : memref<1x128x128xf32, #tpu.memory_space<vmem>> -> memref<128x128xf32, #tpu.memory_space<vmem>>
    tpu.enqueue_dma source(%dma_start3A_313 : memref<128x128xf32, #tpu.memory_space<vmem>>) target(%dma_start3A_309 : memref<128x128xf32, #tpu.memory_space<hbm>>) target_semaphore(%arg10 : memref<!tpu.dma_semaphore, #tpu.memory_space<semaphore_mem>>)
    %mul3A_314 = arith.constant 5 : i32
    %mul3A_315 = arith.muli %arg1, %mul3A_314 : i32
    %add3A_316 = arith.constant 3 : i32
    %add3A_317 = arith.addi %mul3A_315, %add3A_316 : i32
    %mul3A_318 = arith.constant 128 : i32
    %mul3A_319 = arith.muli %add3A_317, %mul3A_318 : i32
    %dma_wait3A_320 = arith.constant 1 : i32
    %dma_wait3A_321 = arith.constant 0 : i32
    %dma_wait3A_322 = arith.constant 0 : i32
    %dma_wait3A_323 = tpu.memref_slice %arg8[%dma_wait3A_320, %dma_wait3A_321, %dma_wait3A_322] : memref<2x128x128xf32, #tpu.memory_space<vmem>> -> memref<1x128x128xf32, #tpu.memory_space<vmem>>
    %dma_wait3A_324 = tpu.memref_squeeze %dma_wait3A_323 : memref<1x128x128xf32, #tpu.memory_space<vmem>> -> memref<128x128xf32, #tpu.memory_space<vmem>>
    %dma_wait3A_325 = arith.constant 0 : i32
    %dma_wait3A_326 = tpu.memref_slice %arg5[%arg0, %mul3A_319, %dma_wait3A_325] : memref<2x10240x128xf32, #tpu.memory_space<hbm>> -> memref<1x128x128xf32, #tpu.memory_space<hbm>>
    %dma_wait3A_327 = tpu.memref_squeeze %dma_wait3A_326 : memref<1x128x128xf32, #tpu.memory_space<hbm>> -> memref<128x128xf32, #tpu.memory_space<hbm>>
    %dma_wait3A_328 = arith.constant 0 : i32
    %dma_wait3A_329 = tpu.memref_slice %arg5[%arg0, %mul3A_319, %dma_wait3A_328] : memref<2x10240x128xf32, #tpu.memory_space<hbm>> -> memref<1x128x128xf32, #tpu.memory_space<hbm>>
    %dma_wait3A_330 = tpu.memref_squeeze %dma_wait3A_329 : memref<1x128x128xf32, #tpu.memory_space<hbm>> -> memref<128x128xf32, #tpu.memory_space<hbm>>
    %dma_wait3A_331 = arith.constant 0 : i32
    %dma_wait3A_332 = arith.constant 0 : i32
    %dma_wait3A_333 = tpu.memref_slice %arg8[%dma_wait3A_320, %dma_wait3A_331, %dma_wait3A_332] : memref<2x128x128xf32, #tpu.memory_space<vmem>> -> memref<1x128x128xf32, #tpu.memory_space<vmem>>
    %dma_wait3A_334 = tpu.memref_squeeze %dma_wait3A_333 : memref<1x128x128xf32, #tpu.memory_space<vmem>> -> memref<128x128xf32, #tpu.memory_space<vmem>>
    tpu.wait_dma2 semaphore(%arg11 : memref<!tpu.dma_semaphore, #tpu.memory_space<semaphore_mem>>) src(%dma_wait3A_334 : memref<128x128xf32, #tpu.memory_space<vmem>>) dst(%dma_wait3A_330 : memref<128x128xf32, #tpu.memory_space<hbm>>)
    %mul3A_335 = arith.constant 5 : i32
    %mul3A_336 = arith.muli %arg1, %mul3A_335 : i32
    %add3A_337 = arith.constant 4 : i32
    %add3A_338 = arith.addi %mul3A_336, %add3A_337 : i32
    %mul3A_339 = arith.constant 128 : i32
    %mul3A_340 = arith.muli %add3A_338, %mul3A_339 : i32
    %dma_wait3A_341 = arith.constant 0 : i32
    %dma_wait3A_342 = arith.constant 0 : i32
    %dma_wait3A_343 = arith.constant 0 : i32
    %dma_wait3A_344 = tpu.memref_slice %arg8[%dma_wait3A_341, %dma_wait3A_342, %dma_wait3A_343] : memref<2x128x128xf32, #tpu.memory_space<vmem>> -> memref<1x128x128xf32, #tpu.memory_space<vmem>>
    %dma_wait3A_345 = tpu.memref_squeeze %dma_wait3A_344 : memref<1x128x128xf32, #tpu.memory_space<vmem>> -> memref<128x128xf32, #tpu.memory_space<vmem>>
    %dma_wait3A_346 = arith.constant 0 : i32
    %dma_wait3A_347 = tpu.memref_slice %arg5[%arg0, %mul3A_340, %dma_wait3A_346] : memref<2x10240x128xf32, #tpu.memory_space<hbm>> -> memref<1x128x128xf32, #tpu.memory_space<hbm>>
    %dma_wait3A_348 = tpu.memref_squeeze %dma_wait3A_347 : memref<1x128x128xf32, #tpu.memory_space<hbm>> -> memref<128x128xf32, #tpu.memory_space<hbm>>
    %dma_wait3A_349 = arith.constant 0 : i32
    %dma_wait3A_350 = tpu.memref_slice %arg5[%arg0, %mul3A_340, %dma_wait3A_349] : memref<2x10240x128xf32, #tpu.memory_space<hbm>> -> memref<1x128x128xf32, #tpu.memory_space<hbm>>
    %dma_wait3A_351 = tpu.memref_squeeze %dma_wait3A_350 : memref<1x128x128xf32, #tpu.memory_space<hbm>> -> memref<128x128xf32, #tpu.memory_space<hbm>>
    %dma_wait3A_352 = arith.constant 0 : i32
    %dma_wait3A_353 = arith.constant 0 : i32
    %dma_wait3A_354 = tpu.memref_slice %arg8[%dma_wait3A_341, %dma_wait3A_352, %dma_wait3A_353] : memref<2x128x128xf32, #tpu.memory_space<vmem>> -> memref<1x128x128xf32, #tpu.memory_space<vmem>>
    %dma_wait3A_355 = tpu.memref_squeeze %dma_wait3A_354 : memref<1x128x128xf32, #tpu.memory_space<vmem>> -> memref<128x128xf32, #tpu.memory_space<vmem>>
    tpu.wait_dma2 semaphore(%arg10 : memref<!tpu.dma_semaphore, #tpu.memory_space<semaphore_mem>>) src(%dma_wait3A_355 : memref<128x128xf32, #tpu.memory_space<vmem>>) dst(%dma_wait3A_351 : memref<128x128xf32, #tpu.memory_space<hbm>>)
    return
  }
}

module attributes {stable_mosaic.version = 14 : i64} {
  func.func @_tc_first_body(%arg0: i32, %arg1: memref<1024x128xf32, #tpu.memory_space<vmem>>, %arg2: memref<128x128xf32, #tpu.memory_space<vmem>>, %arg3: memref<1024xf32, #tpu.memory_space<vmem>>, %arg4: memref<1024xf32, #tpu.memory_space<vmem>>, %arg5: memref<1024xf32, #tpu.memory_space<vmem>>, %arg6: memref<1024x128xf32, #tpu.memory_space<vmem>>) attributes {dimension_semantics = [#tpu.dimension_semantics<arbitrary>], iteration_bounds = array<i64: 10>, scalar_prefetch = 0 : i64, scratch_operands = 0 : i64, tpu.core_type = #tpu.core_type<tc>, window_params = [{transform_indices = @transform_0, window_bounds = array<i64: 1024, 128>}, {pipeline_mode = #tpu.pipeline_mode<synchronous>, transform_indices = @transform_1, window_bounds = array<i64: 128, 128>}, {transform_indices = @transform_2, window_bounds = array<i64: 1024>}, {transform_indices = @transform_3, window_bounds = array<i64: 1024>}, {transform_indices = @transform_4, window_bounds = array<i64: 1024>}, {transform_indices = @transform_5, window_bounds = array<i64: 1024, 128>}]} {
    %get3A = arith.constant 0 : index
    %get3A_0 = vector.load %arg3[%get3A] : memref<1024xf32, #tpu.memory_space<vmem>>, vector<1024xf32>
    %get3A_1 = arith.constant 0 : index
    %get3A_2 = vector.load %arg4[%get3A_1] : memref<1024xf32, #tpu.memory_space<vmem>>, vector<1024xf32>
    %add3A = arith.addf %get3A_0, %get3A_2 : vector<1024xf32>
    %add3A_3 = arith.constant 1.000000e+00 : f32
    %add3A_4 = vector.broadcast %add3A_3 : f32 to vector<1024xf32>
    %add3A_5 = arith.addf %add3A, %add3A_4 : vector<1024xf32>
    %rsqrt3A = math.rsqrt %add3A_5 : vector<1024xf32>
    %swap3A = arith.constant 0 : index
    %swap3A_6 = vector.load %arg5[%swap3A] : memref<1024xf32, #tpu.memory_space<vmem>>, vector<1024xf32>
    tpu.vector_store %arg5[%swap3A], %rsqrt3A {strides = array<i32>} : memref<1024xf32, #tpu.memory_space<vmem>>, vector<1024xf32>,
    %broadcast_in_dim3A = vector.shape_cast %rsqrt3A : vector<1024xf32> to vector<1024x1xf32>
    %get3A_7 = arith.constant 0 : index
    %get3A_8 = arith.constant 0 : index
    %get3A_9 = vector.load %arg1[%get3A_7, %get3A_8] : memref<1024x128xf32, #tpu.memory_space<vmem>>, vector<1024x128xf32>
    %get3A_10 = arith.constant 0 : index
    %get3A_11 = arith.constant 0 : index
    %get3A_12 = vector.load %arg2[%get3A_10, %get3A_11] : memref<128x128xf32, #tpu.memory_space<vmem>>, vector<128x128xf32>
    %dot_general3A = arith.constant dense<0.000000e+00> : vector<1024x128xf32>
    %dot_general3A_13 = tpu.matmul %get3A_9, %get3A_12, %dot_general3A {dimension_numbers = #tpu.dot_dimension_numbers<[1], [0], [0], [1], [0, 0, 1, 1], [], []>, transpose_lhs_hint = false} : vector<1024x128xf32>, vector<128x128xf32>, vector<1024x128xf32> -> vector<1024x128xf32>
    %mul3A = vector.broadcast %broadcast_in_dim3A : vector<1024x1xf32> to vector<1024x128xf32>
    %mul3A_14 = arith.mulf %mul3A, %dot_general3A_13 : vector<1024x128xf32>
    %swap3A_15 = arith.constant 0 : index
    %swap3A_16 = arith.constant 0 : index
    %swap3A_17 = vector.load %arg6[%swap3A_15, %swap3A_16] : memref<1024x128xf32, #tpu.memory_space<vmem>>, vector<1024x128xf32>
    tpu.vector_store %arg6[%swap3A_15, %swap3A_16], %mul3A_14 {strides = array<i32>} : memref<1024x128xf32, #tpu.memory_space<vmem>>, vector<1024x128xf32>,
    return
  }
  func.func @transform_0(%arg0: i32) -> (i32, i32) {
    %c0_i32 = arith.constant 0 : i32
    %c0_i32_0 = arith.constant 0 : i32
    return %arg0, %c0_i32 : i32, i32
  }
  func.func @transform_1(%arg0: i32) -> (i32, i32) {
    %c0_i32 = arith.constant 0 : i32
    %c0_i32_0 = arith.constant 0 : i32
    %c0_i32_1 = arith.constant 0 : i32
    return %c0_i32, %c0_i32_0 : i32, i32
  }
  func.func @transform_2(%arg0: i32) -> i32 {
    %c0_i32 = arith.constant 0 : i32
    return %arg0 : i32
  }
  func.func @transform_3(%arg0: i32) -> i32 {
    %c0_i32 = arith.constant 0 : i32
    return %arg0 : i32
  }
  func.func @transform_4(%arg0: i32) -> i32 {
    %c0_i32 = arith.constant 0 : i32
    return %arg0 : i32
  }
  func.func @transform_5(%arg0: i32) -> (i32, i32) {
    %c0_i32 = arith.constant 0 : i32
    %c0_i32_0 = arith.constant 0 : i32
    return %arg0, %c0_i32 : i32, i32
  }
}

module attributes {stable_mosaic.version = 14 : i64} {
  func.func @_tc_mid_body(%arg0: i32, %arg1: memref<1024x128xf32, #tpu.memory_space<vmem>>, %arg2: memref<1024x128xf32, #tpu.memory_space<vmem>>, %arg3: memref<1024x128xf32, #tpu.memory_space<vmem>>, %arg4: memref<1024xf32, #tpu.memory_space<vmem>>, %arg5: memref<128xf32, #tpu.memory_space<vmem>>, %arg6: memref<128xf32, #tpu.memory_space<vmem>>, %arg7: memref<128xf32, #tpu.memory_space<vmem>>, %arg8: memref<128x128xf32, #tpu.memory_space<vmem>>, %arg9: memref<1024x128xf32, #tpu.memory_space<vmem>>) attributes {dimension_semantics = [#tpu.dimension_semantics<arbitrary>], iteration_bounds = array<i64: 10>, scalar_prefetch = 0 : i64, scratch_operands = 0 : i64, tpu.core_type = #tpu.core_type<tc>, window_params = [{transform_indices = @transform_0, window_bounds = array<i64: 1024, 128>}, {transform_indices = @transform_1, window_bounds = array<i64: 1024, 128>}, {transform_indices = @transform_2, window_bounds = array<i64: 1024, 128>}, {transform_indices = @transform_3, window_bounds = array<i64: 1024>}, {pipeline_mode = #tpu.pipeline_mode<synchronous>, transform_indices = @transform_4, window_bounds = array<i64: 128>}, {pipeline_mode = #tpu.pipeline_mode<synchronous>, transform_indices = @transform_5, window_bounds = array<i64: 128>}, {pipeline_mode = #tpu.pipeline_mode<synchronous>, transform_indices = @transform_6, window_bounds = array<i64: 128>}, {pipeline_mode = #tpu.pipeline_mode<synchronous>, transform_indices = @transform_7, window_bounds = array<i64: 128, 128>}, {transform_indices = @transform_8, window_bounds = array<i64: 1024, 128>}]} {
    %get3A = arith.constant 0 : index
    %get3A_0 = vector.load %arg4[%get3A] : memref<1024xf32, #tpu.memory_space<vmem>>, vector<1024xf32>
    %broadcast_in_dim3A = vector.shape_cast %get3A_0 : vector<1024xf32> to vector<1024x1xf32>
    %get3A_1 = arith.constant 0 : index
    %get3A_2 = arith.constant 0 : index
    %get3A_3 = vector.load %arg1[%get3A_1, %get3A_2] : memref<1024x128xf32, #tpu.memory_space<vmem>>, vector<1024x128xf32>
    %get3A_4 = arith.constant 0 : index
    %get3A_5 = arith.constant 0 : index
    %get3A_6 = vector.load %arg2[%get3A_4, %get3A_5] : memref<1024x128xf32, #tpu.memory_space<vmem>>, vector<1024x128xf32>
    %add3A = arith.addf %get3A_3, %get3A_6 : vector<1024x128xf32>
    %get3A_7 = arith.constant 0 : index
    %get3A_8 = arith.constant 0 : index
    %get3A_9 = vector.load %arg3[%get3A_7, %get3A_8] : memref<1024x128xf32, #tpu.memory_space<vmem>>, vector<1024x128xf32>
    %add3A_10 = arith.addf %add3A, %get3A_9 : vector<1024x128xf32>
    %mul3A = vector.broadcast %broadcast_in_dim3A : vector<1024x1xf32> to vector<1024x128xf32>
    %mul3A_11 = arith.mulf %mul3A, %add3A_10 : vector<1024x128xf32>
    %get3A_12 = arith.constant 0 : index
    %get3A_13 = vector.load %arg5[%get3A_12] : memref<128xf32, #tpu.memory_space<vmem>>, vector<128xf32>
    %broadcast_in_dim3A_14 = vector.shape_cast %get3A_13 : vector<128xf32> to vector<1x128xf32>
    %add3A_15 = vector.broadcast %broadcast_in_dim3A_14 : vector<1x128xf32> to vector<1024x128xf32>
    %add3A_16 = arith.addf %mul3A_11, %add3A_15 : vector<1024x128xf32>
    %mul3A_17 = arith.constant 0.999994993 : f32
    %mul3A_18 = vector.broadcast %mul3A_17 : f32 to vector<1024x128xf32>
    %mul3A_19 = arith.mulf %add3A_16, %mul3A_18 : vector<1024x128xf32>
    %get3A_20 = arith.constant 0 : index
    %get3A_21 = vector.load %arg6[%get3A_20] : memref<128xf32, #tpu.memory_space<vmem>>, vector<128xf32>
    %broadcast_in_dim3A_22 = vector.shape_cast %get3A_21 : vector<128xf32> to vector<1x128xf32>
    %mul3A_23 = vector.broadcast %broadcast_in_dim3A_22 : vector<1x128xf32> to vector<1024x128xf32>
    %mul3A_24 = arith.mulf %mul3A_19, %mul3A_23 : vector<1024x128xf32>
    %get3A_25 = arith.constant 0 : index
    %get3A_26 = vector.load %arg7[%get3A_25] : memref<128xf32, #tpu.memory_space<vmem>>, vector<128xf32>
    %broadcast_in_dim3A_27 = vector.shape_cast %get3A_26 : vector<128xf32> to vector<1x128xf32>
    %add3A_28 = vector.broadcast %broadcast_in_dim3A_27 : vector<1x128xf32> to vector<1024x128xf32>
    %add3A_29 = arith.addf %mul3A_24, %add3A_28 : vector<1024x128xf32>
    %max3A = arith.constant 0.000000e+00 : f32
    %max3A_30 = vector.broadcast %max3A : f32 to vector<1024x128xf32>
    %max3A_31 = arith.maximumf %add3A_29, %max3A_30 : vector<1024x128xf32>
    %broadcast_in_dim3A_32 = vector.shape_cast %get3A_0 : vector<1024xf32> to vector<1024x1xf32>
    %get3A_33 = arith.constant 0 : index
    %get3A_34 = arith.constant 0 : index
    %get3A_35 = vector.load %arg8[%get3A_33, %get3A_34] : memref<128x128xf32, #tpu.memory_space<vmem>>, vector<128x128xf32>
    %dot_general3A = arith.constant dense<0.000000e+00> : vector<1024x128xf32>
    %dot_general3A_36 = tpu.matmul %max3A_31, %get3A_35, %dot_general3A {dimension_numbers = #tpu.dot_dimension_numbers<[1], [0], [0], [1], [0, 0, 1, 1], [], []>, transpose_lhs_hint = false} : vector<1024x128xf32>, vector<128x128xf32>, vector<1024x128xf32> -> vector<1024x128xf32>
    %mul3A_37 = vector.broadcast %broadcast_in_dim3A_32 : vector<1024x1xf32> to vector<1024x128xf32>
    %mul3A_38 = arith.mulf %mul3A_37, %dot_general3A_36 : vector<1024x128xf32>
    %swap3A = arith.constant 0 : index
    %swap3A_39 = arith.constant 0 : index
    %swap3A_40 = vector.load %arg9[%swap3A, %swap3A_39] : memref<1024x128xf32, #tpu.memory_space<vmem>>, vector<1024x128xf32>
    tpu.vector_store %arg9[%swap3A, %swap3A_39], %mul3A_38 {strides = array<i32>} : memref<1024x128xf32, #tpu.memory_space<vmem>>, vector<1024x128xf32>,
    return
  }
  func.func @transform_0(%arg0: i32) -> (i32, i32) {
    %c0_i32 = arith.constant 0 : i32
    %c0_i32_0 = arith.constant 0 : i32
    return %arg0, %c0_i32 : i32, i32
  }
  func.func @transform_1(%arg0: i32) -> (i32, i32) {
    %c0_i32 = arith.constant 0 : i32
    %c0_i32_0 = arith.constant 0 : i32
    return %arg0, %c0_i32 : i32, i32
  }
  func.func @transform_2(%arg0: i32) -> (i32, i32) {
    %c0_i32 = arith.constant 0 : i32
    %c0_i32_0 = arith.constant 0 : i32
    return %arg0, %c0_i32 : i32, i32
  }
  func.func @transform_3(%arg0: i32) -> i32 {
    %c0_i32 = arith.constant 0 : i32
    return %arg0 : i32
  }
  func.func @transform_4(%arg0: i32) -> i32 {
    %c0_i32 = arith.constant 0 : i32
    %c0_i32_0 = arith.constant 0 : i32
    return %c0_i32 : i32
  }
  func.func @transform_5(%arg0: i32) -> i32 {
    %c0_i32 = arith.constant 0 : i32
    %c0_i32_0 = arith.constant 0 : i32
    return %c0_i32 : i32
  }
  func.func @transform_6(%arg0: i32) -> i32 {
    %c0_i32 = arith.constant 0 : i32
    %c0_i32_0 = arith.constant 0 : i32
    return %c0_i32 : i32
  }
  func.func @transform_7(%arg0: i32) -> (i32, i32) {
    %c0_i32 = arith.constant 0 : i32
    %c0_i32_0 = arith.constant 0 : i32
    %c0_i32_1 = arith.constant 0 : i32
    return %c0_i32, %c0_i32_0 : i32, i32
  }
  func.func @transform_8(%arg0: i32) -> (i32, i32) {
    %c0_i32 = arith.constant 0 : i32
    %c0_i32_0 = arith.constant 0 : i32
    return %arg0, %c0_i32 : i32, i32
  }
}

module attributes {stable_mosaic.version = 14 : i64} {
  func.func @_tc_final_body(%arg0: i32, %arg1: memref<1024x128xf32, #tpu.memory_space<vmem>>, %arg2: memref<1024x128xf32, #tpu.memory_space<vmem>>, %arg3: memref<1024x128xf32, #tpu.memory_space<vmem>>, %arg4: memref<1024xf32, #tpu.memory_space<vmem>>, %arg5: memref<128xf32, #tpu.memory_space<vmem>>, %arg6: memref<1024x128xf32, #tpu.memory_space<vmem>>) attributes {dimension_semantics = [#tpu.dimension_semantics<arbitrary>], iteration_bounds = array<i64: 10>, scalar_prefetch = 0 : i64, scratch_operands = 0 : i64, tpu.core_type = #tpu.core_type<tc>, window_params = [{transform_indices = @transform_0, window_bounds = array<i64: 1024, 128>}, {transform_indices = @transform_1, window_bounds = array<i64: 1024, 128>}, {transform_indices = @transform_2, window_bounds = array<i64: 1024, 128>}, {transform_indices = @transform_3, window_bounds = array<i64: 1024>}, {pipeline_mode = #tpu.pipeline_mode<synchronous>, transform_indices = @transform_4, window_bounds = array<i64: 128>}, {transform_indices = @transform_5, window_bounds = array<i64: 1024, 128>}]} {
    %get3A = arith.constant 0 : index
    %get3A_0 = vector.load %arg4[%get3A] : memref<1024xf32, #tpu.memory_space<vmem>>, vector<1024xf32>
    %broadcast_in_dim3A = vector.shape_cast %get3A_0 : vector<1024xf32> to vector<1024x1xf32>
    %get3A_1 = arith.constant 0 : index
    %get3A_2 = arith.constant 0 : index
    %get3A_3 = vector.load %arg1[%get3A_1, %get3A_2] : memref<1024x128xf32, #tpu.memory_space<vmem>>, vector<1024x128xf32>
    %get3A_4 = arith.constant 0 : index
    %get3A_5 = arith.constant 0 : index
    %get3A_6 = vector.load %arg2[%get3A_4, %get3A_5] : memref<1024x128xf32, #tpu.memory_space<vmem>>, vector<1024x128xf32>
    %add3A = arith.addf %get3A_3, %get3A_6 : vector<1024x128xf32>
    %get3A_7 = arith.constant 0 : index
    %get3A_8 = arith.constant 0 : index
    %get3A_9 = vector.load %arg3[%get3A_7, %get3A_8] : memref<1024x128xf32, #tpu.memory_space<vmem>>, vector<1024x128xf32>
    %add3A_10 = arith.addf %add3A, %get3A_9 : vector<1024x128xf32>
    %mul3A = vector.broadcast %broadcast_in_dim3A : vector<1024x1xf32> to vector<1024x128xf32>
    %mul3A_11 = arith.mulf %mul3A, %add3A_10 : vector<1024x128xf32>
    %get3A_12 = arith.constant 0 : index
    %get3A_13 = vector.load %arg5[%get3A_12] : memref<128xf32, #tpu.memory_space<vmem>>, vector<128xf32>
    %broadcast_in_dim3A_14 = vector.shape_cast %get3A_13 : vector<128xf32> to vector<1x128xf32>
    %add3A_15 = vector.broadcast %broadcast_in_dim3A_14 : vector<1x128xf32> to vector<1024x128xf32>
    %add3A_16 = arith.addf %mul3A_11, %add3A_15 : vector<1024x128xf32>
    %jit3A = arith.constant -4.000000e+00 : f32
    %jit3A_17 = arith.constant 4.000000e+00 : f32
    %max3A = vector.broadcast %jit3A : f32 to vector<1024x128xf32>
    %max3A_18 = arith.maximumf %max3A, %add3A_16 : vector<1024x128xf32>
    %min3A = vector.broadcast %jit3A_17 : f32 to vector<1024x128xf32>
    %min3A_19 = arith.minimumf %min3A, %max3A_18 : vector<1024x128xf32>
    %neg3A = arith.constant 0.000000e+00 : f32
    %neg3A_20 = vector.broadcast %neg3A : f32 to vector<1024x128xf32>
    %neg3A_21 = arith.subf %neg3A_20, %min3A_19 : vector<1024x128xf32>
    %exp3A = math.exp %neg3A_21 : vector<1024x128xf32>
    %add3A_22 = arith.constant 1.000000e+00 : f32
    %add3A_23 = vector.broadcast %add3A_22 : f32 to vector<1024x128xf32>
    %add3A_24 = arith.addf %add3A_23, %exp3A : vector<1024x128xf32>
    %div3A = arith.constant 1.000000e+00 : f32
    %div3A_25 = vector.broadcast %div3A : f32 to vector<1024x128xf32>
    %div3A_26 = arith.divf %div3A_25, %add3A_24 : vector<1024x128xf32>
    %swap3A = arith.constant 0 : index
    %swap3A_27 = arith.constant 0 : index
    %swap3A_28 = vector.load %arg6[%swap3A, %swap3A_27] : memref<1024x128xf32, #tpu.memory_space<vmem>>, vector<1024x128xf32>
    tpu.vector_store %arg6[%swap3A, %swap3A_27], %div3A_26 {strides = array<i32>} : memref<1024x128xf32, #tpu.memory_space<vmem>>, vector<1024x128xf32>,
    return
  }
  func.func @transform_0(%arg0: i32) -> (i32, i32) {
    %c0_i32 = arith.constant 0 : i32
    %c0_i32_0 = arith.constant 0 : i32
    return %arg0, %c0_i32 : i32, i32
  }
  func.func @transform_1(%arg0: i32) -> (i32, i32) {
    %c0_i32 = arith.constant 0 : i32
    %c0_i32_0 = arith.constant 0 : i32
    return %arg0, %c0_i32 : i32, i32
  }
  func.func @transform_2(%arg0: i32) -> (i32, i32) {
    %c0_i32 = arith.constant 0 : i32
    %c0_i32_0 = arith.constant 0 : i32
    return %arg0, %c0_i32 : i32, i32
  }
  func.func @transform_3(%arg0: i32) -> i32 {
    %c0_i32 = arith.constant 0 : i32
    return %arg0 : i32
  }
  func.func @transform_4(%arg0: i32) -> i32 {
    %c0_i32 = arith.constant 0 : i32
    %c0_i32_0 = arith.constant 0 : i32
    return %c0_i32 : i32
  }
  func.func @transform_5(%arg0: i32) -> (i32, i32) {
    %c0_i32 = arith.constant 0 : i32
    %c0_i32_0 = arith.constant 0 : i32
    return %arg0, %c0_i32 : i32, i32
  }
}

</mosaic_0001>

<sc_bundles>
// kernel: kernel.10.cloned.1.call-start
scs
__scs_entry_jumppad:
0x0: {  	(pc) =	sbr.rel $0x88, $3  }
0x1: {  	(tag) =	ssettag $0x0;
	lr =	simm.s32 $0x1  }
0x2: {  	[smem:$0x3F95] =	sst lr;
	_ =	strace $0xD0000000  }
0x3: {  	_ = 	snop  }
0x4: {  	_ = 	snop  }
0x5: {  	_ = 	snop  }
0x6: {  	_ = 	snop  }
0x7: {  	_ = 	snop  }
__scs_overlays_trampoline_lowered:
0x8: {  	[smem:$0x3FA4] =	sst s0  }
0x9: {  	[smem:$0x3FA5] =	sst s1  }
0xa: {  	[smem:$0x3FA6] =	sst s2  }
0xb: {  	[smem:$0x3FA7] =	sst s3  }
0xc: {  	[smem:$0x3FA8] =	sst s4  }
0xd: {  	[smem:$0x3FA9] =	sst s5  }
0xe: {  	[smem:$0x3FAA] =	sst s6  }
0xf: {  	[smem:$0x3FAB] =	sst s7  }
0x10: {  	[smem:$0x3FAC] =	sst s8  }
0x11: {  	[smem:$0x3FAD] =	sst s9;
	s0 =	simm.s32 @!p0 $0x0  }
0x12: {  	s1 =	sld [smem:$0x3F93];
	s0 =	simm.s32 @p0 $0x1  }
0x13: {  	[smem:$0x3FAE] =	sst s0;
	s0 =	simm.s32 @!p1 $0x0  }
0x14: {  	s2 =	sld [smem:$0x3F92];
	s0 =	simm.s32 @p1 $0x1  }
0x15: {  	[smem:$0x3FAF] =	sst s0;
	s0 =	simm.s32 @!p2 $0x0  }
0x16: {  	s3 =	sld [smem:$0x3FDB];
	s0 =	simm.s32 @p2 $0x1  }
0x17: {  	s4 =	simm.s32 $0x1BF5;
	[smem:$0x3FB1] =	sst s0  }
0x18: {  	s0 =	sld [smem:$0x3F94];
	_ =	swait.ge [sflag:s4], $0x0  }
0x19: {  	s7 =	sld [smem:$0x3F95]  }
0x1a: {  	s8 =	sadd.s32 $0xFFFFE003, lr  }
0x1b: {  	s9 =	sadd.s32 $0xFFFFFEF7, lr;
	s5 =	simm.s32 $0xFFFFFFFF;
	p2 =	slt.u32 s8, $0xFFFFF086  }
0x1c: {  	p1 =	slt.u32 s9, $0xF7A;
	s5 =	simm.s32 @!p2 $0x0  }
0x1d: {  	s5 =	simm.s32 @p1 $0x1;
	p0 =	seq.s32 s7, s2  }
0x1e: {  	s7 =	smul.u32 @!p0 $0xF7A, s2;
	p2 =	seq.s32 @!p0 s5, $0x0  }
0x1f: {  	s9 =	smul.u32 $0xF7A, s1;
	s8 =	simm.s32 @!p0 $0x1BF5;
	p2 =	por !p2, p0  }
0x20: {  	[sflag:s8] =	ssyncset.s32 @!p0 $0xFFFFF086;
	s6 =	sadd.s32 @!p0 s3, s7;
	s7 =	simm.s32 @!p0 $0x108  }
0x21: {  	s3 =	sadd.s32 s3, s9;
	s6 =	sadd.s32 @!p0 $0x88, s6;
	s7 =	simm.s32 @p2 $0x1082  }
0x22: {  	[simem:s7], [sflag:s8] =	dma.local @!p0 [hbm:s6], $0xF7A  }
0x23: {  	s9 =	sor.u32 $0xD0000000, s2;
	s6 =	simm.s32 $0x108;
	_ =	swait.ge @!p0 [sflag:s8], $0x0  }
0x24: {  	s3 =	sadd.s32 $0x88, s3;
	s6 =	simm.s32 @!p1 $0x1082;
	[sflag:s4] =	ssyncset.s32 $0xFFFFF086  }
0x25: {  	[simem:s6], [sflag:s4] =	dma.local [hbm:s3], $0xF7A  }
0x26: {  	[smem:$0x3F95] =	sst s1;
	(tag) =	ssettag s2;
	_ =	strace s9  }
0x27: {  	s1 =	sld [smem:$0x3FA5]  }
0x28: {  	s2 =	sld [smem:$0x3FA6]  }
0x29: {  	s4 =	sld [smem:$0x3FA8]  }
0x2a: {  	p0 =	seq.s32 s5, $0x0;
	s5 =	sld [smem:$0x3FA9]  }
0x2b: {  	s6 =	sld [smem:$0x3FAA]  }
0x2c: {  	s7 =	sld [smem:$0x3FAB]  }
0x2d: {  	s3 =	simm.s32 $0x108;
	s8 =	sld [smem:$0x3FAC]  }
0x2e: {  	s3 =	simm.s32 @!p0 $0x1082;
	s9 =	sld [smem:$0x3FAD]  }
0x2f: {  	lr =	sadd.s32 s0, s3;
	s0 =	sld [smem:$0x3FA4]  }
0x30: {  	s3 =	sld [smem:$0x3FA7]  }
0x31: {  	[smem:$0x3FB0] =	sst s10  }
0x32: {  	s10 =	sld [smem:$0x3FAE];
	_ =	sdelay $0x3  }
0x33: {  	p0 =	seq.s32 s10, $0x1;
	s10 =	sld [smem:$0x3FB0];
	_ =	sdelay $0x3  }
0x34: {  	[smem:$0x3FB0] =	sst s10  }
0x35: {  	s10 =	sld [smem:$0x3FAF];
	_ =	sdelay $0x3  }
0x36: {  	p1 =	seq.s32 s10, $0x1;
	s10 =	sld [smem:$0x3FB0];
	_ =	sdelay $0x3  }
0x37: {  	[smem:$0x3FB0] =	sst s10  }
0x38: {  	s10 =	sld [smem:$0x3FB1]  }
0x39: {  	_ = 	snop;
	(pc) =	sbr.ind lr, $3  }
0x3a: {  	_ = 	snop  }
0x3b: {  	_ = 	snop  }
0x3c: {  	p2 =	seq.s32 s10, $0x1;
	s10 =	sld [smem:$0x3FB0]  }
0x3d: {  	_ =	shalt  }
0x3e: {  	_ =	shalt  }
0x3f: {  	_ =	shalt  }
0x40: {  	_ =	shalt  }
0x41: {  	_ =	shalt  }
0x42: {  	_ =	shalt  }
0x43: {  	_ =	shalt  }
0x44: {  	_ =	shalt  }
0x45: {  	_ =	shalt  }
0x46: {  	_ =	shalt  }
0x47: {  	_ =	shalt  }
0x48: {  	_ =	shalt  }
0x49: {  	_ =	shalt  }
0x4a: {  	_ =	shalt  }
0x4b: {  	_ =	shalt  }
0x4c: {  	_ =	shalt  }
0x4d: {  	_ =	shalt  }
0x4e: {  	_ =	shalt  }
0x4f: {  	_ =	shalt  }
0x50: {  	_ =	shalt  }
0x51: {  	_ =	shalt  }
0x52: {  	_ =	shalt  }
0x53: {  	_ =	shalt  }
0x54: {  	_ =	shalt  }
0x55: {  	_ =	shalt  }
0x56: {  	_ =	shalt  }
0x57: {  	_ =	shalt  }
0x58: {  	_ =	shalt  }
0x59: {  	_ =	shalt  }
0x5a: {  	_ =	shalt  }
0x5b: {  	_ =	shalt  }
0x5c: {  	_ =	shalt  }
0x5d: {  	_ =	shalt  }
0x5e: {  	_ =	shalt  }
0x5f: {  	_ =	shalt  }
0x60: {  	_ =	shalt  }
0x61: {  	_ =	shalt  }
0x62: {  	_ =	shalt  }
0x63: {  	_ =	shalt  }
0x64: {  	_ =	shalt  }
0x65: {  	_ =	shalt  }
0x66: {  	_ =	shalt  }
0x67: {  	_ =	shalt  }
0x68: {  	_ =	shalt  }
0x69: {  	_ =	shalt  }
0x6a: {  	_ =	shalt  }
0x6b: {  	_ =	shalt  }
0x6c: {  	_ =	shalt  }
0x6d: {  	_ =	shalt  }
0x6e: {  	_ =	shalt  }
0x6f: {  	_ =	shalt  }
0x70: {  	_ =	shalt  }
0x71: {  	_ =	shalt  }
0x72: {  	_ =	shalt  }
0x73: {  	_ =	shalt  }
0x74: {  	_ =	shalt  }
0x75: {  	_ =	shalt  }
0x76: {  	_ =	shalt  }
0x77: {  	_ =	shalt  }
0x78: {  	_ =	shalt  }
0x79: {  	_ =	shalt  }
0x7a: {  	_ =	shalt  }
0x7b: {  	_ =	shalt  }
0x7c: {  	_ =	shalt  }
0x7d: {  	_ =	shalt  }
0x7e: {  	_ =	shalt  }
0x7f: {  	_ =	shalt  }
0x80: {  	_ =	shalt  }
0x81: {  	_ =	shalt  }
0x82: {  	_ =	shalt  }
0x83: {  	_ =	shalt  }
0x84: {  	_ =	shalt  }
0x85: {  	_ =	shalt  }
0x86: {  	_ =	shalt  }
0x87: {  	_ =	shalt  }
.Lfunc_end0:
.L_simem_size_0:
called_computation_lowered:
.L_overlay_start_0:
0x88: {  	s2 =	sld [smem:$0x3FD9]  }
0x89: {  	s3 =	sld [smem:$0x3FFE];
	_ =	sdelay $0x1  }
0x8a: {  	s1 =	srdreg.scid  }
0x8b: {  	s0 =	sand.u32 $0x1, s1  }
0x8c: {  	s17 =	sshll.u32 s0, $0xA;
	s2 =	sadd.s32 s3, s2  }
0x8d: {  	s2 =	sadd.s32 s2, s17  }
0x8e: {  	[smem:$0x3FBC] =	sst s2  }
0x8f: {  	_ = 	snop  }
0x90: {  	s2 =	sld [smem:$0x3FD0];
	(tm) =	ssettm $0x1  }
0x91: {  	s18 =	sld [smem:$0x3FFB];
	_ =	sdelay $0x3  }
0x92: {  	_ =	strace s18  }
0x93: {  	s3 =	sld [smem:$0x3FFC];
	_ =	sdelay $0x3  }
0x94: {  	_ =	strace s3  }
0x95: {  	s3 =	sld [smem:$0x3FFD];
	_ =	sdelay $0x3  }
0x96: {  	_ =	strace s3  }
0x97: {  	_ =	strace $0x8FFFFFFF  }
0x98: {  	s19 =	sld [smem:$0x3FDB];
	_ =	sdelay $0x1  }
0x99: {  	s4 =	simm.s32 $_scs_section_size  }
0x9a: {  	s5 =	simm.s32 $_size__tile_overlayer_lowered;
	s6 =	simm.s32 $_tile_overlayer_lowered  }
0x9b: {  	s22 =	simm.s32 $0x1BFF;
	s21 =	sshll.u32 s6, $0x1;
	s3 =	sadd.s32 s4, s19  }
0x9c: {  	s7 =	simm.s32 $0x0;
	s20 =	sshll.u32 s5, $0x1;
	s5 =	sadd.s32 s21, s3  }
0x9d: {  	[timem:s7], [sflag:s22] =	dma.local [hbm:s5], s20  }
0x9e: {  	_ =	swait.ge [sflag:s22], s20  }
0x9f: {  	s4 =	ssub.s32 $0x0, s20;
	[sflag:s22] =	ssyncset.done $0x0  }
0xa0: {  	[sflag:s22] =	ssyncadd.s32 s4;
	_ =	sdelay $0x1  }
0xa1: {  	s23 =	simm.s32 $0x1B8B  }
0xa2: {  	_ =	swait.ge [sflag:s23], $0x1  }
0xa3: {  	[sflag:s23] =	ssyncset.done $0x0  }
0xa4: {  	s25 =	simm.s32 $0x1B8E;
	s24 =	sld [smem:$0x3FFE];
	[sflag:s23] =	ssyncadd.s32 $0xFFFFFFFF  }
0xa5: {  	s26 =	simm.s32 $execute0_lowered;
	[smem:$0x3FD2] =	sst s25  }
0xa6: {  	s5 =	sshll.u32 s26, $0x1;
	_ =	strace $0x80000046;
	[dreg:$0x1] =	wrdreg $0xFFFFFFFF  }
0xa7: {  	s28 =	simm.s32 $_size_execute0_lowered;
	s3 =	sadd.s32 s3, s5;
	[dreg:$0x0] =	wrdreg $0x0  }
0xa8: {  	s5 =	sshll.u32 s28, $0x1;
	[dreg:$0x2] =	wrdreg s3  }
0xa9: {  	[dreg:$0x3] =	wrdreg s5  }
0xaa: {  	[dreg:$0x4] =	wrdreg $0xC0  }
0xab: {  	_ =	task [dreg:s7], $0x5FFFF  }
0xac: {  	[dreg:$0x1] =	wrdreg $0xFFFFFFFF  }
0xad: {  	[dreg:$0x0] =	wrdreg $0x60  }
0xae: {  	[dreg:$0x2] =	wrdreg s2  }
0xaf: {  	[dreg:$0x3] =	wrdreg s24  }
0xb0: {  	[dreg:$0x4] =	wrdreg $0x2F000  }
0xb1: {  	[dreg:$0x5] =	wrdreg $0x9  }
0xb2: {  	_ =	task.clear_ibuf [dreg:s7], $0x6FFFF;
	_ =	strace $0x90000046  }
0xb3: {  	s29 =	simm.s32 $0x9;
	_ =	strace $0x80000048  }
0xb4: {  	_ =	swait.ge [sflag:s29], $0x1  }
0xb5: {  	[sflag:s29] =	ssyncadd.s32 $0xFFFFFFFF  }
0xb6: {  	_ =	strace $0x90000048  }
0xb7: {  	_ =	sfence  }
0xb8: {  	s30 =	sld [smem:$0x0];
	_ =	sdelay $0x2  }
0xb9: {  	s31 =	sshll.u32 s1, $0xD;
	s1 =	sshrl.u32 s1, $0x2  }
0xba: {  	s3 =	sand.u32 $0x4000, s31;
	s1 =	sadd.s32 s1, s30  }
0xbb: {  	s0 =	sor.u32 s3, s0;
	s1 =	sshll.u32 s1, $0x11  }
0xbc: {  	s0 =	sor.u32 s1, s0  }
0xbd: {  	s0 =	sadd.s32 $0x8F2B, s0  }
0xbe: {  	[sflag:s0] =	ssyncadd.remote.s32 $0x1  }
0xbf: {  	_ =	sfence.sel $0xFFFF  }
0xc0: {  	[dreg:$0x0] =	wrdreg $0xFFFFFFFF;
	(pc) =	sbr.abs _section_cstart, $3  }
0xc1: {  	[dreg:$0x1] =	wrdreg $0xFFFFFFFF  }
0xc2: {  	_ =	task.clear_ibuf [dreg:s7], $0x2FFFF;
	_ =	strace $0x9FFFFFFF  }
0xc3: {  	(tm) =	ssettm $0x7FFFFFFF  }
tec
execute0_lowered:
.L_overlay_start_1:
0x0: {  	(tag) =	ssettag $0x1  }
0x1: {  	s4 =	rddreg [dreg:$0x0]  }
0x2: {  	s5 =	rddreg [dreg:$0x1]  }
0x3: {  	s2 =	rddreg [dreg:$0x2]  }
0x4: {  	s0 =	rddreg [dreg:$0x3];
	s6 =	srdreg.scid  }
0x5: {  	s1 =	stileid.u32;
	s3 =	simm.s32 $0x0;
	s11 =	simm.s32 $0x2C00  }
0x6: {  	s12 =	simm.s32 $0x1;
	s13 =	simm.s32 $0x2;
	s14 =	simm.s32 $0x100  }
0x7: {  	s15 =	simm.s32 $0x0;
	s6 =	sand.u32 $0x1, s6;
	s7 =	smul.u32 $0x500, s1  }
0x8: {  	[smem:$0x7FF] =	sst s3;
	s9 =	smul.u32 $0xA00, s1;
	s8 =	sshll.u32 s6, $0x7  }
0x9: {  	_ =	strace $0x80000047;
	s30 =	sshll.u32 s6, $0x4;
	s6 =	ssub.s32 $0x2, s6  }
0xa: {  	s7 =	sor.u32 s8, s7;
	s8 =	sor.u32 s1, s30;
	s10 =	sshrl.u32 s6, $0x1  }
0xb: {  	s31 =	sshrl.u32 s9, $0x2;
	s7 =	sshrl.u32 s7, $0x3;
	s8 =	smul.u32 $0x580, s8  }
0xc: {  	s9 =	simm.s32 $0x2C80;
	s10 =	ssub.s32 s6, s10;
	s7 =	sadd.s32 s7, s5  }
0xd: {  	s5 =	sadd.s32 s31, s2;
	s4 =	sadd.s32 s4, s8;
	s6 =	sadd.s32 $0x4600, s7  }
0xe: {  	v0 =	vimm.f32 $1.000000000e+00;
	v1 =	vimm.f32 $0.0e+00;
	s7 =	smax.u32 s10, $0x1;
	s8 =	simm.s32 $0x3;
	s10 =	simm.s32 $0x80  }
.LBB2_1:
0xf: {  	[tilespmem:s3], [sflag:$0x3] =	stream.linear.gather [hbm4b:s4+s3], $0x2900, $0x38;
	[tilespmem:$0x3180] =	vst v63  }
0x10: {  	_ =	swait.ge [sflag:s8], $0x2900  }
0x11: {  	[sflag:s8] =	ssyncset.done $0x0  }
0x12: {  	[sflag:s8] =	ssyncadd.s32 $0xFFFFD700  }
0x13: {  	[tilespmem:$0x2C00] =	vst v0  }
0x14: {  	[tilespmem:$0x2C10] =	vst v0  }
0x15: {  	[tilespmem:$0x2C20] =	vst v0  }
0x16: {  	[tilespmem:$0x2C30] =	vst v0  }
0x17: {  	[tilespmem:$0x2C40] =	vst v0  }
0x18: {  	[tilespmem:$0x2C50] =	vst v0  }
0x19: {  	[tilespmem:$0x2C60] =	vst v0  }
0x1a: {  	[tilespmem:$0x2C70] =	vst v0  }
0x1b: {  	[tilespmem:$0x2C80] =	vst v1  }
0x1c: {  	[tilespmem:$0x2C90] =	vst v1  }
0x1d: {  	[tilespmem:$0x2CA0] =	vst v1  }
0x1e: {  	[tilespmem:$0x2CB0] =	vst v1  }
0x1f: {  	[tilespmem:$0x2CC0] =	vst v1  }
0x20: {  	[tilespmem:$0x2CD0] =	vst v1  }
0x21: {  	[tilespmem:$0x2CE0] =	vst v1  }
0x22: {  	[tilespmem:$0x2CF0] =	vst v1  }
0x23: {  	[tilespmem:$0x2D00] =	vst v1  }
0x24: {  	[tilespmem:$0x2D10] =	vst v1  }
0x25: {  	[tilespmem:$0x2D20] =	vst v1  }
0x26: {  	[tilespmem:$0x2D30] =	vst v1  }
0x27: {  	[tilespmem:$0x2D40] =	vst v1  }
0x28: {  	[tilespmem:$0x2D50] =	vst v1  }
0x29: {  	[tilespmem:$0x2D60] =	vst v1  }
0x2a: {  	[tilespmem:$0x2D70] =	vst v1  }
0x2b: {  	[tilespmem:$0x2D80] =	vst v1  }
0x2c: {  	[tilespmem:$0x2D90] =	vst v1  }
0x2d: {  	[tilespmem:$0x2DA0] =	vst v1  }
0x2e: {  	[tilespmem:$0x2DB0] =	vst v1  }
0x2f: {  	[tilespmem:$0x2DC0] =	vst v1  }
0x30: {  	[tilespmem:$0x2DD0] =	vst v1  }
0x31: {  	[tilespmem:$0x2DE0] =	vst v1  }
0x32: {  	[tilespmem:$0x2DF0] =	vst v1  }
0x33: {  	[tilespmem:$0x2E00] =	vst v1  }
0x34: {  	[tilespmem:$0x2E10] =	vst v1  }
0x35: {  	[tilespmem:$0x2E20] =	vst v1  }
0x36: {  	[tilespmem:$0x2E30] =	vst v1  }
0x37: {  	[tilespmem:$0x2E40] =	vst v1  }
0x38: {  	[tilespmem:$0x2E50] =	vst v1  }
0x39: {  	[tilespmem:$0x2E60] =	vst v1  }
0x3a: {  	[tilespmem:$0x2E70] =	vst v1  }
0x3b: {  	[tilespmem:$0x2E80] =	vst v1  }
0x3c: {  	[tilespmem:$0x2E90] =	vst v1  }
0x3d: {  	[tilespmem:$0x2EA0] =	vst v1  }
0x3e: {  	[tilespmem:$0x2EB0] =	vst v1  }
0x3f: {  	[tilespmem:$0x2EC0] =	vst v1  }
0x40: {  	[tilespmem:$0x2ED0] =	vst v1  }
0x41: {  	[tilespmem:$0x2EE0] =	vst v1  }
0x42: {  	[tilespmem:$0x2EF0] =	vst v1  }
0x43: {  	[spmem:s5] =	stream.linear.scatter [tilespmem:s9], [sflag:$0x3], $0x280, $0x38;
	[tilespmem:$0x3180] =	vst v63  }
0x44: {  	_ =	swait.ge [sflag:s8], $0x280  }
0x45: {  	[sflag:s8] =	ssyncset.done $0x0  }
0x46: {  	[sflag:s8] =	ssyncadd.s32 $0xFFFFFD80  }
0x47: {  	[bflag:$0x0] =	sbarrier.arrive $0xFFFF  }
0x48: {  	[spmem:s2] =	stream.indirect.scatter.add.f32 [tilespmem:s11], [sflag:$0x1], $0x1, s3, s10, $0xb8;
	[tilespmem:$0x3180] =	vst v63  }
0x49: {  	_ = 	snop  }
0x4a: {  	[spmem:s2] =	stream.indirect.scatter.add.f32 [tilespmem:s11], [sflag:$0x2], $0x1, s10, s10, $0xb8;
	[tilespmem:$0x3180] =	vst v63  }
0x4b: {  	_ =	swait.ge [sflag:s12], $0x80  }
0x4c: {  	[sflag:s12] =	ssyncset.done $0x0  }
0x4d: {  	s16 =	simm.s32 $0x100;
	[sflag:s12] =	ssyncadd.s32 $0xFFFFFF80  }
0x4e: {  	[spmem:s2] =	stream.indirect.scatter.add.f32 [tilespmem:s11], [sflag:$0x1], $0x1, s16, s10, $0xb8;
	[tilespmem:$0x3180] =	vst v63  }
0x4f: {  	_ =	swait.ge [sflag:s13], $0x80  }
0x50: {  	[sflag:s13] =	ssyncset.done $0x0  }
0x51: {  	s17 =	simm.s32 $0x180;
	s16 =	simm.s32 $0xFFFF6800;
	[sflag:s13] =	ssyncadd.s32 $0xFFFFFF80  }
.LBB2_2:
0x52: {  	[spmem:s2] =	stream.indirect.scatter.add.f32 [tilespmem:s11], [sflag:$0x2], $0x1, s17, s10, $0xb8;
	[tilespmem:$0x3180] =	vst v63  }
0x53: {  	s17 =	smov.u32 s16  }
0x54: {  	p0 =	sne.s32 s16, $0xFFFFFC00;
	s16 =	sadd.s32 $0x400, s16;
	_ =	swait.ge [sflag:s12], $0x80  }
0x55: {  	s17 =	sshra.s32 s17, $0x2;
	[sflag:s12] =	ssyncset.done $0x0  }
.Ltmp0:
0x56: {  	s18 =	sadd.s32 $0x2800, s17;
	[sflag:s12] =	ssyncadd.s32 $0xFFFFFF80;
	(pc) =	sbr.rel @p0 .LBB2_2-.Ltmp0, $4  }
0x57: {  	[spmem:s2] =	stream.indirect.scatter.add.f32 [tilespmem:s11], [sflag:$0x1], $0x1, s18, s10, $0xb8;
	[tilespmem:$0x3180] =	vst v63  }
0x58: {  	_ =	swait.ge [sflag:s13], $0x80  }
0x59: {  	[sflag:s13] =	ssyncset.done $0x0  }
0x5a: {  	s17 =	sadd.s32 $0x2880, s17;
	[sflag:s13] =	ssyncadd.s32 $0xFFFFFF80  }
0x5b: {  	[spmem:s2] =	stream.indirect.scatter.add.f32 [tilespmem:s11], [sflag:$0x2], $0x1, s17, s10, $0xb8;
	[tilespmem:$0x3180] =	vst v63  }
0x5c: {  	_ =	swait.ge [sflag:s12], $0x80  }
0x5d: {  	[sflag:s12] =	ssyncset.done $0x0  }
0x5e: {  	[sflag:s12] =	ssyncadd.s32 $0xFFFFFF80  }
0x5f: {  	_ =	swait.ge [sflag:s13], $0x80  }
0x60: {  	[sflag:s13] =	ssyncset.done $0x0  }
0x61: {  	[sflag:s13] =	ssyncadd.s32 $0xFFFFFF80  }
0x62: {  	[bflag:$0x0] =	sbarrier.arrive $0xFFFF  }
0x63: {  	[tilespmem:s9], [sflag:$0x3] =	stream.linear.gather [spmem:s5], $0x280, $0x38;
	[tilespmem:$0x3180] =	vst v63  }
0x64: {  	s15 =	sadd.s32 $0x1, s15;
	_ =	swait.ge [sflag:s8], $0x280  }
0x65: {  	p0 =	sne.s32 s15, s7;
	[sflag:s8] =	ssyncset.done $0x0  }
.Ltmp1:
0x66: {  	[sflag:s8] =	ssyncadd.s32 $0xFFFFFD80;
	(pc) =	sbr.rel @p0 .LBB2_1-.Ltmp1, $4  }
0x67: {  	[hbm4b:s6+s10] =	stream.strided.scatter [tilespmem:s9], [sflag:$0x3], $0x280, s14, s10, $0x38;
	[tilespmem:$0x3180] =	vst v63  }
0x68: {  	_ =	swait.ge [sflag:s8], $0x280  }
0x69: {  	[sflag:s8] =	ssyncset.done $0x0  }
0x6a: {  	[sflag:s8] =	ssyncadd.s32 $0xFFFFFD80  }
0x6b: {  	_ =	sfence.sel $0x180000  }
0x6c: {  	[bflag:$0x0] =	sbarrier.arrive $0xFFFF  }
0x6d: {  	p0 =	sne.s32 s1, $0x0;
	_ =	strace $0x90000047  }
0x6e: {  	s0 =	sadd.s32 @!p0 $0x100000, s0;
	[bflag:$0x2] =	sbarrier.arrive $0xFFFF  }
0x6f: {  	[sflag:s0] =	ssyncadd.tile.s32 @!p0 $0x1;
	_ =	shalt  }
.Lfunc_end2:
_tile_overlayer_lowered:
.L_overlay_start_2:
0x70: {  	(tag) =	ssettag $0x2  }
0x71: {  	s0 =	rddreg [dreg:$0x0];
	s2 =	stileid.u32  }
0x72: {  	s1 =	rddreg [dreg:$0x1];
	p0 =	sne.s32 s2, $0x0  }
0x73: {  	s3 =	rddreg [dreg:$0x2];
	[bflag:$0x3] =	sbarrier.arrive $0xFFFF;
	s2 =	simm.s32 @!p0 $0x1C03  }
0x74: {  	[timem:s3], [sflag:s2] =	dma.local @!p0 [hbm:s0], s1  }
0x75: {  	s0 =	simm.s32 @!p0 $0x3  }
0x76: {  	_ =	swait.ge @!p0 [sflag:s0], s1  }
0x77: {  	s1 =	ssub.s32 @!p0 $0x0, s1;
	[sflag:s0] =	ssyncset.done @!p0 $0x0  }
0x78: {  	[sflag:s0] =	ssyncadd.s32 @!p0 s1  }
0x79: {  	[bflag:$0x3] =	sbarrier.arrive $0xFFFF  }
0x7a: {  	_ =	shalt  }

// kernel: kernel.13.cloned.1.call-start
scs
__scs_entry_jumppad:
0x0: {  	(pc) =	sbr.rel $0x88, $3  }
0x1: {  	(tag) =	ssettag $0x0;
	lr =	simm.s32 $0x1  }
0x2: {  	[smem:$0x3F95] =	sst lr;
	_ =	strace $0xD0000000  }
0x3: {  	_ = 	snop  }
0x4: {  	_ = 	snop  }
0x5: {  	_ = 	snop  }
0x6: {  	_ = 	snop  }
0x7: {  	_ = 	snop  }
__scs_overlays_trampoline_lowered:
0x8: {  	[smem:$0x3FA4] =	sst s0  }
0x9: {  	[smem:$0x3FA5] =	sst s1  }
0xa: {  	[smem:$0x3FA6] =	sst s2  }
0xb: {  	[smem:$0x3FA7] =	sst s3  }
0xc: {  	[smem:$0x3FA8] =	sst s4  }
0xd: {  	[smem:$0x3FA9] =	sst s5  }
0xe: {  	[smem:$0x3FAA] =	sst s6  }
0xf: {  	[smem:$0x3FAB] =	sst s7  }
0x10: {  	[smem:$0x3FAC] =	sst s8  }
0x11: {  	[smem:$0x3FAD] =	sst s9;
	s0 =	simm.s32 @!p0 $0x0  }
0x12: {  	s1 =	sld [smem:$0x3F93];
	s0 =	simm.s32 @p0 $0x1  }
0x13: {  	[smem:$0x3FAE] =	sst s0;
	s0 =	simm.s32 @!p1 $0x0  }
0x14: {  	s2 =	sld [smem:$0x3F92];
	s0 =	simm.s32 @p1 $0x1  }
0x15: {  	[smem:$0x3FAF] =	sst s0;
	s0 =	simm.s32 @!p2 $0x0  }
0x16: {  	s3 =	sld [smem:$0x3FDB];
	s0 =	simm.s32 @p2 $0x1  }
0x17: {  	s4 =	simm.s32 $0x1BF5;
	[smem:$0x3FB1] =	sst s0  }
0x18: {  	s0 =	sld [smem:$0x3F94];
	_ =	swait.ge [sflag:s4], $0x0  }
0x19: {  	s7 =	sld [smem:$0x3F95]  }
0x1a: {  	s8 =	sadd.s32 $0xFFFFE003, lr  }
0x1b: {  	s9 =	sadd.s32 $0xFFFFFEF7, lr;
	s5 =	simm.s32 $0xFFFFFFFF;
	p2 =	slt.u32 s8, $0xFFFFF086  }
0x1c: {  	p1 =	slt.u32 s9, $0xF7A;
	s5 =	simm.s32 @!p2 $0x0  }
0x1d: {  	s5 =	simm.s32 @p1 $0x1;
	p0 =	seq.s32 s7, s2  }
0x1e: {  	s7 =	smul.u32 @!p0 $0xF7A, s2;
	p2 =	seq.s32 @!p0 s5, $0x0  }
0x1f: {  	s9 =	smul.u32 $0xF7A, s1;
	s8 =	simm.s32 @!p0 $0x1BF5;
	p2 =	por !p2, p0  }
0x20: {  	[sflag:s8] =	ssyncset.s32 @!p0 $0xFFFFF086;
	s6 =	sadd.s32 @!p0 s3, s7;
	s7 =	simm.s32 @!p0 $0x108  }
0x21: {  	s3 =	sadd.s32 s3, s9;
	s6 =	sadd.s32 @!p0 $0x88, s6;
	s7 =	simm.s32 @p2 $0x1082  }
0x22: {  	[simem:s7], [sflag:s8] =	dma.local @!p0 [hbm:s6], $0xF7A  }
0x23: {  	s9 =	sor.u32 $0xD0000000, s2;
	s6 =	simm.s32 $0x108;
	_ =	swait.ge @!p0 [sflag:s8], $0x0  }
0x24: {  	s3 =	sadd.s32 $0x88, s3;
	s6 =	simm.s32 @!p1 $0x1082;
	[sflag:s4] =	ssyncset.s32 $0xFFFFF086  }
0x25: {  	[simem:s6], [sflag:s4] =	dma.local [hbm:s3], $0xF7A  }
0x26: {  	[smem:$0x3F95] =	sst s1;
	(tag) =	ssettag s2;
	_ =	strace s9  }
0x27: {  	s1 =	sld [smem:$0x3FA5]  }
0x28: {  	s2 =	sld [smem:$0x3FA6]  }
0x29: {  	s4 =	sld [smem:$0x3FA8]  }
0x2a: {  	p0 =	seq.s32 s5, $0x0;
	s5 =	sld [smem:$0x3FA9]  }
0x2b: {  	s6 =	sld [smem:$0x3FAA]  }
0x2c: {  	s7 =	sld [smem:$0x3FAB]  }
0x2d: {  	s3 =	simm.s32 $0x108;
	s8 =	sld [smem:$0x3FAC]  }
0x2e: {  	s3 =	simm.s32 @!p0 $0x1082;
	s9 =	sld [smem:$0x3FAD]  }
0x2f: {  	lr =	sadd.s32 s0, s3;
	s0 =	sld [smem:$0x3FA4]  }
0x30: {  	s3 =	sld [smem:$0x3FA7]  }
0x31: {  	[smem:$0x3FB0] =	sst s10  }
0x32: {  	s10 =	sld [smem:$0x3FAE];
	_ =	sdelay $0x3  }
0x33: {  	p0 =	seq.s32 s10, $0x1;
	s10 =	sld [smem:$0x3FB0];
	_ =	sdelay $0x3  }
0x34: {  	[smem:$0x3FB0] =	sst s10  }
0x35: {  	s10 =	sld [smem:$0x3FAF];
	_ =	sdelay $0x3  }
0x36: {  	p1 =	seq.s32 s10, $0x1;
	s10 =	sld [smem:$0x3FB0];
	_ =	sdelay $0x3  }
0x37: {  	[smem:$0x3FB0] =	sst s10  }
0x38: {  	s10 =	sld [smem:$0x3FB1]  }
0x39: {  	_ = 	snop;
	(pc) =	sbr.ind lr, $3  }
0x3a: {  	_ = 	snop  }
0x3b: {  	_ = 	snop  }
0x3c: {  	p2 =	seq.s32 s10, $0x1;
	s10 =	sld [smem:$0x3FB0]  }
0x3d: {  	_ =	shalt  }
0x3e: {  	_ =	shalt  }
0x3f: {  	_ =	shalt  }
0x40: {  	_ =	shalt  }
0x41: {  	_ =	shalt  }
0x42: {  	_ =	shalt  }
0x43: {  	_ =	shalt  }
0x44: {  	_ =	shalt  }
0x45: {  	_ =	shalt  }
0x46: {  	_ =	shalt  }
0x47: {  	_ =	shalt  }
0x48: {  	_ =	shalt  }
0x49: {  	_ =	shalt  }
0x4a: {  	_ =	shalt  }
0x4b: {  	_ =	shalt  }
0x4c: {  	_ =	shalt  }
0x4d: {  	_ =	shalt  }
0x4e: {  	_ =	shalt  }
0x4f: {  	_ =	shalt  }
0x50: {  	_ =	shalt  }
0x51: {  	_ =	shalt  }
0x52: {  	_ =	shalt  }
0x53: {  	_ =	shalt  }
0x54: {  	_ =	shalt  }
0x55: {  	_ =	shalt  }
0x56: {  	_ =	shalt  }
0x57: {  	_ =	shalt  }
0x58: {  	_ =	shalt  }
0x59: {  	_ =	shalt  }
0x5a: {  	_ =	shalt  }
0x5b: {  	_ =	shalt  }
0x5c: {  	_ =	shalt  }
0x5d: {  	_ =	shalt  }
0x5e: {  	_ =	shalt  }
0x5f: {  	_ =	shalt  }
0x60: {  	_ =	shalt  }
0x61: {  	_ =	shalt  }
0x62: {  	_ =	shalt  }
0x63: {  	_ =	shalt  }
0x64: {  	_ =	shalt  }
0x65: {  	_ =	shalt  }
0x66: {  	_ =	shalt  }
0x67: {  	_ =	shalt  }
0x68: {  	_ =	shalt  }
0x69: {  	_ =	shalt  }
0x6a: {  	_ =	shalt  }
0x6b: {  	_ =	shalt  }
0x6c: {  	_ =	shalt  }
0x6d: {  	_ =	shalt  }
0x6e: {  	_ =	shalt  }
0x6f: {  	_ =	shalt  }
0x70: {  	_ =	shalt  }
0x71: {  	_ =	shalt  }
0x72: {  	_ =	shalt  }
0x73: {  	_ =	shalt  }
0x74: {  	_ =	shalt  }
0x75: {  	_ =	shalt  }
0x76: {  	_ =	shalt  }
0x77: {  	_ =	shalt  }
0x78: {  	_ =	shalt  }
0x79: {  	_ =	shalt  }
0x7a: {  	_ =	shalt  }
0x7b: {  	_ =	shalt  }
0x7c: {  	_ =	shalt  }
0x7d: {  	_ =	shalt  }
0x7e: {  	_ =	shalt  }
0x7f: {  	_ =	shalt  }
0x80: {  	_ =	shalt  }
0x81: {  	_ =	shalt  }
0x82: {  	_ =	shalt  }
0x83: {  	_ =	shalt  }
0x84: {  	_ =	shalt  }
0x85: {  	_ =	shalt  }
0x86: {  	_ =	shalt  }
0x87: {  	_ =	shalt  }
.Lfunc_end0:
.L_simem_size_0:
called_computation.1_lowered:
.L_overlay_start_0:
0x88: {  	s2 =	sld [smem:$0x3FD9]  }
0x89: {  	s3 =	sld [smem:$0x3FFE];
	_ =	sdelay $0x1  }
0x8a: {  	s1 =	srdreg.scid  }
0x8b: {  	s0 =	sand.u32 $0x1, s1  }
0x8c: {  	s17 =	sshll.u32 s0, $0xA;
	s2 =	sadd.s32 s3, s2  }
0x8d: {  	s2 =	sadd.s32 s2, s17  }
0x8e: {  	[smem:$0x3FBC] =	sst s2  }
0x8f: {  	_ = 	snop  }
0x90: {  	s2 =	sld [smem:$0x3FD0];
	(tm) =	ssettm $0x1  }
0x91: {  	s18 =	sld [smem:$0x3FFB];
	_ =	sdelay $0x3  }
0x92: {  	_ =	strace s18  }
0x93: {  	s3 =	sld [smem:$0x3FFC];
	_ =	sdelay $0x3  }
0x94: {  	_ =	strace s3  }
0x95: {  	s3 =	sld [smem:$0x3FFD];
	_ =	sdelay $0x3  }
0x96: {  	_ =	strace s3  }
0x97: {  	_ =	strace $0x8FFFFFFF  }
0x98: {  	s19 =	sld [smem:$0x3FDB];
	_ =	sdelay $0x1  }
0x99: {  	s4 =	simm.s32 $_scs_section_size  }
0x9a: {  	s5 =	simm.s32 $_size__tile_overlayer_lowered;
	s6 =	simm.s32 $_tile_overlayer_lowered  }
0x9b: {  	s22 =	simm.s32 $0x1BFF;
	s21 =	sshll.u32 s6, $0x1;
	s3 =	sadd.s32 s4, s19  }
0x9c: {  	s7 =	simm.s32 $0x0;
	s20 =	sshll.u32 s5, $0x1;
	s5 =	sadd.s32 s21, s3  }
0x9d: {  	[timem:s7], [sflag:s22] =	dma.local [hbm:s5], s20  }
0x9e: {  	_ =	swait.ge [sflag:s22], s20  }
0x9f: {  	s4 =	ssub.s32 $0x0, s20;
	[sflag:s22] =	ssyncset.done $0x0  }
0xa0: {  	[sflag:s22] =	ssyncadd.s32 s4;
	_ =	sdelay $0x1  }
0xa1: {  	s23 =	simm.s32 $0x1B8B  }
0xa2: {  	_ =	swait.ge [sflag:s23], $0x1  }
0xa3: {  	[sflag:s23] =	ssyncset.done $0x0  }
0xa4: {  	s25 =	simm.s32 $0x1B8E;
	s24 =	sld [smem:$0x3FFE];
	[sflag:s23] =	ssyncadd.s32 $0xFFFFFFFF  }
0xa5: {  	s26 =	simm.s32 $execute0_lowered;
	[smem:$0x3FD2] =	sst s25  }
0xa6: {  	s5 =	sshll.u32 s26, $0x1;
	_ =	strace $0x80000049;
	[dreg:$0x1] =	wrdreg $0xFFFFFFFF  }
0xa7: {  	s28 =	simm.s32 $_size_execute0_lowered;
	s3 =	sadd.s32 s3, s5;
	[dreg:$0x0] =	wrdreg $0x0  }
0xa8: {  	s5 =	sshll.u32 s28, $0x1;
	[dreg:$0x2] =	wrdreg s3  }
0xa9: {  	[dreg:$0x3] =	wrdreg s5  }
0xaa: {  	[dreg:$0x4] =	wrdreg $0xC0  }
0xab: {  	_ =	task [dreg:s7], $0x5FFFF  }
0xac: {  	[dreg:$0x1] =	wrdreg $0xFFFFFFFF  }
0xad: {  	[dreg:$0x0] =	wrdreg $0x60  }
0xae: {  	[dreg:$0x2] =	wrdreg s24  }
0xaf: {  	[dreg:$0x3] =	wrdreg s2  }
0xb0: {  	[dreg:$0x4] =	wrdreg $0xAD000  }
0xb1: {  	[dreg:$0x5] =	wrdreg $0x9  }
0xb2: {  	_ =	task.clear_ibuf [dreg:s7], $0x6FFFF;
	_ =	strace $0x90000049  }
0xb3: {  	s29 =	simm.s32 $0x9;
	_ =	strace $0x8000004B  }
0xb4: {  	_ =	swait.ge [sflag:s29], $0x1  }
0xb5: {  	[sflag:s29] =	ssyncadd.s32 $0xFFFFFFFF  }
0xb6: {  	_ =	strace $0x9000004B  }
0xb7: {  	_ =	sfence  }
0xb8: {  	s30 =	sld [smem:$0x0];
	_ =	sdelay $0x2  }
0xb9: {  	s31 =	sshll.u32 s1, $0xD;
	s1 =	sshrl.u32 s1, $0x2  }
0xba: {  	s3 =	sand.u32 $0x4000, s31;
	s1 =	sadd.s32 s1, s30  }
0xbb: {  	s0 =	sor.u32 s3, s0;
	s1 =	sshll.u32 s1, $0x11  }
0xbc: {  	s0 =	sor.u32 s1, s0  }
0xbd: {  	s0 =	sadd.s32 $0x8F2B, s0  }
0xbe: {  	[sflag:s0] =	ssyncadd.remote.s32 $0x1  }
0xbf: {  	_ =	sfence.sel $0xFFFF  }
0xc0: {  	[dreg:$0x0] =	wrdreg $0xFFFFFFFF;
	(pc) =	sbr.abs _section_cstart, $3  }
0xc1: {  	[dreg:$0x1] =	wrdreg $0xFFFFFFFF  }
0xc2: {  	_ =	task.clear_ibuf [dreg:s7], $0x2FFFF;
	_ =	strace $0x9FFFFFFF  }
0xc3: {  	(tm) =	ssettm $0x7FFFFFFF  }
tec
execute0_lowered:
.L_overlay_start_1:
0x0: {  	(tag) =	ssettag $0x1  }
0x1: {  	s0 =	rddreg [dreg:$0x0]  }
0x2: {  	s1 =	srdreg.scid;
	s2 =	rddreg [dreg:$0x1]  }
0x3: {  	s3 =	rddreg [dreg:$0x2];
	s12 =	stileid.u32  }
0x4: {  	s4 =	simm.s32 $0x0;
	s28 =	simm.s32 $0x1;
	s29 =	simm.s32 $0x80  }
0x5: {  	s30 =	simm.s32 $0x2C00;
	s31 =	simm.s32 $0x6D00;
	s1 =	sand.u32 $0x1, s1  }
0x6: {  	[smem:$0x7FF] =	sst s4;
	s6 =	sadd.s32 $0x10000, s0;
	s11 =	smul.u32 $0x14000, s12  }
0x7: {  	s16 =	smul.u32 $0x50000, s12;
	s5 =	sshll.u32 s1, $0x4;
	_ =	strace $0x8000004A  }
0x8: {  	s8 =	ssub.s32 $0x2, s1;
	s1 =	smul.u32 $0x140000, s1;
	s5 =	sor.u32 s12, s5  }
0x9: {  	s10 =	sshrl.u32 s8, $0x1;
	s18 =	sadd.s32 $0x4000, s11;
	s22 =	sadd.s32 $0x8000, s11  }
0xa: {  	s24 =	sadd.s32 $0xC000, s11;
	s5 =	smul.u32 $0x2C00, s5;
	s8 =	ssub.s32 s8, s10  }
0xb: {  	s17 =	sadd.s32 s11, s1;
	s13 =	sadd.s32 s1, s18;
	s21 =	sadd.s32 s18, s3  }
0xc: {  	s23 =	sadd.s32 s22, s3;
	s25 =	sadd.s32 s1, s24;
	[dreg:$0x8] =	wrdreg s21  }
0xd: {  	s11 =	sadd.s32 $0x10000, s11;
	s20 =	sshrl.u32 s13, $0x3;
	[dreg:$0xa] =	wrdreg s23  }
0xe: {  	s26 =	sshrl.u32 s25, $0x3;
	s18 =	sadd.s32 s11, s3;
	s7 =	sshrl.u32 s5, $0x3  }
0xf: {  	s25 =	simm.s32 $0x2D00;
	s9 =	sadd.s32 s7, s0;
	s0 =	sadd.s32 $0x38000, s0  }
0x10: {  	s15 =	sadd.s32 s2, s7;
	s7 =	sshrl.u32 s16, $0x2;
	s16 =	sadd.s32 s24, s3  }
0x11: {  	s9 =	sadd.s32 $0x5000, s9;
	[dreg:$0x5] =	wrdreg s15;
	s10 =	sadd.s32 s7, s3  }
0x12: {  	s7 =	sadd.s32 s0, s20;
	s20 =	smax.u32 s8, $0x1;
	[dreg:$0x4] =	wrdreg s9  }
0x13: {  	s8 =	simm.s32 $0x0;
	s9 =	sadd.s32 $0x10, s15;
	[dreg:$0x9] =	wrdreg s7  }
0x14: {  	s7 =	sadd.s32 s1, s22;
	s1 =	sadd.s32 s1, s11;
	s21 =	sadd.s32 $0x4000, s10  }
0x15: {  	s22 =	sadd.s32 $0x8000, s10;
	s23 =	sadd.s32 $0xC000, s10;
	s24 =	sadd.s32 $0x10000, s10  }
0x16: {  	[dreg:$0x6] =	wrdreg s9;
	s9 =	sshrl.u32 s17, $0x3;
	s7 =	sshrl.u32 s7, $0x3  }
0x17: {  	s17 =	sadd.s32 s0, s26;
	s1 =	sshrl.u32 s1, $0x3;
	s19 =	sadd.s32 s0, s9  }
0x18: {  	s26 =	simm.s32 $0x5;
	s7 =	sadd.s32 s0, s7;
	[dreg:$0x7] =	wrdreg s19  }
0x19: {  	s9 =	simm.s32 $0x4;
	[dreg:$0xb] =	wrdreg s7;
	s19 =	sadd.s32 s0, s1  }
0x1a: {  	v0 =	vimm.f32 $0.0e+00;
	s0 =	simm.s32 $0x2C80;
	s1 =	simm.s32 $0x3;
	s7 =	simm.s32 $0x2  }
.LBB2_1:
0x1b: {  	s11 =	rddreg [dreg:$0x4]  }
0x1c: {  	[tilespmem:s4], [sflag:$0x1] =	stream.linear.gather [hbm4b:s11+s4], $0x2900, $0x38;
	[tilespmem:$0x1ED00] =	vst v63  }
0x1d: {  	s12 =	simm.s32 $0x200;
	s11 =	simm.s32 $0x0  }
.LBB2_2:
0x1e: {  	p0 =	sne.s32 s12, $0xFE00;
	[tilespmem:s11+$0x2D70] =	vst v0  }
0x1f: {  	[tilespmem:s11+$0x2D00] =	vst v0  }
0x20: {  	[tilespmem:s11+$0x2D10] =	vst v0  }
.Ltmp0:
0x21: {  	[tilespmem:s11+$0x2D20] =	vst v0;
	(pc) =	sbr.rel @p0 .LBB2_2-.Ltmp0, $4  }
0x22: {  	[tilespmem:s11+$0x2D30] =	vst v0  }
0x23: {  	[tilespmem:s11+$0x2D40] =	vst v0  }
0x24: {  	[tilespmem:s11+$0x2D50] =	vst v0  }
0x25: {  	[tilespmem:s11+$0x2D60] =	vst v0;
	s11 =	sshra.s32 s12, $0x2;
	s12 =	sadd.s32 $0x200, s12  }
0x26: {  	[tilespmem:s11+$0x2D70] =	vst v0  }
0x27: {  	[tilespmem:s11+$0x2D00] =	vst v0  }
0x28: {  	[tilespmem:s11+$0x2D10] =	vst v0  }
0x29: {  	[tilespmem:s11+$0x2D20] =	vst v0  }
0x2a: {  	[tilespmem:s11+$0x2D30] =	vst v0  }
0x2b: {  	[tilespmem:s11+$0x2D40] =	vst v0  }
0x2c: {  	[tilespmem:s11+$0x2D50] =	vst v0  }
0x2d: {  	[tilespmem:s11+$0x2D60] =	vst v0  }
0x2e: {  	[spmem:s10] =	stream.linear.scatter [tilespmem:s25], [sflag:$0x5], $0x4000, $0x38;
	[tilespmem:$0x1ED00] =	vst v63  }
0x2f: {  	_ =	swait.ge [sflag:s26], $0x4000  }
0x30: {  	[sflag:s26] =	ssyncset.done $0x0  }
0x31: {  	[sflag:s26] =	ssyncadd.s32 $0xFFFFC000  }
0x32: {  	[spmem:s21] =	stream.linear.scatter [tilespmem:s25], [sflag:$0x5], $0x4000, $0x38;
	[tilespmem:$0x1ED00] =	vst v63  }
0x33: {  	_ =	swait.ge [sflag:s26], $0x4000  }
0x34: {  	[sflag:s26] =	ssyncset.done $0x0  }
0x35: {  	[sflag:s26] =	ssyncadd.s32 $0xFFFFC000  }
0x36: {  	[spmem:s22] =	stream.linear.scatter [tilespmem:s25], [sflag:$0x5], $0x4000, $0x38;
	[tilespmem:$0x1ED00] =	vst v63  }
0x37: {  	_ =	swait.ge [sflag:s26], $0x4000  }
0x38: {  	[sflag:s26] =	ssyncset.done $0x0  }
0x39: {  	[sflag:s26] =	ssyncadd.s32 $0xFFFFC000  }
0x3a: {  	[spmem:s23] =	stream.linear.scatter [tilespmem:s25], [sflag:$0x5], $0x4000, $0x38;
	[tilespmem:$0x1ED00] =	vst v63  }
0x3b: {  	_ =	swait.ge [sflag:s26], $0x4000  }
0x3c: {  	[sflag:s26] =	ssyncset.done $0x0  }
0x3d: {  	[sflag:s26] =	ssyncadd.s32 $0xFFFFC000  }
0x3e: {  	[spmem:s24] =	stream.linear.scatter [tilespmem:s25], [sflag:$0x5], $0x4000, $0x38;
	[tilespmem:$0x1ED00] =	vst v63  }
0x3f: {  	_ =	swait.ge [sflag:s26], $0x4000  }
0x40: {  	[sflag:s26] =	ssyncset.done $0x0  }
0x41: {  	[sflag:s26] =	ssyncadd.s32 $0xFFFFC000  }
0x42: {  	_ =	swait.ge [sflag:s28], $0x2900  }
0x43: {  	[sflag:s28] =	ssyncset.done $0x0  }
0x44: {  	[sflag:s28] =	ssyncadd.s32 $0xFFFFD700  }
0x45: {  	[bflag:$0x0] =	sbarrier.arrive $0xFFFF  }
0x46: {  	[tilespmem:s25], [sflag:$0x1] =	stream.indirect.gather [hbm4b:s6+s29], $0x80, s4, s29, $0xb8;
	[tilespmem:$0x1ED00] =	vst v63  }
0x47: {  	s15 =	rddreg [dreg:$0x5]  }
0x48: {  	[tilespmem:s30], [sflag:$0x3] =	stream.linear.gather [hbm4b:s15+s4], $0x80, $0x38;
	[tilespmem:$0x1ED00] =	vst v63  }
0x49: {  	_ = 	snop  }
0x4a: {  	[tilespmem:s31], [sflag:$0x2] =	stream.indirect.gather [hbm4b:s6+s29], $0x80, s29, s29, $0xb8;
	[tilespmem:$0x1ED00] =	vst v63  }
0x4b: {  	s12 =	rddreg [dreg:$0x6]  }
0x4c: {  	[tilespmem:s0], [sflag:$0x4] =	stream.linear.gather [hbm4b:s12+s4], $0x80, $0x38;
	[tilespmem:$0x1ED00] =	vst v63  }
0x4d: {  	_ =	swait.ge [sflag:s28], $0x4000  }
0x4e: {  	[sflag:s28] =	ssyncset.done $0x0  }
0x4f: {  	[sflag:s28] =	ssyncadd.s32 $0xFFFFC000  }
0x50: {  	_ =	swait.ge [sflag:s1], $0x80  }
0x51: {  	s13 =	simm.s32 $0x100;
	[sflag:s1] =	ssyncset.done $0x0  }
0x52: {  	s12 =	sand.u32 $0x7C00, s13;
	[sflag:s1] =	ssyncadd.s32 $0xFFFFFF80  }
0x53: {  	[spmem:s3] =	stream.indirect.scatter.add.f32 [tilespmem:s25], [sflag:$0x5], $0x80, s30, s29, $0xb8;
	[tilespmem:$0x1ED00] =	vst v63  }
0x54: {  	s13 =	sand.u32 $0x300, s13;
	s12 =	sadd.s32 s5, s12;
	_ =	swait.ge [sflag:s26], $0x4000  }
0x55: {  	s12 =	sor.u32 s13, s12;
	[sflag:s26] =	ssyncset.done $0x0  }
0x56: {  	s11 =	simm.s32 $0x100;
	s12 =	sshrl.u32 s12, $0x3;
	[sflag:s26] =	ssyncadd.s32 $0xFFFFC000  }
0x57: {  	[tilespmem:s25], [sflag:$0x1] =	stream.indirect.gather [hbm4b:s6+s29], $0x80, s11, s29, $0xb8;
	[tilespmem:$0x1ED00] =	vst v63  }
0x58: {  	s12 =	sadd.s32 s2, s12  }
0x59: {  	[tilespmem:s30], [sflag:$0x3] =	stream.linear.gather [hbm4b:s12+s4], $0x80, $0x38;
	[tilespmem:$0x1ED00] =	vst v63  }
0x5a: {  	_ =	swait.ge [sflag:s7], $0x4000  }
0x5b: {  	[sflag:s7] =	ssyncset.done $0x0  }
0x5c: {  	[sflag:s7] =	ssyncadd.s32 $0xFFFFC000  }
0x5d: {  	_ =	swait.ge [sflag:s9], $0x80  }
0x5e: {  	s12 =	simm.s32 $0x180;
	[sflag:s9] =	ssyncset.done $0x0  }
0x5f: {  	s15 =	sand.u32 $0x7C00, s12;
	[sflag:s9] =	ssyncadd.s32 $0xFFFFFF80  }
0x60: {  	[spmem:s3] =	stream.indirect.scatter.add.f32 [tilespmem:s31], [sflag:$0x5], $0x80, s0, s29, $0xb8;
	[tilespmem:$0x1ED00] =	vst v63  }
0x61: {  	s12 =	sand.u32 $0x380, s12;
	s13 =	sadd.s32 s5, s15;
	_ =	swait.ge [sflag:s26], $0x4000  }
0x62: {  	s14 =	simm.s32 $0x180;
	s13 =	sor.u32 s12, s13;
	[sflag:s26] =	ssyncset.done $0x0  }
0x63: {  	s12 =	simm.s32 $0x280;
	s13 =	sshrl.u32 s13, $0x3;
	[sflag:s26] =	ssyncadd.s32 $0xFFFFC000  }
0x64: {  	[tilespmem:s31], [sflag:$0x2] =	stream.indirect.gather [hbm4b:s6+s29], $0x80, s14, s29, $0xb8;
	[tilespmem:$0x1ED00] =	vst v63  }
.LBB2_4:
0x65: {  	p0 =	sne.s32 s12, $0x2880;
	s13 =	sadd.s32 s2, s13;
	s11 =	sadd.s32 $0x100, s11  }
0x66: {  	[tilespmem:s0], [sflag:$0x4] =	stream.linear.gather [hbm4b:s13+s4], $0x80, $0x38;
	[tilespmem:$0x1ED00] =	vst v63  }
0x67: {  	s13 =	smov.u32 s12;
	s12 =	sadd.s32 $0x100, s12;
	_ =	swait.ge [sflag:s28], $0x4000  }
0x68: {  	[sflag:s28] =	ssyncset.done $0x0  }
0x69: {  	[sflag:s28] =	ssyncadd.s32 $0xFFFFC000  }
0x6a: {  	_ =	swait.ge [sflag:s1], $0x80  }
0x6b: {  	[sflag:s1] =	ssyncset.done $0x0  }
0x6c: {  	s14 =	sadd.s32 $0xFFFFFF80, s13;
	[sflag:s1] =	ssyncadd.s32 $0xFFFFFF80  }
0x6d: {  	[spmem:s3] =	stream.indirect.scatter.add.f32 [tilespmem:s25], [sflag:$0x5], $0x80, s30, s29, $0xb8;
	[tilespmem:$0x1ED00] =	vst v63  }
0x6e: {  	s15 =	sand.u32 $0x7C00, s14;
	_ =	swait.ge [sflag:s26], $0x4000  }
0x6f: {  	s14 =	sand.u32 $0x300, s14;
	s15 =	sadd.s32 s5, s15;
	[sflag:s26] =	ssyncset.done $0x0  }
0x70: {  	s14 =	sor.u32 s14, s15;
	[sflag:s26] =	ssyncadd.s32 $0xFFFFC000  }
0x71: {  	[tilespmem:s25], [sflag:$0x1] =	stream.indirect.gather [hbm4b:s6+s29], $0x80, s11, s29, $0xb8;
	[tilespmem:$0x1ED00] =	vst v63  }
0x72: {  	s14 =	sshrl.u32 s14, $0x3  }
0x73: {  	s14 =	sadd.s32 s2, s14  }
0x74: {  	[tilespmem:s30], [sflag:$0x3] =	stream.linear.gather [hbm4b:s14+s4], $0x80, $0x38;
	[tilespmem:$0x1ED00] =	vst v63  }
0x75: {  	_ =	swait.ge [sflag:s7], $0x4000  }
0x76: {  	[sflag:s7] =	ssyncset.done $0x0  }
0x77: {  	[sflag:s7] =	ssyncadd.s32 $0xFFFFC000  }
0x78: {  	_ =	swait.ge [sflag:s9], $0x80  }
0x79: {  	[sflag:s9] =	ssyncset.done $0x0  }
0x7a: {  	s14 =	sand.u32 $0x7C00, s13;
	[sflag:s9] =	ssyncadd.s32 $0xFFFFFF80  }
0x7b: {  	[spmem:s3] =	stream.indirect.scatter.add.f32 [tilespmem:s31], [sflag:$0x5], $0x80, s0, s29, $0xb8;
	[tilespmem:$0x1ED00] =	vst v63  }
.Ltmp1:
0x7c: {  	_ = 	snop;
	(pc) =	sbr.rel @p0 .LBB2_4-.Ltmp1, $4  }
0x7d: {  	s13 =	sand.u32 $0x380, s13;
	s14 =	sadd.s32 s5, s14;
	_ =	swait.ge [sflag:s26], $0x4000  }
0x7e: {  	s13 =	sor.u32 s13, s14;
	[sflag:s26] =	ssyncset.done $0x0  }
0x7f: {  	s14 =	sadd.s32 $0x80, s11;
	s13 =	sshrl.u32 s13, $0x3;
	[sflag:s26] =	ssyncadd.s32 $0xFFFFC000  }
0x80: {  	[tilespmem:s31], [sflag:$0x2] =	stream.indirect.gather [hbm4b:s6+s29], $0x80, s14, s29, $0xb8;
	[tilespmem:$0x1ED00] =	vst v63  }
0x81: {  	s11 =	sadd.s32 s2, s13  }
0x82: {  	[tilespmem:s0], [sflag:$0x4] =	stream.linear.gather [hbm4b:s11+s4], $0x80, $0x38;
	[tilespmem:$0x1ED00] =	vst v63  }
0x83: {  	_ =	swait.ge [sflag:s28], $0x4000  }
0x84: {  	[sflag:s28] =	ssyncset.done $0x0  }
0x85: {  	[sflag:s28] =	ssyncadd.s32 $0xFFFFC000  }
0x86: {  	_ =	swait.ge [sflag:s1], $0x80  }
0x87: {  	[sflag:s1] =	ssyncset.done $0x0  }
0x88: {  	[sflag:s1] =	ssyncadd.s32 $0xFFFFFF80  }
0x89: {  	_ =	swait.ge [sflag:s7], $0x4000  }
0x8a: {  	[sflag:s7] =	ssyncset.done $0x0  }
0x8b: {  	[sflag:s7] =	ssyncadd.s32 $0xFFFFC000  }
0x8c: {  	_ =	swait.ge [sflag:s9], $0x80  }
0x8d: {  	[sflag:s9] =	ssyncset.done $0x0  }
0x8e: {  	[sflag:s9] =	ssyncadd.s32 $0xFFFFFF80  }
0x8f: {  	[bflag:$0x0] =	sbarrier.arrive $0xFFFF  }
0x90: {  	[tilespmem:s25], [sflag:$0x5] =	stream.linear.gather [spmem:s10], $0x4000, $0x38;
	[tilespmem:$0x1ED00] =	vst v63  }
0x91: {  	_ =	swait.ge [sflag:s26], $0x4000  }
0x92: {  	[sflag:s26] =	ssyncset.done $0x0  }
0x93: {  	s15 =	rddreg [dreg:$0x7];
	[sflag:s26] =	ssyncadd.s32 $0xFFFFC000  }
0x94: {  	[hbm4b:s15+s4] =	stream.linear.scatter [tilespmem:s25], [sflag:$0x1], $0x4000, $0x38;
	[tilespmem:$0x1ED00] =	vst v63  }
0x95: {  	s12 =	rddreg [dreg:$0x8]  }
0x96: {  	[tilespmem:s31], [sflag:$0x5] =	stream.linear.gather [spmem:s12], $0x4000, $0x38;
	[tilespmem:$0x1ED00] =	vst v63  }
0x97: {  	_ =	swait.ge [sflag:s26], $0x4000  }
0x98: {  	[sflag:s26] =	ssyncset.done $0x0  }
0x99: {  	s13 =	rddreg [dreg:$0x9];
	[sflag:s26] =	ssyncadd.s32 $0xFFFFC000  }
0x9a: {  	[hbm4b:s13+s4] =	stream.linear.scatter [tilespmem:s31], [sflag:$0x2], $0x4000, $0x38;
	[tilespmem:$0x1ED00] =	vst v63  }
0x9b: {  	_ =	swait.ge [sflag:s28], $0x4000  }
0x9c: {  	[sflag:s28] =	ssyncset.done $0x0  }
0x9d: {  	s14 =	rddreg [dreg:$0xa];
	[sflag:s28] =	ssyncadd.s32 $0xFFFFC000  }
0x9e: {  	[tilespmem:s25], [sflag:$0x5] =	stream.linear.gather [spmem:s14], $0x4000, $0x38;
	[tilespmem:$0x1ED00] =	vst v63  }
0x9f: {  	_ =	swait.ge [sflag:s26], $0x4000  }
0xa0: {  	[sflag:s26] =	ssyncset.done $0x0  }
0xa1: {  	s15 =	rddreg [dreg:$0xb];
	[sflag:s26] =	ssyncadd.s32 $0xFFFFC000  }
0xa2: {  	[hbm4b:s15+s4] =	stream.linear.scatter [tilespmem:s25], [sflag:$0x1], $0x4000, $0x38;
	[tilespmem:$0x1ED00] =	vst v63  }
0xa3: {  	_ =	swait.ge [sflag:s7], $0x4000  }
0xa4: {  	[sflag:s7] =	ssyncset.done $0x0  }
0xa5: {  	[sflag:s7] =	ssyncadd.s32 $0xFFFFC000  }
0xa6: {  	[tilespmem:s31], [sflag:$0x5] =	stream.linear.gather [spmem:s16], $0x4000, $0x38;
	[tilespmem:$0x1ED00] =	vst v63  }
0xa7: {  	_ =	swait.ge [sflag:s26], $0x4000  }
0xa8: {  	[sflag:s26] =	ssyncset.done $0x0  }
0xa9: {  	[sflag:s26] =	ssyncadd.s32 $0xFFFFC000  }
0xaa: {  	[hbm4b:s17+s4] =	stream.linear.scatter [tilespmem:s31], [sflag:$0x2], $0x4000, $0x38;
	[tilespmem:$0x1ED00] =	vst v63  }
0xab: {  	_ =	swait.ge [sflag:s28], $0x4000  }
0xac: {  	[sflag:s28] =	ssyncset.done $0x0  }
0xad: {  	[sflag:s28] =	ssyncadd.s32 $0xFFFFC000  }
0xae: {  	[tilespmem:s25], [sflag:$0x5] =	stream.linear.gather [spmem:s18], $0x4000, $0x38;
	[tilespmem:$0x1ED00] =	vst v63  }
0xaf: {  	_ =	swait.ge [sflag:s26], $0x4000  }
0xb0: {  	[sflag:s26] =	ssyncset.done $0x0  }
0xb1: {  	s8 =	sadd.s32 $0x1, s8;
	[sflag:s26] =	ssyncadd.s32 $0xFFFFC000  }
0xb2: {  	[hbm4b:s19+s4] =	stream.linear.scatter [tilespmem:s25], [sflag:$0x1], $0x4000, $0x38;
	[tilespmem:$0x1ED00] =	vst v63  }
0xb3: {  	p0 =	sne.s32 s8, s20;
	_ =	swait.ge [sflag:s7], $0x4000  }
.Ltmp2:
0xb4: {  	[sflag:s7] =	ssyncset.done $0x0;
	(pc) =	sbr.rel @p0 .LBB2_1-.Ltmp2, $4  }
0xb5: {  	[sflag:s7] =	ssyncadd.s32 $0xFFFFC000  }
0xb6: {  	_ =	swait.ge [sflag:s28], $0x4000  }
0xb7: {  	[sflag:s28] =	ssyncset.done $0x0  }
0xb8: {  	[sflag:s28] =	ssyncadd.s32 $0xFFFFC000  }
0xb9: {  	_ =	sfence.sel $0x180000  }
0xba: {  	[bflag:$0x0] =	sbarrier.arrive $0xFFFF  }
0xbb: {  	_ =	strace $0x9000004A  }
0xbc: {  	s0 =	stileid.u32;
	[bflag:$0x2] =	sbarrier.arrive $0xFFFF  }
0xbd: {  	p0 =	sne.s32 s0, $0x0;
	s0 =	rddreg [dreg:$0x3]  }
0xbe: {  	s0 =	sadd.s32 @!p0 $0x100000, s0  }
0xbf: {  	[sflag:s0] =	ssyncadd.tile.s32 @!p0 $0x1;
	_ =	shalt  }
.Lfunc_end2:
_tile_overlayer_lowered:
.L_overlay_start_2:
0xc0: {  	(tag) =	ssettag $0x2  }
0xc1: {  	s0 =	rddreg [dreg:$0x0];
	s2 =	stileid.u32  }
0xc2: {  	s1 =	rddreg [dreg:$0x1];
	p0 =	sne.s32 s2, $0x0  }
0xc3: {  	s3 =	rddreg [dreg:$0x2];
	[bflag:$0x3] =	sbarrier.arrive $0xFFFF;
	s2 =	simm.s32 @!p0 $0x1C05  }
0xc4: {  	[timem:s3], [sflag:s2] =	dma.local @!p0 [hbm:s0], s1  }
0xc5: {  	s0 =	simm.s32 @!p0 $0x5  }
0xc6: {  	_ =	swait.ge @!p0 [sflag:s0], s1  }
0xc7: {  	s1 =	ssub.s32 @!p0 $0x0, s1;
	[sflag:s0] =	ssyncset.done @!p0 $0x0  }
0xc8: {  	[sflag:s0] =	ssyncadd.s32 @!p0 s1  }
0xc9: {  	[bflag:$0x3] =	sbarrier.arrive $0xFFFF  }
0xca: {  	_ =	shalt  }

// kernel: kernel.16.cloned.1.call-start
scs
__scs_entry_jumppad:
0x0: {  	(pc) =	sbr.rel $0x88, $3  }
0x1: {  	(tag) =	ssettag $0x0;
	lr =	simm.s32 $0x1  }
0x2: {  	[smem:$0x3F95] =	sst lr;
	_ =	strace $0xD0000000  }
0x3: {  	_ = 	snop  }
0x4: {  	_ = 	snop  }
0x5: {  	_ = 	snop  }
0x6: {  	_ = 	snop  }
0x7: {  	_ = 	snop  }
__scs_overlays_trampoline_lowered:
0x8: {  	[smem:$0x3FA4] =	sst s0  }
0x9: {  	[smem:$0x3FA5] =	sst s1  }
0xa: {  	[smem:$0x3FA6] =	sst s2  }
0xb: {  	[smem:$0x3FA7] =	sst s3  }
0xc: {  	[smem:$0x3FA8] =	sst s4  }
0xd: {  	[smem:$0x3FA9] =	sst s5  }
0xe: {  	[smem:$0x3FAA] =	sst s6  }
0xf: {  	[smem:$0x3FAB] =	sst s7  }
0x10: {  	[smem:$0x3FAC] =	sst s8  }
0x11: {  	[smem:$0x3FAD] =	sst s9;
	s0 =	simm.s32 @!p0 $0x0  }
0x12: {  	s1 =	sld [smem:$0x3F93];
	s0 =	simm.s32 @p0 $0x1  }
0x13: {  	[smem:$0x3FAE] =	sst s0;
	s0 =	simm.s32 @!p1 $0x0  }
0x14: {  	s2 =	sld [smem:$0x3F92];
	s0 =	simm.s32 @p1 $0x1  }
0x15: {  	[smem:$0x3FAF] =	sst s0;
	s0 =	simm.s32 @!p2 $0x0  }
0x16: {  	s3 =	sld [smem:$0x3FDB];
	s0 =	simm.s32 @p2 $0x1  }
0x17: {  	s4 =	simm.s32 $0x1BF5;
	[smem:$0x3FB1] =	sst s0  }
0x18: {  	s0 =	sld [smem:$0x3F94];
	_ =	swait.ge [sflag:s4], $0x0  }
0x19: {  	s7 =	sld [smem:$0x3F95]  }
0x1a: {  	s8 =	sadd.s32 $0xFFFFE003, lr  }
0x1b: {  	s9 =	sadd.s32 $0xFFFFFEF7, lr;
	s5 =	simm.s32 $0xFFFFFFFF;
	p2 =	slt.u32 s8, $0xFFFFF086  }
0x1c: {  	p1 =	slt.u32 s9, $0xF7A;
	s5 =	simm.s32 @!p2 $0x0  }
0x1d: {  	s5 =	simm.s32 @p1 $0x1;
	p0 =	seq.s32 s7, s2  }
0x1e: {  	s7 =	smul.u32 @!p0 $0xF7A, s2;
	p2 =	seq.s32 @!p0 s5, $0x0  }
0x1f: {  	s9 =	smul.u32 $0xF7A, s1;
	s8 =	simm.s32 @!p0 $0x1BF5;
	p2 =	por !p2, p0  }
0x20: {  	[sflag:s8] =	ssyncset.s32 @!p0 $0xFFFFF086;
	s6 =	sadd.s32 @!p0 s3, s7;
	s7 =	simm.s32 @!p0 $0x108  }
0x21: {  	s3 =	sadd.s32 s3, s9;
	s6 =	sadd.s32 @!p0 $0x88, s6;
	s7 =	simm.s32 @p2 $0x1082  }
0x22: {  	[simem:s7], [sflag:s8] =	dma.local @!p0 [hbm:s6], $0xF7A  }
0x23: {  	s9 =	sor.u32 $0xD0000000, s2;
	s6 =	simm.s32 $0x108;
	_ =	swait.ge @!p0 [sflag:s8], $0x0  }
0x24: {  	s3 =	sadd.s32 $0x88, s3;
	s6 =	simm.s32 @!p1 $0x1082;
	[sflag:s4] =	ssyncset.s32 $0xFFFFF086  }
0x25: {  	[simem:s6], [sflag:s4] =	dma.local [hbm:s3], $0xF7A  }
0x26: {  	[smem:$0x3F95] =	sst s1;
	(tag) =	ssettag s2;
	_ =	strace s9  }
0x27: {  	s1 =	sld [smem:$0x3FA5]  }
0x28: {  	s2 =	sld [smem:$0x3FA6]  }
0x29: {  	s4 =	sld [smem:$0x3FA8]  }
0x2a: {  	p0 =	seq.s32 s5, $0x0;
	s5 =	sld [smem:$0x3FA9]  }
0x2b: {  	s6 =	sld [smem:$0x3FAA]  }
0x2c: {  	s7 =	sld [smem:$0x3FAB]  }
0x2d: {  	s3 =	simm.s32 $0x108;
	s8 =	sld [smem:$0x3FAC]  }
0x2e: {  	s3 =	simm.s32 @!p0 $0x1082;
	s9 =	sld [smem:$0x3FAD]  }
0x2f: {  	lr =	sadd.s32 s0, s3;
	s0 =	sld [smem:$0x3FA4]  }
0x30: {  	s3 =	sld [smem:$0x3FA7]  }
0x31: {  	[smem:$0x3FB0] =	sst s10  }
0x32: {  	s10 =	sld [smem:$0x3FAE];
	_ =	sdelay $0x3  }
0x33: {  	p0 =	seq.s32 s10, $0x1;
	s10 =	sld [smem:$0x3FB0];
	_ =	sdelay $0x3  }
0x34: {  	[smem:$0x3FB0] =	sst s10  }
0x35: {  	s10 =	sld [smem:$0x3FAF];
	_ =	sdelay $0x3  }
0x36: {  	p1 =	seq.s32 s10, $0x1;
	s10 =	sld [smem:$0x3FB0];
	_ =	sdelay $0x3  }
0x37: {  	[smem:$0x3FB0] =	sst s10  }
0x38: {  	s10 =	sld [smem:$0x3FB1]  }
0x39: {  	_ = 	snop;
	(pc) =	sbr.ind lr, $3  }
0x3a: {  	_ = 	snop  }
0x3b: {  	_ = 	snop  }
0x3c: {  	p2 =	seq.s32 s10, $0x1;
	s10 =	sld [smem:$0x3FB0]  }
0x3d: {  	_ =	shalt  }
0x3e: {  	_ =	shalt  }
0x3f: {  	_ =	shalt  }
0x40: {  	_ =	shalt  }
0x41: {  	_ =	shalt  }
0x42: {  	_ =	shalt  }
0x43: {  	_ =	shalt  }
0x44: {  	_ =	shalt  }
0x45: {  	_ =	shalt  }
0x46: {  	_ =	shalt  }
0x47: {  	_ =	shalt  }
0x48: {  	_ =	shalt  }
0x49: {  	_ =	shalt  }
0x4a: {  	_ =	shalt  }
0x4b: {  	_ =	shalt  }
0x4c: {  	_ =	shalt  }
0x4d: {  	_ =	shalt  }
0x4e: {  	_ =	shalt  }
0x4f: {  	_ =	shalt  }
0x50: {  	_ =	shalt  }
0x51: {  	_ =	shalt  }
0x52: {  	_ =	shalt  }
0x53: {  	_ =	shalt  }
0x54: {  	_ =	shalt  }
0x55: {  	_ =	shalt  }
0x56: {  	_ =	shalt  }
0x57: {  	_ =	shalt  }
0x58: {  	_ =	shalt  }
0x59: {  	_ =	shalt  }
0x5a: {  	_ =	shalt  }
0x5b: {  	_ =	shalt  }
0x5c: {  	_ =	shalt  }
0x5d: {  	_ =	shalt  }
0x5e: {  	_ =	shalt  }
0x5f: {  	_ =	shalt  }
0x60: {  	_ =	shalt  }
0x61: {  	_ =	shalt  }
0x62: {  	_ =	shalt  }
0x63: {  	_ =	shalt  }
0x64: {  	_ =	shalt  }
0x65: {  	_ =	shalt  }
0x66: {  	_ =	shalt  }
0x67: {  	_ =	shalt  }
0x68: {  	_ =	shalt  }
0x69: {  	_ =	shalt  }
0x6a: {  	_ =	shalt  }
0x6b: {  	_ =	shalt  }
0x6c: {  	_ =	shalt  }
0x6d: {  	_ =	shalt  }
0x6e: {  	_ =	shalt  }
0x6f: {  	_ =	shalt  }
0x70: {  	_ =	shalt  }
0x71: {  	_ =	shalt  }
0x72: {  	_ =	shalt  }
0x73: {  	_ =	shalt  }
0x74: {  	_ =	shalt  }
0x75: {  	_ =	shalt  }
0x76: {  	_ =	shalt  }
0x77: {  	_ =	shalt  }
0x78: {  	_ =	shalt  }
0x79: {  	_ =	shalt  }
0x7a: {  	_ =	shalt  }
0x7b: {  	_ =	shalt  }
0x7c: {  	_ =	shalt  }
0x7d: {  	_ =	shalt  }
0x7e: {  	_ =	shalt  }
0x7f: {  	_ =	shalt  }
0x80: {  	_ =	shalt  }
0x81: {  	_ =	shalt  }
0x82: {  	_ =	shalt  }
0x83: {  	_ =	shalt  }
0x84: {  	_ =	shalt  }
0x85: {  	_ =	shalt  }
0x86: {  	_ =	shalt  }
0x87: {  	_ =	shalt  }
.Lfunc_end0:
.L_simem_size_0:
called_computation.2_lowered:
.L_overlay_start_0:
0x88: {  	s2 =	sld [smem:$0x3FD9]  }
0x89: {  	s3 =	sld [smem:$0x3FFE];
	_ =	sdelay $0x1  }
0x8a: {  	s1 =	srdreg.scid  }
0x8b: {  	s0 =	sand.u32 $0x1, s1  }
0x8c: {  	s17 =	sshll.u32 s0, $0xA;
	s2 =	sadd.s32 s3, s2  }
0x8d: {  	s2 =	sadd.s32 s2, s17  }
0x8e: {  	[smem:$0x3FBC] =	sst s2  }
0x8f: {  	_ = 	snop  }
0x90: {  	s2 =	sld [smem:$0x3FD0];
	(tm) =	ssettm $0x1  }
0x91: {  	s18 =	sld [smem:$0x3FFB];
	_ =	sdelay $0x3  }
0x92: {  	_ =	strace s18  }
0x93: {  	s3 =	sld [smem:$0x3FFC];
	_ =	sdelay $0x3  }
0x94: {  	_ =	strace s3  }
0x95: {  	s3 =	sld [smem:$0x3FFD];
	_ =	sdelay $0x3  }
0x96: {  	_ =	strace s3  }
0x97: {  	_ =	strace $0x8FFFFFFF  }
0x98: {  	s19 =	sld [smem:$0x3FDB];
	_ =	sdelay $0x1  }
0x99: {  	s4 =	simm.s32 $_scs_section_size  }
0x9a: {  	s5 =	simm.s32 $_size__tile_overlayer_lowered;
	s6 =	simm.s32 $_tile_overlayer_lowered  }
0x9b: {  	s22 =	simm.s32 $0x1BFF;
	s21 =	sshll.u32 s6, $0x1;
	s3 =	sadd.s32 s4, s19  }
0x9c: {  	s7 =	simm.s32 $0x0;
	s20 =	sshll.u32 s5, $0x1;
	s5 =	sadd.s32 s21, s3  }
0x9d: {  	[timem:s7], [sflag:s22] =	dma.local [hbm:s5], s20  }
0x9e: {  	_ =	swait.ge [sflag:s22], s20  }
0x9f: {  	s4 =	ssub.s32 $0x0, s20;
	[sflag:s22] =	ssyncset.done $0x0  }
0xa0: {  	[sflag:s22] =	ssyncadd.s32 s4;
	_ =	sdelay $0x1  }
0xa1: {  	s23 =	simm.s32 $0x1B8B  }
0xa2: {  	_ =	swait.ge [sflag:s23], $0x1  }
0xa3: {  	[sflag:s23] =	ssyncset.done $0x0  }
0xa4: {  	s25 =	simm.s32 $0x1B8E;
	s24 =	sld [smem:$0x3FFE];
	[sflag:s23] =	ssyncadd.s32 $0xFFFFFFFF  }
0xa5: {  	s26 =	simm.s32 $execute0_lowered;
	[smem:$0x3FD2] =	sst s25  }
0xa6: {  	s5 =	sshll.u32 s26, $0x1;
	_ =	strace $0x8000004C;
	[dreg:$0x1] =	wrdreg $0xFFFFFFFF  }
0xa7: {  	s28 =	simm.s32 $_size_execute0_lowered;
	s3 =	sadd.s32 s3, s5;
	[dreg:$0x0] =	wrdreg $0x0  }
0xa8: {  	s5 =	sshll.u32 s28, $0x1;
	[dreg:$0x2] =	wrdreg s3  }
0xa9: {  	[dreg:$0x3] =	wrdreg s5  }
0xaa: {  	[dreg:$0x4] =	wrdreg $0xC0  }
0xab: {  	_ =	task [dreg:s7], $0x5FFFF  }
0xac: {  	[dreg:$0x1] =	wrdreg $0xFFFFFFFF  }
0xad: {  	[dreg:$0x0] =	wrdreg $0x60  }
0xae: {  	[dreg:$0x2] =	wrdreg s24  }
0xaf: {  	[dreg:$0x3] =	wrdreg s2  }
0xb0: {  	[dreg:$0x4] =	wrdreg $0xAD000  }
0xb1: {  	[dreg:$0x5] =	wrdreg $0x9  }
0xb2: {  	_ =	task.clear_ibuf [dreg:s7], $0x6FFFF;
	_ =	strace $0x9000004C  }
0xb3: {  	s29 =	simm.s32 $0x9;
	_ =	strace $0x8000004E  }
0xb4: {  	_ =	swait.ge [sflag:s29], $0x1  }
0xb5: {  	[sflag:s29] =	ssyncadd.s32 $0xFFFFFFFF  }
0xb6: {  	_ =	strace $0x9000004E  }
0xb7: {  	_ =	sfence  }
0xb8: {  	s30 =	sld [smem:$0x0];
	_ =	sdelay $0x2  }
0xb9: {  	s31 =	sshll.u32 s1, $0xD;
	s1 =	sshrl.u32 s1, $0x2  }
0xba: {  	s3 =	sand.u32 $0x4000, s31;
	s1 =	sadd.s32 s1, s30  }
0xbb: {  	s0 =	sor.u32 s3, s0;
	s1 =	sshll.u32 s1, $0x11  }
0xbc: {  	s0 =	sor.u32 s1, s0  }
0xbd: {  	s0 =	sadd.s32 $0x8F2B, s0  }
0xbe: {  	[sflag:s0] =	ssyncadd.remote.s32 $0x1  }
0xbf: {  	_ =	sfence.sel $0xFFFF  }
0xc0: {  	[dreg:$0x0] =	wrdreg $0xFFFFFFFF;
	(pc) =	sbr.abs _section_cstart, $3  }
0xc1: {  	[dreg:$0x1] =	wrdreg $0xFFFFFFFF  }
0xc2: {  	_ =	task.clear_ibuf [dreg:s7], $0x2FFFF;
	_ =	strace $0x9FFFFFFF  }
0xc3: {  	(tm) =	ssettm $0x7FFFFFFF  }
tec
execute0_lowered:
.L_overlay_start_1:
0x0: {  	(tag) =	ssettag $0x1  }
0x1: {  	s0 =	rddreg [dreg:$0x0]  }
0x2: {  	s1 =	srdreg.scid;
	s2 =	rddreg [dreg:$0x1]  }
0x3: {  	s3 =	rddreg [dreg:$0x2];
	s12 =	stileid.u32  }
0x4: {  	s4 =	simm.s32 $0x0;
	s28 =	simm.s32 $0x1;
	s29 =	simm.s32 $0x80  }
0x5: {  	s30 =	simm.s32 $0x2C00;
	s31 =	simm.s32 $0x6D00;
	s1 =	sand.u32 $0x1, s1  }
0x6: {  	[smem:$0x7FF] =	sst s4;
	s6 =	sadd.s32 $0x10000, s0;
	s11 =	smul.u32 $0x14000, s12  }
0x7: {  	s16 =	smul.u32 $0x50000, s12;
	s5 =	sshll.u32 s1, $0x4;
	_ =	strace $0x8000004D  }
0x8: {  	s8 =	ssub.s32 $0x2, s1;
	s1 =	smul.u32 $0x140000, s1;
	s5 =	sor.u32 s12, s5  }
0x9: {  	s10 =	sshrl.u32 s8, $0x1;
	s18 =	sadd.s32 $0x4000, s11;
	s22 =	sadd.s32 $0x8000, s11  }
0xa: {  	s24 =	sadd.s32 $0xC000, s11;
	s5 =	smul.u32 $0x2C00, s5;
	s8 =	ssub.s32 s8, s10  }
0xb: {  	s17 =	sadd.s32 s11, s1;
	s13 =	sadd.s32 s1, s18;
	s21 =	sadd.s32 s18, s3  }
0xc: {  	s23 =	sadd.s32 s22, s3;
	s25 =	sadd.s32 s1, s24;
	[dreg:$0x8] =	wrdreg s21  }
0xd: {  	s11 =	sadd.s32 $0x10000, s11;
	s20 =	sshrl.u32 s13, $0x3;
	[dreg:$0xa] =	wrdreg s23  }
0xe: {  	s26 =	sshrl.u32 s25, $0x3;
	s18 =	sadd.s32 s11, s3;
	s7 =	sshrl.u32 s5, $0x3  }
0xf: {  	s25 =	simm.s32 $0x2D00;
	s9 =	sadd.s32 s7, s0;
	s0 =	sadd.s32 $0x38000, s0  }
0x10: {  	s15 =	sadd.s32 s2, s7;
	s7 =	sshrl.u32 s16, $0x2;
	s16 =	sadd.s32 s24, s3  }
0x11: {  	s9 =	sadd.s32 $0x5000, s9;
	[dreg:$0x5] =	wrdreg s15;
	s10 =	sadd.s32 s7, s3  }
0x12: {  	s7 =	sadd.s32 s0, s20;
	s20 =	smax.u32 s8, $0x1;
	[dreg:$0x4] =	wrdreg s9  }
0x13: {  	s8 =	simm.s32 $0x0;
	s9 =	sadd.s32 $0x10, s15;
	[dreg:$0x9] =	wrdreg s7  }
0x14: {  	s7 =	sadd.s32 s1, s22;
	s1 =	sadd.s32 s1, s11;
	s21 =	sadd.s32 $0x4000, s10  }
0x15: {  	s22 =	sadd.s32 $0x8000, s10;
	s23 =	sadd.s32 $0xC000, s10;
	s24 =	sadd.s32 $0x10000, s10  }
0x16: {  	[dreg:$0x6] =	wrdreg s9;
	s9 =	sshrl.u32 s17, $0x3;
	s7 =	sshrl.u32 s7, $0x3  }
0x17: {  	s17 =	sadd.s32 s0, s26;
	s1 =	sshrl.u32 s1, $0x3;
	s19 =	sadd.s32 s0, s9  }
0x18: {  	s26 =	simm.s32 $0x5;
	s7 =	sadd.s32 s0, s7;
	[dreg:$0x7] =	wrdreg s19  }
0x19: {  	s9 =	simm.s32 $0x4;
	[dreg:$0xb] =	wrdreg s7;
	s19 =	sadd.s32 s0, s1  }
0x1a: {  	v0 =	vimm.f32 $0.0e+00;
	s0 =	simm.s32 $0x2C80;
	s1 =	simm.s32 $0x3;
	s7 =	simm.s32 $0x2  }
.LBB2_1:
0x1b: {  	s11 =	rddreg [dreg:$0x4]  }
0x1c: {  	[tilespmem:s4], [sflag:$0x1] =	stream.linear.gather [hbm4b:s11+s4], $0x2900, $0x38;
	[tilespmem:$0x1ED00] =	vst v63  }
0x1d: {  	s12 =	simm.s32 $0x200;
	s11 =	simm.s32 $0x0  }
.LBB2_2:
0x1e: {  	p0 =	sne.s32 s12, $0xFE00;
	[tilespmem:s11+$0x2D70] =	vst v0  }
0x1f: {  	[tilespmem:s11+$0x2D00] =	vst v0  }
0x20: {  	[tilespmem:s11+$0x2D10] =	vst v0  }
.Ltmp0:
0x21: {  	[tilespmem:s11+$0x2D20] =	vst v0;
	(pc) =	sbr.rel @p0 .LBB2_2-.Ltmp0, $4  }
0x22: {  	[tilespmem:s11+$0x2D30] =	vst v0  }
0x23: {  	[tilespmem:s11+$0x2D40] =	vst v0  }
0x24: {  	[tilespmem:s11+$0x2D50] =	vst v0  }
0x25: {  	[tilespmem:s11+$0x2D60] =	vst v0;
	s11 =	sshra.s32 s12, $0x2;
	s12 =	sadd.s32 $0x200, s12  }
0x26: {  	[tilespmem:s11+$0x2D70] =	vst v0  }
0x27: {  	[tilespmem:s11+$0x2D00] =	vst v0  }
0x28: {  	[tilespmem:s11+$0x2D10] =	vst v0  }
0x29: {  	[tilespmem:s11+$0x2D20] =	vst v0  }
0x2a: {  	[tilespmem:s11+$0x2D30] =	vst v0  }
0x2b: {  	[tilespmem:s11+$0x2D40] =	vst v0  }
0x2c: {  	[tilespmem:s11+$0x2D50] =	vst v0  }
0x2d: {  	[tilespmem:s11+$0x2D60] =	vst v0  }
0x2e: {  	[spmem:s10] =	stream.linear.scatter [tilespmem:s25], [sflag:$0x5], $0x4000, $0x38;
	[tilespmem:$0x1ED00] =	vst v63  }
0x2f: {  	_ =	swait.ge [sflag:s26], $0x4000  }
0x30: {  	[sflag:s26] =	ssyncset.done $0x0  }
0x31: {  	[sflag:s26] =	ssyncadd.s32 $0xFFFFC000  }
0x32: {  	[spmem:s21] =	stream.linear.scatter [tilespmem:s25], [sflag:$0x5], $0x4000, $0x38;
	[tilespmem:$0x1ED00] =	vst v63  }
0x33: {  	_ =	swait.ge [sflag:s26], $0x4000  }
0x34: {  	[sflag:s26] =	ssyncset.done $0x0  }
0x35: {  	[sflag:s26] =	ssyncadd.s32 $0xFFFFC000  }
0x36: {  	[spmem:s22] =	stream.linear.scatter [tilespmem:s25], [sflag:$0x5], $0x4000, $0x38;
	[tilespmem:$0x1ED00] =	vst v63  }
0x37: {  	_ =	swait.ge [sflag:s26], $0x4000  }
0x38: {  	[sflag:s26] =	ssyncset.done $0x0  }
0x39: {  	[sflag:s26] =	ssyncadd.s32 $0xFFFFC000  }
0x3a: {  	[spmem:s23] =	stream.linear.scatter [tilespmem:s25], [sflag:$0x5], $0x4000, $0x38;
	[tilespmem:$0x1ED00] =	vst v63  }
0x3b: {  	_ =	swait.ge [sflag:s26], $0x4000  }
0x3c: {  	[sflag:s26] =	ssyncset.done $0x0  }
0x3d: {  	[sflag:s26] =	ssyncadd.s32 $0xFFFFC000  }
0x3e: {  	[spmem:s24] =	stream.linear.scatter [tilespmem:s25], [sflag:$0x5], $0x4000, $0x38;
	[tilespmem:$0x1ED00] =	vst v63  }
0x3f: {  	_ =	swait.ge [sflag:s26], $0x4000  }
0x40: {  	[sflag:s26] =	ssyncset.done $0x0  }
0x41: {  	[sflag:s26] =	ssyncadd.s32 $0xFFFFC000  }
0x42: {  	_ =	swait.ge [sflag:s28], $0x2900  }
0x43: {  	[sflag:s28] =	ssyncset.done $0x0  }
0x44: {  	[sflag:s28] =	ssyncadd.s32 $0xFFFFD700  }
0x45: {  	[bflag:$0x0] =	sbarrier.arrive $0xFFFF  }
0x46: {  	[tilespmem:s25], [sflag:$0x1] =	stream.indirect.gather [hbm4b:s6+s29], $0x80, s4, s29, $0xb8;
	[tilespmem:$0x1ED00] =	vst v63  }
0x47: {  	s15 =	rddreg [dreg:$0x5]  }
0x48: {  	[tilespmem:s30], [sflag:$0x3] =	stream.linear.gather [hbm4b:s15+s4], $0x80, $0x38;
	[tilespmem:$0x1ED00] =	vst v63  }
0x49: {  	_ = 	snop  }
0x4a: {  	[tilespmem:s31], [sflag:$0x2] =	stream.indirect.gather [hbm4b:s6+s29], $0x80, s29, s29, $0xb8;
	[tilespmem:$0x1ED00] =	vst v63  }
0x4b: {  	s12 =	rddreg [dreg:$0x6]  }
0x4c: {  	[tilespmem:s0], [sflag:$0x4] =	stream.linear.gather [hbm4b:s12+s4], $0x80, $0x38;
	[tilespmem:$0x1ED00] =	vst v63  }
0x4d: {  	_ =	swait.ge [sflag:s28], $0x4000  }
0x4e: {  	[sflag:s28] =	ssyncset.done $0x0  }
0x4f: {  	[sflag:s28] =	ssyncadd.s32 $0xFFFFC000  }
0x50: {  	_ =	swait.ge [sflag:s1], $0x80  }
0x51: {  	s13 =	simm.s32 $0x100;
	[sflag:s1] =	ssyncset.done $0x0  }
0x52: {  	s12 =	sand.u32 $0x7C00, s13;
	[sflag:s1] =	ssyncadd.s32 $0xFFFFFF80  }
0x53: {  	[spmem:s3] =	stream.indirect.scatter.add.f32 [tilespmem:s25], [sflag:$0x5], $0x80, s30, s29, $0xb8;
	[tilespmem:$0x1ED00] =	vst v63  }
0x54: {  	s13 =	sand.u32 $0x300, s13;
	s12 =	sadd.s32 s5, s12;
	_ =	swait.ge [sflag:s26], $0x4000  }
0x55: {  	s12 =	sor.u32 s13, s12;
	[sflag:s26] =	ssyncset.done $0x0  }
0x56: {  	s11 =	simm.s32 $0x100;
	s12 =	sshrl.u32 s12, $0x3;
	[sflag:s26] =	ssyncadd.s32 $0xFFFFC000  }
0x57: {  	[tilespmem:s25], [sflag:$0x1] =	stream.indirect.gather [hbm4b:s6+s29], $0x80, s11, s29, $0xb8;
	[tilespmem:$0x1ED00] =	vst v63  }
0x58: {  	s12 =	sadd.s32 s2, s12  }
0x59: {  	[tilespmem:s30], [sflag:$0x3] =	stream.linear.gather [hbm4b:s12+s4], $0x80, $0x38;
	[tilespmem:$0x1ED00] =	vst v63  }
0x5a: {  	_ =	swait.ge [sflag:s7], $0x4000  }
0x5b: {  	[sflag:s7] =	ssyncset.done $0x0  }
0x5c: {  	[sflag:s7] =	ssyncadd.s32 $0xFFFFC000  }
0x5d: {  	_ =	swait.ge [sflag:s9], $0x80  }
0x5e: {  	s12 =	simm.s32 $0x180;
	[sflag:s9] =	ssyncset.done $0x0  }
0x5f: {  	s15 =	sand.u32 $0x7C00, s12;
	[sflag:s9] =	ssyncadd.s32 $0xFFFFFF80  }
0x60: {  	[spmem:s3] =	stream.indirect.scatter.add.f32 [tilespmem:s31], [sflag:$0x5], $0x80, s0, s29, $0xb8;
	[tilespmem:$0x1ED00] =	vst v63  }
0x61: {  	s12 =	sand.u32 $0x380, s12;
	s13 =	sadd.s32 s5, s15;
	_ =	swait.ge [sflag:s26], $0x4000  }
0x62: {  	s14 =	simm.s32 $0x180;
	s13 =	sor.u32 s12, s13;
	[sflag:s26] =	ssyncset.done $0x0  }
0x63: {  	s12 =	simm.s32 $0x280;
	s13 =	sshrl.u32 s13, $0x3;
	[sflag:s26] =	ssyncadd.s32 $0xFFFFC000  }
0x64: {  	[tilespmem:s31], [sflag:$0x2] =	stream.indirect.gather [hbm4b:s6+s29], $0x80, s14, s29, $0xb8;
	[tilespmem:$0x1ED00] =	vst v63  }
.LBB2_4:
0x65: {  	p0 =	sne.s32 s12, $0x2880;
	s13 =	sadd.s32 s2, s13;
	s11 =	sadd.s32 $0x100, s11  }
0x66: {  	[tilespmem:s0], [sflag:$0x4] =	stream.linear.gather [hbm4b:s13+s4], $0x80, $0x38;
	[tilespmem:$0x1ED00] =	vst v63  }
0x67: {  	s13 =	smov.u32 s12;
	s12 =	sadd.s32 $0x100, s12;
	_ =	swait.ge [sflag:s28], $0x4000  }
0x68: {  	[sflag:s28] =	ssyncset.done $0x0  }
0x69: {  	[sflag:s28] =	ssyncadd.s32 $0xFFFFC000  }
0x6a: {  	_ =	swait.ge [sflag:s1], $0x80  }
0x6b: {  	[sflag:s1] =	ssyncset.done $0x0  }
0x6c: {  	s14 =	sadd.s32 $0xFFFFFF80, s13;
	[sflag:s1] =	ssyncadd.s32 $0xFFFFFF80  }
0x6d: {  	[spmem:s3] =	stream.indirect.scatter.add.f32 [tilespmem:s25], [sflag:$0x5], $0x80, s30, s29, $0xb8;
	[tilespmem:$0x1ED00] =	vst v63  }
0x6e: {  	s15 =	sand.u32 $0x7C00, s14;
	_ =	swait.ge [sflag:s26], $0x4000  }
0x6f: {  	s14 =	sand.u32 $0x300, s14;
	s15 =	sadd.s32 s5, s15;
	[sflag:s26] =	ssyncset.done $0x0  }
0x70: {  	s14 =	sor.u32 s14, s15;
	[sflag:s26] =	ssyncadd.s32 $0xFFFFC000  }
0x71: {  	[tilespmem:s25], [sflag:$0x1] =	stream.indirect.gather [hbm4b:s6+s29], $0x80, s11, s29, $0xb8;
	[tilespmem:$0x1ED00] =	vst v63  }
0x72: {  	s14 =	sshrl.u32 s14, $0x3  }
0x73: {  	s14 =	sadd.s32 s2, s14  }
0x74: {  	[tilespmem:s30], [sflag:$0x3] =	stream.linear.gather [hbm4b:s14+s4], $0x80, $0x38;
	[tilespmem:$0x1ED00] =	vst v63  }
0x75: {  	_ =	swait.ge [sflag:s7], $0x4000  }
0x76: {  	[sflag:s7] =	ssyncset.done $0x0  }
0x77: {  	[sflag:s7] =	ssyncadd.s32 $0xFFFFC000  }
0x78: {  	_ =	swait.ge [sflag:s9], $0x80  }
0x79: {  	[sflag:s9] =	ssyncset.done $0x0  }
0x7a: {  	s14 =	sand.u32 $0x7C00, s13;
	[sflag:s9] =	ssyncadd.s32 $0xFFFFFF80  }
0x7b: {  	[spmem:s3] =	stream.indirect.scatter.add.f32 [tilespmem:s31], [sflag:$0x5], $0x80, s0, s29, $0xb8;
	[tilespmem:$0x1ED00] =	vst v63  }
.Ltmp1:
0x7c: {  	_ = 	snop;
	(pc) =	sbr.rel @p0 .LBB2_4-.Ltmp1, $4  }
0x7d: {  	s13 =	sand.u32 $0x380, s13;
	s14 =	sadd.s32 s5, s14;
	_ =	swait.ge [sflag:s26], $0x4000  }
0x7e: {  	s13 =	sor.u32 s13, s14;
	[sflag:s26] =	ssyncset.done $0x0  }
0x7f: {  	s14 =	sadd.s32 $0x80, s11;
	s13 =	sshrl.u32 s13, $0x3;
	[sflag:s26] =	ssyncadd.s32 $0xFFFFC000  }
0x80: {  	[tilespmem:s31], [sflag:$0x2] =	stream.indirect.gather [hbm4b:s6+s29], $0x80, s14, s29, $0xb8;
	[tilespmem:$0x1ED00] =	vst v63  }
0x81: {  	s11 =	sadd.s32 s2, s13  }
0x82: {  	[tilespmem:s0], [sflag:$0x4] =	stream.linear.gather [hbm4b:s11+s4], $0x80, $0x38;
	[tilespmem:$0x1ED00] =	vst v63  }
0x83: {  	_ =	swait.ge [sflag:s28], $0x4000  }
0x84: {  	[sflag:s28] =	ssyncset.done $0x0  }
0x85: {  	[sflag:s28] =	ssyncadd.s32 $0xFFFFC000  }
0x86: {  	_ =	swait.ge [sflag:s1], $0x80  }
0x87: {  	[sflag:s1] =	ssyncset.done $0x0  }
0x88: {  	[sflag:s1] =	ssyncadd.s32 $0xFFFFFF80  }
0x89: {  	_ =	swait.ge [sflag:s7], $0x4000  }
0x8a: {  	[sflag:s7] =	ssyncset.done $0x0  }
0x8b: {  	[sflag:s7] =	ssyncadd.s32 $0xFFFFC000  }
0x8c: {  	_ =	swait.ge [sflag:s9], $0x80  }
0x8d: {  	[sflag:s9] =	ssyncset.done $0x0  }
0x8e: {  	[sflag:s9] =	ssyncadd.s32 $0xFFFFFF80  }
0x8f: {  	[bflag:$0x0] =	sbarrier.arrive $0xFFFF  }
0x90: {  	[tilespmem:s25], [sflag:$0x5] =	stream.linear.gather [spmem:s10], $0x4000, $0x38;
	[tilespmem:$0x1ED00] =	vst v63  }
0x91: {  	_ =	swait.ge [sflag:s26], $0x4000  }
0x92: {  	[sflag:s26] =	ssyncset.done $0x0  }
0x93: {  	s15 =	rddreg [dreg:$0x7];
	[sflag:s26] =	ssyncadd.s32 $0xFFFFC000  }
0x94: {  	[hbm4b:s15+s4] =	stream.linear.scatter [tilespmem:s25], [sflag:$0x1], $0x4000, $0x38;
	[tilespmem:$0x1ED00] =	vst v63  }
0x95: {  	s12 =	rddreg [dreg:$0x8]  }
0x96: {  	[tilespmem:s31], [sflag:$0x5] =	stream.linear.gather [spmem:s12], $0x4000, $0x38;
	[tilespmem:$0x1ED00] =	vst v63  }
0x97: {  	_ =	swait.ge [sflag:s26], $0x4000  }
0x98: {  	[sflag:s26] =	ssyncset.done $0x0  }
0x99: {  	s13 =	rddreg [dreg:$0x9];
	[sflag:s26] =	ssyncadd.s32 $0xFFFFC000  }
0x9a: {  	[hbm4b:s13+s4] =	stream.linear.scatter [tilespmem:s31], [sflag:$0x2], $0x4000, $0x38;
	[tilespmem:$0x1ED00] =	vst v63  }
0x9b: {  	_ =	swait.ge [sflag:s28], $0x4000  }
0x9c: {  	[sflag:s28] =	ssyncset.done $0x0  }
0x9d: {  	s14 =	rddreg [dreg:$0xa];
	[sflag:s28] =	ssyncadd.s32 $0xFFFFC000  }
0x9e: {  	[tilespmem:s25], [sflag:$0x5] =	stream.linear.gather [spmem:s14], $0x4000, $0x38;
	[tilespmem:$0x1ED00] =	vst v63  }
0x9f: {  	_ =	swait.ge [sflag:s26], $0x4000  }
0xa0: {  	[sflag:s26] =	ssyncset.done $0x0  }
0xa1: {  	s15 =	rddreg [dreg:$0xb];
	[sflag:s26] =	ssyncadd.s32 $0xFFFFC000  }
0xa2: {  	[hbm4b:s15+s4] =	stream.linear.scatter [tilespmem:s25], [sflag:$0x1], $0x4000, $0x38;
	[tilespmem:$0x1ED00] =	vst v63  }
0xa3: {  	_ =	swait.ge [sflag:s7], $0x4000  }
0xa4: {  	[sflag:s7] =	ssyncset.done $0x0  }
0xa5: {  	[sflag:s7] =	ssyncadd.s32 $0xFFFFC000  }
0xa6: {  	[tilespmem:s31], [sflag:$0x5] =	stream.linear.gather [spmem:s16], $0x4000, $0x38;
	[tilespmem:$0x1ED00] =	vst v63  }
0xa7: {  	_ =	swait.ge [sflag:s26], $0x4000  }
0xa8: {  	[sflag:s26] =	ssyncset.done $0x0  }
0xa9: {  	[sflag:s26] =	ssyncadd.s32 $0xFFFFC000  }
0xaa: {  	[hbm4b:s17+s4] =	stream.linear.scatter [tilespmem:s31], [sflag:$0x2], $0x4000, $0x38;
	[tilespmem:$0x1ED00] =	vst v63  }
0xab: {  	_ =	swait.ge [sflag:s28], $0x4000  }
0xac: {  	[sflag:s28] =	ssyncset.done $0x0  }
0xad: {  	[sflag:s28] =	ssyncadd.s32 $0xFFFFC000  }
0xae: {  	[tilespmem:s25], [sflag:$0x5] =	stream.linear.gather [spmem:s18], $0x4000, $0x38;
	[tilespmem:$0x1ED00] =	vst v63  }
0xaf: {  	_ =	swait.ge [sflag:s26], $0x4000  }
0xb0: {  	[sflag:s26] =	ssyncset.done $0x0  }
0xb1: {  	s8 =	sadd.s32 $0x1, s8;
	[sflag:s26] =	ssyncadd.s32 $0xFFFFC000  }
0xb2: {  	[hbm4b:s19+s4] =	stream.linear.scatter [tilespmem:s25], [sflag:$0x1], $0x4000, $0x38;
	[tilespmem:$0x1ED00] =	vst v63  }
0xb3: {  	p0 =	sne.s32 s8, s20;
	_ =	swait.ge [sflag:s7], $0x4000  }
.Ltmp2:
0xb4: {  	[sflag:s7] =	ssyncset.done $0x0;
	(pc) =	sbr.rel @p0 .LBB2_1-.Ltmp2, $4  }
0xb5: {  	[sflag:s7] =	ssyncadd.s32 $0xFFFFC000  }
0xb6: {  	_ =	swait.ge [sflag:s28], $0x4000  }
0xb7: {  	[sflag:s28] =	ssyncset.done $0x0  }
0xb8: {  	[sflag:s28] =	ssyncadd.s32 $0xFFFFC000  }
0xb9: {  	_ =	sfence.sel $0x180000  }
0xba: {  	[bflag:$0x0] =	sbarrier.arrive $0xFFFF  }
0xbb: {  	_ =	strace $0x9000004D  }
0xbc: {  	s0 =	stileid.u32;
	[bflag:$0x2] =	sbarrier.arrive $0xFFFF  }
0xbd: {  	p0 =	sne.s32 s0, $0x0;
	s0 =	rddreg [dreg:$0x3]  }
0xbe: {  	s0 =	sadd.s32 @!p0 $0x100000, s0  }
0xbf: {  	[sflag:s0] =	ssyncadd.tile.s32 @!p0 $0x1;
	_ =	shalt  }
.Lfunc_end2:
_tile_overlayer_lowered:
.L_overlay_start_2:
0xc0: {  	(tag) =	ssettag $0x2  }
0xc1: {  	s0 =	rddreg [dreg:$0x0];
	s2 =	stileid.u32  }
0xc2: {  	s1 =	rddreg [dreg:$0x1];
	p0 =	sne.s32 s2, $0x0  }
0xc3: {  	s3 =	rddreg [dreg:$0x2];
	[bflag:$0x3] =	sbarrier.arrive $0xFFFF;
	s2 =	simm.s32 @!p0 $0x1C05  }
0xc4: {  	[timem:s3], [sflag:s2] =	dma.local @!p0 [hbm:s0], s1  }
0xc5: {  	s0 =	simm.s32 @!p0 $0x5  }
0xc6: {  	_ =	swait.ge @!p0 [sflag:s0], s1  }
0xc7: {  	s1 =	ssub.s32 @!p0 $0x0, s1;
	[sflag:s0] =	ssyncset.done @!p0 $0x0  }
0xc8: {  	[sflag:s0] =	ssyncadd.s32 @!p0 s1  }
0xc9: {  	[bflag:$0x3] =	sbarrier.arrive $0xFFFF  }
0xca: {  	_ =	shalt  }

// kernel: kernel.19.cloned.1.call-start
scs
__scs_entry_jumppad:
0x0: {  	(pc) =	sbr.rel $0x88, $3  }
0x1: {  	(tag) =	ssettag $0x0;
	lr =	simm.s32 $0x1  }
0x2: {  	[smem:$0x3F95] =	sst lr;
	_ =	strace $0xD0000000  }
0x3: {  	_ = 	snop  }
0x4: {  	_ = 	snop  }
0x5: {  	_ = 	snop  }
0x6: {  	_ = 	snop  }
0x7: {  	_ = 	snop  }
__scs_overlays_trampoline_lowered:
0x8: {  	[smem:$0x3FA4] =	sst s0  }
0x9: {  	[smem:$0x3FA5] =	sst s1  }
0xa: {  	[smem:$0x3FA6] =	sst s2  }
0xb: {  	[smem:$0x3FA7] =	sst s3  }
0xc: {  	[smem:$0x3FA8] =	sst s4  }
0xd: {  	[smem:$0x3FA9] =	sst s5  }
0xe: {  	[smem:$0x3FAA] =	sst s6  }
0xf: {  	[smem:$0x3FAB] =	sst s7  }
0x10: {  	[smem:$0x3FAC] =	sst s8  }
0x11: {  	[smem:$0x3FAD] =	sst s9;
	s0 =	simm.s32 @!p0 $0x0  }
0x12: {  	s1 =	sld [smem:$0x3F93];
	s0 =	simm.s32 @p0 $0x1  }
0x13: {  	[smem:$0x3FAE] =	sst s0;
	s0 =	simm.s32 @!p1 $0x0  }
0x14: {  	s2 =	sld [smem:$0x3F92];
	s0 =	simm.s32 @p1 $0x1  }
0x15: {  	[smem:$0x3FAF] =	sst s0;
	s0 =	simm.s32 @!p2 $0x0  }
0x16: {  	s3 =	sld [smem:$0x3FDB];
	s0 =	simm.s32 @p2 $0x1  }
0x17: {  	s4 =	simm.s32 $0x1BF5;
	[smem:$0x3FB1] =	sst s0  }
0x18: {  	s0 =	sld [smem:$0x3F94];
	_ =	swait.ge [sflag:s4], $0x0  }
0x19: {  	s7 =	sld [smem:$0x3F95]  }
0x1a: {  	s8 =	sadd.s32 $0xFFFFE003, lr  }
0x1b: {  	s9 =	sadd.s32 $0xFFFFFEF7, lr;
	s5 =	simm.s32 $0xFFFFFFFF;
	p2 =	slt.u32 s8, $0xFFFFF086  }
0x1c: {  	p1 =	slt.u32 s9, $0xF7A;
	s5 =	simm.s32 @!p2 $0x0  }
0x1d: {  	s5 =	simm.s32 @p1 $0x1;
	p0 =	seq.s32 s7, s2  }
0x1e: {  	s7 =	smul.u32 @!p0 $0xF7A, s2;
	p2 =	seq.s32 @!p0 s5, $0x0  }
0x1f: {  	s9 =	smul.u32 $0xF7A, s1;
	s8 =	simm.s32 @!p0 $0x1BF5;
	p2 =	por !p2, p0  }
0x20: {  	[sflag:s8] =	ssyncset.s32 @!p0 $0xFFFFF086;
	s6 =	sadd.s32 @!p0 s3, s7;
	s7 =	simm.s32 @!p0 $0x108  }
0x21: {  	s3 =	sadd.s32 s3, s9;
	s6 =	sadd.s32 @!p0 $0x88, s6;
	s7 =	simm.s32 @p2 $0x1082  }
0x22: {  	[simem:s7], [sflag:s8] =	dma.local @!p0 [hbm:s6], $0xF7A  }
0x23: {  	s9 =	sor.u32 $0xD0000000, s2;
	s6 =	simm.s32 $0x108;
	_ =	swait.ge @!p0 [sflag:s8], $0x0  }
0x24: {  	s3 =	sadd.s32 $0x88, s3;
	s6 =	simm.s32 @!p1 $0x1082;
	[sflag:s4] =	ssyncset.s32 $0xFFFFF086  }
0x25: {  	[simem:s6], [sflag:s4] =	dma.local [hbm:s3], $0xF7A  }
0x26: {  	[smem:$0x3F95] =	sst s1;
	(tag) =	ssettag s2;
	_ =	strace s9  }
0x27: {  	s1 =	sld [smem:$0x3FA5]  }
0x28: {  	s2 =	sld [smem:$0x3FA6]  }
0x29: {  	s4 =	sld [smem:$0x3FA8]  }
0x2a: {  	p0 =	seq.s32 s5, $0x0;
	s5 =	sld [smem:$0x3FA9]  }
0x2b: {  	s6 =	sld [smem:$0x3FAA]  }
0x2c: {  	s7 =	sld [smem:$0x3FAB]  }
0x2d: {  	s3 =	simm.s32 $0x108;
	s8 =	sld [smem:$0x3FAC]  }
0x2e: {  	s3 =	simm.s32 @!p0 $0x1082;
	s9 =	sld [smem:$0x3FAD]  }
0x2f: {  	lr =	sadd.s32 s0, s3;
	s0 =	sld [smem:$0x3FA4]  }
0x30: {  	s3 =	sld [smem:$0x3FA7]  }
0x31: {  	[smem:$0x3FB0] =	sst s10  }
0x32: {  	s10 =	sld [smem:$0x3FAE];
	_ =	sdelay $0x3  }
0x33: {  	p0 =	seq.s32 s10, $0x1;
	s10 =	sld [smem:$0x3FB0];
	_ =	sdelay $0x3  }
0x34: {  	[smem:$0x3FB0] =	sst s10  }
0x35: {  	s10 =	sld [smem:$0x3FAF];
	_ =	sdelay $0x3  }
0x36: {  	p1 =	seq.s32 s10, $0x1;
	s10 =	sld [smem:$0x3FB0];
	_ =	sdelay $0x3  }
0x37: {  	[smem:$0x3FB0] =	sst s10  }
0x38: {  	s10 =	sld [smem:$0x3FB1]  }
0x39: {  	_ = 	snop;
	(pc) =	sbr.ind lr, $3  }
0x3a: {  	_ = 	snop  }
0x3b: {  	_ = 	snop  }
0x3c: {  	p2 =	seq.s32 s10, $0x1;
	s10 =	sld [smem:$0x3FB0]  }
0x3d: {  	_ =	shalt  }
0x3e: {  	_ =	shalt  }
0x3f: {  	_ =	shalt  }
0x40: {  	_ =	shalt  }
0x41: {  	_ =	shalt  }
0x42: {  	_ =	shalt  }
0x43: {  	_ =	shalt  }
0x44: {  	_ =	shalt  }
0x45: {  	_ =	shalt  }
0x46: {  	_ =	shalt  }
0x47: {  	_ =	shalt  }
0x48: {  	_ =	shalt  }
0x49: {  	_ =	shalt  }
0x4a: {  	_ =	shalt  }
0x4b: {  	_ =	shalt  }
0x4c: {  	_ =	shalt  }
0x4d: {  	_ =	shalt  }
0x4e: {  	_ =	shalt  }
0x4f: {  	_ =	shalt  }
0x50: {  	_ =	shalt  }
0x51: {  	_ =	shalt  }
0x52: {  	_ =	shalt  }
0x53: {  	_ =	shalt  }
0x54: {  	_ =	shalt  }
0x55: {  	_ =	shalt  }
0x56: {  	_ =	shalt  }
0x57: {  	_ =	shalt  }
0x58: {  	_ =	shalt  }
0x59: {  	_ =	shalt  }
0x5a: {  	_ =	shalt  }
0x5b: {  	_ =	shalt  }
0x5c: {  	_ =	shalt  }
0x5d: {  	_ =	shalt  }
0x5e: {  	_ =	shalt  }
0x5f: {  	_ =	shalt  }
0x60: {  	_ =	shalt  }
0x61: {  	_ =	shalt  }
0x62: {  	_ =	shalt  }
0x63: {  	_ =	shalt  }
0x64: {  	_ =	shalt  }
0x65: {  	_ =	shalt  }
0x66: {  	_ =	shalt  }
0x67: {  	_ =	shalt  }
0x68: {  	_ =	shalt  }
0x69: {  	_ =	shalt  }
0x6a: {  	_ =	shalt  }
0x6b: {  	_ =	shalt  }
0x6c: {  	_ =	shalt  }
0x6d: {  	_ =	shalt  }
0x6e: {  	_ =	shalt  }
0x6f: {  	_ =	shalt  }
0x70: {  	_ =	shalt  }
0x71: {  	_ =	shalt  }
0x72: {  	_ =	shalt  }
0x73: {  	_ =	shalt  }
0x74: {  	_ =	shalt  }
0x75: {  	_ =	shalt  }
0x76: {  	_ =	shalt  }
0x77: {  	_ =	shalt  }
0x78: {  	_ =	shalt  }
0x79: {  	_ =	shalt  }
0x7a: {  	_ =	shalt  }
0x7b: {  	_ =	shalt  }
0x7c: {  	_ =	shalt  }
0x7d: {  	_ =	shalt  }
0x7e: {  	_ =	shalt  }
0x7f: {  	_ =	shalt  }
0x80: {  	_ =	shalt  }
0x81: {  	_ =	shalt  }
0x82: {  	_ =	shalt  }
0x83: {  	_ =	shalt  }
0x84: {  	_ =	shalt  }
0x85: {  	_ =	shalt  }
0x86: {  	_ =	shalt  }
0x87: {  	_ =	shalt  }
.Lfunc_end0:
.L_simem_size_0:
called_computation.3_lowered:
.L_overlay_start_0:
0x88: {  	s2 =	sld [smem:$0x3FD9]  }
0x89: {  	s3 =	sld [smem:$0x3FFE];
	_ =	sdelay $0x1  }
0x8a: {  	s1 =	srdreg.scid  }
0x8b: {  	s0 =	sand.u32 $0x1, s1  }
0x8c: {  	s17 =	sshll.u32 s0, $0xA;
	s2 =	sadd.s32 s3, s2  }
0x8d: {  	s2 =	sadd.s32 s2, s17  }
0x8e: {  	[smem:$0x3FBC] =	sst s2  }
0x8f: {  	_ = 	snop  }
0x90: {  	s2 =	sld [smem:$0x3FD0];
	(tm) =	ssettm $0x1  }
0x91: {  	s18 =	sld [smem:$0x3FFB];
	_ =	sdelay $0x3  }
0x92: {  	_ =	strace s18  }
0x93: {  	s3 =	sld [smem:$0x3FFC];
	_ =	sdelay $0x3  }
0x94: {  	_ =	strace s3  }
0x95: {  	s3 =	sld [smem:$0x3FFD];
	_ =	sdelay $0x3  }
0x96: {  	_ =	strace s3  }
0x97: {  	_ =	strace $0x8FFFFFFF  }
0x98: {  	s19 =	sld [smem:$0x3FDB];
	_ =	sdelay $0x1  }
0x99: {  	s4 =	simm.s32 $_scs_section_size  }
0x9a: {  	s5 =	simm.s32 $_size__tile_overlayer_lowered;
	s6 =	simm.s32 $_tile_overlayer_lowered  }
0x9b: {  	s22 =	simm.s32 $0x1BFF;
	s21 =	sshll.u32 s6, $0x1;
	s3 =	sadd.s32 s4, s19  }
0x9c: {  	s7 =	simm.s32 $0x0;
	s20 =	sshll.u32 s5, $0x1;
	s5 =	sadd.s32 s21, s3  }
0x9d: {  	[timem:s7], [sflag:s22] =	dma.local [hbm:s5], s20  }
0x9e: {  	_ =	swait.ge [sflag:s22], s20  }
0x9f: {  	s4 =	ssub.s32 $0x0, s20;
	[sflag:s22] =	ssyncset.done $0x0  }
0xa0: {  	[sflag:s22] =	ssyncadd.s32 s4;
	_ =	sdelay $0x1  }
0xa1: {  	s23 =	simm.s32 $0x1B8B  }
0xa2: {  	_ =	swait.ge [sflag:s23], $0x1  }
0xa3: {  	[sflag:s23] =	ssyncset.done $0x0  }
0xa4: {  	s25 =	simm.s32 $0x1B8E;
	s24 =	sld [smem:$0x3FFE];
	[sflag:s23] =	ssyncadd.s32 $0xFFFFFFFF  }
0xa5: {  	s26 =	simm.s32 $execute0_lowered;
	[smem:$0x3FD2] =	sst s25  }
0xa6: {  	s5 =	sshll.u32 s26, $0x1;
	_ =	strace $0x8000004F;
	[dreg:$0x1] =	wrdreg $0xFFFFFFFF  }
0xa7: {  	s28 =	simm.s32 $_size_execute0_lowered;
	s3 =	sadd.s32 s3, s5;
	[dreg:$0x0] =	wrdreg $0x0  }
0xa8: {  	s5 =	sshll.u32 s28, $0x1;
	[dreg:$0x2] =	wrdreg s3  }
0xa9: {  	[dreg:$0x3] =	wrdreg s5  }
0xaa: {  	[dreg:$0x4] =	wrdreg $0xC0  }
0xab: {  	_ =	task [dreg:s7], $0x5FFFF  }
0xac: {  	[dreg:$0x1] =	wrdreg $0xFFFFFFFF  }
0xad: {  	[dreg:$0x0] =	wrdreg $0x60  }
0xae: {  	[dreg:$0x2] =	wrdreg s24  }
0xaf: {  	[dreg:$0x3] =	wrdreg s2  }
0xb0: {  	[dreg:$0x4] =	wrdreg $0xAD000  }
0xb1: {  	[dreg:$0x5] =	wrdreg $0x9  }
0xb2: {  	_ =	task.clear_ibuf [dreg:s7], $0x6FFFF;
	_ =	strace $0x9000004F  }
0xb3: {  	s29 =	simm.s32 $0x9;
	_ =	strace $0x80000051  }
0xb4: {  	_ =	swait.ge [sflag:s29], $0x1  }
0xb5: {  	[sflag:s29] =	ssyncadd.s32 $0xFFFFFFFF  }
0xb6: {  	_ =	strace $0x90000051  }
0xb7: {  	_ =	sfence  }
0xb8: {  	s30 =	sld [smem:$0x0];
	_ =	sdelay $0x2  }
0xb9: {  	s31 =	sshll.u32 s1, $0xD;
	s1 =	sshrl.u32 s1, $0x2  }
0xba: {  	s3 =	sand.u32 $0x4000, s31;
	s1 =	sadd.s32 s1, s30  }
0xbb: {  	s0 =	sor.u32 s3, s0;
	s1 =	sshll.u32 s1, $0x11  }
0xbc: {  	s0 =	sor.u32 s1, s0  }
0xbd: {  	s0 =	sadd.s32 $0x8F2B, s0  }
0xbe: {  	[sflag:s0] =	ssyncadd.remote.s32 $0x1  }
0xbf: {  	_ =	sfence.sel $0xFFFF  }
0xc0: {  	[dreg:$0x0] =	wrdreg $0xFFFFFFFF;
	(pc) =	sbr.abs _section_cstart, $3  }
0xc1: {  	[dreg:$0x1] =	wrdreg $0xFFFFFFFF  }
0xc2: {  	_ =	task.clear_ibuf [dreg:s7], $0x2FFFF;
	_ =	strace $0x9FFFFFFF  }
0xc3: {  	(tm) =	ssettm $0x7FFFFFFF  }
tec
execute0_lowered:
.L_overlay_start_1:
0x0: {  	(tag) =	ssettag $0x1  }
0x1: {  	s0 =	rddreg [dreg:$0x0]  }
0x2: {  	s1 =	srdreg.scid;
	s2 =	rddreg [dreg:$0x1]  }
0x3: {  	s3 =	rddreg [dreg:$0x2];
	s12 =	stileid.u32  }
0x4: {  	s4 =	simm.s32 $0x0;
	s28 =	simm.s32 $0x1;
	s29 =	simm.s32 $0x80  }
0x5: {  	s30 =	simm.s32 $0x2C00;
	s31 =	simm.s32 $0x6D00;
	s1 =	sand.u32 $0x1, s1  }
0x6: {  	[smem:$0x7FF] =	sst s4;
	s6 =	sadd.s32 $0x10000, s0;
	s11 =	smul.u32 $0x14000, s12  }
0x7: {  	s16 =	smul.u32 $0x50000, s12;
	s5 =	sshll.u32 s1, $0x4;
	_ =	strace $0x80000050  }
0x8: {  	s8 =	ssub.s32 $0x2, s1;
	s1 =	smul.u32 $0x140000, s1;
	s5 =	sor.u32 s12, s5  }
0x9: {  	s10 =	sshrl.u32 s8, $0x1;
	s18 =	sadd.s32 $0x4000, s11;
	s22 =	sadd.s32 $0x8000, s11  }
0xa: {  	s24 =	sadd.s32 $0xC000, s11;
	s5 =	smul.u32 $0x2C00, s5;
	s8 =	ssub.s32 s8, s10  }
0xb: {  	s17 =	sadd.s32 s11, s1;
	s13 =	sadd.s32 s1, s18;
	s21 =	sadd.s32 s18, s3  }
0xc: {  	s23 =	sadd.s32 s22, s3;
	s25 =	sadd.s32 s1, s24;
	[dreg:$0x8] =	wrdreg s21  }
0xd: {  	s11 =	sadd.s32 $0x10000, s11;
	s20 =	sshrl.u32 s13, $0x3;
	[dreg:$0xa] =	wrdreg s23  }
0xe: {  	s26 =	sshrl.u32 s25, $0x3;
	s18 =	sadd.s32 s11, s3;
	s7 =	sshrl.u32 s5, $0x3  }
0xf: {  	s25 =	simm.s32 $0x2D00;
	s9 =	sadd.s32 s7, s0;
	s0 =	sadd.s32 $0x38000, s0  }
0x10: {  	s15 =	sadd.s32 s2, s7;
	s7 =	sshrl.u32 s16, $0x2;
	s16 =	sadd.s32 s24, s3  }
0x11: {  	s9 =	sadd.s32 $0x5000, s9;
	[dreg:$0x5] =	wrdreg s15;
	s10 =	sadd.s32 s7, s3  }
0x12: {  	s7 =	sadd.s32 s0, s20;
	s20 =	smax.u32 s8, $0x1;
	[dreg:$0x4] =	wrdreg s9  }
0x13: {  	s8 =	simm.s32 $0x0;
	s9 =	sadd.s32 $0x10, s15;
	[dreg:$0x9] =	wrdreg s7  }
0x14: {  	s7 =	sadd.s32 s1, s22;
	s1 =	sadd.s32 s1, s11;
	s21 =	sadd.s32 $0x4000, s10  }
0x15: {  	s22 =	sadd.s32 $0x8000, s10;
	s23 =	sadd.s32 $0xC000, s10;
	s24 =	sadd.s32 $0x10000, s10  }
0x16: {  	[dreg:$0x6] =	wrdreg s9;
	s9 =	sshrl.u32 s17, $0x3;
	s7 =	sshrl.u32 s7, $0x3  }
0x17: {  	s17 =	sadd.s32 s0, s26;
	s1 =	sshrl.u32 s1, $0x3;
	s19 =	sadd.s32 s0, s9  }
0x18: {  	s26 =	simm.s32 $0x5;
	s7 =	sadd.s32 s0, s7;
	[dreg:$0x7] =	wrdreg s19  }
0x19: {  	s9 =	simm.s32 $0x4;
	[dreg:$0xb] =	wrdreg s7;
	s19 =	sadd.s32 s0, s1  }
0x1a: {  	v0 =	vimm.f32 $0.0e+00;
	s0 =	simm.s32 $0x2C80;
	s1 =	simm.s32 $0x3;
	s7 =	simm.s32 $0x2  }
.LBB2_1:
0x1b: {  	s11 =	rddreg [dreg:$0x4]  }
0x1c: {  	[tilespmem:s4], [sflag:$0x1] =	stream.linear.gather [hbm4b:s11+s4], $0x2900, $0x38;
	[tilespmem:$0x1ED00] =	vst v63  }
0x1d: {  	s12 =	simm.s32 $0x200;
	s11 =	simm.s32 $0x0  }
.LBB2_2:
0x1e: {  	p0 =	sne.s32 s12, $0xFE00;
	[tilespmem:s11+$0x2D70] =	vst v0  }
0x1f: {  	[tilespmem:s11+$0x2D00] =	vst v0  }
0x20: {  	[tilespmem:s11+$0x2D10] =	vst v0  }
.Ltmp0:
0x21: {  	[tilespmem:s11+$0x2D20] =	vst v0;
	(pc) =	sbr.rel @p0 .LBB2_2-.Ltmp0, $4  }
0x22: {  	[tilespmem:s11+$0x2D30] =	vst v0  }
0x23: {  	[tilespmem:s11+$0x2D40] =	vst v0  }
0x24: {  	[tilespmem:s11+$0x2D50] =	vst v0  }
0x25: {  	[tilespmem:s11+$0x2D60] =	vst v0;
	s11 =	sshra.s32 s12, $0x2;
	s12 =	sadd.s32 $0x200, s12  }
0x26: {  	[tilespmem:s11+$0x2D70] =	vst v0  }
0x27: {  	[tilespmem:s11+$0x2D00] =	vst v0  }
0x28: {  	[tilespmem:s11+$0x2D10] =	vst v0  }
0x29: {  	[tilespmem:s11+$0x2D20] =	vst v0  }
0x2a: {  	[tilespmem:s11+$0x2D30] =	vst v0  }
0x2b: {  	[tilespmem:s11+$0x2D40] =	vst v0  }
0x2c: {  	[tilespmem:s11+$0x2D50] =	vst v0  }
0x2d: {  	[tilespmem:s11+$0x2D60] =	vst v0  }
0x2e: {  	[spmem:s10] =	stream.linear.scatter [tilespmem:s25], [sflag:$0x5], $0x4000, $0x38;
	[tilespmem:$0x1ED00] =	vst v63  }
0x2f: {  	_ =	swait.ge [sflag:s26], $0x4000  }
0x30: {  	[sflag:s26] =	ssyncset.done $0x0  }
0x31: {  	[sflag:s26] =	ssyncadd.s32 $0xFFFFC000  }
0x32: {  	[spmem:s21] =	stream.linear.scatter [tilespmem:s25], [sflag:$0x5], $0x4000, $0x38;
	[tilespmem:$0x1ED00] =	vst v63  }
0x33: {  	_ =	swait.ge [sflag:s26], $0x4000  }
0x34: {  	[sflag:s26] =	ssyncset.done $0x0  }
0x35: {  	[sflag:s26] =	ssyncadd.s32 $0xFFFFC000  }
0x36: {  	[spmem:s22] =	stream.linear.scatter [tilespmem:s25], [sflag:$0x5], $0x4000, $0x38;
	[tilespmem:$0x1ED00] =	vst v63  }
0x37: {  	_ =	swait.ge [sflag:s26], $0x4000  }
0x38: {  	[sflag:s26] =	ssyncset.done $0x0  }
0x39: {  	[sflag:s26] =	ssyncadd.s32 $0xFFFFC000  }
0x3a: {  	[spmem:s23] =	stream.linear.scatter [tilespmem:s25], [sflag:$0x5], $0x4000, $0x38;
	[tilespmem:$0x1ED00] =	vst v63  }
0x3b: {  	_ =	swait.ge [sflag:s26], $0x4000  }
0x3c: {  	[sflag:s26] =	ssyncset.done $0x0  }
0x3d: {  	[sflag:s26] =	ssyncadd.s32 $0xFFFFC000  }
0x3e: {  	[spmem:s24] =	stream.linear.scatter [tilespmem:s25], [sflag:$0x5], $0x4000, $0x38;
	[tilespmem:$0x1ED00] =	vst v63  }
0x3f: {  	_ =	swait.ge [sflag:s26], $0x4000  }
0x40: {  	[sflag:s26] =	ssyncset.done $0x0  }
0x41: {  	[sflag:s26] =	ssyncadd.s32 $0xFFFFC000  }
0x42: {  	_ =	swait.ge [sflag:s28], $0x2900  }
0x43: {  	[sflag:s28] =	ssyncset.done $0x0  }
0x44: {  	[sflag:s28] =	ssyncadd.s32 $0xFFFFD700  }
0x45: {  	[bflag:$0x0] =	sbarrier.arrive $0xFFFF  }
0x46: {  	[tilespmem:s25], [sflag:$0x1] =	stream.indirect.gather [hbm4b:s6+s29], $0x80, s4, s29, $0xb8;
	[tilespmem:$0x1ED00] =	vst v63  }
0x47: {  	s15 =	rddreg [dreg:$0x5]  }
0x48: {  	[tilespmem:s30], [sflag:$0x3] =	stream.linear.gather [hbm4b:s15+s4], $0x80, $0x38;
	[tilespmem:$0x1ED00] =	vst v63  }
0x49: {  	_ = 	snop  }
0x4a: {  	[tilespmem:s31], [sflag:$0x2] =	stream.indirect.gather [hbm4b:s6+s29], $0x80, s29, s29, $0xb8;
	[tilespmem:$0x1ED00] =	vst v63  }
0x4b: {  	s12 =	rddreg [dreg:$0x6]  }
0x4c: {  	[tilespmem:s0], [sflag:$0x4] =	stream.linear.gather [hbm4b:s12+s4], $0x80, $0x38;
	[tilespmem:$0x1ED00] =	vst v63  }
0x4d: {  	_ =	swait.ge [sflag:s28], $0x4000  }
0x4e: {  	[sflag:s28] =	ssyncset.done $0x0  }
0x4f: {  	[sflag:s28] =	ssyncadd.s32 $0xFFFFC000  }
0x50: {  	_ =	swait.ge [sflag:s1], $0x80  }
0x51: {  	s13 =	simm.s32 $0x100;
	[sflag:s1] =	ssyncset.done $0x0  }
0x52: {  	s12 =	sand.u32 $0x7C00, s13;
	[sflag:s1] =	ssyncadd.s32 $0xFFFFFF80  }
0x53: {  	[spmem:s3] =	stream.indirect.scatter.add.f32 [tilespmem:s25], [sflag:$0x5], $0x80, s30, s29, $0xb8;
	[tilespmem:$0x1ED00] =	vst v63  }
0x54: {  	s13 =	sand.u32 $0x300, s13;
	s12 =	sadd.s32 s5, s12;
	_ =	swait.ge [sflag:s26], $0x4000  }
0x55: {  	s12 =	sor.u32 s13, s12;
	[sflag:s26] =	ssyncset.done $0x0  }
0x56: {  	s11 =	simm.s32 $0x100;
	s12 =	sshrl.u32 s12, $0x3;
	[sflag:s26] =	ssyncadd.s32 $0xFFFFC000  }
0x57: {  	[tilespmem:s25], [sflag:$0x1] =	stream.indirect.gather [hbm4b:s6+s29], $0x80, s11, s29, $0xb8;
	[tilespmem:$0x1ED00] =	vst v63  }
0x58: {  	s12 =	sadd.s32 s2, s12  }
0x59: {  	[tilespmem:s30], [sflag:$0x3] =	stream.linear.gather [hbm4b:s12+s4], $0x80, $0x38;
	[tilespmem:$0x1ED00] =	vst v63  }
0x5a: {  	_ =	swait.ge [sflag:s7], $0x4000  }
0x5b: {  	[sflag:s7] =	ssyncset.done $0x0  }
0x5c: {  	[sflag:s7] =	ssyncadd.s32 $0xFFFFC000  }
0x5d: {  	_ =	swait.ge [sflag:s9], $0x80  }
0x5e: {  	s12 =	simm.s32 $0x180;
	[sflag:s9] =	ssyncset.done $0x0  }
0x5f: {  	s15 =	sand.u32 $0x7C00, s12;
	[sflag:s9] =	ssyncadd.s32 $0xFFFFFF80  }
0x60: {  	[spmem:s3] =	stream.indirect.scatter.add.f32 [tilespmem:s31], [sflag:$0x5], $0x80, s0, s29, $0xb8;
	[tilespmem:$0x1ED00] =	vst v63  }
0x61: {  	s12 =	sand.u32 $0x380, s12;
	s13 =	sadd.s32 s5, s15;
	_ =	swait.ge [sflag:s26], $0x4000  }
0x62: {  	s14 =	simm.s32 $0x180;
	s13 =	sor.u32 s12, s13;
	[sflag:s26] =	ssyncset.done $0x0  }
0x63: {  	s12 =	simm.s32 $0x280;
	s13 =	sshrl.u32 s13, $0x3;
	[sflag:s26] =	ssyncadd.s32 $0xFFFFC000  }
0x64: {  	[tilespmem:s31], [sflag:$0x2] =	stream.indirect.gather [hbm4b:s6+s29], $0x80, s14, s29, $0xb8;
	[tilespmem:$0x1ED00] =	vst v63  }
.LBB2_4:
0x65: {  	p0 =	sne.s32 s12, $0x2880;
	s13 =	sadd.s32 s2, s13;
	s11 =	sadd.s32 $0x100, s11  }
0x66: {  	[tilespmem:s0], [sflag:$0x4] =	stream.linear.gather [hbm4b:s13+s4], $0x80, $0x38;
	[tilespmem:$0x1ED00] =	vst v63  }
0x67: {  	s13 =	smov.u32 s12;
	s12 =	sadd.s32 $0x100, s12;
	_ =	swait.ge [sflag:s28], $0x4000  }
0x68: {  	[sflag:s28] =	ssyncset.done $0x0  }
0x69: {  	[sflag:s28] =	ssyncadd.s32 $0xFFFFC000  }
0x6a: {  	_ =	swait.ge [sflag:s1], $0x80  }
0x6b: {  	[sflag:s1] =	ssyncset.done $0x0  }
0x6c: {  	s14 =	sadd.s32 $0xFFFFFF80, s13;
	[sflag:s1] =	ssyncadd.s32 $0xFFFFFF80  }
0x6d: {  	[spmem:s3] =	stream.indirect.scatter.add.f32 [tilespmem:s25], [sflag:$0x5], $0x80, s30, s29, $0xb8;
	[tilespmem:$0x1ED00] =	vst v63  }
0x6e: {  	s15 =	sand.u32 $0x7C00, s14;
	_ =	swait.ge [sflag:s26], $0x4000  }
0x6f: {  	s14 =	sand.u32 $0x300, s14;
	s15 =	sadd.s32 s5, s15;
	[sflag:s26] =	ssyncset.done $0x0  }
0x70: {  	s14 =	sor.u32 s14, s15;
	[sflag:s26] =	ssyncadd.s32 $0xFFFFC000  }
0x71: {  	[tilespmem:s25], [sflag:$0x1] =	stream.indirect.gather [hbm4b:s6+s29], $0x80, s11, s29, $0xb8;
	[tilespmem:$0x1ED00] =	vst v63  }
0x72: {  	s14 =	sshrl.u32 s14, $0x3  }
0x73: {  	s14 =	sadd.s32 s2, s14  }
0x74: {  	[tilespmem:s30], [sflag:$0x3] =	stream.linear.gather [hbm4b:s14+s4], $0x80, $0x38;
	[tilespmem:$0x1ED00] =	vst v63  }
0x75: {  	_ =	swait.ge [sflag:s7], $0x4000  }
0x76: {  	[sflag:s7] =	ssyncset.done $0x0  }
0x77: {  	[sflag:s7] =	ssyncadd.s32 $0xFFFFC000  }
0x78: {  	_ =	swait.ge [sflag:s9], $0x80  }
0x79: {  	[sflag:s9] =	ssyncset.done $0x0  }
0x7a: {  	s14 =	sand.u32 $0x7C00, s13;
	[sflag:s9] =	ssyncadd.s32 $0xFFFFFF80  }
0x7b: {  	[spmem:s3] =	stream.indirect.scatter.add.f32 [tilespmem:s31], [sflag:$0x5], $0x80, s0, s29, $0xb8;
	[tilespmem:$0x1ED00] =	vst v63  }
.Ltmp1:
0x7c: {  	_ = 	snop;
	(pc) =	sbr.rel @p0 .LBB2_4-.Ltmp1, $4  }
0x7d: {  	s13 =	sand.u32 $0x380, s13;
	s14 =	sadd.s32 s5, s14;
	_ =	swait.ge [sflag:s26], $0x4000  }
0x7e: {  	s13 =	sor.u32 s13, s14;
	[sflag:s26] =	ssyncset.done $0x0  }
0x7f: {  	s14 =	sadd.s32 $0x80, s11;
	s13 =	sshrl.u32 s13, $0x3;
	[sflag:s26] =	ssyncadd.s32 $0xFFFFC000  }
0x80: {  	[tilespmem:s31], [sflag:$0x2] =	stream.indirect.gather [hbm4b:s6+s29], $0x80, s14, s29, $0xb8;
	[tilespmem:$0x1ED00] =	vst v63  }
0x81: {  	s11 =	sadd.s32 s2, s13  }
0x82: {  	[tilespmem:s0], [sflag:$0x4] =	stream.linear.gather [hbm4b:s11+s4], $0x80, $0x38;
	[tilespmem:$0x1ED00] =	vst v63  }
0x83: {  	_ =	swait.ge [sflag:s28], $0x4000  }
0x84: {  	[sflag:s28] =	ssyncset.done $0x0  }
0x85: {  	[sflag:s28] =	ssyncadd.s32 $0xFFFFC000  }
0x86: {  	_ =	swait.ge [sflag:s1], $0x80  }
0x87: {  	[sflag:s1] =	ssyncset.done $0x0  }
0x88: {  	[sflag:s1] =	ssyncadd.s32 $0xFFFFFF80  }
0x89: {  	_ =	swait.ge [sflag:s7], $0x4000  }
0x8a: {  	[sflag:s7] =	ssyncset.done $0x0  }
0x8b: {  	[sflag:s7] =	ssyncadd.s32 $0xFFFFC000  }
0x8c: {  	_ =	swait.ge [sflag:s9], $0x80  }
0x8d: {  	[sflag:s9] =	ssyncset.done $0x0  }
0x8e: {  	[sflag:s9] =	ssyncadd.s32 $0xFFFFFF80  }
0x8f: {  	[bflag:$0x0] =	sbarrier.arrive $0xFFFF  }
0x90: {  	[tilespmem:s25], [sflag:$0x5] =	stream.linear.gather [spmem:s10], $0x4000, $0x38;
	[tilespmem:$0x1ED00] =	vst v63  }
0x91: {  	_ =	swait.ge [sflag:s26], $0x4000  }
0x92: {  	[sflag:s26] =	ssyncset.done $0x0  }
0x93: {  	s15 =	rddreg [dreg:$0x7];
	[sflag:s26] =	ssyncadd.s32 $0xFFFFC000  }
0x94: {  	[hbm4b:s15+s4] =	stream.linear.scatter [tilespmem:s25], [sflag:$0x1], $0x4000, $0x38;
	[tilespmem:$0x1ED00] =	vst v63  }
0x95: {  	s12 =	rddreg [dreg:$0x8]  }
0x96: {  	[tilespmem:s31], [sflag:$0x5] =	stream.linear.gather [spmem:s12], $0x4000, $0x38;
	[tilespmem:$0x1ED00] =	vst v63  }
0x97: {  	_ =	swait.ge [sflag:s26], $0x4000  }
0x98: {  	[sflag:s26] =	ssyncset.done $0x0  }
0x99: {  	s13 =	rddreg [dreg:$0x9];
	[sflag:s26] =	ssyncadd.s32 $0xFFFFC000  }
0x9a: {  	[hbm4b:s13+s4] =	stream.linear.scatter [tilespmem:s31], [sflag:$0x2], $0x4000, $0x38;
	[tilespmem:$0x1ED00] =	vst v63  }
0x9b: {  	_ =	swait.ge [sflag:s28], $0x4000  }
0x9c: {  	[sflag:s28] =	ssyncset.done $0x0  }
0x9d: {  	s14 =	rddreg [dreg:$0xa];
	[sflag:s28] =	ssyncadd.s32 $0xFFFFC000  }
0x9e: {  	[tilespmem:s25], [sflag:$0x5] =	stream.linear.gather [spmem:s14], $0x4000, $0x38;
	[tilespmem:$0x1ED00] =	vst v63  }
0x9f: {  	_ =	swait.ge [sflag:s26], $0x4000  }
0xa0: {  	[sflag:s26] =	ssyncset.done $0x0  }
0xa1: {  	s15 =	rddreg [dreg:$0xb];
	[sflag:s26] =	ssyncadd.s32 $0xFFFFC000  }
0xa2: {  	[hbm4b:s15+s4] =	stream.linear.scatter [tilespmem:s25], [sflag:$0x1], $0x4000, $0x38;
	[tilespmem:$0x1ED00] =	vst v63  }
0xa3: {  	_ =	swait.ge [sflag:s7], $0x4000  }
0xa4: {  	[sflag:s7] =	ssyncset.done $0x0  }
0xa5: {  	[sflag:s7] =	ssyncadd.s32 $0xFFFFC000  }
0xa6: {  	[tilespmem:s31], [sflag:$0x5] =	stream.linear.gather [spmem:s16], $0x4000, $0x38;
	[tilespmem:$0x1ED00] =	vst v63  }
0xa7: {  	_ =	swait.ge [sflag:s26], $0x4000  }
0xa8: {  	[sflag:s26] =	ssyncset.done $0x0  }
0xa9: {  	[sflag:s26] =	ssyncadd.s32 $0xFFFFC000  }
0xaa: {  	[hbm4b:s17+s4] =	stream.linear.scatter [tilespmem:s31], [sflag:$0x2], $0x4000, $0x38;
	[tilespmem:$0x1ED00] =	vst v63  }
0xab: {  	_ =	swait.ge [sflag:s28], $0x4000  }
0xac: {  	[sflag:s28] =	ssyncset.done $0x0  }
0xad: {  	[sflag:s28] =	ssyncadd.s32 $0xFFFFC000  }
0xae: {  	[tilespmem:s25], [sflag:$0x5] =	stream.linear.gather [spmem:s18], $0x4000, $0x38;
	[tilespmem:$0x1ED00] =	vst v63  }
0xaf: {  	_ =	swait.ge [sflag:s26], $0x4000  }
0xb0: {  	[sflag:s26] =	ssyncset.done $0x0  }
0xb1: {  	s8 =	sadd.s32 $0x1, s8;
	[sflag:s26] =	ssyncadd.s32 $0xFFFFC000  }
0xb2: {  	[hbm4b:s19+s4] =	stream.linear.scatter [tilespmem:s25], [sflag:$0x1], $0x4000, $0x38;
	[tilespmem:$0x1ED00] =	vst v63  }
0xb3: {  	p0 =	sne.s32 s8, s20;
	_ =	swait.ge [sflag:s7], $0x4000  }
.Ltmp2:
0xb4: {  	[sflag:s7] =	ssyncset.done $0x0;
	(pc) =	sbr.rel @p0 .LBB2_1-.Ltmp2, $4  }
0xb5: {  	[sflag:s7] =	ssyncadd.s32 $0xFFFFC000  }
0xb6: {  	_ =	swait.ge [sflag:s28], $0x4000  }
0xb7: {  	[sflag:s28] =	ssyncset.done $0x0  }
0xb8: {  	[sflag:s28] =	ssyncadd.s32 $0xFFFFC000  }
0xb9: {  	_ =	sfence.sel $0x180000  }
0xba: {  	[bflag:$0x0] =	sbarrier.arrive $0xFFFF  }
0xbb: {  	_ =	strace $0x90000050  }
0xbc: {  	s0 =	stileid.u32;
	[bflag:$0x2] =	sbarrier.arrive $0xFFFF  }
0xbd: {  	p0 =	sne.s32 s0, $0x0;
	s0 =	rddreg [dreg:$0x3]  }
0xbe: {  	s0 =	sadd.s32 @!p0 $0x100000, s0  }
0xbf: {  	[sflag:s0] =	ssyncadd.tile.s32 @!p0 $0x1;
	_ =	shalt  }
.Lfunc_end2:
_tile_overlayer_lowered:
.L_overlay_start_2:
0xc0: {  	(tag) =	ssettag $0x2  }
0xc1: {  	s0 =	rddreg [dreg:$0x0];
	s2 =	stileid.u32  }
0xc2: {  	s1 =	rddreg [dreg:$0x1];
	p0 =	sne.s32 s2, $0x0  }
0xc3: {  	s3 =	rddreg [dreg:$0x2];
	[bflag:$0x3] =	sbarrier.arrive $0xFFFF;
	s2 =	simm.s32 @!p0 $0x1C05  }
0xc4: {  	[timem:s3], [sflag:s2] =	dma.local @!p0 [hbm:s0], s1  }
0xc5: {  	s0 =	simm.s32 @!p0 $0x5  }
0xc6: {  	_ =	swait.ge @!p0 [sflag:s0], s1  }
0xc7: {  	s1 =	ssub.s32 @!p0 $0x0, s1;
	[sflag:s0] =	ssyncset.done @!p0 $0x0  }
0xc8: {  	[sflag:s0] =	ssyncadd.s32 @!p0 s1  }
0xc9: {  	[bflag:$0x3] =	sbarrier.arrive $0xFFFF  }
0xca: {  	_ =	shalt  }

</sc_bundles>
